<compile_context>
chip_gen: v7x
topology: tpu7x:2x2x1
jax: 0.10.2.dev20260603
libtpu: 0.0.44.dev20260713+nightly
codegen_flags: <defaults>
</compile_context>

<pallas_src>
import jax
import jax.numpy as jnp
import numpy as np
from jax import lax
from jax.experimental import pallas as pl
from jax.experimental.pallas import tpu as pltpu
from jax.experimental.pallas import tpu_sc as plsc

B, C, H, W = 16, 3, 512, 512
GH = GW = 8
TS = 64
HALF = TS // 2
NBINS = 256
PIXELS = TS * TS
MAXV = 640.0
LUT_SCALE = (NBINS - 1) / PIXELS

NIMG = B * C
IMG_PER_SC = NIMG // 2
IMG_PIX = H * W
TROW_PIX = TS * W
TROW_PER_TEC = IMG_PER_SC * GH // 16
LUT_PER_TROW = GW * NBINS
LUT_SC = IMG_PER_SC * GH * LUT_PER_TROW

K_CHUNK = 32 * W
NCHUNK_HALF = IMG_PIX // 2 // K_CHUNK
HALF_PER_TEC = IMG_PER_SC * 2 // 16
LUT_BLK = 5 * LUT_PER_TROW

_MESH = plsc.VectorSubcoreMesh(
    core_axis_name="c", subcore_axis_name="s", num_cores=2, num_subcores=16)
_SC_PARAMS = pltpu.CompilerParams(needs_layout_passes=False)


def _axis_tables(n_pix, half, n_tiles):
    pos = np.arange(n_pix)
    m = pos // half
    last = 2 * n_tiles - 1
    interior = (m > 0) & (m < last)
    p = np.clip((m - 1) // 2, 0, n_tiles - 2)
    i0 = np.where(m == 0, 0, np.where(m == last, n_tiles - 1, p))
    i1 = np.where(m == 0, 0, np.where(m == last, n_tiles - 1,
                                      np.minimum(p + 1, n_tiles - 1)))
    r = (pos - (2 * p + 1) * half).astype(np.float32)
    denom = np.float32(2 * half - 1)
    w = np.where(interior, (denom - r) / denom, np.float32(1.0)).astype(np.float32)
    ci0 = i0.astype(np.int32) * NBINS
    ci1 = i1.astype(np.int32) * NBINS
    cpk = (ci0 | (ci1 << 16)).astype(np.int32)
    return cpk, w


def _clahe_body(x_hbm, cpk_h, wx_h, out_hbm,
                inb0, inb1, outb0, outb1, hist, lutb, lutv, pairb, cpkv, wxv,
                lut_sh, sem0, sem1, semw, sem_o0, sem_o1):
    cid = lax.axis_index("c")
    sid = lax.axis_index("s")
    ones = jnp.full((16,), 1.0, jnp.float32)
    iota_f = lax.iota(jnp.int32, 16).astype(jnp.float32)
    last_idx = jnp.full((16,), 15, jnp.int32)

    ltr0 = sid * TROW_PER_TEC
    gbase0 = (cid * IMG_PER_SC * GH + ltr0) * TROW_PIX
    pltpu.async_copy(x_hbm.at[pl.ds(gbase0, K_CHUNK)], inb0, sem0)
    pltpu.async_copy(x_hbm.at[pl.ds(gbase0 + K_CHUNK, K_CHUNK)], inb1, sem1)

    def per_tilerow(t, _):
        ltr = ltr0 + t
        base = (cid * IMG_PER_SC * GH + ltr) * TROW_PIX

        def zero(k, _c):
            for u in range(4):
                hist[pl.ds(k * 64 + u * 16, 16)] = jnp.zeros((16,), jnp.float32)
            return 0
        lax.fori_loop(0, LUT_PER_TROW // 64, zero, 0)

        def scat_chunk(inb):
            @plsc.parallel_loop(0, K_CHUNK // 64, unroll=4)
            def blk(bk):
                i = bk % 8
                ib = i * NBINS
                for u in range(4):
                    x = inb[pl.ds(bk * 64 + u * 16, 16)]
                    bins = jnp.clip((x * 256.0).astype(jnp.int32), 0, 255)
                    plsc.addupdate_scatter(hist, [bins + ib], ones)

        pltpu.make_async_copy(x_hbm.at[pl.ds(base, K_CHUNK)], inb0, sem0).wait()
        scat_chunk(inb0)
        pltpu.make_async_copy(
            x_hbm.at[pl.ds(base + K_CHUNK, K_CHUNK)], inb1, sem1).wait()
        scat_chunk(inb1)

        @pl.when(t < TROW_PER_TEC - 1)
        def _prefetch():
            nbase = base + TROW_PIX
            pltpu.async_copy(x_hbm.at[pl.ds(nbase, K_CHUNK)], inb0, sem0)
            pltpu.async_copy(
                x_hbm.at[pl.ds(nbase + K_CHUNK, K_CHUNK)], inb1, sem1)

        @pl.when(t > 0)
        def _drain_lut():
            pltpu.make_async_copy(
                lutb, lut_sh.at[pl.ds(ltr * LUT_PER_TROW, LUT_PER_TROW)],
                semw).wait()

        @plsc.parallel_loop(0, GW)
        def per_tile(i):
            hbase = i * NBINS

            def clip_sum(k, acc):
                h = jnp.minimum(hist[pl.ds(hbase + k * 16, 16)], MAXV)
                hist[pl.ds(hbase + k * 16, 16)] = h
                return acc + h
            accv = lax.fori_loop(0, 16, clip_sum,
                                 jnp.zeros((16,), jnp.float32))
            clipped = float(PIXELS) - jnp.sum(accv)
            q = (clipped * (1.0 / NBINS)).astype(jnp.int32).astype(jnp.float32)
            residual = clipped - q * float(NBINS)

            def cdf(k, carry):
                h = hist[pl.ds(hbase + k * 16, 16)]
                ind = jnp.where(iota_f + k.astype(jnp.float32) * 16.0 < residual,
                                1.0, 0.0)
                h2 = h + q + ind
                cs = plsc.cumsum(h2)
                csc = cs + carry
                lv = jnp.clip(csc * LUT_SCALE, 0.0, 255.0)
                lutb[pl.ds(hbase + k * 16, 16)] = (
                    lv.astype(jnp.int32).astype(jnp.float32))
                return lax.gather(
                    csc, last_idx[:, None],
                    lax.GatherDimensionNumbers(
                        offset_dims=(), collapsed_slice_dims=(0,),
                        start_index_map=(0,)),
                    (1,), mode=lax.GatherScatterMode.PROMISE_IN_BOUNDS)
            lax.fori_loop(0, 16, cdf, jnp.zeros((16,), jnp.float32))

        pltpu.async_copy(
            lutb, lut_sh.at[pl.ds(ltr * LUT_PER_TROW, LUT_PER_TROW)], semw)
        return 0
    lax.fori_loop(0, TROW_PER_TEC, per_tilerow, 0)
    last_ltr = ltr0 + TROW_PER_TEC - 1
    pltpu.make_async_copy(
        lutb, lut_sh.at[pl.ds(last_ltr * LUT_PER_TROW, LUT_PER_TROW)],
        semw).wait()

    plsc.subcore_barrier()

    pltpu.sync_copy(cpk_h, cpkv)
    pltpu.sync_copy(wx_h, wxv)
    ins = (inb0, inb1)
    outs = (outb0, outb1)
    sis = (sem0, sem1)
    sos = (sem_o0, sem_o1)

    def per_half(hq, _):
        hw = sid * HALF_PER_TEC + hq
        img_l = hw // 2
        half = hw % 2
        jbase = half * 3
        pixbase = (cid * IMG_PER_SC + img_l) * IMG_PIX + half * (IMG_PIX // 2)
        d_in = [None, None]
        d_out = [None, None]
        d_in[0] = pltpu.async_copy(
            x_hbm.at[pl.ds(pixbase, K_CHUNK)], ins[0], sis[0])
        d_lut = pltpu.async_copy(
            lut_sh.at[pl.ds((img_l * GH + jbase) * LUT_PER_TROW, LUT_BLK)],
            lutv, semw)

        for ch in range(NCHUNK_HALF):
            bi = ch % 2
            if ch + 1 < NCHUNK_HALF:
                d_in[1 - bi] = pltpu.async_copy(
                    x_hbm.at[pl.ds(pixbase + (ch + 1) * K_CHUNK, K_CHUNK)],
                    ins[1 - bi], sis[1 - bi])
            m = half * 8 + ch
            p = jnp.clip((m - 1) // 2, 0, GH - 2)
            j0 = jnp.where(m == 0, 0, jnp.where(m == 15, GH - 1, p))
            j1 = jnp.where(m == 0, 0,
                           jnp.where(m == 15, GH - 1,
                                     jnp.minimum(p + 1, GH - 1)))
            interior = jnp.logical_and(m > 0, m < 15)
            ro0 = (j0 - jbase) * LUT_PER_TROW
            ro1 = (j1 - jbase) * LUT_PER_TROW
            rr0 = (half * 256 + ch * 32 - (2 * p + 1) * HALF).astype(jnp.float32)

            if ch == 0:
                d_lut.wait()

            @plsc.parallel_loop(0, LUT_PER_TROW // 64, unroll=2)
            def mkpair(k):
                for u in range(4):
                    o = k * 64 + u * 16
                    a = lutv[pl.ds(ro0 + o, 16)]
                    b = lutv[pl.ds(ro1 + o, 16)]
                    w = plsc.bitcast(
                        plsc.pack(a, b, format=plsc.PackFormat.INTERLEAVED),
                        jnp.int32)
                    pairb[pl.ds(o, 16)] = w

            if d_out[bi] is not None:
                d_out[bi].wait()
            d_in[bi].wait()
            outb = outs[bi]
            inb = ins[bi]

            @plsc.parallel_loop(0, K_CHUNK // W)
            def per_row(rl):
                rlf = rl.astype(jnp.float32)
                wy = jnp.where(interior, (63.0 - (rr0 + rlf)) * (1.0 / 63.0),
                               1.0)
                wy1 = 1.0 - wy
                rowb = rl * W

                @plsc.parallel_loop(0, W // 16, unroll=4)
                def pg(g):
                    x = inb[pl.ds(rowb + g * 16, 16)]
                    v = (x * 255.0).astype(jnp.int32)
                    cpk = cpkv[pl.ds(g * 16, 16)]
                    c0 = jnp.bitwise_and(cpk, 0xFFFF)
                    c1 = lax.shift_right_logical(cpk, 16)
                    pw0 = plsc.load_gather(pairb, [v + c0])
                    pw1 = plsc.load_gather(pairb, [v + c1])
                    o00, o10 = plsc.unpack(
                        plsc.bitcast(pw0, jnp.bfloat16),
                        format=plsc.PackFormat.INTERLEAVED)
                    o01, o11 = plsc.unpack(
                        plsc.bitcast(pw1, jnp.bfloat16),
                        format=plsc.PackFormat.INTERLEAVED)
                    wx = wxv[pl.ds(g * 16, 16)]
                    wx1 = 1.0 - wx
                    m0 = wy * o00 + wy1 * o10
                    m1 = wy * o01 + wy1 * o11
                    outb[pl.ds(rowb + g * 16, 16)] = (
                        (wx * m0 + wx1 * m1) * (1.0 / 255.0))

            d_out[bi] = pltpu.async_copy(
                outb, out_hbm.at[pl.ds(pixbase + ch * K_CHUNK, K_CHUNK)],
                sos[bi])
        d_out[0].wait()
        d_out[1].wait()
        return 0
    lax.fori_loop(0, HALF_PER_TEC, per_half, 0)


_clahe = pl.kernel(
    _clahe_body,
    out_type=jax.ShapeDtypeStruct((NIMG * IMG_PIX,), jnp.float32),
    mesh=_MESH,
    compiler_params=_SC_PARAMS,
    scratch_types=[
        pltpu.VMEM((K_CHUNK,), jnp.float32),
        pltpu.VMEM((K_CHUNK,), jnp.float32),
        pltpu.VMEM((K_CHUNK,), jnp.float32),
        pltpu.VMEM((K_CHUNK,), jnp.float32),
        pltpu.VMEM((LUT_PER_TROW,), jnp.float32),
        pltpu.VMEM((LUT_PER_TROW,), jnp.float32),
        pltpu.VMEM((LUT_BLK,), jnp.float32),
        pltpu.VMEM((LUT_PER_TROW,), jnp.int32),
        pltpu.VMEM((W,), jnp.int32),
        pltpu.VMEM((W,), jnp.float32),
        pltpu.VMEM_SHARED((LUT_SC,), jnp.float32),
        pltpu.SemaphoreType.DMA,
        pltpu.SemaphoreType.DMA,
        pltpu.SemaphoreType.DMA,
        pltpu.SemaphoreType.DMA,
        pltpu.SemaphoreType.DMA,
    ],
)


def kernel(input):
    x_flat = input.reshape(-1)
    cpk, wx = _axis_tables(W, HALF, GW)
    out = _clahe(x_flat, jnp.asarray(cpk), jnp.asarray(wx))
    return out.reshape(input.shape)

# --- scband reference (transcript-rebuilt; emitter-appended) ---
"""Pipeline reference for scband-equalize-clahe-63299228009134 (READ-ONLY COPY).

The authoritative reference and input builder live on the scoring server;
editing this copy changes nothing except your own understanding.
"""

import math
import jax, jax.numpy as jnp
import numpy as np

CLIP_LIMIT = 40.0
GRID_SIZE = (8, 8)
NUM_BINS = 256


def setup_inputs(seed: int = 0) -> dict:
    key = jax.random.key(seed)
    x = jax.random.uniform(key, (16, 3, 512, 512), dtype=jnp.float32)
    return {'input': x}


def _axis_interp(n_pix, half, n_tiles_axis):
    # Per-pixel LUT tile indices (j0, j1) and linear interpolation weight along one axis.
    # Equivalent to kornia's half-tile scheme: corner half-tiles use a single LUT,
    # interior pixels interpolate between the two nearest tile LUTs with weight
    # (2*half - 1 - r) / (2*half - 1) where r is the offset inside the half-tile pair.
    pos = jnp.arange(n_pix)
    m = pos // half  # half-tile index in [0, 2*n_tiles_axis)
    last = 2 * n_tiles_axis - 1
    interior = (m > 0) & (m < last)
    p = jnp.clip((m - 1) // 2, 0, max(n_tiles_axis - 2, 0))
    j0 = jnp.where(m == 0, 0, jnp.where(m == last, n_tiles_axis - 1, p))
    j1 = jnp.where(m == 0, 0, jnp.where(m == last, n_tiles_axis - 1, jnp.minimum(p + 1, n_tiles_axis - 1)))
    r = pos - (2 * p + 1) * half
    denom = 2.0 * half - 1.0
    w = jnp.where(interior, (denom - r) / denom, 1.0)
    return j0.astype(jnp.int32), j1.astype(jnp.int32), w.astype(jnp.float32)


def _forward(x):
    B, C, H, W = x.shape
    gh, gw = GRID_SIZE
    kv = math.ceil(H / gh); kv += kv % 2  # even tile size (kornia even_tile_size=True)
    kh = math.ceil(W / gw); kh += kh % 2
    pad_v = kv * gh - H
    pad_h = kh * gw - W
    xp = x
    if pad_v > 0 or pad_h > 0:
        xp = jnp.pad(xp, ((0, 0), (0, 0), (0, pad_v), (0, pad_h)), mode='reflect')
    Hp, Wp = kv * gh, kh * gw
    pixels = kv * kh
    # ---- per-tile histograms: tiles B x GH x GW x C x TH x TW ----
    tiles = xp.reshape(B, C, gh, kv, gw, kh).transpose(0, 2, 4, 1, 3, 5)
    flat = tiles.reshape(-1, pixels)
    n_tiles = flat.shape[0]
    # torch.histc(bins=256, min=0, max=1) semantics for values in [0, 1]
    bin_idx = jnp.clip(jnp.floor(flat * NUM_BINS).astype(jnp.int32), 0, NUM_BINS - 1)
    offs = jnp.arange(n_tiles, dtype=jnp.int32)[:, None] * NUM_BINS
    histos = jnp.bincount((bin_idx + offs).reshape(-1), length=n_tiles * NUM_BINS)
    histos = histos.reshape(n_tiles, NUM_BINS).astype(jnp.float32)
    # ---- clip limit + redistribution (kornia _compute_luts) ----
    if CLIP_LIMIT > 0.0:
        max_val = max(CLIP_LIMIT * pixels // NUM_BINS, 1)
        histos = jnp.minimum(histos, max_val)
        clipped = pixels - histos.sum(axis=1)
        residual = jnp.remainder(clipped, NUM_BINS)
        redist = (clipped - residual) / NUM_BINS
        histos = histos + redist[:, None]
        histos = histos + (jnp.arange(NUM_BINS)[None, :] < residual[:, None]).astype(jnp.float32)
    lut_scale = (NUM_BINS - 1) / pixels
    luts = jnp.floor(jnp.clip(jnp.cumsum(histos, axis=1) * lut_scale, 0, NUM_BINS - 1))
    luts = luts.reshape(B, gh, gw, C, NUM_BINS)
    # ---- bilinear interpolation of the 4 neighbouring tile LUTs per pixel ----
    j0, j1, wy = _axis_interp(Hp, kv // 2, gh)
    i0, i1, wx = _axis_interp(Wp, kh // 2, gw)
    v = (xp * 255.0).astype(jnp.int32)  # (interp_tiles * 255).long()
    bb = jnp.arange(B)[:, None, None, None]
    cc = jnp.arange(C)[None, :, None, None]

    def look(jrow, icol):
        return luts[bb, jrow[None, None, :, None], icol[None, None, None, :], cc, v]

    o00 = look(j0, i0)
    o01 = look(j0, i1)
    o10 = look(j1, i0)
    o11 = look(j1, i1)
    wyv = wy[None, None, :, None]
    wxv = wx[None, None, None, :]
    eq = wyv * (wxv * o00 + (1.0 - wxv) * o01) + (1.0 - wyv) * (wxv * o10 + (1.0 - wxv) * o11)
    eq = eq / 255.0
    return eq[..., :H, :W]


def reference(input):
    return _forward(input)

if __name__ == "__main__":
    import jax
    _d = setup_inputs()
    print(jax.jit(kernel)(*tuple(_d.values())))

</pallas_src>

<mosaic_0001>
#map = affine_map<(d0, d1) -> (0)>
module attributes {stable_mosaic.version = 14 : i64} {
  func.func @_clahe_body(%arg0: i32, %arg1: i32, %arg2: memref<12582912xf32, #tpu.memory_space<hbm>>, %arg3: memref<512xi32, #tpu.memory_space<hbm>>, %arg4: memref<512xf32, #tpu.memory_space<hbm>>, %arg5: memref<12582912xf32, #tpu.memory_space<hbm>>, %arg6: memref<16384xf32, #tpu.memory_space<vmem>>, %arg7: memref<16384xf32, #tpu.memory_space<vmem>>, %arg8: memref<16384xf32, #tpu.memory_space<vmem>>, %arg9: memref<16384xf32, #tpu.memory_space<vmem>>, %arg10: memref<2048xf32, #tpu.memory_space<vmem>>, %arg11: memref<2048xf32, #tpu.memory_space<vmem>>, %arg12: memref<10240xf32, #tpu.memory_space<vmem>>, %arg13: memref<2048xi32, #tpu.memory_space<vmem>>, %arg14: memref<512xi32, #tpu.memory_space<vmem>>, %arg15: memref<512xf32, #tpu.memory_space<vmem>>, %arg16: memref<393216xf32, #tpu.memory_space<vmem_shared>>, %arg17: memref<!tpu.dma_semaphore, #tpu.memory_space<semaphore_mem>>, %arg18: memref<!tpu.dma_semaphore, #tpu.memory_space<semaphore_mem>>, %arg19: memref<!tpu.dma_semaphore, #tpu.memory_space<semaphore_mem>>, %arg20: memref<!tpu.dma_semaphore, #tpu.memory_space<semaphore_mem>>, %arg21: memref<!tpu.dma_semaphore, #tpu.memory_space<semaphore_mem>>) attributes {dimension_semantics = [#tpu.dimension_semantics<core_parallel>, #tpu.dimension_semantics<subcore_parallel>], iteration_bounds = array<i64: 2, 16>, scalar_prefetch = 0 : i64, scratch_operands = 16 : i64, tpu.core_type = #tpu.core_type<sc_vector_subcore>, window_params = [{transform_indices = #map}, {transform_indices = #map}, {transform_indices = #map}, {transform_indices = #map}]} {
    %broadcast_in_dim3A = arith.constant 1.000000e+00 : f32
    %broadcast_in_dim3A_0 = vector.broadcast %broadcast_in_dim3A : f32 to vector<16xf32>
    %iota3A = tpu.iota {dimensions = array<i32: 0>} : vector<16xi32>
    %convert_element_type3A = arith.sitofp %iota3A : vector<16xi32> to vector<16xf32>
    %broadcast_in_dim3A_1 = arith.constant 15 : i32
    %broadcast_in_dim3A_2 = vector.broadcast %broadcast_in_dim3A_1 : i32 to vector<16xi32>
    %mul3A = arith.constant 12 : i32
    %mul3A_3 = arith.muli %arg1, %mul3A : i32
    %mul3A_4 = arith.constant 24 : i32
    %mul3A_5 = arith.muli %arg0, %mul3A_4 : i32
    %mul3A_6 = arith.constant 8 : i32
    %mul3A_7 = arith.muli %mul3A_5, %mul3A_6 : i32
    %add3A = arith.addi %mul3A_7, %mul3A_3 : i32
    %mul3A_8 = arith.constant 32768 : i32
    %mul3A_9 = arith.muli %add3A, %mul3A_8 : i32
    %dma_start3A = tpu.memref_slice %arg2[%mul3A_9] : memref<12582912xf32, #tpu.memory_space<hbm>> -> memref<16384xf32, #tpu.memory_space<hbm>>
    %dma_start3A_10 = tpu.memref_slice %arg2[%mul3A_9] : memref<12582912xf32, #tpu.memory_space<hbm>> -> memref<16384xf32, #tpu.memory_space<hbm>>
    tpu.enqueue_dma source(%dma_start3A_10 : memref<16384xf32, #tpu.memory_space<hbm>>) target(%arg6 : memref<16384xf32, #tpu.memory_space<vmem>>) target_semaphore(%arg17 : memref<!tpu.dma_semaphore, #tpu.memory_space<semaphore_mem>>)
    %add3A_11 = arith.constant 16384 : i32
    %add3A_12 = arith.addi %mul3A_9, %add3A_11 : i32
    %dma_start3A_13 = tpu.memref_slice %arg2[%add3A_12] : memref<12582912xf32, #tpu.memory_space<hbm>> -> memref<16384xf32, #tpu.memory_space<hbm>>
    %dma_start3A_14 = tpu.memref_slice %arg2[%add3A_12] : memref<12582912xf32, #tpu.memory_space<hbm>> -> memref<16384xf32, #tpu.memory_space<hbm>>
    tpu.enqueue_dma source(%dma_start3A_14 : memref<16384xf32, #tpu.memory_space<hbm>>) target(%arg7 : memref<16384xf32, #tpu.memory_space<vmem>>) target_semaphore(%arg18 : memref<!tpu.dma_semaphore, #tpu.memory_space<semaphore_mem>>)
    %scan3A = arith.constant 0 : i32
    %scan3A_15 = arith.constant 0 : i32
    %scan3A_16 = arith.constant 12 : i32
    %scan3A_17 = arith.addi %scan3A_15, %scan3A_16 : i32
    %scan3A_18 = arith.constant 1 : i32
    %scan3A_19 = scf.for %scan3A_34 = %scan3A_15 to %scan3A_17 step %scan3A_18 iter_args(%scan3A_35 = %scan3A) -> (i32)  : i32 {
      %add3A_36 = arith.addi %mul3A_3, %scan3A_34 : i32
      %mul3A_37 = arith.constant 24 : i32
      %mul3A_38 = arith.muli %arg0, %mul3A_37 : i32
      %mul3A_39 = arith.constant 8 : i32
      %mul3A_40 = arith.muli %mul3A_38, %mul3A_39 : i32
      %add3A_41 = arith.addi %mul3A_40, %add3A_36 : i32
      %mul3A_42 = arith.constant 32768 : i32
      %mul3A_43 = arith.muli %add3A_41, %mul3A_42 : i32
      %scan3A_44 = arith.constant 0 : i32
      %scan3A_45 = arith.constant 0 : i32
      %scan3A_46 = arith.constant 32 : i32
      %scan3A_47 = arith.addi %scan3A_45, %scan3A_46 : i32
      %scan3A_48 = arith.constant 1 : i32
      %scan3A_49 = scf.for %scan3A_77 = %scan3A_45 to %scan3A_47 step %scan3A_48 iter_args(%scan3A_78 = %scan3A_44) -> (i32)  : i32 {
        %broadcast_in_dim3A_79 = arith.constant 0.000000e+00 : f32
        %broadcast_in_dim3A_80 = vector.broadcast %broadcast_in_dim3A_79 : f32 to vector<16xf32>
        %mul3A_81 = arith.constant 64 : i32
        %mul3A_82 = arith.muli %scan3A_77, %mul3A_81 : i32
        %add3A_83 = arith.constant 0 : i32
        %add3A_84 = arith.addi %mul3A_82, %add3A_83 : i32
        %swap3A = arith.index_cast %add3A_84 : i32 to index
        %swap3A_85 = tpu.vector_load %arg10[%swap3A] {strides = array<i32>} : memref<2048xf32, #tpu.memory_space<vmem>>, vector<16xf32>,
        tpu.vector_store %arg10[%swap3A], %broadcast_in_dim3A_80 {strides = array<i32>} : memref<2048xf32, #tpu.memory_space<vmem>>, vector<16xf32>,
        %broadcast_in_dim3A_86 = arith.constant 0.000000e+00 : f32
        %broadcast_in_dim3A_87 = vector.broadcast %broadcast_in_dim3A_86 : f32 to vector<16xf32>
        %mul3A_88 = arith.constant 64 : i32
        %mul3A_89 = arith.muli %scan3A_77, %mul3A_88 : i32
        %add3A_90 = arith.constant 16 : i32
        %add3A_91 = arith.addi %mul3A_89, %add3A_90 : i32
        %swap3A_92 = arith.index_cast %add3A_91 : i32 to index
        %swap3A_93 = tpu.vector_load %arg10[%swap3A_92] {strides = array<i32>} : memref<2048xf32, #tpu.memory_space<vmem>>, vector<16xf32>,
        tpu.vector_store %arg10[%swap3A_92], %broadcast_in_dim3A_87 {strides = array<i32>} : memref<2048xf32, #tpu.memory_space<vmem>>, vector<16xf32>,
        %broadcast_in_dim3A_94 = arith.constant 0.000000e+00 : f32
        %broadcast_in_dim3A_95 = vector.broadcast %broadcast_in_dim3A_94 : f32 to vector<16xf32>
        %mul3A_96 = arith.constant 64 : i32
        %mul3A_97 = arith.muli %scan3A_77, %mul3A_96 : i32
        %add3A_98 = arith.constant 32 : i32
        %add3A_99 = arith.addi %mul3A_97, %add3A_98 : i32
        %swap3A_100 = arith.index_cast %add3A_99 : i32 to index
        %swap3A_101 = tpu.vector_load %arg10[%swap3A_100] {strides = array<i32>} : memref<2048xf32, #tpu.memory_space<vmem>>, vector<16xf32>,
        tpu.vector_store %arg10[%swap3A_100], %broadcast_in_dim3A_95 {strides = array<i32>} : memref<2048xf32, #tpu.memory_space<vmem>>, vector<16xf32>,
        %broadcast_in_dim3A_102 = arith.constant 0.000000e+00 : f32
        %broadcast_in_dim3A_103 = vector.broadcast %broadcast_in_dim3A_102 : f32 to vector<16xf32>
        %mul3A_104 = arith.constant 64 : i32
        %mul3A_105 = arith.muli %scan3A_77, %mul3A_104 : i32
        %add3A_106 = arith.constant 48 : i32
        %add3A_107 = arith.addi %mul3A_105, %add3A_106 : i32
        %swap3A_108 = arith.index_cast %add3A_107 : i32 to index
        %swap3A_109 = tpu.vector_load %arg10[%swap3A_108] {strides = array<i32>} : memref<2048xf32, #tpu.memory_space<vmem>>, vector<16xf32>,
        tpu.vector_store %arg10[%swap3A_108], %broadcast_in_dim3A_103 {strides = array<i32>} : memref<2048xf32, #tpu.memory_space<vmem>>, vector<16xf32>,
        %scan3A_110 = arith.constant 0 : i32
        scf.yield %scan3A_110 : i32
      }
      %scan3A_50 = arith.constant 32 : i32
      %dma_wait3A_51 = tpu.memref_slice %arg2[%mul3A_43] : memref<12582912xf32, #tpu.memory_space<hbm>> -> memref<16384xf32, #tpu.memory_space<hbm>>
      %dma_wait3A_52 = tpu.memref_slice %arg2[%mul3A_43] : memref<12582912xf32, #tpu.memory_space<hbm>> -> memref<16384xf32, #tpu.memory_space<hbm>>
      tpu.wait_dma2 semaphore(%arg17 : memref<!tpu.dma_semaphore, #tpu.memory_space<semaphore_mem>>) src(%dma_wait3A_52 : memref<16384xf32, #tpu.memory_space<hbm>>) dst(%arg6 : memref<16384xf32, #tpu.memory_space<vmem>>)
      %parallel_loop3A = arith.constant 0 : i32
      %parallel_loop3A_53 = arith.constant 256 : i32
      %parallel_loop3A_54 = arith.constant 1 : i32
      scf.for %parallel_loop3A_77 = %parallel_loop3A to %parallel_loop3A_53 step %parallel_loop3A_54  : i32 {
        %parallel_loop3A_78 = arith.constant 8 : i32
        %parallel_loop3A_79 = arith.constant 0 : i32
        %parallel_loop3A_80 = arith.cmpi eq, %parallel_loop3A_78, %parallel_loop3A_79 : i32
        %parallel_loop3A_81 = arith.constant 1 : i32
        %parallel_loop3A_82 = arith.select %parallel_loop3A_80, %parallel_loop3A_81, %parallel_loop3A_78 : i32
        %parallel_loop3A_83 = arith.remsi %parallel_loop3A_77, %parallel_loop3A_82 : i32
        %parallel_loop3A_84 = arith.constant 0 : i32
        %parallel_loop3A_85 = arith.cmpi ne, %parallel_loop3A_83, %parallel_loop3A_84 : i32
        %parallel_loop3A_86 = arith.constant 0 : i32
        %parallel_loop3A_87 = arith.cmpi slt, %parallel_loop3A_83, %parallel_loop3A_86 : i32
        %parallel_loop3A_88 = arith.constant 0 : i32
        %parallel_loop3A_89 = arith.cmpi slt, %parallel_loop3A_82, %parallel_loop3A_88 : i32
        %parallel_loop3A_90 = arith.xori %parallel_loop3A_87, %parallel_loop3A_89 : i1
        %parallel_loop3A_91 = arith.andi %parallel_loop3A_90, %parallel_loop3A_85 : i1
        %parallel_loop3A_92 = arith.addi %parallel_loop3A_83, %parallel_loop3A_82 : i32
        %parallel_loop3A_93 = arith.select %parallel_loop3A_91, %parallel_loop3A_92, %parallel_loop3A_83 : i32
        %parallel_loop3A_94 = arith.constant 256 : i32
        %parallel_loop3A_95 = arith.muli %parallel_loop3A_93, %parallel_loop3A_94 : i32
        %parallel_loop3A_96 = arith.constant 64 : i32
        %parallel_loop3A_97 = arith.muli %parallel_loop3A_77, %parallel_loop3A_96 : i32
        %parallel_loop3A_98 = arith.constant 0 : i32
        %parallel_loop3A_99 = arith.addi %parallel_loop3A_97, %parallel_loop3A_98 : i32
        %parallel_loop3A_100 = arith.index_cast %parallel_loop3A_99 : i32 to index
        %parallel_loop3A_101 = tpu.vector_load %arg6[%parallel_loop3A_100] {strides = array<i32>} : memref<16384xf32, #tpu.memory_space<vmem>>, vector<16xf32>,
        %parallel_loop3A_102 = arith.constant 2.560000e+02 : f32
        %parallel_loop3A_103 = vector.broadcast %parallel_loop3A_102 : f32 to vector<16xf32>
        %parallel_loop3A_104 = arith.mulf %parallel_loop3A_101, %parallel_loop3A_103 : vector<16xf32>
        %parallel_loop3A_105 = arith.fptosi %parallel_loop3A_104 : vector<16xf32> to vector<16xi32>
        %parallel_loop3A_106 = arith.constant 0 : i32
        %parallel_loop3A_107 = arith.constant 255 : i32
        %parallel_loop3A_108 = vector.broadcast %parallel_loop3A_106 : i32 to vector<16xi32>
        %parallel_loop3A_109 = arith.maxsi %parallel_loop3A_108, %parallel_loop3A_105 : vector<16xi32>
        %parallel_loop3A_110 = vector.broadcast %parallel_loop3A_107 : i32 to vector<16xi32>
        %parallel_loop3A_111 = arith.minsi %parallel_loop3A_110, %parallel_loop3A_109 : vector<16xi32>
        %parallel_loop3A_112 = vector.broadcast %parallel_loop3A_95 : i32 to vector<16xi32>
        %parallel_loop3A_113 = arith.addi %parallel_loop3A_111, %parallel_loop3A_112 : vector<16xi32>
        tpu.vector_store_idx %arg10[%parallel_loop3A_113], %broadcast_in_dim3A_0 {add = true} : memref<2048xf32, #tpu.memory_space<vmem>>[vector<16xi32>], vector<16xf32>,
        %parallel_loop3A_114 = arith.constant 64 : i32
        %parallel_loop3A_115 = arith.muli %parallel_loop3A_77, %parallel_loop3A_114 : i32
        %parallel_loop3A_116 = arith.constant 16 : i32
        %parallel_loop3A_117 = arith.addi %parallel_loop3A_115, %parallel_loop3A_116 : i32
        %parallel_loop3A_118 = arith.index_cast %parallel_loop3A_117 : i32 to index
        %parallel_loop3A_119 = tpu.vector_load %arg6[%parallel_loop3A_118] {strides = array<i32>} : memref<16384xf32, #tpu.memory_space<vmem>>, vector<16xf32>,
        %parallel_loop3A_120 = arith.constant 2.560000e+02 : f32
        %parallel_loop3A_121 = vector.broadcast %parallel_loop3A_120 : f32 to vector<16xf32>
        %parallel_loop3A_122 = arith.mulf %parallel_loop3A_119, %parallel_loop3A_121 : vector<16xf32>
        %parallel_loop3A_123 = arith.fptosi %parallel_loop3A_122 : vector<16xf32> to vector<16xi32>
        %parallel_loop3A_124 = arith.constant 0 : i32
        %parallel_loop3A_125 = arith.constant 255 : i32
        %parallel_loop3A_126 = vector.broadcast %parallel_loop3A_124 : i32 to vector<16xi32>
        %parallel_loop3A_127 = arith.maxsi %parallel_loop3A_126, %parallel_loop3A_123 : vector<16xi32>
        %parallel_loop3A_128 = vector.broadcast %parallel_loop3A_125 : i32 to vector<16xi32>
        %parallel_loop3A_129 = arith.minsi %parallel_loop3A_128, %parallel_loop3A_127 : vector<16xi32>
        %parallel_loop3A_130 = vector.broadcast %parallel_loop3A_95 : i32 to vector<16xi32>
        %parallel_loop3A_131 = arith.addi %parallel_loop3A_129, %parallel_loop3A_130 : vector<16xi32>
        tpu.vector_store_idx %arg10[%parallel_loop3A_131], %broadcast_in_dim3A_0 {add = true} : memref<2048xf32, #tpu.memory_space<vmem>>[vector<16xi32>], vector<16xf32>,
        %parallel_loop3A_132 = arith.constant 64 : i32
        %parallel_loop3A_133 = arith.muli %parallel_loop3A_77, %parallel_loop3A_132 : i32
        %parallel_loop3A_134 = arith.constant 32 : i32
        %parallel_loop3A_135 = arith.addi %parallel_loop3A_133, %parallel_loop3A_134 : i32
        %parallel_loop3A_136 = arith.index_cast %parallel_loop3A_135 : i32 to index
        %parallel_loop3A_137 = tpu.vector_load %arg6[%parallel_loop3A_136] {strides = array<i32>} : memref<16384xf32, #tpu.memory_space<vmem>>, vector<16xf32>,
        %parallel_loop3A_138 = arith.constant 2.560000e+02 : f32
        %parallel_loop3A_139 = vector.broadcast %parallel_loop3A_138 : f32 to vector<16xf32>
        %parallel_loop3A_140 = arith.mulf %parallel_loop3A_137, %parallel_loop3A_139 : vector<16xf32>
        %parallel_loop3A_141 = arith.fptosi %parallel_loop3A_140 : vector<16xf32> to vector<16xi32>
        %parallel_loop3A_142 = arith.constant 0 : i32
        %parallel_loop3A_143 = arith.constant 255 : i32
        %parallel_loop3A_144 = vector.broadcast %parallel_loop3A_142 : i32 to vector<16xi32>
        %parallel_loop3A_145 = arith.maxsi %parallel_loop3A_144, %parallel_loop3A_141 : vector<16xi32>
        %parallel_loop3A_146 = vector.broadcast %parallel_loop3A_143 : i32 to vector<16xi32>
        %parallel_loop3A_147 = arith.minsi %parallel_loop3A_146, %parallel_loop3A_145 : vector<16xi32>
        %parallel_loop3A_148 = vector.broadcast %parallel_loop3A_95 : i32 to vector<16xi32>
        %parallel_loop3A_149 = arith.addi %parallel_loop3A_147, %parallel_loop3A_148 : vector<16xi32>
        tpu.vector_store_idx %arg10[%parallel_loop3A_149], %broadcast_in_dim3A_0 {add = true} : memref<2048xf32, #tpu.memory_space<vmem>>[vector<16xi32>], vector<16xf32>,
        %parallel_loop3A_150 = arith.constant 64 : i32
        %parallel_loop3A_151 = arith.muli %parallel_loop3A_77, %parallel_loop3A_150 : i32
        %parallel_loop3A_152 = arith.constant 48 : i32
        %parallel_loop3A_153 = arith.addi %parallel_loop3A_151, %parallel_loop3A_152 : i32
        %parallel_loop3A_154 = arith.index_cast %parallel_loop3A_153 : i32 to index
        %parallel_loop3A_155 = tpu.vector_load %arg6[%parallel_loop3A_154] {strides = array<i32>} : memref<16384xf32, #tpu.memory_space<vmem>>, vector<16xf32>,
        %parallel_loop3A_156 = arith.constant 2.560000e+02 : f32
        %parallel_loop3A_157 = vector.broadcast %parallel_loop3A_156 : f32 to vector<16xf32>
        %parallel_loop3A_158 = arith.mulf %parallel_loop3A_155, %parallel_loop3A_157 : vector<16xf32>
        %parallel_loop3A_159 = arith.fptosi %parallel_loop3A_158 : vector<16xf32> to vector<16xi32>
        %parallel_loop3A_160 = arith.constant 0 : i32
        %parallel_loop3A_161 = arith.constant 255 : i32
        %parallel_loop3A_162 = vector.broadcast %parallel_loop3A_160 : i32 to vector<16xi32>
        %parallel_loop3A_163 = arith.maxsi %parallel_loop3A_162, %parallel_loop3A_159 : vector<16xi32>
        %parallel_loop3A_164 = vector.broadcast %parallel_loop3A_161 : i32 to vector<16xi32>
        %parallel_loop3A_165 = arith.minsi %parallel_loop3A_164, %parallel_loop3A_163 : vector<16xi32>
        %parallel_loop3A_166 = vector.broadcast %parallel_loop3A_95 : i32 to vector<16xi32>
        %parallel_loop3A_167 = arith.addi %parallel_loop3A_165, %parallel_loop3A_166 : vector<16xi32>
        tpu.vector_store_idx %arg10[%parallel_loop3A_167], %broadcast_in_dim3A_0 {add = true} : memref<2048xf32, #tpu.memory_space<vmem>>[vector<16xi32>], vector<16xf32>,
      } {sc.loop_unroll_factor = 4 : i64, sc.parallel_access}
      %add3A_55 = arith.constant 16384 : i32
      %add3A_56 = arith.addi %mul3A_43, %add3A_55 : i32
      %dma_wait3A_57 = tpu.memref_slice %arg2[%add3A_56] : memref<12582912xf32, #tpu.memory_space<hbm>> -> memref<16384xf32, #tpu.memory_space<hbm>>
      %dma_wait3A_58 = tpu.memref_slice %arg2[%add3A_56] : memref<12582912xf32, #tpu.memory_space<hbm>> -> memref<16384xf32, #tpu.memory_space<hbm>>
      tpu.wait_dma2 semaphore(%arg18 : memref<!tpu.dma_semaphore, #tpu.memory_space<semaphore_mem>>) src(%dma_wait3A_58 : memref<16384xf32, #tpu.memory_space<hbm>>) dst(%arg7 : memref<16384xf32, #tpu.memory_space<vmem>>)
      %parallel_loop3A_59 = arith.constant 0 : i32
      %parallel_loop3A_60 = arith.constant 256 : i32
      %parallel_loop3A_61 = arith.constant 1 : i32
      scf.for %parallel_loop3A_77 = %parallel_loop3A_59 to %parallel_loop3A_60 step %parallel_loop3A_61  : i32 {
        %parallel_loop3A_78 = arith.constant 8 : i32
        %parallel_loop3A_79 = arith.constant 0 : i32
        %parallel_loop3A_80 = arith.cmpi eq, %parallel_loop3A_78, %parallel_loop3A_79 : i32
        %parallel_loop3A_81 = arith.constant 1 : i32
        %parallel_loop3A_82 = arith.select %parallel_loop3A_80, %parallel_loop3A_81, %parallel_loop3A_78 : i32
        %parallel_loop3A_83 = arith.remsi %parallel_loop3A_77, %parallel_loop3A_82 : i32
        %parallel_loop3A_84 = arith.constant 0 : i32
        %parallel_loop3A_85 = arith.cmpi ne, %parallel_loop3A_83, %parallel_loop3A_84 : i32
        %parallel_loop3A_86 = arith.constant 0 : i32
        %parallel_loop3A_87 = arith.cmpi slt, %parallel_loop3A_83, %parallel_loop3A_86 : i32
        %parallel_loop3A_88 = arith.constant 0 : i32
        %parallel_loop3A_89 = arith.cmpi slt, %parallel_loop3A_82, %parallel_loop3A_88 : i32
        %parallel_loop3A_90 = arith.xori %parallel_loop3A_87, %parallel_loop3A_89 : i1
        %parallel_loop3A_91 = arith.andi %parallel_loop3A_90, %parallel_loop3A_85 : i1
        %parallel_loop3A_92 = arith.addi %parallel_loop3A_83, %parallel_loop3A_82 : i32
        %parallel_loop3A_93 = arith.select %parallel_loop3A_91, %parallel_loop3A_92, %parallel_loop3A_83 : i32
        %parallel_loop3A_94 = arith.constant 256 : i32
        %parallel_loop3A_95 = arith.muli %parallel_loop3A_93, %parallel_loop3A_94 : i32
        %parallel_loop3A_96 = arith.constant 64 : i32
        %parallel_loop3A_97 = arith.muli %parallel_loop3A_77, %parallel_loop3A_96 : i32
        %parallel_loop3A_98 = arith.constant 0 : i32
        %parallel_loop3A_99 = arith.addi %parallel_loop3A_97, %parallel_loop3A_98 : i32
        %parallel_loop3A_100 = arith.index_cast %parallel_loop3A_99 : i32 to index
        %parallel_loop3A_101 = tpu.vector_load %arg7[%parallel_loop3A_100] {strides = array<i32>} : memref<16384xf32, #tpu.memory_space<vmem>>, vector<16xf32>,
        %parallel_loop3A_102 = arith.constant 2.560000e+02 : f32
        %parallel_loop3A_103 = vector.broadcast %parallel_loop3A_102 : f32 to vector<16xf32>
        %parallel_loop3A_104 = arith.mulf %parallel_loop3A_101, %parallel_loop3A_103 : vector<16xf32>
        %parallel_loop3A_105 = arith.fptosi %parallel_loop3A_104 : vector<16xf32> to vector<16xi32>
        %parallel_loop3A_106 = arith.constant 0 : i32
        %parallel_loop3A_107 = arith.constant 255 : i32
        %parallel_loop3A_108 = vector.broadcast %parallel_loop3A_106 : i32 to vector<16xi32>
        %parallel_loop3A_109 = arith.maxsi %parallel_loop3A_108, %parallel_loop3A_105 : vector<16xi32>
        %parallel_loop3A_110 = vector.broadcast %parallel_loop3A_107 : i32 to vector<16xi32>
        %parallel_loop3A_111 = arith.minsi %parallel_loop3A_110, %parallel_loop3A_109 : vector<16xi32>
        %parallel_loop3A_112 = vector.broadcast %parallel_loop3A_95 : i32 to vector<16xi32>
        %parallel_loop3A_113 = arith.addi %parallel_loop3A_111, %parallel_loop3A_112 : vector<16xi32>
        tpu.vector_store_idx %arg10[%parallel_loop3A_113], %broadcast_in_dim3A_0 {add = true} : memref<2048xf32, #tpu.memory_space<vmem>>[vector<16xi32>], vector<16xf32>,
        %parallel_loop3A_114 = arith.constant 64 : i32
        %parallel_loop3A_115 = arith.muli %parallel_loop3A_77, %parallel_loop3A_114 : i32
        %parallel_loop3A_116 = arith.constant 16 : i32
        %parallel_loop3A_117 = arith.addi %parallel_loop3A_115, %parallel_loop3A_116 : i32
        %parallel_loop3A_118 = arith.index_cast %parallel_loop3A_117 : i32 to index
        %parallel_loop3A_119 = tpu.vector_load %arg7[%parallel_loop3A_118] {strides = array<i32>} : memref<16384xf32, #tpu.memory_space<vmem>>, vector<16xf32>,
        %parallel_loop3A_120 = arith.constant 2.560000e+02 : f32
        %parallel_loop3A_121 = vector.broadcast %parallel_loop3A_120 : f32 to vector<16xf32>
        %parallel_loop3A_122 = arith.mulf %parallel_loop3A_119, %parallel_loop3A_121 : vector<16xf32>
        %parallel_loop3A_123 = arith.fptosi %parallel_loop3A_122 : vector<16xf32> to vector<16xi32>
        %parallel_loop3A_124 = arith.constant 0 : i32
        %parallel_loop3A_125 = arith.constant 255 : i32
        %parallel_loop3A_126 = vector.broadcast %parallel_loop3A_124 : i32 to vector<16xi32>
        %parallel_loop3A_127 = arith.maxsi %parallel_loop3A_126, %parallel_loop3A_123 : vector<16xi32>
        %parallel_loop3A_128 = vector.broadcast %parallel_loop3A_125 : i32 to vector<16xi32>
        %parallel_loop3A_129 = arith.minsi %parallel_loop3A_128, %parallel_loop3A_127 : vector<16xi32>
        %parallel_loop3A_130 = vector.broadcast %parallel_loop3A_95 : i32 to vector<16xi32>
        %parallel_loop3A_131 = arith.addi %parallel_loop3A_129, %parallel_loop3A_130 : vector<16xi32>
        tpu.vector_store_idx %arg10[%parallel_loop3A_131], %broadcast_in_dim3A_0 {add = true} : memref<2048xf32, #tpu.memory_space<vmem>>[vector<16xi32>], vector<16xf32>,
        %parallel_loop3A_132 = arith.constant 64 : i32
        %parallel_loop3A_133 = arith.muli %parallel_loop3A_77, %parallel_loop3A_132 : i32
        %parallel_loop3A_134 = arith.constant 32 : i32
        %parallel_loop3A_135 = arith.addi %parallel_loop3A_133, %parallel_loop3A_134 : i32
        %parallel_loop3A_136 = arith.index_cast %parallel_loop3A_135 : i32 to index
        %parallel_loop3A_137 = tpu.vector_load %arg7[%parallel_loop3A_136] {strides = array<i32>} : memref<16384xf32, #tpu.memory_space<vmem>>, vector<16xf32>,
        %parallel_loop3A_138 = arith.constant 2.560000e+02 : f32
        %parallel_loop3A_139 = vector.broadcast %parallel_loop3A_138 : f32 to vector<16xf32>
        %parallel_loop3A_140 = arith.mulf %parallel_loop3A_137, %parallel_loop3A_139 : vector<16xf32>
        %parallel_loop3A_141 = arith.fptosi %parallel_loop3A_140 : vector<16xf32> to vector<16xi32>
        %parallel_loop3A_142 = arith.constant 0 : i32
        %parallel_loop3A_143 = arith.constant 255 : i32
        %parallel_loop3A_144 = vector.broadcast %parallel_loop3A_142 : i32 to vector<16xi32>
        %parallel_loop3A_145 = arith.maxsi %parallel_loop3A_144, %parallel_loop3A_141 : vector<16xi32>
        %parallel_loop3A_146 = vector.broadcast %parallel_loop3A_143 : i32 to vector<16xi32>
        %parallel_loop3A_147 = arith.minsi %parallel_loop3A_146, %parallel_loop3A_145 : vector<16xi32>
        %parallel_loop3A_148 = vector.broadcast %parallel_loop3A_95 : i32 to vector<16xi32>
        %parallel_loop3A_149 = arith.addi %parallel_loop3A_147, %parallel_loop3A_148 : vector<16xi32>
        tpu.vector_store_idx %arg10[%parallel_loop3A_149], %broadcast_in_dim3A_0 {add = true} : memref<2048xf32, #tpu.memory_space<vmem>>[vector<16xi32>], vector<16xf32>,
        %parallel_loop3A_150 = arith.constant 64 : i32
        %parallel_loop3A_151 = arith.muli %parallel_loop3A_77, %parallel_loop3A_150 : i32
        %parallel_loop3A_152 = arith.constant 48 : i32
        %parallel_loop3A_153 = arith.addi %parallel_loop3A_151, %parallel_loop3A_152 : i32
        %parallel_loop3A_154 = arith.index_cast %parallel_loop3A_153 : i32 to index
        %parallel_loop3A_155 = tpu.vector_load %arg7[%parallel_loop3A_154] {strides = array<i32>} : memref<16384xf32, #tpu.memory_space<vmem>>, vector<16xf32>,
        %parallel_loop3A_156 = arith.constant 2.560000e+02 : f32
        %parallel_loop3A_157 = vector.broadcast %parallel_loop3A_156 : f32 to vector<16xf32>
        %parallel_loop3A_158 = arith.mulf %parallel_loop3A_155, %parallel_loop3A_157 : vector<16xf32>
        %parallel_loop3A_159 = arith.fptosi %parallel_loop3A_158 : vector<16xf32> to vector<16xi32>
        %parallel_loop3A_160 = arith.constant 0 : i32
        %parallel_loop3A_161 = arith.constant 255 : i32
        %parallel_loop3A_162 = vector.broadcast %parallel_loop3A_160 : i32 to vector<16xi32>
        %parallel_loop3A_163 = arith.maxsi %parallel_loop3A_162, %parallel_loop3A_159 : vector<16xi32>
        %parallel_loop3A_164 = vector.broadcast %parallel_loop3A_161 : i32 to vector<16xi32>
        %parallel_loop3A_165 = arith.minsi %parallel_loop3A_164, %parallel_loop3A_163 : vector<16xi32>
        %parallel_loop3A_166 = vector.broadcast %parallel_loop3A_95 : i32 to vector<16xi32>
        %parallel_loop3A_167 = arith.addi %parallel_loop3A_165, %parallel_loop3A_166 : vector<16xi32>
        tpu.vector_store_idx %arg10[%parallel_loop3A_167], %broadcast_in_dim3A_0 {add = true} : memref<2048xf32, #tpu.memory_space<vmem>>[vector<16xi32>], vector<16xf32>,
      } {sc.loop_unroll_factor = 4 : i64, sc.parallel_access}
      %lt3A = arith.constant 11 : i32
      %lt3A_62 = arith.cmpi slt, %scan3A_34, %lt3A : i32
      %convert_element_type3A_63 = arith.extui %lt3A_62 : i1 to i32
      %cond3A = arith.constant 0 : i32
      %cond3A_64 = arith.cmpi ne, %convert_element_type3A_63, %cond3A : i32
      scf.if %cond3A_64 {
        %add3A_77 = arith.constant 32768 : i32
        %add3A_78 = arith.addi %mul3A_43, %add3A_77 : i32
        %dma_start3A_79 = tpu.memref_slice %arg2[%add3A_78] : memref<12582912xf32, #tpu.memory_space<hbm>> -> memref<16384xf32, #tpu.memory_space<hbm>>
        %dma_start3A_80 = tpu.memref_slice %arg2[%add3A_78] : memref<12582912xf32, #tpu.memory_space<hbm>> -> memref<16384xf32, #tpu.memory_space<hbm>>
        tpu.enqueue_dma source(%dma_start3A_80 : memref<16384xf32, #tpu.memory_space<hbm>>) target(%arg6 : memref<16384xf32, #tpu.memory_space<vmem>>) target_semaphore(%arg17 : memref<!tpu.dma_semaphore, #tpu.memory_space<semaphore_mem>>)
        %add3A_81 = arith.constant 16384 : i32
        %add3A_82 = arith.addi %add3A_78, %add3A_81 : i32
        %dma_start3A_83 = tpu.memref_slice %arg2[%add3A_82] : memref<12582912xf32, #tpu.memory_space<hbm>> -> memref<16384xf32, #tpu.memory_space<hbm>>
        %dma_start3A_84 = tpu.memref_slice %arg2[%add3A_82] : memref<12582912xf32, #tpu.memory_space<hbm>> -> memref<16384xf32, #tpu.memory_space<hbm>>
        tpu.enqueue_dma source(%dma_start3A_84 : memref<16384xf32, #tpu.memory_space<hbm>>) target(%arg7 : memref<16384xf32, #tpu.memory_space<vmem>>) target_semaphore(%arg18 : memref<!tpu.dma_semaphore, #tpu.memory_space<semaphore_mem>>)
      } else {
      }
      %gt3A = arith.constant 0 : i32
      %gt3A_65 = arith.cmpi sgt, %scan3A_34, %gt3A : i32
      %convert_element_type3A_66 = arith.extui %gt3A_65 : i1 to i32
      %cond3A_67 = arith.constant 0 : i32
      %cond3A_68 = arith.cmpi ne, %convert_element_type3A_66, %cond3A_67 : i32
      scf.if %cond3A_68 {
        %mul3A_77 = arith.constant 2048 : i32
        %mul3A_78 = arith.muli %add3A_36, %mul3A_77 : i32
        %dma_wait3A_79 = tpu.memref_slice %arg16[%mul3A_78] : memref<393216xf32, #tpu.memory_space<vmem_shared>> -> memref<2048xf32, #tpu.memory_space<vmem_shared>>
        %dma_wait3A_80 = tpu.memref_slice %arg16[%mul3A_78] : memref<393216xf32, #tpu.memory_space<vmem_shared>> -> memref<2048xf32, #tpu.memory_space<vmem_shared>>
        tpu.wait_dma2 semaphore(%arg19 : memref<!tpu.dma_semaphore, #tpu.memory_space<semaphore_mem>>) src(%arg11 : memref<2048xf32, #tpu.memory_space<vmem>>) dst(%dma_wait3A_80 : memref<2048xf32, #tpu.memory_space<vmem_shared>>)
      } else {
      }
      %parallel_loop3A_69 = arith.constant 0 : i32
      %parallel_loop3A_70 = arith.constant 8 : i32
      %parallel_loop3A_71 = arith.constant 1 : i32
      scf.for %parallel_loop3A_77 = %parallel_loop3A_69 to %parallel_loop3A_70 step %parallel_loop3A_71  : i32 {
        %parallel_loop3A_78 = arith.constant 256 : i32
        %parallel_loop3A_79 = arith.muli %parallel_loop3A_77, %parallel_loop3A_78 : i32
        %parallel_loop3A_80 = arith.constant 0.000000e+00 : f32
        %parallel_loop3A_81 = vector.broadcast %parallel_loop3A_80 : f32 to vector<16xf32>
        %parallel_loop3A_82 = arith.constant 0 : i32
        %parallel_loop3A_83 = arith.constant 16 : i32
        %parallel_loop3A_84 = arith.addi %parallel_loop3A_82, %parallel_loop3A_83 : i32
        %parallel_loop3A_85 = arith.constant 1 : i32
        %parallel_loop3A_86 = scf.for %scan3A_109 = %parallel_loop3A_82 to %parallel_loop3A_84 step %parallel_loop3A_85 iter_args(%scan3A_110 = %parallel_loop3A_81) -> (vector<16xf32>)  : i32 {
          %parallel_loop3A_111 = arith.constant 16 : i32
          %parallel_loop3A_112 = arith.muli %scan3A_109, %parallel_loop3A_111 : i32
          %parallel_loop3A_113 = arith.addi %parallel_loop3A_79, %parallel_loop3A_112 : i32
          %parallel_loop3A_114 = arith.index_cast %parallel_loop3A_113 : i32 to index
          %parallel_loop3A_115 = tpu.vector_load %arg10[%parallel_loop3A_114] {strides = array<i32>} : memref<2048xf32, #tpu.memory_space<vmem>>, vector<16xf32>,
          %parallel_loop3A_116 = arith.constant 6.400000e+02 : f32
          %parallel_loop3A_117 = vector.broadcast %parallel_loop3A_116 : f32 to vector<16xf32>
          %parallel_loop3A_118 = arith.minimumf %parallel_loop3A_115, %parallel_loop3A_117 : vector<16xf32>
          %parallel_loop3A_119 = arith.constant 16 : i32
          %parallel_loop3A_120 = arith.muli %scan3A_109, %parallel_loop3A_119 : i32
          %parallel_loop3A_121 = arith.addi %parallel_loop3A_79, %parallel_loop3A_120 : i32
          %parallel_loop3A_122 = arith.index_cast %parallel_loop3A_121 : i32 to index
          %parallel_loop3A_123 = tpu.vector_load %arg10[%parallel_loop3A_122] {strides = array<i32>} : memref<2048xf32, #tpu.memory_space<vmem>>, vector<16xf32>,
          tpu.vector_store %arg10[%parallel_loop3A_122], %parallel_loop3A_118 {strides = array<i32>} : memref<2048xf32, #tpu.memory_space<vmem>>, vector<16xf32>,
          %parallel_loop3A_124 = arith.addf %scan3A_110, %parallel_loop3A_118 : vector<16xf32>
          scf.yield %parallel_loop3A_124 : vector<16xf32>
        }
        %parallel_loop3A_87 = arith.constant 16 : i32
        %parallel_loop3A_88 = arith.constant true
        %parallel_loop3A_89 = vector.broadcast %parallel_loop3A_88 : i1 to vector<16xi1>
        %parallel_loop3A_90 = tpu.scan <sum>, %parallel_loop3A_86 masked %parallel_loop3A_89 : vector<16xf32>, vector<16xi1> -> vector<16xf32>
        %parallel_loop3A_91 = vector.extract %parallel_loop3A_90[15] : f32 from vector<16xf32>
        %parallel_loop3A_92 = arith.constant 4.096000e+03 : f32
        %parallel_loop3A_93 = arith.subf %parallel_loop3A_92, %parallel_loop3A_91 : f32
        %parallel_loop3A_94 = arith.constant 3.906250e-03 : f32
        %parallel_loop3A_95 = arith.mulf %parallel_loop3A_93, %parallel_loop3A_94 : f32
        %parallel_loop3A_96 = arith.fptosi %parallel_loop3A_95 : f32 to i32
        %parallel_loop3A_97 = arith.sitofp %parallel_loop3A_96 : i32 to f32
        %parallel_loop3A_98 = arith.constant 2.560000e+02 : f32
        %parallel_loop3A_99 = arith.mulf %parallel_loop3A_97, %parallel_loop3A_98 : f32
        %parallel_loop3A_100 = arith.subf %parallel_loop3A_93, %parallel_loop3A_99 : f32
        %parallel_loop3A_101 = arith.constant 0.000000e+00 : f32
        %parallel_loop3A_102 = vector.broadcast %parallel_loop3A_101 : f32 to vector<16xf32>
        %parallel_loop3A_103 = arith.constant 0 : i32
        %parallel_loop3A_104 = arith.constant 16 : i32
        %parallel_loop3A_105 = arith.addi %parallel_loop3A_103, %parallel_loop3A_104 : i32
        %parallel_loop3A_106 = arith.constant 1 : i32
        %parallel_loop3A_107 = scf.for %scan3A_109 = %parallel_loop3A_103 to %parallel_loop3A_105 step %parallel_loop3A_106 iter_args(%scan3A_110 = %parallel_loop3A_102) -> (vector<16xf32>)  : i32 {
          %parallel_loop3A_111 = arith.constant 16 : i32
          %parallel_loop3A_112 = arith.muli %scan3A_109, %parallel_loop3A_111 : i32
          %parallel_loop3A_113 = arith.addi %parallel_loop3A_79, %parallel_loop3A_112 : i32
          %parallel_loop3A_114 = arith.index_cast %parallel_loop3A_113 : i32 to index
          %parallel_loop3A_115 = tpu.vector_load %arg10[%parallel_loop3A_114] {strides = array<i32>} : memref<2048xf32, #tpu.memory_space<vmem>>, vector<16xf32>,
          %parallel_loop3A_116 = arith.sitofp %scan3A_109 : i32 to f32
          %parallel_loop3A_117 = arith.constant 1.600000e+01 : f32
          %parallel_loop3A_118 = arith.mulf %parallel_loop3A_116, %parallel_loop3A_117 : f32
          %parallel_loop3A_119 = vector.broadcast %parallel_loop3A_118 : f32 to vector<16xf32>
          %parallel_loop3A_120 = arith.addf %convert_element_type3A, %parallel_loop3A_119 : vector<16xf32>
          %parallel_loop3A_121 = vector.broadcast %parallel_loop3A_100 : f32 to vector<16xf32>
          %parallel_loop3A_122 = arith.cmpf olt, %parallel_loop3A_120, %parallel_loop3A_121 : vector<16xf32>
          %parallel_loop3A_123 = arith.constant 1.000000e+00 : f32
          %parallel_loop3A_124 = arith.constant 0.000000e+00 : f32
          %parallel_loop3A_125 = vector.broadcast %parallel_loop3A_123 : f32 to vector<16xf32>
          %parallel_loop3A_126 = vector.broadcast %parallel_loop3A_124 : f32 to vector<16xf32>
          %parallel_loop3A_127 = arith.select %parallel_loop3A_122, %parallel_loop3A_125, %parallel_loop3A_126 : vector<16xi1>, vector<16xf32>
          %parallel_loop3A_128 = vector.broadcast %parallel_loop3A_97 : f32 to vector<16xf32>
          %parallel_loop3A_129 = arith.addf %parallel_loop3A_115, %parallel_loop3A_128 : vector<16xf32>
          %parallel_loop3A_130 = arith.addf %parallel_loop3A_129, %parallel_loop3A_127 : vector<16xf32>
          %parallel_loop3A_131 = arith.constant true
          %parallel_loop3A_132 = vector.broadcast %parallel_loop3A_131 : i1 to vector<16xi1>
          %parallel_loop3A_133 = tpu.scan <sum>, %parallel_loop3A_130 masked %parallel_loop3A_132 : vector<16xf32>, vector<16xi1> -> vector<16xf32>
          %parallel_loop3A_134 = arith.addf %parallel_loop3A_133, %scan3A_110 : vector<16xf32>
          %parallel_loop3A_135 = arith.constant 0.0622558594 : f32
          %parallel_loop3A_136 = vector.broadcast %parallel_loop3A_135 : f32 to vector<16xf32>
          %parallel_loop3A_137 = arith.mulf %parallel_loop3A_134, %parallel_loop3A_136 : vector<16xf32>
          %parallel_loop3A_138 = arith.constant 0.000000e+00 : f32
          %parallel_loop3A_139 = arith.constant 2.550000e+02 : f32
          %parallel_loop3A_140 = vector.broadcast %parallel_loop3A_138 : f32 to vector<16xf32>
          %parallel_loop3A_141 = arith.maximumf %parallel_loop3A_140, %parallel_loop3A_137 : vector<16xf32>
          %parallel_loop3A_142 = vector.broadcast %parallel_loop3A_139 : f32 to vector<16xf32>
          %parallel_loop3A_143 = arith.minimumf %parallel_loop3A_142, %parallel_loop3A_141 : vector<16xf32>
          %parallel_loop3A_144 = arith.fptosi %parallel_loop3A_143 : vector<16xf32> to vector<16xi32>
          %parallel_loop3A_145 = arith.sitofp %parallel_loop3A_144 : vector<16xi32> to vector<16xf32>
          %parallel_loop3A_146 = arith.constant 16 : i32
          %parallel_loop3A_147 = arith.muli %scan3A_109, %parallel_loop3A_146 : i32
          %parallel_loop3A_148 = arith.addi %parallel_loop3A_79, %parallel_loop3A_147 : i32
          %parallel_loop3A_149 = arith.index_cast %parallel_loop3A_148 : i32 to index
          %parallel_loop3A_150 = tpu.vector_load %arg11[%parallel_loop3A_149] {strides = array<i32>} : memref<2048xf32, #tpu.memory_space<vmem>>, vector<16xf32>,
          tpu.vector_store %arg11[%parallel_loop3A_149], %parallel_loop3A_145 {strides = array<i32>} : memref<2048xf32, #tpu.memory_space<vmem>>, vector<16xf32>,
          %parallel_loop3A_151 = vector.shape_cast %broadcast_in_dim3A_2 : vector<16xi32> to vector<16x1xi32>
          %parallel_loop3A_152 = vector.shape_cast %parallel_loop3A_151 : vector<16x1xi32> to vector<16xi32>
          %parallel_loop3A_153 = tpu.dynamic_gather %parallel_loop3A_134[%parallel_loop3A_152] in [0] : vector<16xf32>, vector<16xi32> -> vector<16xf32>
          scf.yield %parallel_loop3A_153 : vector<16xf32>
        }
        %parallel_loop3A_108 = arith.constant 16 : i32
      } {sc.loop_unroll_factor = 1 : i64, sc.parallel_access}
      %mul3A_72 = arith.constant 2048 : i32
      %mul3A_73 = arith.muli %add3A_36, %mul3A_72 : i32
      %dma_start3A_74 = tpu.memref_slice %arg16[%mul3A_73] : memref<393216xf32, #tpu.memory_space<vmem_shared>> -> memref<2048xf32, #tpu.memory_space<vmem_shared>>
      %dma_start3A_75 = tpu.memref_slice %arg16[%mul3A_73] : memref<393216xf32, #tpu.memory_space<vmem_shared>> -> memref<2048xf32, #tpu.memory_space<vmem_shared>>
      tpu.enqueue_dma source(%arg11 : memref<2048xf32, #tpu.memory_space<vmem>>) target(%dma_start3A_75 : memref<2048xf32, #tpu.memory_space<vmem_shared>>) target_semaphore(%arg19 : memref<!tpu.dma_semaphore, #tpu.memory_space<semaphore_mem>>)
      %scan3A_76 = arith.constant 0 : i32
      scf.yield %scan3A_76 : i32
    }
    %scan3A_20 = arith.constant 12 : i32
    %add3A_21 = arith.constant 12 : i32
    %add3A_22 = arith.addi %mul3A_3, %add3A_21 : i32
    %sub3A = arith.constant 1 : i32
    %sub3A_23 = arith.subi %add3A_22, %sub3A : i32
    %mul3A_24 = arith.constant 2048 : i32
    %mul3A_25 = arith.muli %sub3A_23, %mul3A_24 : i32
    %dma_wait3A = tpu.memref_slice %arg16[%mul3A_25] : memref<393216xf32, #tpu.memory_space<vmem_shared>> -> memref<2048xf32, #tpu.memory_space<vmem_shared>>
    %dma_wait3A_26 = tpu.memref_slice %arg16[%mul3A_25] : memref<393216xf32, #tpu.memory_space<vmem_shared>> -> memref<2048xf32, #tpu.memory_space<vmem_shared>>
    tpu.wait_dma2 semaphore(%arg19 : memref<!tpu.dma_semaphore, #tpu.memory_space<semaphore_mem>>) src(%arg11 : memref<2048xf32, #tpu.memory_space<vmem>>) dst(%dma_wait3A_26 : memref<2048xf32, #tpu.memory_space<vmem_shared>>)
    %barrier3A = arith.constant 0 : index
    tpu.barrier barrier_id(%barrier3A)
    "tpu.region"() ({
      %run_scoped3A = tpu.sem_alloc : memref<!tpu.dma_semaphore, #tpu.memory_space<semaphore_mem>>
      tpu.enqueue_dma source(%arg3 : memref<512xi32, #tpu.memory_space<hbm>>) target(%arg14 : memref<512xi32, #tpu.memory_space<vmem>>) target_semaphore(%run_scoped3A : memref<!tpu.dma_semaphore, #tpu.memory_space<semaphore_mem>>)
      tpu.wait_dma2 semaphore(%run_scoped3A : memref<!tpu.dma_semaphore, #tpu.memory_space<semaphore_mem>>) src(%arg3 : memref<512xi32, #tpu.memory_space<hbm>>) dst(%arg14 : memref<512xi32, #tpu.memory_space<vmem>>)
      tpu.yield
    }) : () -> ()
    "tpu.region"() ({
      %run_scoped3A = tpu.sem_alloc : memref<!tpu.dma_semaphore, #tpu.memory_space<semaphore_mem>>
      tpu.enqueue_dma source(%arg4 : memref<512xf32, #tpu.memory_space<hbm>>) target(%arg15 : memref<512xf32, #tpu.memory_space<vmem>>) target_semaphore(%run_scoped3A : memref<!tpu.dma_semaphore, #tpu.memory_space<semaphore_mem>>)
      tpu.wait_dma2 semaphore(%run_scoped3A : memref<!tpu.dma_semaphore, #tpu.memory_space<semaphore_mem>>) src(%arg4 : memref<512xf32, #tpu.memory_space<hbm>>) dst(%arg15 : memref<512xf32, #tpu.memory_space<vmem>>)
      tpu.yield
    }) : () -> ()
    %scan3A_27 = arith.constant 0 : i32
    %scan3A_28 = arith.constant 0 : i32
    %scan3A_29 = arith.constant 3 : i32
    %scan3A_30 = arith.addi %scan3A_28, %scan3A_29 : i32
    %scan3A_31 = arith.constant 1 : i32
    %scan3A_32 = scf.for %scan3A_34 = %scan3A_28 to %scan3A_30 step %scan3A_31 iter_args(%scan3A_35 = %scan3A_27) -> (i32)  : i32 {
      %mul3A_36 = arith.constant 3 : i32
      %mul3A_37 = arith.muli %arg1, %mul3A_36 : i32
      %add3A_38 = arith.addi %mul3A_37, %scan3A_34 : i32
      %jit3A = arith.constant 2 : i32
      %div3A = arith.divsi %add3A_38, %jit3A : i32
      %sign3A = arith.constant 0 : i32
      %sign3A_39 = arith.cmpi sgt, %add3A_38, %sign3A : i32
      %sign3A_40 = arith.extui %sign3A_39 : i1 to i32
      %sign3A_41 = arith.constant 0 : i32
      %sign3A_42 = arith.cmpi slt, %add3A_38, %sign3A_41 : i32
      %sign3A_43 = arith.extui %sign3A_42 : i1 to i32
      %sign3A_44 = arith.subi %sign3A_40, %sign3A_43 : i32
      %sign3A_45 = arith.constant 0 : i32
      %sign3A_46 = arith.cmpi sgt, %jit3A, %sign3A_45 : i32
      %sign3A_47 = arith.extui %sign3A_46 : i1 to i32
      %sign3A_48 = arith.constant 0 : i32
      %sign3A_49 = arith.cmpi slt, %jit3A, %sign3A_48 : i32
      %sign3A_50 = arith.extui %sign3A_49 : i1 to i32
      %sign3A_51 = arith.subi %sign3A_47, %sign3A_50 : i32
      %ne3A = arith.cmpi ne, %sign3A_44, %sign3A_51 : i32
      %rem3A = arith.remsi %add3A_38, %jit3A : i32
      %ne3A_52 = arith.constant 0 : i32
      %ne3A_53 = arith.cmpi ne, %rem3A, %ne3A_52 : i32
      %and3A = arith.andi %ne3A, %ne3A_53 : i1
      %sub3A_54 = arith.constant 1 : i32
      %sub3A_55 = arith.subi %div3A, %sub3A_54 : i32
      %select_n3A = arith.select %and3A, %sub3A_55, %div3A : i32
      %jit3A_56 = arith.constant 2 : i32
      %eq3A = arith.constant 0 : i32
      %eq3A_57 = arith.cmpi eq, %jit3A_56, %eq3A : i32
      %jit3A_58 = arith.constant 1 : i32
      %select_n3A_59 = arith.select %eq3A_57, %jit3A_58, %jit3A_56 : i32
      %rem3A_60 = arith.remsi %add3A_38, %select_n3A_59 : i32
      %ne3A_61 = arith.constant 0 : i32
      %ne3A_62 = arith.cmpi ne, %rem3A_60, %ne3A_61 : i32
      %lt3A = arith.constant 0 : i32
      %lt3A_63 = arith.cmpi slt, %rem3A_60, %lt3A : i32
      %lt3A_64 = arith.constant 0 : i32
      %lt3A_65 = arith.cmpi slt, %select_n3A_59, %lt3A_64 : i32
      %ne3A_66 = arith.xori %lt3A_63, %lt3A_65 : i1
      %and3A_67 = arith.andi %ne3A_66, %ne3A_62 : i1
      %add3A_68 = arith.addi %rem3A_60, %select_n3A_59 : i32
      %select_n3A_69 = arith.select %and3A_67, %add3A_68, %rem3A_60 : i32
      %mul3A_70 = arith.constant 3 : i32
      %mul3A_71 = arith.muli %select_n3A_69, %mul3A_70 : i32
      %mul3A_72 = arith.constant 24 : i32
      %mul3A_73 = arith.muli %arg0, %mul3A_72 : i32
      %add3A_74 = arith.addi %mul3A_73, %select_n3A : i32
      %mul3A_75 = arith.constant 262144 : i32
      %mul3A_76 = arith.muli %add3A_74, %mul3A_75 : i32
      %mul3A_77 = arith.constant 131072 : i32
      %mul3A_78 = arith.muli %select_n3A_69, %mul3A_77 : i32
      %add3A_79 = arith.addi %mul3A_76, %mul3A_78 : i32
      %dma_start3A_80 = tpu.memref_slice %arg2[%add3A_79] : memref<12582912xf32, #tpu.memory_space<hbm>> -> memref<16384xf32, #tpu.memory_space<hbm>>
      %dma_start3A_81 = tpu.memref_slice %arg2[%add3A_79] : memref<12582912xf32, #tpu.memory_space<hbm>> -> memref<16384xf32, #tpu.memory_space<hbm>>
      tpu.enqueue_dma source(%dma_start3A_81 : memref<16384xf32, #tpu.memory_space<hbm>>) target(%arg6 : memref<16384xf32, #tpu.memory_space<vmem>>) target_semaphore(%arg17 : memref<!tpu.dma_semaphore, #tpu.memory_space<semaphore_mem>>)
      %mul3A_82 = arith.constant 8 : i32
      %mul3A_83 = arith.muli %select_n3A, %mul3A_82 : i32
      %add3A_84 = arith.addi %mul3A_83, %mul3A_71 : i32
      %mul3A_85 = arith.constant 2048 : i32
      %mul3A_86 = arith.muli %add3A_84, %mul3A_85 : i32
      %dma_start3A_87 = tpu.memref_slice %arg16[%mul3A_86] : memref<393216xf32, #tpu.memory_space<vmem_shared>> -> memref<10240xf32, #tpu.memory_space<vmem_shared>>
      %dma_start3A_88 = tpu.memref_slice %arg16[%mul3A_86] : memref<393216xf32, #tpu.memory_space<vmem_shared>> -> memref<10240xf32, #tpu.memory_space<vmem_shared>>
      tpu.enqueue_dma source(%dma_start3A_88 : memref<10240xf32, #tpu.memory_space<vmem_shared>>) target(%arg12 : memref<10240xf32, #tpu.memory_space<vmem>>) target_semaphore(%arg19 : memref<!tpu.dma_semaphore, #tpu.memory_space<semaphore_mem>>)
      %add3A_89 = arith.constant 16384 : i32
      %add3A_90 = arith.addi %add3A_79, %add3A_89 : i32
      %dma_start3A_91 = tpu.memref_slice %arg2[%add3A_90] : memref<12582912xf32, #tpu.memory_space<hbm>> -> memref<16384xf32, #tpu.memory_space<hbm>>
      %dma_start3A_92 = tpu.memref_slice %arg2[%add3A_90] : memref<12582912xf32, #tpu.memory_space<hbm>> -> memref<16384xf32, #tpu.memory_space<hbm>>
      tpu.enqueue_dma source(%dma_start3A_92 : memref<16384xf32, #tpu.memory_space<hbm>>) target(%arg7 : memref<16384xf32, #tpu.memory_space<vmem>>) target_semaphore(%arg18 : memref<!tpu.dma_semaphore, #tpu.memory_space<semaphore_mem>>)
      %mul3A_93 = arith.constant 8 : i32
      %mul3A_94 = arith.muli %select_n3A_69, %mul3A_93 : i32
      %add3A_95 = arith.constant 0 : i32
      %add3A_96 = arith.addi %mul3A_94, %add3A_95 : i32
      %sub3A_97 = arith.constant 1 : i32
      %sub3A_98 = arith.subi %add3A_96, %sub3A_97 : i32
      %jit3A_99 = arith.constant 2 : i32
      %div3A_100 = arith.divsi %sub3A_98, %jit3A_99 : i32
      %sign3A_101 = arith.constant 0 : i32
      %sign3A_102 = arith.cmpi sgt, %sub3A_98, %sign3A_101 : i32
      %sign3A_103 = arith.extui %sign3A_102 : i1 to i32
      %sign3A_104 = arith.constant 0 : i32
      %sign3A_105 = arith.cmpi slt, %sub3A_98, %sign3A_104 : i32
      %sign3A_106 = arith.extui %sign3A_105 : i1 to i32
      %sign3A_107 = arith.subi %sign3A_103, %sign3A_106 : i32
      %sign3A_108 = arith.constant 0 : i32
      %sign3A_109 = arith.cmpi sgt, %jit3A_99, %sign3A_108 : i32
      %sign3A_110 = arith.extui %sign3A_109 : i1 to i32
      %sign3A_111 = arith.constant 0 : i32
      %sign3A_112 = arith.cmpi slt, %jit3A_99, %sign3A_111 : i32
      %sign3A_113 = arith.extui %sign3A_112 : i1 to i32
      %sign3A_114 = arith.subi %sign3A_110, %sign3A_113 : i32
      %ne3A_115 = arith.cmpi ne, %sign3A_107, %sign3A_114 : i32
      %rem3A_116 = arith.remsi %sub3A_98, %jit3A_99 : i32
      %ne3A_117 = arith.constant 0 : i32
      %ne3A_118 = arith.cmpi ne, %rem3A_116, %ne3A_117 : i32
      %and3A_119 = arith.andi %ne3A_115, %ne3A_118 : i1
      %sub3A_120 = arith.constant 1 : i32
      %sub3A_121 = arith.subi %div3A_100, %sub3A_120 : i32
      %select_n3A_122 = arith.select %and3A_119, %sub3A_121, %div3A_100 : i32
      %jit3A_123 = arith.constant 0 : i32
      %jit3A_124 = arith.constant 6 : i32
      %max3A = arith.maxsi %jit3A_123, %select_n3A_122 : i32
      %min3A = arith.minsi %jit3A_124, %max3A : i32
      %eq3A_125 = arith.constant 0 : i32
      %eq3A_126 = arith.cmpi eq, %add3A_96, %eq3A_125 : i32
      %eq3A_127 = arith.constant 15 : i32
      %eq3A_128 = arith.cmpi eq, %add3A_96, %eq3A_127 : i32
      %jit3A_129 = arith.constant 7 : i32
      %select_n3A_130 = arith.select %eq3A_128, %jit3A_129, %min3A : i32
      %jit3A_131 = arith.constant 0 : i32
      %select_n3A_132 = arith.select %eq3A_126, %jit3A_131, %select_n3A_130 : i32
      %eq3A_133 = arith.constant 0 : i32
      %eq3A_134 = arith.cmpi eq, %add3A_96, %eq3A_133 : i32
      %eq3A_135 = arith.constant 15 : i32
      %eq3A_136 = arith.cmpi eq, %add3A_96, %eq3A_135 : i32
      %add3A_137 = arith.constant 1 : i32
      %add3A_138 = arith.addi %min3A, %add3A_137 : i32
      %min3A_139 = arith.constant 7 : i32
      %min3A_140 = arith.minsi %add3A_138, %min3A_139 : i32
      %jit3A_141 = arith.constant 7 : i32
      %select_n3A_142 = arith.select %eq3A_136, %jit3A_141, %min3A_140 : i32
      %jit3A_143 = arith.constant 0 : i32
      %select_n3A_144 = arith.select %eq3A_134, %jit3A_143, %select_n3A_142 : i32
      %gt3A = arith.constant 0 : i32
      %gt3A_145 = arith.cmpi sgt, %add3A_96, %gt3A : i32
      %lt3A_146 = arith.constant 15 : i32
      %lt3A_147 = arith.cmpi slt, %add3A_96, %lt3A_146 : i32
      %and3A_148 = arith.andi %gt3A_145, %lt3A_147 : i1
      %sub3A_149 = arith.subi %select_n3A_132, %mul3A_71 : i32
      %mul3A_150 = arith.constant 2048 : i32
      %mul3A_151 = arith.muli %sub3A_149, %mul3A_150 : i32
      %sub3A_152 = arith.subi %select_n3A_144, %mul3A_71 : i32
      %mul3A_153 = arith.constant 2048 : i32
      %mul3A_154 = arith.muli %sub3A_152, %mul3A_153 : i32
      %mul3A_155 = arith.constant 256 : i32
      %mul3A_156 = arith.muli %select_n3A_69, %mul3A_155 : i32
      %add3A_157 = arith.constant 0 : i32
      %add3A_158 = arith.addi %mul3A_156, %add3A_157 : i32
      %mul3A_159 = arith.constant 2 : i32
      %mul3A_160 = arith.muli %mul3A_159, %min3A : i32
      %add3A_161 = arith.constant 1 : i32
      %add3A_162 = arith.addi %mul3A_160, %add3A_161 : i32
      %mul3A_163 = arith.constant 32 : i32
      %mul3A_164 = arith.muli %add3A_162, %mul3A_163 : i32
      %sub3A_165 = arith.subi %add3A_158, %mul3A_164 : i32
      %convert_element_type3A_166 = arith.sitofp %sub3A_165 : i32 to f32
      %dma_wait3A_167 = tpu.memref_slice %arg16[%mul3A_86] : memref<393216xf32, #tpu.memory_space<vmem_shared>> -> memref<10240xf32, #tpu.memory_space<vmem_shared>>
      %dma_wait3A_168 = tpu.memref_slice %arg16[%mul3A_86] : memref<393216xf32, #tpu.memory_space<vmem_shared>> -> memref<10240xf32, #tpu.memory_space<vmem_shared>>
      tpu.wait_dma2 semaphore(%arg19 : memref<!tpu.dma_semaphore, #tpu.memory_space<semaphore_mem>>) src(%dma_wait3A_168 : memref<10240xf32, #tpu.memory_space<vmem_shared>>) dst(%arg12 : memref<10240xf32, #tpu.memory_space<vmem>>)
      %parallel_loop3A = arith.constant 0 : i32
      %parallel_loop3A_169 = arith.constant 32 : i32
      %parallel_loop3A_170 = arith.constant 1 : i32
      scf.for %parallel_loop3A_844 = %parallel_loop3A to %parallel_loop3A_169 step %parallel_loop3A_170  : i32 {
        %parallel_loop3A_845 = arith.constant 64 : i32
        %parallel_loop3A_846 = arith.muli %parallel_loop3A_844, %parallel_loop3A_845 : i32
        %parallel_loop3A_847 = arith.constant 0 : i32
        %parallel_loop3A_848 = arith.addi %parallel_loop3A_846, %parallel_loop3A_847 : i32
        %parallel_loop3A_849 = arith.addi %mul3A_151, %parallel_loop3A_848 : i32
        %parallel_loop3A_850 = arith.index_cast %parallel_loop3A_849 : i32 to index
        %parallel_loop3A_851 = tpu.vector_load %arg12[%parallel_loop3A_850] {strides = array<i32>} : memref<10240xf32, #tpu.memory_space<vmem>>, vector<16xf32>,
        %parallel_loop3A_852 = arith.addi %mul3A_154, %parallel_loop3A_848 : i32
        %parallel_loop3A_853 = arith.index_cast %parallel_loop3A_852 : i32 to index
        %parallel_loop3A_854 = tpu.vector_load %arg12[%parallel_loop3A_853] {strides = array<i32>} : memref<10240xf32, #tpu.memory_space<vmem>>, vector<16xf32>,
        %parallel_loop3A_855 = tpu.pack_subelements %parallel_loop3A_851, %parallel_loop3A_854 {pack_format = #tpu.pack_format<interleaved>, positions = array<i32: 0, 1>} : vector<16xf32>, vector<16xf32> -> vector<32xbf16>
        %parallel_loop3A_856 = vector.bitcast %parallel_loop3A_855 : vector<32xbf16> to vector<16xi32>
        %parallel_loop3A_857 = arith.index_cast %parallel_loop3A_848 : i32 to index
        %parallel_loop3A_858 = tpu.vector_load %arg13[%parallel_loop3A_857] {strides = array<i32>} : memref<2048xi32, #tpu.memory_space<vmem>>, vector<16xi32>,
        tpu.vector_store %arg13[%parallel_loop3A_857], %parallel_loop3A_856 {strides = array<i32>} : memref<2048xi32, #tpu.memory_space<vmem>>, vector<16xi32>,
        %parallel_loop3A_859 = arith.constant 64 : i32
        %parallel_loop3A_860 = arith.muli %parallel_loop3A_844, %parallel_loop3A_859 : i32
        %parallel_loop3A_861 = arith.constant 16 : i32
        %parallel_loop3A_862 = arith.addi %parallel_loop3A_860, %parallel_loop3A_861 : i32
        %parallel_loop3A_863 = arith.addi %mul3A_151, %parallel_loop3A_862 : i32
        %parallel_loop3A_864 = arith.index_cast %parallel_loop3A_863 : i32 to index
        %parallel_loop3A_865 = tpu.vector_load %arg12[%parallel_loop3A_864] {strides = array<i32>} : memref<10240xf32, #tpu.memory_space<vmem>>, vector<16xf32>,
        %parallel_loop3A_866 = arith.addi %mul3A_154, %parallel_loop3A_862 : i32
        %parallel_loop3A_867 = arith.index_cast %parallel_loop3A_866 : i32 to index
        %parallel_loop3A_868 = tpu.vector_load %arg12[%parallel_loop3A_867] {strides = array<i32>} : memref<10240xf32, #tpu.memory_space<vmem>>, vector<16xf32>,
        %parallel_loop3A_869 = tpu.pack_subelements %parallel_loop3A_865, %parallel_loop3A_868 {pack_format = #tpu.pack_format<interleaved>, positions = array<i32: 0, 1>} : vector<16xf32>, vector<16xf32> -> vector<32xbf16>
        %parallel_loop3A_870 = vector.bitcast %parallel_loop3A_869 : vector<32xbf16> to vector<16xi32>
        %parallel_loop3A_871 = arith.index_cast %parallel_loop3A_862 : i32 to index
        %parallel_loop3A_872 = tpu.vector_load %arg13[%parallel_loop3A_871] {strides = array<i32>} : memref<2048xi32, #tpu.memory_space<vmem>>, vector<16xi32>,
        tpu.vector_store %arg13[%parallel_loop3A_871], %parallel_loop3A_870 {strides = array<i32>} : memref<2048xi32, #tpu.memory_space<vmem>>, vector<16xi32>,
        %parallel_loop3A_873 = arith.constant 64 : i32
        %parallel_loop3A_874 = arith.muli %parallel_loop3A_844, %parallel_loop3A_873 : i32
        %parallel_loop3A_875 = arith.constant 32 : i32
        %parallel_loop3A_876 = arith.addi %parallel_loop3A_874, %parallel_loop3A_875 : i32
        %parallel_loop3A_877 = arith.addi %mul3A_151, %parallel_loop3A_876 : i32
        %parallel_loop3A_878 = arith.index_cast %parallel_loop3A_877 : i32 to index
        %parallel_loop3A_879 = tpu.vector_load %arg12[%parallel_loop3A_878] {strides = array<i32>} : memref<10240xf32, #tpu.memory_space<vmem>>, vector<16xf32>,
        %parallel_loop3A_880 = arith.addi %mul3A_154, %parallel_loop3A_876 : i32
        %parallel_loop3A_881 = arith.index_cast %parallel_loop3A_880 : i32 to index
        %parallel_loop3A_882 = tpu.vector_load %arg12[%parallel_loop3A_881] {strides = array<i32>} : memref<10240xf32, #tpu.memory_space<vmem>>, vector<16xf32>,
        %parallel_loop3A_883 = tpu.pack_subelements %parallel_loop3A_879, %parallel_loop3A_882 {pack_format = #tpu.pack_format<interleaved>, positions = array<i32: 0, 1>} : vector<16xf32>, vector<16xf32> -> vector<32xbf16>
        %parallel_loop3A_884 = vector.bitcast %parallel_loop3A_883 : vector<32xbf16> to vector<16xi32>
        %parallel_loop3A_885 = arith.index_cast %parallel_loop3A_876 : i32 to index
        %parallel_loop3A_886 = tpu.vector_load %arg13[%parallel_loop3A_885] {strides = array<i32>} : memref<2048xi32, #tpu.memory_space<vmem>>, vector<16xi32>,
        tpu.vector_store %arg13[%parallel_loop3A_885], %parallel_loop3A_884 {strides = array<i32>} : memref<2048xi32, #tpu.memory_space<vmem>>, vector<16xi32>,
        %parallel_loop3A_887 = arith.constant 64 : i32
        %parallel_loop3A_888 = arith.muli %parallel_loop3A_844, %parallel_loop3A_887 : i32
        %parallel_loop3A_889 = arith.constant 48 : i32
        %parallel_loop3A_890 = arith.addi %parallel_loop3A_888, %parallel_loop3A_889 : i32
        %parallel_loop3A_891 = arith.addi %mul3A_151, %parallel_loop3A_890 : i32
        %parallel_loop3A_892 = arith.index_cast %parallel_loop3A_891 : i32 to index
        %parallel_loop3A_893 = tpu.vector_load %arg12[%parallel_loop3A_892] {strides = array<i32>} : memref<10240xf32, #tpu.memory_space<vmem>>, vector<16xf32>,
        %parallel_loop3A_894 = arith.addi %mul3A_154, %parallel_loop3A_890 : i32
        %parallel_loop3A_895 = arith.index_cast %parallel_loop3A_894 : i32 to index
        %parallel_loop3A_896 = tpu.vector_load %arg12[%parallel_loop3A_895] {strides = array<i32>} : memref<10240xf32, #tpu.memory_space<vmem>>, vector<16xf32>,
        %parallel_loop3A_897 = tpu.pack_subelements %parallel_loop3A_893, %parallel_loop3A_896 {pack_format = #tpu.pack_format<interleaved>, positions = array<i32: 0, 1>} : vector<16xf32>, vector<16xf32> -> vector<32xbf16>
        %parallel_loop3A_898 = vector.bitcast %parallel_loop3A_897 : vector<32xbf16> to vector<16xi32>
        %parallel_loop3A_899 = arith.index_cast %parallel_loop3A_890 : i32 to index
        %parallel_loop3A_900 = tpu.vector_load %arg13[%parallel_loop3A_899] {strides = array<i32>} : memref<2048xi32, #tpu.memory_space<vmem>>, vector<16xi32>,
        tpu.vector_store %arg13[%parallel_loop3A_899], %parallel_loop3A_898 {strides = array<i32>} : memref<2048xi32, #tpu.memory_space<vmem>>, vector<16xi32>,
      } {sc.loop_unroll_factor = 2 : i64, sc.parallel_access}
      %dma_wait3A_171 = tpu.memref_slice %arg2[%add3A_79] : memref<12582912xf32, #tpu.memory_space<hbm>> -> memref<16384xf32, #tpu.memory_space<hbm>>
      %dma_wait3A_172 = tpu.memref_slice %arg2[%add3A_79] : memref<12582912xf32, #tpu.memory_space<hbm>> -> memref<16384xf32, #tpu.memory_space<hbm>>
      tpu.wait_dma2 semaphore(%arg17 : memref<!tpu.dma_semaphore, #tpu.memory_space<semaphore_mem>>) src(%dma_wait3A_172 : memref<16384xf32, #tpu.memory_space<hbm>>) dst(%arg6 : memref<16384xf32, #tpu.memory_space<vmem>>)
      %parallel_loop3A_173 = arith.constant 0 : i32
      %parallel_loop3A_174 = arith.constant 32 : i32
      %parallel_loop3A_175 = arith.constant 1 : i32
      scf.for %parallel_loop3A_844 = %parallel_loop3A_173 to %parallel_loop3A_174 step %parallel_loop3A_175  : i32 {
        %parallel_loop3A_845 = arith.sitofp %parallel_loop3A_844 : i32 to f32
        %parallel_loop3A_846 = arith.addf %convert_element_type3A_166, %parallel_loop3A_845 : f32
        %parallel_loop3A_847 = arith.constant 6.300000e+01 : f32
        %parallel_loop3A_848 = arith.subf %parallel_loop3A_847, %parallel_loop3A_846 : f32
        %parallel_loop3A_849 = arith.constant 0.0158730168 : f32
        %parallel_loop3A_850 = arith.mulf %parallel_loop3A_848, %parallel_loop3A_849 : f32
        %parallel_loop3A_851 = arith.constant 1.000000e+00 : f32
        %parallel_loop3A_852 = arith.select %and3A_148, %parallel_loop3A_850, %parallel_loop3A_851 : f32
        %parallel_loop3A_853 = arith.constant 1.000000e+00 : f32
        %parallel_loop3A_854 = arith.subf %parallel_loop3A_853, %parallel_loop3A_852 : f32
        %parallel_loop3A_855 = arith.constant 512 : i32
        %parallel_loop3A_856 = arith.muli %parallel_loop3A_844, %parallel_loop3A_855 : i32
        %parallel_loop3A_857 = arith.constant 0 : i32
        %parallel_loop3A_858 = arith.constant 32 : i32
        %parallel_loop3A_859 = arith.constant 1 : i32
        scf.for %parallel_loop3A_860 = %parallel_loop3A_857 to %parallel_loop3A_858 step %parallel_loop3A_859  : i32 {
          %parallel_loop3A_861 = arith.constant 16 : i32
          %parallel_loop3A_862 = arith.muli %parallel_loop3A_860, %parallel_loop3A_861 : i32
          %parallel_loop3A_863 = arith.addi %parallel_loop3A_856, %parallel_loop3A_862 : i32
          %parallel_loop3A_864 = arith.index_cast %parallel_loop3A_863 : i32 to index
          %parallel_loop3A_865 = tpu.vector_load %arg6[%parallel_loop3A_864] {strides = array<i32>} : memref<16384xf32, #tpu.memory_space<vmem>>, vector<16xf32>,
          %parallel_loop3A_866 = arith.constant 2.550000e+02 : f32
          %parallel_loop3A_867 = vector.broadcast %parallel_loop3A_866 : f32 to vector<16xf32>
          %parallel_loop3A_868 = arith.mulf %parallel_loop3A_865, %parallel_loop3A_867 : vector<16xf32>
          %parallel_loop3A_869 = arith.fptosi %parallel_loop3A_868 : vector<16xf32> to vector<16xi32>
          %parallel_loop3A_870 = arith.constant 16 : i32
          %parallel_loop3A_871 = arith.muli %parallel_loop3A_860, %parallel_loop3A_870 : i32
          %parallel_loop3A_872 = arith.index_cast %parallel_loop3A_871 : i32 to index
          %parallel_loop3A_873 = tpu.vector_load %arg14[%parallel_loop3A_872] {strides = array<i32>} : memref<512xi32, #tpu.memory_space<vmem>>, vector<16xi32>,
          %parallel_loop3A_874 = arith.constant 65535 : i32
          %parallel_loop3A_875 = vector.broadcast %parallel_loop3A_874 : i32 to vector<16xi32>
          %parallel_loop3A_876 = arith.andi %parallel_loop3A_873, %parallel_loop3A_875 : vector<16xi32>
          %parallel_loop3A_877 = arith.constant 16 : i32
          %parallel_loop3A_878 = vector.broadcast %parallel_loop3A_877 : i32 to vector<16xi32>
          %parallel_loop3A_879 = arith.shrui %parallel_loop3A_873, %parallel_loop3A_878 : vector<16xi32>
          %parallel_loop3A_880 = arith.addi %parallel_loop3A_869, %parallel_loop3A_876 : vector<16xi32>
          %parallel_loop3A_881 = tpu.vector_load_idx %arg13[%parallel_loop3A_880] : memref<2048xi32, #tpu.memory_space<vmem>>[vector<16xi32>], vector<16xi32>,
          %parallel_loop3A_882 = arith.addi %parallel_loop3A_869, %parallel_loop3A_879 : vector<16xi32>
          %parallel_loop3A_883 = tpu.vector_load_idx %arg13[%parallel_loop3A_882] : memref<2048xi32, #tpu.memory_space<vmem>>[vector<16xi32>], vector<16xi32>,
          %parallel_loop3A_884 = vector.bitcast %parallel_loop3A_881 : vector<16xi32> to vector<32xbf16>
          %parallel_loop3A_885 = tpu.unpack_subelements %parallel_loop3A_884, 0 {pack_format = #tpu.pack_format<interleaved>} : vector<32xbf16> -> vector<16xf32>
          %parallel_loop3A_886 = tpu.unpack_subelements %parallel_loop3A_884, 1 {pack_format = #tpu.pack_format<interleaved>} : vector<32xbf16> -> vector<16xf32>
          %parallel_loop3A_887 = vector.bitcast %parallel_loop3A_883 : vector<16xi32> to vector<32xbf16>
          %parallel_loop3A_888 = tpu.unpack_subelements %parallel_loop3A_887, 0 {pack_format = #tpu.pack_format<interleaved>} : vector<32xbf16> -> vector<16xf32>
          %parallel_loop3A_889 = tpu.unpack_subelements %parallel_loop3A_887, 1 {pack_format = #tpu.pack_format<interleaved>} : vector<32xbf16> -> vector<16xf32>
          %parallel_loop3A_890 = arith.constant 16 : i32
          %parallel_loop3A_891 = arith.muli %parallel_loop3A_860, %parallel_loop3A_890 : i32
          %parallel_loop3A_892 = arith.index_cast %parallel_loop3A_891 : i32 to index
          %parallel_loop3A_893 = tpu.vector_load %arg15[%parallel_loop3A_892] {strides = array<i32>} : memref<512xf32, #tpu.memory_space<vmem>>, vector<16xf32>,
          %parallel_loop3A_894 = arith.constant 1.000000e+00 : f32
          %parallel_loop3A_895 = vector.broadcast %parallel_loop3A_894 : f32 to vector<16xf32>
          %parallel_loop3A_896 = arith.subf %parallel_loop3A_895, %parallel_loop3A_893 : vector<16xf32>
          %parallel_loop3A_897 = vector.broadcast %parallel_loop3A_852 : f32 to vector<16xf32>
          %parallel_loop3A_898 = arith.mulf %parallel_loop3A_897, %parallel_loop3A_885 : vector<16xf32>
          %parallel_loop3A_899 = vector.broadcast %parallel_loop3A_854 : f32 to vector<16xf32>
          %parallel_loop3A_900 = arith.mulf %parallel_loop3A_899, %parallel_loop3A_886 : vector<16xf32>
          %parallel_loop3A_901 = arith.addf %parallel_loop3A_898, %parallel_loop3A_900 : vector<16xf32>
          %parallel_loop3A_902 = vector.broadcast %parallel_loop3A_852 : f32 to vector<16xf32>
          %parallel_loop3A_903 = arith.mulf %parallel_loop3A_902, %parallel_loop3A_888 : vector<16xf32>
          %parallel_loop3A_904 = vector.broadcast %parallel_loop3A_854 : f32 to vector<16xf32>
          %parallel_loop3A_905 = arith.mulf %parallel_loop3A_904, %parallel_loop3A_889 : vector<16xf32>
          %parallel_loop3A_906 = arith.addf %parallel_loop3A_903, %parallel_loop3A_905 : vector<16xf32>
          %parallel_loop3A_907 = arith.mulf %parallel_loop3A_893, %parallel_loop3A_901 : vector<16xf32>
          %parallel_loop3A_908 = arith.mulf %parallel_loop3A_896, %parallel_loop3A_906 : vector<16xf32>
          %parallel_loop3A_909 = arith.addf %parallel_loop3A_907, %parallel_loop3A_908 : vector<16xf32>
          %parallel_loop3A_910 = arith.constant 0.00392156886 : f32
          %parallel_loop3A_911 = vector.broadcast %parallel_loop3A_910 : f32 to vector<16xf32>
          %parallel_loop3A_912 = arith.mulf %parallel_loop3A_909, %parallel_loop3A_911 : vector<16xf32>
          %parallel_loop3A_913 = arith.constant 16 : i32
          %parallel_loop3A_914 = arith.muli %parallel_loop3A_860, %parallel_loop3A_913 : i32
          %parallel_loop3A_915 = arith.addi %parallel_loop3A_856, %parallel_loop3A_914 : i32
          %parallel_loop3A_916 = arith.index_cast %parallel_loop3A_915 : i32 to index
          %parallel_loop3A_917 = tpu.vector_load %arg8[%parallel_loop3A_916] {strides = array<i32>} : memref<16384xf32, #tpu.memory_space<vmem>>, vector<16xf32>,
          tpu.vector_store %arg8[%parallel_loop3A_916], %parallel_loop3A_912 {strides = array<i32>} : memref<16384xf32, #tpu.memory_space<vmem>>, vector<16xf32>,
        } {sc.loop_unroll_factor = 4 : i64, sc.parallel_access}
      } {sc.loop_unroll_factor = 1 : i64, sc.parallel_access}
      %add3A_176 = arith.constant 0 : i32
      %add3A_177 = arith.addi %add3A_79, %add3A_176 : i32
      %dma_start3A_178 = tpu.memref_slice %arg5[%add3A_177] : memref<12582912xf32, #tpu.memory_space<hbm>> -> memref<16384xf32, #tpu.memory_space<hbm>>
      %dma_start3A_179 = tpu.memref_slice %arg5[%add3A_177] : memref<12582912xf32, #tpu.memory_space<hbm>> -> memref<16384xf32, #tpu.memory_space<hbm>>
      tpu.enqueue_dma source(%arg8 : memref<16384xf32, #tpu.memory_space<vmem>>) target(%dma_start3A_179 : memref<16384xf32, #tpu.memory_space<hbm>>) target_semaphore(%arg20 : memref<!tpu.dma_semaphore, #tpu.memory_space<semaphore_mem>>)
      %add3A_180 = arith.constant 32768 : i32
      %add3A_181 = arith.addi %add3A_79, %add3A_180 : i32
      %dma_start3A_182 = tpu.memref_slice %arg2[%add3A_181] : memref<12582912xf32, #tpu.memory_space<hbm>> -> memref<16384xf32, #tpu.memory_space<hbm>>
      %dma_start3A_183 = tpu.memref_slice %arg2[%add3A_181] : memref<12582912xf32, #tpu.memory_space<hbm>> -> memref<16384xf32, #tpu.memory_space<hbm>>
      tpu.enqueue_dma source(%dma_start3A_183 : memref<16384xf32, #tpu.memory_space<hbm>>) target(%arg6 : memref<16384xf32, #tpu.memory_space<vmem>>) target_semaphore(%arg17 : memref<!tpu.dma_semaphore, #tpu.memory_space<semaphore_mem>>)
      %mul3A_184 = arith.constant 8 : i32
      %mul3A_185 = arith.muli %select_n3A_69, %mul3A_184 : i32
      %add3A_186 = arith.constant 1 : i32
      %add3A_187 = arith.addi %mul3A_185, %add3A_186 : i32
      %sub3A_188 = arith.constant 1 : i32
      %sub3A_189 = arith.subi %add3A_187, %sub3A_188 : i32
      %jit3A_190 = arith.constant 2 : i32
      %div3A_191 = arith.divsi %sub3A_189, %jit3A_190 : i32
      %sign3A_192 = arith.constant 0 : i32
      %sign3A_193 = arith.cmpi sgt, %sub3A_189, %sign3A_192 : i32
      %sign3A_194 = arith.extui %sign3A_193 : i1 to i32
      %sign3A_195 = arith.constant 0 : i32
      %sign3A_196 = arith.cmpi slt, %sub3A_189, %sign3A_195 : i32
      %sign3A_197 = arith.extui %sign3A_196 : i1 to i32
      %sign3A_198 = arith.subi %sign3A_194, %sign3A_197 : i32
      %sign3A_199 = arith.constant 0 : i32
      %sign3A_200 = arith.cmpi sgt, %jit3A_190, %sign3A_199 : i32
      %sign3A_201 = arith.extui %sign3A_200 : i1 to i32
      %sign3A_202 = arith.constant 0 : i32
      %sign3A_203 = arith.cmpi slt, %jit3A_190, %sign3A_202 : i32
      %sign3A_204 = arith.extui %sign3A_203 : i1 to i32
      %sign3A_205 = arith.subi %sign3A_201, %sign3A_204 : i32
      %ne3A_206 = arith.cmpi ne, %sign3A_198, %sign3A_205 : i32
      %rem3A_207 = arith.remsi %sub3A_189, %jit3A_190 : i32
      %ne3A_208 = arith.constant 0 : i32
      %ne3A_209 = arith.cmpi ne, %rem3A_207, %ne3A_208 : i32
      %and3A_210 = arith.andi %ne3A_206, %ne3A_209 : i1
      %sub3A_211 = arith.constant 1 : i32
      %sub3A_212 = arith.subi %div3A_191, %sub3A_211 : i32
      %select_n3A_213 = arith.select %and3A_210, %sub3A_212, %div3A_191 : i32
      %jit3A_214 = arith.constant 0 : i32
      %jit3A_215 = arith.constant 6 : i32
      %max3A_216 = arith.maxsi %jit3A_214, %select_n3A_213 : i32
      %min3A_217 = arith.minsi %jit3A_215, %max3A_216 : i32
      %eq3A_218 = arith.constant 0 : i32
      %eq3A_219 = arith.cmpi eq, %add3A_187, %eq3A_218 : i32
      %eq3A_220 = arith.constant 15 : i32
      %eq3A_221 = arith.cmpi eq, %add3A_187, %eq3A_220 : i32
      %jit3A_222 = arith.constant 7 : i32
      %select_n3A_223 = arith.select %eq3A_221, %jit3A_222, %min3A_217 : i32
      %jit3A_224 = arith.constant 0 : i32
      %select_n3A_225 = arith.select %eq3A_219, %jit3A_224, %select_n3A_223 : i32
      %eq3A_226 = arith.constant 0 : i32
      %eq3A_227 = arith.cmpi eq, %add3A_187, %eq3A_226 : i32
      %eq3A_228 = arith.constant 15 : i32
      %eq3A_229 = arith.cmpi eq, %add3A_187, %eq3A_228 : i32
      %add3A_230 = arith.constant 1 : i32
      %add3A_231 = arith.addi %min3A_217, %add3A_230 : i32
      %min3A_232 = arith.constant 7 : i32
      %min3A_233 = arith.minsi %add3A_231, %min3A_232 : i32
      %jit3A_234 = arith.constant 7 : i32
      %select_n3A_235 = arith.select %eq3A_229, %jit3A_234, %min3A_233 : i32
      %jit3A_236 = arith.constant 0 : i32
      %select_n3A_237 = arith.select %eq3A_227, %jit3A_236, %select_n3A_235 : i32
      %gt3A_238 = arith.constant 0 : i32
      %gt3A_239 = arith.cmpi sgt, %add3A_187, %gt3A_238 : i32
      %lt3A_240 = arith.constant 15 : i32
      %lt3A_241 = arith.cmpi slt, %add3A_187, %lt3A_240 : i32
      %and3A_242 = arith.andi %gt3A_239, %lt3A_241 : i1
      %sub3A_243 = arith.subi %select_n3A_225, %mul3A_71 : i32
      %mul3A_244 = arith.constant 2048 : i32
      %mul3A_245 = arith.muli %sub3A_243, %mul3A_244 : i32
      %sub3A_246 = arith.subi %select_n3A_237, %mul3A_71 : i32
      %mul3A_247 = arith.constant 2048 : i32
      %mul3A_248 = arith.muli %sub3A_246, %mul3A_247 : i32
      %mul3A_249 = arith.constant 256 : i32
      %mul3A_250 = arith.muli %select_n3A_69, %mul3A_249 : i32
      %add3A_251 = arith.constant 32 : i32
      %add3A_252 = arith.addi %mul3A_250, %add3A_251 : i32
      %mul3A_253 = arith.constant 2 : i32
      %mul3A_254 = arith.muli %mul3A_253, %min3A_217 : i32
      %add3A_255 = arith.constant 1 : i32
      %add3A_256 = arith.addi %mul3A_254, %add3A_255 : i32
      %mul3A_257 = arith.constant 32 : i32
      %mul3A_258 = arith.muli %add3A_256, %mul3A_257 : i32
      %sub3A_259 = arith.subi %add3A_252, %mul3A_258 : i32
      %convert_element_type3A_260 = arith.sitofp %sub3A_259 : i32 to f32
      %parallel_loop3A_261 = arith.constant 0 : i32
      %parallel_loop3A_262 = arith.constant 32 : i32
      %parallel_loop3A_263 = arith.constant 1 : i32
      scf.for %parallel_loop3A_844 = %parallel_loop3A_261 to %parallel_loop3A_262 step %parallel_loop3A_263  : i32 {
        %parallel_loop3A_845 = arith.constant 64 : i32
        %parallel_loop3A_846 = arith.muli %parallel_loop3A_844, %parallel_loop3A_845 : i32
        %parallel_loop3A_847 = arith.constant 0 : i32
        %parallel_loop3A_848 = arith.addi %parallel_loop3A_846, %parallel_loop3A_847 : i32
        %parallel_loop3A_849 = arith.addi %mul3A_245, %parallel_loop3A_848 : i32
        %parallel_loop3A_850 = arith.index_cast %parallel_loop3A_849 : i32 to index
        %parallel_loop3A_851 = tpu.vector_load %arg12[%parallel_loop3A_850] {strides = array<i32>} : memref<10240xf32, #tpu.memory_space<vmem>>, vector<16xf32>,
        %parallel_loop3A_852 = arith.addi %mul3A_248, %parallel_loop3A_848 : i32
        %parallel_loop3A_853 = arith.index_cast %parallel_loop3A_852 : i32 to index
        %parallel_loop3A_854 = tpu.vector_load %arg12[%parallel_loop3A_853] {strides = array<i32>} : memref<10240xf32, #tpu.memory_space<vmem>>, vector<16xf32>,
        %parallel_loop3A_855 = tpu.pack_subelements %parallel_loop3A_851, %parallel_loop3A_854 {pack_format = #tpu.pack_format<interleaved>, positions = array<i32: 0, 1>} : vector<16xf32>, vector<16xf32> -> vector<32xbf16>
        %parallel_loop3A_856 = vector.bitcast %parallel_loop3A_855 : vector<32xbf16> to vector<16xi32>
        %parallel_loop3A_857 = arith.index_cast %parallel_loop3A_848 : i32 to index
        %parallel_loop3A_858 = tpu.vector_load %arg13[%parallel_loop3A_857] {strides = array<i32>} : memref<2048xi32, #tpu.memory_space<vmem>>, vector<16xi32>,
        tpu.vector_store %arg13[%parallel_loop3A_857], %parallel_loop3A_856 {strides = array<i32>} : memref<2048xi32, #tpu.memory_space<vmem>>, vector<16xi32>,
        %parallel_loop3A_859 = arith.constant 64 : i32
        %parallel_loop3A_860 = arith.muli %parallel_loop3A_844, %parallel_loop3A_859 : i32
        %parallel_loop3A_861 = arith.constant 16 : i32
        %parallel_loop3A_862 = arith.addi %parallel_loop3A_860, %parallel_loop3A_861 : i32
        %parallel_loop3A_863 = arith.addi %mul3A_245, %parallel_loop3A_862 : i32
        %parallel_loop3A_864 = arith.index_cast %parallel_loop3A_863 : i32 to index
        %parallel_loop3A_865 = tpu.vector_load %arg12[%parallel_loop3A_864] {strides = array<i32>} : memref<10240xf32, #tpu.memory_space<vmem>>, vector<16xf32>,
        %parallel_loop3A_866 = arith.addi %mul3A_248, %parallel_loop3A_862 : i32
        %parallel_loop3A_867 = arith.index_cast %parallel_loop3A_866 : i32 to index
        %parallel_loop3A_868 = tpu.vector_load %arg12[%parallel_loop3A_867] {strides = array<i32>} : memref<10240xf32, #tpu.memory_space<vmem>>, vector<16xf32>,
        %parallel_loop3A_869 = tpu.pack_subelements %parallel_loop3A_865, %parallel_loop3A_868 {pack_format = #tpu.pack_format<interleaved>, positions = array<i32: 0, 1>} : vector<16xf32>, vector<16xf32> -> vector<32xbf16>
        %parallel_loop3A_870 = vector.bitcast %parallel_loop3A_869 : vector<32xbf16> to vector<16xi32>
        %parallel_loop3A_871 = arith.index_cast %parallel_loop3A_862 : i32 to index
        %parallel_loop3A_872 = tpu.vector_load %arg13[%parallel_loop3A_871] {strides = array<i32>} : memref<2048xi32, #tpu.memory_space<vmem>>, vector<16xi32>,
        tpu.vector_store %arg13[%parallel_loop3A_871], %parallel_loop3A_870 {strides = array<i32>} : memref<2048xi32, #tpu.memory_space<vmem>>, vector<16xi32>,
        %parallel_loop3A_873 = arith.constant 64 : i32
        %parallel_loop3A_874 = arith.muli %parallel_loop3A_844, %parallel_loop3A_873 : i32
        %parallel_loop3A_875 = arith.constant 32 : i32
        %parallel_loop3A_876 = arith.addi %parallel_loop3A_874, %parallel_loop3A_875 : i32
        %parallel_loop3A_877 = arith.addi %mul3A_245, %parallel_loop3A_876 : i32
        %parallel_loop3A_878 = arith.index_cast %parallel_loop3A_877 : i32 to index
        %parallel_loop3A_879 = tpu.vector_load %arg12[%parallel_loop3A_878] {strides = array<i32>} : memref<10240xf32, #tpu.memory_space<vmem>>, vector<16xf32>,
        %parallel_loop3A_880 = arith.addi %mul3A_248, %parallel_loop3A_876 : i32
        %parallel_loop3A_881 = arith.index_cast %parallel_loop3A_880 : i32 to index
        %parallel_loop3A_882 = tpu.vector_load %arg12[%parallel_loop3A_881] {strides = array<i32>} : memref<10240xf32, #tpu.memory_space<vmem>>, vector<16xf32>,
        %parallel_loop3A_883 = tpu.pack_subelements %parallel_loop3A_879, %parallel_loop3A_882 {pack_format = #tpu.pack_format<interleaved>, positions = array<i32: 0, 1>} : vector<16xf32>, vector<16xf32> -> vector<32xbf16>
        %parallel_loop3A_884 = vector.bitcast %parallel_loop3A_883 : vector<32xbf16> to vector<16xi32>
        %parallel_loop3A_885 = arith.index_cast %parallel_loop3A_876 : i32 to index
        %parallel_loop3A_886 = tpu.vector_load %arg13[%parallel_loop3A_885] {strides = array<i32>} : memref<2048xi32, #tpu.memory_space<vmem>>, vector<16xi32>,
        tpu.vector_store %arg13[%parallel_loop3A_885], %parallel_loop3A_884 {strides = array<i32>} : memref<2048xi32, #tpu.memory_space<vmem>>, vector<16xi32>,
        %parallel_loop3A_887 = arith.constant 64 : i32
        %parallel_loop3A_888 = arith.muli %parallel_loop3A_844, %parallel_loop3A_887 : i32
        %parallel_loop3A_889 = arith.constant 48 : i32
        %parallel_loop3A_890 = arith.addi %parallel_loop3A_888, %parallel_loop3A_889 : i32
        %parallel_loop3A_891 = arith.addi %mul3A_245, %parallel_loop3A_890 : i32
        %parallel_loop3A_892 = arith.index_cast %parallel_loop3A_891 : i32 to index
        %parallel_loop3A_893 = tpu.vector_load %arg12[%parallel_loop3A_892] {strides = array<i32>} : memref<10240xf32, #tpu.memory_space<vmem>>, vector<16xf32>,
        %parallel_loop3A_894 = arith.addi %mul3A_248, %parallel_loop3A_890 : i32
        %parallel_loop3A_895 = arith.index_cast %parallel_loop3A_894 : i32 to index
        %parallel_loop3A_896 = tpu.vector_load %arg12[%parallel_loop3A_895] {strides = array<i32>} : memref<10240xf32, #tpu.memory_space<vmem>>, vector<16xf32>,
        %parallel_loop3A_897 = tpu.pack_subelements %parallel_loop3A_893, %parallel_loop3A_896 {pack_format = #tpu.pack_format<interleaved>, positions = array<i32: 0, 1>} : vector<16xf32>, vector<16xf32> -> vector<32xbf16>
        %parallel_loop3A_898 = vector.bitcast %parallel_loop3A_897 : vector<32xbf16> to vector<16xi32>
        %parallel_loop3A_899 = arith.index_cast %parallel_loop3A_890 : i32 to index
        %parallel_loop3A_900 = tpu.vector_load %arg13[%parallel_loop3A_899] {strides = array<i32>} : memref<2048xi32, #tpu.memory_space<vmem>>, vector<16xi32>,
        tpu.vector_store %arg13[%parallel_loop3A_899], %parallel_loop3A_898 {strides = array<i32>} : memref<2048xi32, #tpu.memory_space<vmem>>, vector<16xi32>,
      } {sc.loop_unroll_factor = 2 : i64, sc.parallel_access}
      %dma_wait3A_264 = tpu.memref_slice %arg2[%add3A_90] : memref<12582912xf32, #tpu.memory_space<hbm>> -> memref<16384xf32, #tpu.memory_space<hbm>>
      %dma_wait3A_265 = tpu.memref_slice %arg2[%add3A_90] : memref<12582912xf32, #tpu.memory_space<hbm>> -> memref<16384xf32, #tpu.memory_space<hbm>>
      tpu.wait_dma2 semaphore(%arg18 : memref<!tpu.dma_semaphore, #tpu.memory_space<semaphore_mem>>) src(%dma_wait3A_265 : memref<16384xf32, #tpu.memory_space<hbm>>) dst(%arg7 : memref<16384xf32, #tpu.memory_space<vmem>>)
      %parallel_loop3A_266 = arith.constant 0 : i32
      %parallel_loop3A_267 = arith.constant 32 : i32
      %parallel_loop3A_268 = arith.constant 1 : i32
      scf.for %parallel_loop3A_844 = %parallel_loop3A_266 to %parallel_loop3A_267 step %parallel_loop3A_268  : i32 {
        %parallel_loop3A_845 = arith.sitofp %parallel_loop3A_844 : i32 to f32
        %parallel_loop3A_846 = arith.addf %convert_element_type3A_260, %parallel_loop3A_845 : f32
        %parallel_loop3A_847 = arith.constant 6.300000e+01 : f32
        %parallel_loop3A_848 = arith.subf %parallel_loop3A_847, %parallel_loop3A_846 : f32
        %parallel_loop3A_849 = arith.constant 0.0158730168 : f32
        %parallel_loop3A_850 = arith.mulf %parallel_loop3A_848, %parallel_loop3A_849 : f32
        %parallel_loop3A_851 = arith.constant 1.000000e+00 : f32
        %parallel_loop3A_852 = arith.select %and3A_242, %parallel_loop3A_850, %parallel_loop3A_851 : f32
        %parallel_loop3A_853 = arith.constant 1.000000e+00 : f32
        %parallel_loop3A_854 = arith.subf %parallel_loop3A_853, %parallel_loop3A_852 : f32
        %parallel_loop3A_855 = arith.constant 512 : i32
        %parallel_loop3A_856 = arith.muli %parallel_loop3A_844, %parallel_loop3A_855 : i32
        %parallel_loop3A_857 = arith.constant 0 : i32
        %parallel_loop3A_858 = arith.constant 32 : i32
        %parallel_loop3A_859 = arith.constant 1 : i32
        scf.for %parallel_loop3A_860 = %parallel_loop3A_857 to %parallel_loop3A_858 step %parallel_loop3A_859  : i32 {
          %parallel_loop3A_861 = arith.constant 16 : i32
          %parallel_loop3A_862 = arith.muli %parallel_loop3A_860, %parallel_loop3A_861 : i32
          %parallel_loop3A_863 = arith.addi %parallel_loop3A_856, %parallel_loop3A_862 : i32
          %parallel_loop3A_864 = arith.index_cast %parallel_loop3A_863 : i32 to index
          %parallel_loop3A_865 = tpu.vector_load %arg7[%parallel_loop3A_864] {strides = array<i32>} : memref<16384xf32, #tpu.memory_space<vmem>>, vector<16xf32>,
          %parallel_loop3A_866 = arith.constant 2.550000e+02 : f32
          %parallel_loop3A_867 = vector.broadcast %parallel_loop3A_866 : f32 to vector<16xf32>
          %parallel_loop3A_868 = arith.mulf %parallel_loop3A_865, %parallel_loop3A_867 : vector<16xf32>
          %parallel_loop3A_869 = arith.fptosi %parallel_loop3A_868 : vector<16xf32> to vector<16xi32>
          %parallel_loop3A_870 = arith.constant 16 : i32
          %parallel_loop3A_871 = arith.muli %parallel_loop3A_860, %parallel_loop3A_870 : i32
          %parallel_loop3A_872 = arith.index_cast %parallel_loop3A_871 : i32 to index
          %parallel_loop3A_873 = tpu.vector_load %arg14[%parallel_loop3A_872] {strides = array<i32>} : memref<512xi32, #tpu.memory_space<vmem>>, vector<16xi32>,
          %parallel_loop3A_874 = arith.constant 65535 : i32
          %parallel_loop3A_875 = vector.broadcast %parallel_loop3A_874 : i32 to vector<16xi32>
          %parallel_loop3A_876 = arith.andi %parallel_loop3A_873, %parallel_loop3A_875 : vector<16xi32>
          %parallel_loop3A_877 = arith.constant 16 : i32
          %parallel_loop3A_878 = vector.broadcast %parallel_loop3A_877 : i32 to vector<16xi32>
          %parallel_loop3A_879 = arith.shrui %parallel_loop3A_873, %parallel_loop3A_878 : vector<16xi32>
          %parallel_loop3A_880 = arith.addi %parallel_loop3A_869, %parallel_loop3A_876 : vector<16xi32>
          %parallel_loop3A_881 = tpu.vector_load_idx %arg13[%parallel_loop3A_880] : memref<2048xi32, #tpu.memory_space<vmem>>[vector<16xi32>], vector<16xi32>,
          %parallel_loop3A_882 = arith.addi %parallel_loop3A_869, %parallel_loop3A_879 : vector<16xi32>
          %parallel_loop3A_883 = tpu.vector_load_idx %arg13[%parallel_loop3A_882] : memref<2048xi32, #tpu.memory_space<vmem>>[vector<16xi32>], vector<16xi32>,
          %parallel_loop3A_884 = vector.bitcast %parallel_loop3A_881 : vector<16xi32> to vector<32xbf16>
          %parallel_loop3A_885 = tpu.unpack_subelements %parallel_loop3A_884, 0 {pack_format = #tpu.pack_format<interleaved>} : vector<32xbf16> -> vector<16xf32>
          %parallel_loop3A_886 = tpu.unpack_subelements %parallel_loop3A_884, 1 {pack_format = #tpu.pack_format<interleaved>} : vector<32xbf16> -> vector<16xf32>
          %parallel_loop3A_887 = vector.bitcast %parallel_loop3A_883 : vector<16xi32> to vector<32xbf16>
          %parallel_loop3A_888 = tpu.unpack_subelements %parallel_loop3A_887, 0 {pack_format = #tpu.pack_format<interleaved>} : vector<32xbf16> -> vector<16xf32>
          %parallel_loop3A_889 = tpu.unpack_subelements %parallel_loop3A_887, 1 {pack_format = #tpu.pack_format<interleaved>} : vector<32xbf16> -> vector<16xf32>
          %parallel_loop3A_890 = arith.constant 16 : i32
          %parallel_loop3A_891 = arith.muli %parallel_loop3A_860, %parallel_loop3A_890 : i32
          %parallel_loop3A_892 = arith.index_cast %parallel_loop3A_891 : i32 to index
          %parallel_loop3A_893 = tpu.vector_load %arg15[%parallel_loop3A_892] {strides = array<i32>} : memref<512xf32, #tpu.memory_space<vmem>>, vector<16xf32>,
          %parallel_loop3A_894 = arith.constant 1.000000e+00 : f32
          %parallel_loop3A_895 = vector.broadcast %parallel_loop3A_894 : f32 to vector<16xf32>
          %parallel_loop3A_896 = arith.subf %parallel_loop3A_895, %parallel_loop3A_893 : vector<16xf32>
          %parallel_loop3A_897 = vector.broadcast %parallel_loop3A_852 : f32 to vector<16xf32>
          %parallel_loop3A_898 = arith.mulf %parallel_loop3A_897, %parallel_loop3A_885 : vector<16xf32>
          %parallel_loop3A_899 = vector.broadcast %parallel_loop3A_854 : f32 to vector<16xf32>
          %parallel_loop3A_900 = arith.mulf %parallel_loop3A_899, %parallel_loop3A_886 : vector<16xf32>
          %parallel_loop3A_901 = arith.addf %parallel_loop3A_898, %parallel_loop3A_900 : vector<16xf32>
          %parallel_loop3A_902 = vector.broadcast %parallel_loop3A_852 : f32 to vector<16xf32>
          %parallel_loop3A_903 = arith.mulf %parallel_loop3A_902, %parallel_loop3A_888 : vector<16xf32>
          %parallel_loop3A_904 = vector.broadcast %parallel_loop3A_854 : f32 to vector<16xf32>
          %parallel_loop3A_905 = arith.mulf %parallel_loop3A_904, %parallel_loop3A_889 : vector<16xf32>
          %parallel_loop3A_906 = arith.addf %parallel_loop3A_903, %parallel_loop3A_905 : vector<16xf32>
          %parallel_loop3A_907 = arith.mulf %parallel_loop3A_893, %parallel_loop3A_901 : vector<16xf32>
          %parallel_loop3A_908 = arith.mulf %parallel_loop3A_896, %parallel_loop3A_906 : vector<16xf32>
          %parallel_loop3A_909 = arith.addf %parallel_loop3A_907, %parallel_loop3A_908 : vector<16xf32>
          %parallel_loop3A_910 = arith.constant 0.00392156886 : f32
          %parallel_loop3A_911 = vector.broadcast %parallel_loop3A_910 : f32 to vector<16xf32>
          %parallel_loop3A_912 = arith.mulf %parallel_loop3A_909, %parallel_loop3A_911 : vector<16xf32>
          %parallel_loop3A_913 = arith.constant 16 : i32
          %parallel_loop3A_914 = arith.muli %parallel_loop3A_860, %parallel_loop3A_913 : i32
          %parallel_loop3A_915 = arith.addi %parallel_loop3A_856, %parallel_loop3A_914 : i32
          %parallel_loop3A_916 = arith.index_cast %parallel_loop3A_915 : i32 to index
          %parallel_loop3A_917 = tpu.vector_load %arg9[%parallel_loop3A_916] {strides = array<i32>} : memref<16384xf32, #tpu.memory_space<vmem>>, vector<16xf32>,
          tpu.vector_store %arg9[%parallel_loop3A_916], %parallel_loop3A_912 {strides = array<i32>} : memref<16384xf32, #tpu.memory_space<vmem>>, vector<16xf32>,
        } {sc.loop_unroll_factor = 4 : i64, sc.parallel_access}
      } {sc.loop_unroll_factor = 1 : i64, sc.parallel_access}
      %add3A_269 = arith.constant 16384 : i32
      %add3A_270 = arith.addi %add3A_79, %add3A_269 : i32
      %dma_start3A_271 = tpu.memref_slice %arg5[%add3A_270] : memref<12582912xf32, #tpu.memory_space<hbm>> -> memref<16384xf32, #tpu.memory_space<hbm>>
      %dma_start3A_272 = tpu.memref_slice %arg5[%add3A_270] : memref<12582912xf32, #tpu.memory_space<hbm>> -> memref<16384xf32, #tpu.memory_space<hbm>>
      tpu.enqueue_dma source(%arg9 : memref<16384xf32, #tpu.memory_space<vmem>>) target(%dma_start3A_272 : memref<16384xf32, #tpu.memory_space<hbm>>) target_semaphore(%arg21 : memref<!tpu.dma_semaphore, #tpu.memory_space<semaphore_mem>>)
      %add3A_273 = arith.constant 49152 : i32
      %add3A_274 = arith.addi %add3A_79, %add3A_273 : i32
      %dma_start3A_275 = tpu.memref_slice %arg2[%add3A_274] : memref<12582912xf32, #tpu.memory_space<hbm>> -> memref<16384xf32, #tpu.memory_space<hbm>>
      %dma_start3A_276 = tpu.memref_slice %arg2[%add3A_274] : memref<12582912xf32, #tpu.memory_space<hbm>> -> memref<16384xf32, #tpu.memory_space<hbm>>
      tpu.enqueue_dma source(%dma_start3A_276 : memref<16384xf32, #tpu.memory_space<hbm>>) target(%arg7 : memref<16384xf32, #tpu.memory_space<vmem>>) target_semaphore(%arg18 : memref<!tpu.dma_semaphore, #tpu.memory_space<semaphore_mem>>)
      %mul3A_277 = arith.constant 8 : i32
      %mul3A_278 = arith.muli %select_n3A_69, %mul3A_277 : i32
      %add3A_279 = arith.constant 2 : i32
      %add3A_280 = arith.addi %mul3A_278, %add3A_279 : i32
      %sub3A_281 = arith.constant 1 : i32
      %sub3A_282 = arith.subi %add3A_280, %sub3A_281 : i32
      %jit3A_283 = arith.constant 2 : i32
      %div3A_284 = arith.divsi %sub3A_282, %jit3A_283 : i32
      %sign3A_285 = arith.constant 0 : i32
      %sign3A_286 = arith.cmpi sgt, %sub3A_282, %sign3A_285 : i32
      %sign3A_287 = arith.extui %sign3A_286 : i1 to i32
      %sign3A_288 = arith.constant 0 : i32
      %sign3A_289 = arith.cmpi slt, %sub3A_282, %sign3A_288 : i32
      %sign3A_290 = arith.extui %sign3A_289 : i1 to i32
      %sign3A_291 = arith.subi %sign3A_287, %sign3A_290 : i32
      %sign3A_292 = arith.constant 0 : i32
      %sign3A_293 = arith.cmpi sgt, %jit3A_283, %sign3A_292 : i32
      %sign3A_294 = arith.extui %sign3A_293 : i1 to i32
      %sign3A_295 = arith.constant 0 : i32
      %sign3A_296 = arith.cmpi slt, %jit3A_283, %sign3A_295 : i32
      %sign3A_297 = arith.extui %sign3A_296 : i1 to i32
      %sign3A_298 = arith.subi %sign3A_294, %sign3A_297 : i32
      %ne3A_299 = arith.cmpi ne, %sign3A_291, %sign3A_298 : i32
      %rem3A_300 = arith.remsi %sub3A_282, %jit3A_283 : i32
      %ne3A_301 = arith.constant 0 : i32
      %ne3A_302 = arith.cmpi ne, %rem3A_300, %ne3A_301 : i32
      %and3A_303 = arith.andi %ne3A_299, %ne3A_302 : i1
      %sub3A_304 = arith.constant 1 : i32
      %sub3A_305 = arith.subi %div3A_284, %sub3A_304 : i32
      %select_n3A_306 = arith.select %and3A_303, %sub3A_305, %div3A_284 : i32
      %jit3A_307 = arith.constant 0 : i32
      %jit3A_308 = arith.constant 6 : i32
      %max3A_309 = arith.maxsi %jit3A_307, %select_n3A_306 : i32
      %min3A_310 = arith.minsi %jit3A_308, %max3A_309 : i32
      %eq3A_311 = arith.constant 0 : i32
      %eq3A_312 = arith.cmpi eq, %add3A_280, %eq3A_311 : i32
      %eq3A_313 = arith.constant 15 : i32
      %eq3A_314 = arith.cmpi eq, %add3A_280, %eq3A_313 : i32
      %jit3A_315 = arith.constant 7 : i32
      %select_n3A_316 = arith.select %eq3A_314, %jit3A_315, %min3A_310 : i32
      %jit3A_317 = arith.constant 0 : i32
      %select_n3A_318 = arith.select %eq3A_312, %jit3A_317, %select_n3A_316 : i32
      %eq3A_319 = arith.constant 0 : i32
      %eq3A_320 = arith.cmpi eq, %add3A_280, %eq3A_319 : i32
      %eq3A_321 = arith.constant 15 : i32
      %eq3A_322 = arith.cmpi eq, %add3A_280, %eq3A_321 : i32
      %add3A_323 = arith.constant 1 : i32
      %add3A_324 = arith.addi %min3A_310, %add3A_323 : i32
      %min3A_325 = arith.constant 7 : i32
      %min3A_326 = arith.minsi %add3A_324, %min3A_325 : i32
      %jit3A_327 = arith.constant 7 : i32
      %select_n3A_328 = arith.select %eq3A_322, %jit3A_327, %min3A_326 : i32
      %jit3A_329 = arith.constant 0 : i32
      %select_n3A_330 = arith.select %eq3A_320, %jit3A_329, %select_n3A_328 : i32
      %gt3A_331 = arith.constant 0 : i32
      %gt3A_332 = arith.cmpi sgt, %add3A_280, %gt3A_331 : i32
      %lt3A_333 = arith.constant 15 : i32
      %lt3A_334 = arith.cmpi slt, %add3A_280, %lt3A_333 : i32
      %and3A_335 = arith.andi %gt3A_332, %lt3A_334 : i1
      %sub3A_336 = arith.subi %select_n3A_318, %mul3A_71 : i32
      %mul3A_337 = arith.constant 2048 : i32
      %mul3A_338 = arith.muli %sub3A_336, %mul3A_337 : i32
      %sub3A_339 = arith.subi %select_n3A_330, %mul3A_71 : i32
      %mul3A_340 = arith.constant 2048 : i32
      %mul3A_341 = arith.muli %sub3A_339, %mul3A_340 : i32
      %mul3A_342 = arith.constant 256 : i32
      %mul3A_343 = arith.muli %select_n3A_69, %mul3A_342 : i32
      %add3A_344 = arith.constant 64 : i32
      %add3A_345 = arith.addi %mul3A_343, %add3A_344 : i32
      %mul3A_346 = arith.constant 2 : i32
      %mul3A_347 = arith.muli %mul3A_346, %min3A_310 : i32
      %add3A_348 = arith.constant 1 : i32
      %add3A_349 = arith.addi %mul3A_347, %add3A_348 : i32
      %mul3A_350 = arith.constant 32 : i32
      %mul3A_351 = arith.muli %add3A_349, %mul3A_350 : i32
      %sub3A_352 = arith.subi %add3A_345, %mul3A_351 : i32
      %convert_element_type3A_353 = arith.sitofp %sub3A_352 : i32 to f32
      %parallel_loop3A_354 = arith.constant 0 : i32
      %parallel_loop3A_355 = arith.constant 32 : i32
      %parallel_loop3A_356 = arith.constant 1 : i32
      scf.for %parallel_loop3A_844 = %parallel_loop3A_354 to %parallel_loop3A_355 step %parallel_loop3A_356  : i32 {
        %parallel_loop3A_845 = arith.constant 64 : i32
        %parallel_loop3A_846 = arith.muli %parallel_loop3A_844, %parallel_loop3A_845 : i32
        %parallel_loop3A_847 = arith.constant 0 : i32
        %parallel_loop3A_848 = arith.addi %parallel_loop3A_846, %parallel_loop3A_847 : i32
        %parallel_loop3A_849 = arith.addi %mul3A_338, %parallel_loop3A_848 : i32
        %parallel_loop3A_850 = arith.index_cast %parallel_loop3A_849 : i32 to index
        %parallel_loop3A_851 = tpu.vector_load %arg12[%parallel_loop3A_850] {strides = array<i32>} : memref<10240xf32, #tpu.memory_space<vmem>>, vector<16xf32>,
        %parallel_loop3A_852 = arith.addi %mul3A_341, %parallel_loop3A_848 : i32
        %parallel_loop3A_853 = arith.index_cast %parallel_loop3A_852 : i32 to index
        %parallel_loop3A_854 = tpu.vector_load %arg12[%parallel_loop3A_853] {strides = array<i32>} : memref<10240xf32, #tpu.memory_space<vmem>>, vector<16xf32>,
        %parallel_loop3A_855 = tpu.pack_subelements %parallel_loop3A_851, %parallel_loop3A_854 {pack_format = #tpu.pack_format<interleaved>, positions = array<i32: 0, 1>} : vector<16xf32>, vector<16xf32> -> vector<32xbf16>
        %parallel_loop3A_856 = vector.bitcast %parallel_loop3A_855 : vector<32xbf16> to vector<16xi32>
        %parallel_loop3A_857 = arith.index_cast %parallel_loop3A_848 : i32 to index
        %parallel_loop3A_858 = tpu.vector_load %arg13[%parallel_loop3A_857] {strides = array<i32>} : memref<2048xi32, #tpu.memory_space<vmem>>, vector<16xi32>,
        tpu.vector_store %arg13[%parallel_loop3A_857], %parallel_loop3A_856 {strides = array<i32>} : memref<2048xi32, #tpu.memory_space<vmem>>, vector<16xi32>,
        %parallel_loop3A_859 = arith.constant 64 : i32
        %parallel_loop3A_860 = arith.muli %parallel_loop3A_844, %parallel_loop3A_859 : i32
        %parallel_loop3A_861 = arith.constant 16 : i32
        %parallel_loop3A_862 = arith.addi %parallel_loop3A_860, %parallel_loop3A_861 : i32
        %parallel_loop3A_863 = arith.addi %mul3A_338, %parallel_loop3A_862 : i32
        %parallel_loop3A_864 = arith.index_cast %parallel_loop3A_863 : i32 to index
        %parallel_loop3A_865 = tpu.vector_load %arg12[%parallel_loop3A_864] {strides = array<i32>} : memref<10240xf32, #tpu.memory_space<vmem>>, vector<16xf32>,
        %parallel_loop3A_866 = arith.addi %mul3A_341, %parallel_loop3A_862 : i32
        %parallel_loop3A_867 = arith.index_cast %parallel_loop3A_866 : i32 to index
        %parallel_loop3A_868 = tpu.vector_load %arg12[%parallel_loop3A_867] {strides = array<i32>} : memref<10240xf32, #tpu.memory_space<vmem>>, vector<16xf32>,
        %parallel_loop3A_869 = tpu.pack_subelements %parallel_loop3A_865, %parallel_loop3A_868 {pack_format = #tpu.pack_format<interleaved>, positions = array<i32: 0, 1>} : vector<16xf32>, vector<16xf32> -> vector<32xbf16>
        %parallel_loop3A_870 = vector.bitcast %parallel_loop3A_869 : vector<32xbf16> to vector<16xi32>
        %parallel_loop3A_871 = arith.index_cast %parallel_loop3A_862 : i32 to index
        %parallel_loop3A_872 = tpu.vector_load %arg13[%parallel_loop3A_871] {strides = array<i32>} : memref<2048xi32, #tpu.memory_space<vmem>>, vector<16xi32>,
        tpu.vector_store %arg13[%parallel_loop3A_871], %parallel_loop3A_870 {strides = array<i32>} : memref<2048xi32, #tpu.memory_space<vmem>>, vector<16xi32>,
        %parallel_loop3A_873 = arith.constant 64 : i32
        %parallel_loop3A_874 = arith.muli %parallel_loop3A_844, %parallel_loop3A_873 : i32
        %parallel_loop3A_875 = arith.constant 32 : i32
        %parallel_loop3A_876 = arith.addi %parallel_loop3A_874, %parallel_loop3A_875 : i32
        %parallel_loop3A_877 = arith.addi %mul3A_338, %parallel_loop3A_876 : i32
        %parallel_loop3A_878 = arith.index_cast %parallel_loop3A_877 : i32 to index
        %parallel_loop3A_879 = tpu.vector_load %arg12[%parallel_loop3A_878] {strides = array<i32>} : memref<10240xf32, #tpu.memory_space<vmem>>, vector<16xf32>,
        %parallel_loop3A_880 = arith.addi %mul3A_341, %parallel_loop3A_876 : i32
        %parallel_loop3A_881 = arith.index_cast %parallel_loop3A_880 : i32 to index
        %parallel_loop3A_882 = tpu.vector_load %arg12[%parallel_loop3A_881] {strides = array<i32>} : memref<10240xf32, #tpu.memory_space<vmem>>, vector<16xf32>,
        %parallel_loop3A_883 = tpu.pack_subelements %parallel_loop3A_879, %parallel_loop3A_882 {pack_format = #tpu.pack_format<interleaved>, positions = array<i32: 0, 1>} : vector<16xf32>, vector<16xf32> -> vector<32xbf16>
        %parallel_loop3A_884 = vector.bitcast %parallel_loop3A_883 : vector<32xbf16> to vector<16xi32>
        %parallel_loop3A_885 = arith.index_cast %parallel_loop3A_876 : i32 to index
        %parallel_loop3A_886 = tpu.vector_load %arg13[%parallel_loop3A_885] {strides = array<i32>} : memref<2048xi32, #tpu.memory_space<vmem>>, vector<16xi32>,
        tpu.vector_store %arg13[%parallel_loop3A_885], %parallel_loop3A_884 {strides = array<i32>} : memref<2048xi32, #tpu.memory_space<vmem>>, vector<16xi32>,
        %parallel_loop3A_887 = arith.constant 64 : i32
        %parallel_loop3A_888 = arith.muli %parallel_loop3A_844, %parallel_loop3A_887 : i32
        %parallel_loop3A_889 = arith.constant 48 : i32
        %parallel_loop3A_890 = arith.addi %parallel_loop3A_888, %parallel_loop3A_889 : i32
        %parallel_loop3A_891 = arith.addi %mul3A_338, %parallel_loop3A_890 : i32
        %parallel_loop3A_892 = arith.index_cast %parallel_loop3A_891 : i32 to index
        %parallel_loop3A_893 = tpu.vector_load %arg12[%parallel_loop3A_892] {strides = array<i32>} : memref<10240xf32, #tpu.memory_space<vmem>>, vector<16xf32>,
        %parallel_loop3A_894 = arith.addi %mul3A_341, %parallel_loop3A_890 : i32
        %parallel_loop3A_895 = arith.index_cast %parallel_loop3A_894 : i32 to index
        %parallel_loop3A_896 = tpu.vector_load %arg12[%parallel_loop3A_895] {strides = array<i32>} : memref<10240xf32, #tpu.memory_space<vmem>>, vector<16xf32>,
        %parallel_loop3A_897 = tpu.pack_subelements %parallel_loop3A_893, %parallel_loop3A_896 {pack_format = #tpu.pack_format<interleaved>, positions = array<i32: 0, 1>} : vector<16xf32>, vector<16xf32> -> vector<32xbf16>
        %parallel_loop3A_898 = vector.bitcast %parallel_loop3A_897 : vector<32xbf16> to vector<16xi32>
        %parallel_loop3A_899 = arith.index_cast %parallel_loop3A_890 : i32 to index
        %parallel_loop3A_900 = tpu.vector_load %arg13[%parallel_loop3A_899] {strides = array<i32>} : memref<2048xi32, #tpu.memory_space<vmem>>, vector<16xi32>,
        tpu.vector_store %arg13[%parallel_loop3A_899], %parallel_loop3A_898 {strides = array<i32>} : memref<2048xi32, #tpu.memory_space<vmem>>, vector<16xi32>,
      } {sc.loop_unroll_factor = 2 : i64, sc.parallel_access}
      %dma_wait3A_357 = tpu.memref_slice %arg5[%add3A_177] : memref<12582912xf32, #tpu.memory_space<hbm>> -> memref<16384xf32, #tpu.memory_space<hbm>>
      %dma_wait3A_358 = tpu.memref_slice %arg5[%add3A_177] : memref<12582912xf32, #tpu.memory_space<hbm>> -> memref<16384xf32, #tpu.memory_space<hbm>>
      tpu.wait_dma2 semaphore(%arg20 : memref<!tpu.dma_semaphore, #tpu.memory_space<semaphore_mem>>) src(%arg8 : memref<16384xf32, #tpu.memory_space<vmem>>) dst(%dma_wait3A_358 : memref<16384xf32, #tpu.memory_space<hbm>>)
      %dma_wait3A_359 = tpu.memref_slice %arg2[%add3A_181] : memref<12582912xf32, #tpu.memory_space<hbm>> -> memref<16384xf32, #tpu.memory_space<hbm>>
      %dma_wait3A_360 = tpu.memref_slice %arg2[%add3A_181] : memref<12582912xf32, #tpu.memory_space<hbm>> -> memref<16384xf32, #tpu.memory_space<hbm>>
      tpu.wait_dma2 semaphore(%arg17 : memref<!tpu.dma_semaphore, #tpu.memory_space<semaphore_mem>>) src(%dma_wait3A_360 : memref<16384xf32, #tpu.memory_space<hbm>>) dst(%arg6 : memref<16384xf32, #tpu.memory_space<vmem>>)
      %parallel_loop3A_361 = arith.constant 0 : i32
      %parallel_loop3A_362 = arith.constant 32 : i32
      %parallel_loop3A_363 = arith.constant 1 : i32
      scf.for %parallel_loop3A_844 = %parallel_loop3A_361 to %parallel_loop3A_362 step %parallel_loop3A_363  : i32 {
        %parallel_loop3A_845 = arith.sitofp %parallel_loop3A_844 : i32 to f32
        %parallel_loop3A_846 = arith.addf %convert_element_type3A_353, %parallel_loop3A_845 : f32
        %parallel_loop3A_847 = arith.constant 6.300000e+01 : f32
        %parallel_loop3A_848 = arith.subf %parallel_loop3A_847, %parallel_loop3A_846 : f32
        %parallel_loop3A_849 = arith.constant 0.0158730168 : f32
        %parallel_loop3A_850 = arith.mulf %parallel_loop3A_848, %parallel_loop3A_849 : f32
        %parallel_loop3A_851 = arith.constant 1.000000e+00 : f32
        %parallel_loop3A_852 = arith.select %and3A_335, %parallel_loop3A_850, %parallel_loop3A_851 : f32
        %parallel_loop3A_853 = arith.constant 1.000000e+00 : f32
        %parallel_loop3A_854 = arith.subf %parallel_loop3A_853, %parallel_loop3A_852 : f32
        %parallel_loop3A_855 = arith.constant 512 : i32
        %parallel_loop3A_856 = arith.muli %parallel_loop3A_844, %parallel_loop3A_855 : i32
        %parallel_loop3A_857 = arith.constant 0 : i32
        %parallel_loop3A_858 = arith.constant 32 : i32
        %parallel_loop3A_859 = arith.constant 1 : i32
        scf.for %parallel_loop3A_860 = %parallel_loop3A_857 to %parallel_loop3A_858 step %parallel_loop3A_859  : i32 {
          %parallel_loop3A_861 = arith.constant 16 : i32
          %parallel_loop3A_862 = arith.muli %parallel_loop3A_860, %parallel_loop3A_861 : i32
          %parallel_loop3A_863 = arith.addi %parallel_loop3A_856, %parallel_loop3A_862 : i32
          %parallel_loop3A_864 = arith.index_cast %parallel_loop3A_863 : i32 to index
          %parallel_loop3A_865 = tpu.vector_load %arg6[%parallel_loop3A_864] {strides = array<i32>} : memref<16384xf32, #tpu.memory_space<vmem>>, vector<16xf32>,
          %parallel_loop3A_866 = arith.constant 2.550000e+02 : f32
          %parallel_loop3A_867 = vector.broadcast %parallel_loop3A_866 : f32 to vector<16xf32>
          %parallel_loop3A_868 = arith.mulf %parallel_loop3A_865, %parallel_loop3A_867 : vector<16xf32>
          %parallel_loop3A_869 = arith.fptosi %parallel_loop3A_868 : vector<16xf32> to vector<16xi32>
          %parallel_loop3A_870 = arith.constant 16 : i32
          %parallel_loop3A_871 = arith.muli %parallel_loop3A_860, %parallel_loop3A_870 : i32
          %parallel_loop3A_872 = arith.index_cast %parallel_loop3A_871 : i32 to index
          %parallel_loop3A_873 = tpu.vector_load %arg14[%parallel_loop3A_872] {strides = array<i32>} : memref<512xi32, #tpu.memory_space<vmem>>, vector<16xi32>,
          %parallel_loop3A_874 = arith.constant 65535 : i32
          %parallel_loop3A_875 = vector.broadcast %parallel_loop3A_874 : i32 to vector<16xi32>
          %parallel_loop3A_876 = arith.andi %parallel_loop3A_873, %parallel_loop3A_875 : vector<16xi32>
          %parallel_loop3A_877 = arith.constant 16 : i32
          %parallel_loop3A_878 = vector.broadcast %parallel_loop3A_877 : i32 to vector<16xi32>
          %parallel_loop3A_879 = arith.shrui %parallel_loop3A_873, %parallel_loop3A_878 : vector<16xi32>
          %parallel_loop3A_880 = arith.addi %parallel_loop3A_869, %parallel_loop3A_876 : vector<16xi32>
          %parallel_loop3A_881 = tpu.vector_load_idx %arg13[%parallel_loop3A_880] : memref<2048xi32, #tpu.memory_space<vmem>>[vector<16xi32>], vector<16xi32>,
          %parallel_loop3A_882 = arith.addi %parallel_loop3A_869, %parallel_loop3A_879 : vector<16xi32>
          %parallel_loop3A_883 = tpu.vector_load_idx %arg13[%parallel_loop3A_882] : memref<2048xi32, #tpu.memory_space<vmem>>[vector<16xi32>], vector<16xi32>,
          %parallel_loop3A_884 = vector.bitcast %parallel_loop3A_881 : vector<16xi32> to vector<32xbf16>
          %parallel_loop3A_885 = tpu.unpack_subelements %parallel_loop3A_884, 0 {pack_format = #tpu.pack_format<interleaved>} : vector<32xbf16> -> vector<16xf32>
          %parallel_loop3A_886 = tpu.unpack_subelements %parallel_loop3A_884, 1 {pack_format = #tpu.pack_format<interleaved>} : vector<32xbf16> -> vector<16xf32>
          %parallel_loop3A_887 = vector.bitcast %parallel_loop3A_883 : vector<16xi32> to vector<32xbf16>
          %parallel_loop3A_888 = tpu.unpack_subelements %parallel_loop3A_887, 0 {pack_format = #tpu.pack_format<interleaved>} : vector<32xbf16> -> vector<16xf32>
          %parallel_loop3A_889 = tpu.unpack_subelements %parallel_loop3A_887, 1 {pack_format = #tpu.pack_format<interleaved>} : vector<32xbf16> -> vector<16xf32>
          %parallel_loop3A_890 = arith.constant 16 : i32
          %parallel_loop3A_891 = arith.muli %parallel_loop3A_860, %parallel_loop3A_890 : i32
          %parallel_loop3A_892 = arith.index_cast %parallel_loop3A_891 : i32 to index
          %parallel_loop3A_893 = tpu.vector_load %arg15[%parallel_loop3A_892] {strides = array<i32>} : memref<512xf32, #tpu.memory_space<vmem>>, vector<16xf32>,
          %parallel_loop3A_894 = arith.constant 1.000000e+00 : f32
          %parallel_loop3A_895 = vector.broadcast %parallel_loop3A_894 : f32 to vector<16xf32>
          %parallel_loop3A_896 = arith.subf %parallel_loop3A_895, %parallel_loop3A_893 : vector<16xf32>
          %parallel_loop3A_897 = vector.broadcast %parallel_loop3A_852 : f32 to vector<16xf32>
          %parallel_loop3A_898 = arith.mulf %parallel_loop3A_897, %parallel_loop3A_885 : vector<16xf32>
          %parallel_loop3A_899 = vector.broadcast %parallel_loop3A_854 : f32 to vector<16xf32>
          %parallel_loop3A_900 = arith.mulf %parallel_loop3A_899, %parallel_loop3A_886 : vector<16xf32>
          %parallel_loop3A_901 = arith.addf %parallel_loop3A_898, %parallel_loop3A_900 : vector<16xf32>
          %parallel_loop3A_902 = vector.broadcast %parallel_loop3A_852 : f32 to vector<16xf32>
          %parallel_loop3A_903 = arith.mulf %parallel_loop3A_902, %parallel_loop3A_888 : vector<16xf32>
          %parallel_loop3A_904 = vector.broadcast %parallel_loop3A_854 : f32 to vector<16xf32>
          %parallel_loop3A_905 = arith.mulf %parallel_loop3A_904, %parallel_loop3A_889 : vector<16xf32>
          %parallel_loop3A_906 = arith.addf %parallel_loop3A_903, %parallel_loop3A_905 : vector<16xf32>
          %parallel_loop3A_907 = arith.mulf %parallel_loop3A_893, %parallel_loop3A_901 : vector<16xf32>
          %parallel_loop3A_908 = arith.mulf %parallel_loop3A_896, %parallel_loop3A_906 : vector<16xf32>
          %parallel_loop3A_909 = arith.addf %parallel_loop3A_907, %parallel_loop3A_908 : vector<16xf32>
          %parallel_loop3A_910 = arith.constant 0.00392156886 : f32
          %parallel_loop3A_911 = vector.broadcast %parallel_loop3A_910 : f32 to vector<16xf32>
          %parallel_loop3A_912 = arith.mulf %parallel_loop3A_909, %parallel_loop3A_911 : vector<16xf32>
          %parallel_loop3A_913 = arith.constant 16 : i32
          %parallel_loop3A_914 = arith.muli %parallel_loop3A_860, %parallel_loop3A_913 : i32
          %parallel_loop3A_915 = arith.addi %parallel_loop3A_856, %parallel_loop3A_914 : i32
          %parallel_loop3A_916 = arith.index_cast %parallel_loop3A_915 : i32 to index
          %parallel_loop3A_917 = tpu.vector_load %arg8[%parallel_loop3A_916] {strides = array<i32>} : memref<16384xf32, #tpu.memory_space<vmem>>, vector<16xf32>,
          tpu.vector_store %arg8[%parallel_loop3A_916], %parallel_loop3A_912 {strides = array<i32>} : memref<16384xf32, #tpu.memory_space<vmem>>, vector<16xf32>,
        } {sc.loop_unroll_factor = 4 : i64, sc.parallel_access}
      } {sc.loop_unroll_factor = 1 : i64, sc.parallel_access}
      %add3A_364 = arith.constant 32768 : i32
      %add3A_365 = arith.addi %add3A_79, %add3A_364 : i32
      %dma_start3A_366 = tpu.memref_slice %arg5[%add3A_365] : memref<12582912xf32, #tpu.memory_space<hbm>> -> memref<16384xf32, #tpu.memory_space<hbm>>
      %dma_start3A_367 = tpu.memref_slice %arg5[%add3A_365] : memref<12582912xf32, #tpu.memory_space<hbm>> -> memref<16384xf32, #tpu.memory_space<hbm>>
      tpu.enqueue_dma source(%arg8 : memref<16384xf32, #tpu.memory_space<vmem>>) target(%dma_start3A_367 : memref<16384xf32, #tpu.memory_space<hbm>>) target_semaphore(%arg20 : memref<!tpu.dma_semaphore, #tpu.memory_space<semaphore_mem>>)
      %add3A_368 = arith.constant 65536 : i32
      %add3A_369 = arith.addi %add3A_79, %add3A_368 : i32
      %dma_start3A_370 = tpu.memref_slice %arg2[%add3A_369] : memref<12582912xf32, #tpu.memory_space<hbm>> -> memref<16384xf32, #tpu.memory_space<hbm>>
      %dma_start3A_371 = tpu.memref_slice %arg2[%add3A_369] : memref<12582912xf32, #tpu.memory_space<hbm>> -> memref<16384xf32, #tpu.memory_space<hbm>>
      tpu.enqueue_dma source(%dma_start3A_371 : memref<16384xf32, #tpu.memory_space<hbm>>) target(%arg6 : memref<16384xf32, #tpu.memory_space<vmem>>) target_semaphore(%arg17 : memref<!tpu.dma_semaphore, #tpu.memory_space<semaphore_mem>>)
      %mul3A_372 = arith.constant 8 : i32
      %mul3A_373 = arith.muli %select_n3A_69, %mul3A_372 : i32
      %add3A_374 = arith.constant 3 : i32
      %add3A_375 = arith.addi %mul3A_373, %add3A_374 : i32
      %sub3A_376 = arith.constant 1 : i32
      %sub3A_377 = arith.subi %add3A_375, %sub3A_376 : i32
      %jit3A_378 = arith.constant 2 : i32
      %div3A_379 = arith.divsi %sub3A_377, %jit3A_378 : i32
      %sign3A_380 = arith.constant 0 : i32
      %sign3A_381 = arith.cmpi sgt, %sub3A_377, %sign3A_380 : i32
      %sign3A_382 = arith.extui %sign3A_381 : i1 to i32
      %sign3A_383 = arith.constant 0 : i32
      %sign3A_384 = arith.cmpi slt, %sub3A_377, %sign3A_383 : i32
      %sign3A_385 = arith.extui %sign3A_384 : i1 to i32
      %sign3A_386 = arith.subi %sign3A_382, %sign3A_385 : i32
      %sign3A_387 = arith.constant 0 : i32
      %sign3A_388 = arith.cmpi sgt, %jit3A_378, %sign3A_387 : i32
      %sign3A_389 = arith.extui %sign3A_388 : i1 to i32
      %sign3A_390 = arith.constant 0 : i32
      %sign3A_391 = arith.cmpi slt, %jit3A_378, %sign3A_390 : i32
      %sign3A_392 = arith.extui %sign3A_391 : i1 to i32
      %sign3A_393 = arith.subi %sign3A_389, %sign3A_392 : i32
      %ne3A_394 = arith.cmpi ne, %sign3A_386, %sign3A_393 : i32
      %rem3A_395 = arith.remsi %sub3A_377, %jit3A_378 : i32
      %ne3A_396 = arith.constant 0 : i32
      %ne3A_397 = arith.cmpi ne, %rem3A_395, %ne3A_396 : i32
      %and3A_398 = arith.andi %ne3A_394, %ne3A_397 : i1
      %sub3A_399 = arith.constant 1 : i32
      %sub3A_400 = arith.subi %div3A_379, %sub3A_399 : i32
      %select_n3A_401 = arith.select %and3A_398, %sub3A_400, %div3A_379 : i32
      %jit3A_402 = arith.constant 0 : i32
      %jit3A_403 = arith.constant 6 : i32
      %max3A_404 = arith.maxsi %jit3A_402, %select_n3A_401 : i32
      %min3A_405 = arith.minsi %jit3A_403, %max3A_404 : i32
      %eq3A_406 = arith.constant 0 : i32
      %eq3A_407 = arith.cmpi eq, %add3A_375, %eq3A_406 : i32
      %eq3A_408 = arith.constant 15 : i32
      %eq3A_409 = arith.cmpi eq, %add3A_375, %eq3A_408 : i32
      %jit3A_410 = arith.constant 7 : i32
      %select_n3A_411 = arith.select %eq3A_409, %jit3A_410, %min3A_405 : i32
      %jit3A_412 = arith.constant 0 : i32
      %select_n3A_413 = arith.select %eq3A_407, %jit3A_412, %select_n3A_411 : i32
      %eq3A_414 = arith.constant 0 : i32
      %eq3A_415 = arith.cmpi eq, %add3A_375, %eq3A_414 : i32
      %eq3A_416 = arith.constant 15 : i32
      %eq3A_417 = arith.cmpi eq, %add3A_375, %eq3A_416 : i32
      %add3A_418 = arith.constant 1 : i32
      %add3A_419 = arith.addi %min3A_405, %add3A_418 : i32
      %min3A_420 = arith.constant 7 : i32
      %min3A_421 = arith.minsi %add3A_419, %min3A_420 : i32
      %jit3A_422 = arith.constant 7 : i32
      %select_n3A_423 = arith.select %eq3A_417, %jit3A_422, %min3A_421 : i32
      %jit3A_424 = arith.constant 0 : i32
      %select_n3A_425 = arith.select %eq3A_415, %jit3A_424, %select_n3A_423 : i32
      %gt3A_426 = arith.constant 0 : i32
      %gt3A_427 = arith.cmpi sgt, %add3A_375, %gt3A_426 : i32
      %lt3A_428 = arith.constant 15 : i32
      %lt3A_429 = arith.cmpi slt, %add3A_375, %lt3A_428 : i32
      %and3A_430 = arith.andi %gt3A_427, %lt3A_429 : i1
      %sub3A_431 = arith.subi %select_n3A_413, %mul3A_71 : i32
      %mul3A_432 = arith.constant 2048 : i32
      %mul3A_433 = arith.muli %sub3A_431, %mul3A_432 : i32
      %sub3A_434 = arith.subi %select_n3A_425, %mul3A_71 : i32
      %mul3A_435 = arith.constant 2048 : i32
      %mul3A_436 = arith.muli %sub3A_434, %mul3A_435 : i32
      %mul3A_437 = arith.constant 256 : i32
      %mul3A_438 = arith.muli %select_n3A_69, %mul3A_437 : i32
      %add3A_439 = arith.constant 96 : i32
      %add3A_440 = arith.addi %mul3A_438, %add3A_439 : i32
      %mul3A_441 = arith.constant 2 : i32
      %mul3A_442 = arith.muli %mul3A_441, %min3A_405 : i32
      %add3A_443 = arith.constant 1 : i32
      %add3A_444 = arith.addi %mul3A_442, %add3A_443 : i32
      %mul3A_445 = arith.constant 32 : i32
      %mul3A_446 = arith.muli %add3A_444, %mul3A_445 : i32
      %sub3A_447 = arith.subi %add3A_440, %mul3A_446 : i32
      %convert_element_type3A_448 = arith.sitofp %sub3A_447 : i32 to f32
      %parallel_loop3A_449 = arith.constant 0 : i32
      %parallel_loop3A_450 = arith.constant 32 : i32
      %parallel_loop3A_451 = arith.constant 1 : i32
      scf.for %parallel_loop3A_844 = %parallel_loop3A_449 to %parallel_loop3A_450 step %parallel_loop3A_451  : i32 {
        %parallel_loop3A_845 = arith.constant 64 : i32
        %parallel_loop3A_846 = arith.muli %parallel_loop3A_844, %parallel_loop3A_845 : i32
        %parallel_loop3A_847 = arith.constant 0 : i32
        %parallel_loop3A_848 = arith.addi %parallel_loop3A_846, %parallel_loop3A_847 : i32
        %parallel_loop3A_849 = arith.addi %mul3A_433, %parallel_loop3A_848 : i32
        %parallel_loop3A_850 = arith.index_cast %parallel_loop3A_849 : i32 to index
        %parallel_loop3A_851 = tpu.vector_load %arg12[%parallel_loop3A_850] {strides = array<i32>} : memref<10240xf32, #tpu.memory_space<vmem>>, vector<16xf32>,
        %parallel_loop3A_852 = arith.addi %mul3A_436, %parallel_loop3A_848 : i32
        %parallel_loop3A_853 = arith.index_cast %parallel_loop3A_852 : i32 to index
        %parallel_loop3A_854 = tpu.vector_load %arg12[%parallel_loop3A_853] {strides = array<i32>} : memref<10240xf32, #tpu.memory_space<vmem>>, vector<16xf32>,
        %parallel_loop3A_855 = tpu.pack_subelements %parallel_loop3A_851, %parallel_loop3A_854 {pack_format = #tpu.pack_format<interleaved>, positions = array<i32: 0, 1>} : vector<16xf32>, vector<16xf32> -> vector<32xbf16>
        %parallel_loop3A_856 = vector.bitcast %parallel_loop3A_855 : vector<32xbf16> to vector<16xi32>
        %parallel_loop3A_857 = arith.index_cast %parallel_loop3A_848 : i32 to index
        %parallel_loop3A_858 = tpu.vector_load %arg13[%parallel_loop3A_857] {strides = array<i32>} : memref<2048xi32, #tpu.memory_space<vmem>>, vector<16xi32>,
        tpu.vector_store %arg13[%parallel_loop3A_857], %parallel_loop3A_856 {strides = array<i32>} : memref<2048xi32, #tpu.memory_space<vmem>>, vector<16xi32>,
        %parallel_loop3A_859 = arith.constant 64 : i32
        %parallel_loop3A_860 = arith.muli %parallel_loop3A_844, %parallel_loop3A_859 : i32
        %parallel_loop3A_861 = arith.constant 16 : i32
        %parallel_loop3A_862 = arith.addi %parallel_loop3A_860, %parallel_loop3A_861 : i32
        %parallel_loop3A_863 = arith.addi %mul3A_433, %parallel_loop3A_862 : i32
        %parallel_loop3A_864 = arith.index_cast %parallel_loop3A_863 : i32 to index
        %parallel_loop3A_865 = tpu.vector_load %arg12[%parallel_loop3A_864] {strides = array<i32>} : memref<10240xf32, #tpu.memory_space<vmem>>, vector<16xf32>,
        %parallel_loop3A_866 = arith.addi %mul3A_436, %parallel_loop3A_862 : i32
        %parallel_loop3A_867 = arith.index_cast %parallel_loop3A_866 : i32 to index
        %parallel_loop3A_868 = tpu.vector_load %arg12[%parallel_loop3A_867] {strides = array<i32>} : memref<10240xf32, #tpu.memory_space<vmem>>, vector<16xf32>,
        %parallel_loop3A_869 = tpu.pack_subelements %parallel_loop3A_865, %parallel_loop3A_868 {pack_format = #tpu.pack_format<interleaved>, positions = array<i32: 0, 1>} : vector<16xf32>, vector<16xf32> -> vector<32xbf16>
        %parallel_loop3A_870 = vector.bitcast %parallel_loop3A_869 : vector<32xbf16> to vector<16xi32>
        %parallel_loop3A_871 = arith.index_cast %parallel_loop3A_862 : i32 to index
        %parallel_loop3A_872 = tpu.vector_load %arg13[%parallel_loop3A_871] {strides = array<i32>} : memref<2048xi32, #tpu.memory_space<vmem>>, vector<16xi32>,
        tpu.vector_store %arg13[%parallel_loop3A_871], %parallel_loop3A_870 {strides = array<i32>} : memref<2048xi32, #tpu.memory_space<vmem>>, vector<16xi32>,
        %parallel_loop3A_873 = arith.constant 64 : i32
        %parallel_loop3A_874 = arith.muli %parallel_loop3A_844, %parallel_loop3A_873 : i32
        %parallel_loop3A_875 = arith.constant 32 : i32
        %parallel_loop3A_876 = arith.addi %parallel_loop3A_874, %parallel_loop3A_875 : i32
        %parallel_loop3A_877 = arith.addi %mul3A_433, %parallel_loop3A_876 : i32
        %parallel_loop3A_878 = arith.index_cast %parallel_loop3A_877 : i32 to index
        %parallel_loop3A_879 = tpu.vector_load %arg12[%parallel_loop3A_878] {strides = array<i32>} : memref<10240xf32, #tpu.memory_space<vmem>>, vector<16xf32>,
        %parallel_loop3A_880 = arith.addi %mul3A_436, %parallel_loop3A_876 : i32
        %parallel_loop3A_881 = arith.index_cast %parallel_loop3A_880 : i32 to index
        %parallel_loop3A_882 = tpu.vector_load %arg12[%parallel_loop3A_881] {strides = array<i32>} : memref<10240xf32, #tpu.memory_space<vmem>>, vector<16xf32>,
        %parallel_loop3A_883 = tpu.pack_subelements %parallel_loop3A_879, %parallel_loop3A_882 {pack_format = #tpu.pack_format<interleaved>, positions = array<i32: 0, 1>} : vector<16xf32>, vector<16xf32> -> vector<32xbf16>
        %parallel_loop3A_884 = vector.bitcast %parallel_loop3A_883 : vector<32xbf16> to vector<16xi32>
        %parallel_loop3A_885 = arith.index_cast %parallel_loop3A_876 : i32 to index
        %parallel_loop3A_886 = tpu.vector_load %arg13[%parallel_loop3A_885] {strides = array<i32>} : memref<2048xi32, #tpu.memory_space<vmem>>, vector<16xi32>,
        tpu.vector_store %arg13[%parallel_loop3A_885], %parallel_loop3A_884 {strides = array<i32>} : memref<2048xi32, #tpu.memory_space<vmem>>, vector<16xi32>,
        %parallel_loop3A_887 = arith.constant 64 : i32
        %parallel_loop3A_888 = arith.muli %parallel_loop3A_844, %parallel_loop3A_887 : i32
        %parallel_loop3A_889 = arith.constant 48 : i32
        %parallel_loop3A_890 = arith.addi %parallel_loop3A_888, %parallel_loop3A_889 : i32
        %parallel_loop3A_891 = arith.addi %mul3A_433, %parallel_loop3A_890 : i32
        %parallel_loop3A_892 = arith.index_cast %parallel_loop3A_891 : i32 to index
        %parallel_loop3A_893 = tpu.vector_load %arg12[%parallel_loop3A_892] {strides = array<i32>} : memref<10240xf32, #tpu.memory_space<vmem>>, vector<16xf32>,
        %parallel_loop3A_894 = arith.addi %mul3A_436, %parallel_loop3A_890 : i32
        %parallel_loop3A_895 = arith.index_cast %parallel_loop3A_894 : i32 to index
        %parallel_loop3A_896 = tpu.vector_load %arg12[%parallel_loop3A_895] {strides = array<i32>} : memref<10240xf32, #tpu.memory_space<vmem>>, vector<16xf32>,
        %parallel_loop3A_897 = tpu.pack_subelements %parallel_loop3A_893, %parallel_loop3A_896 {pack_format = #tpu.pack_format<interleaved>, positions = array<i32: 0, 1>} : vector<16xf32>, vector<16xf32> -> vector<32xbf16>
        %parallel_loop3A_898 = vector.bitcast %parallel_loop3A_897 : vector<32xbf16> to vector<16xi32>
        %parallel_loop3A_899 = arith.index_cast %parallel_loop3A_890 : i32 to index
        %parallel_loop3A_900 = tpu.vector_load %arg13[%parallel_loop3A_899] {strides = array<i32>} : memref<2048xi32, #tpu.memory_space<vmem>>, vector<16xi32>,
        tpu.vector_store %arg13[%parallel_loop3A_899], %parallel_loop3A_898 {strides = array<i32>} : memref<2048xi32, #tpu.memory_space<vmem>>, vector<16xi32>,
      } {sc.loop_unroll_factor = 2 : i64, sc.parallel_access}
      %dma_wait3A_452 = tpu.memref_slice %arg5[%add3A_270] : memref<12582912xf32, #tpu.memory_space<hbm>> -> memref<16384xf32, #tpu.memory_space<hbm>>
      %dma_wait3A_453 = tpu.memref_slice %arg5[%add3A_270] : memref<12582912xf32, #tpu.memory_space<hbm>> -> memref<16384xf32, #tpu.memory_space<hbm>>
      tpu.wait_dma2 semaphore(%arg21 : memref<!tpu.dma_semaphore, #tpu.memory_space<semaphore_mem>>) src(%arg9 : memref<16384xf32, #tpu.memory_space<vmem>>) dst(%dma_wait3A_453 : memref<16384xf32, #tpu.memory_space<hbm>>)
      %dma_wait3A_454 = tpu.memref_slice %arg2[%add3A_274] : memref<12582912xf32, #tpu.memory_space<hbm>> -> memref<16384xf32, #tpu.memory_space<hbm>>
      %dma_wait3A_455 = tpu.memref_slice %arg2[%add3A_274] : memref<12582912xf32, #tpu.memory_space<hbm>> -> memref<16384xf32, #tpu.memory_space<hbm>>
      tpu.wait_dma2 semaphore(%arg18 : memref<!tpu.dma_semaphore, #tpu.memory_space<semaphore_mem>>) src(%dma_wait3A_455 : memref<16384xf32, #tpu.memory_space<hbm>>) dst(%arg7 : memref<16384xf32, #tpu.memory_space<vmem>>)
      %parallel_loop3A_456 = arith.constant 0 : i32
      %parallel_loop3A_457 = arith.constant 32 : i32
      %parallel_loop3A_458 = arith.constant 1 : i32
      scf.for %parallel_loop3A_844 = %parallel_loop3A_456 to %parallel_loop3A_457 step %parallel_loop3A_458  : i32 {
        %parallel_loop3A_845 = arith.sitofp %parallel_loop3A_844 : i32 to f32
        %parallel_loop3A_846 = arith.addf %convert_element_type3A_448, %parallel_loop3A_845 : f32
        %parallel_loop3A_847 = arith.constant 6.300000e+01 : f32
        %parallel_loop3A_848 = arith.subf %parallel_loop3A_847, %parallel_loop3A_846 : f32
        %parallel_loop3A_849 = arith.constant 0.0158730168 : f32
        %parallel_loop3A_850 = arith.mulf %parallel_loop3A_848, %parallel_loop3A_849 : f32
        %parallel_loop3A_851 = arith.constant 1.000000e+00 : f32
        %parallel_loop3A_852 = arith.select %and3A_430, %parallel_loop3A_850, %parallel_loop3A_851 : f32
        %parallel_loop3A_853 = arith.constant 1.000000e+00 : f32
        %parallel_loop3A_854 = arith.subf %parallel_loop3A_853, %parallel_loop3A_852 : f32
        %parallel_loop3A_855 = arith.constant 512 : i32
        %parallel_loop3A_856 = arith.muli %parallel_loop3A_844, %parallel_loop3A_855 : i32
        %parallel_loop3A_857 = arith.constant 0 : i32
        %parallel_loop3A_858 = arith.constant 32 : i32
        %parallel_loop3A_859 = arith.constant 1 : i32
        scf.for %parallel_loop3A_860 = %parallel_loop3A_857 to %parallel_loop3A_858 step %parallel_loop3A_859  : i32 {
          %parallel_loop3A_861 = arith.constant 16 : i32
          %parallel_loop3A_862 = arith.muli %parallel_loop3A_860, %parallel_loop3A_861 : i32
          %parallel_loop3A_863 = arith.addi %parallel_loop3A_856, %parallel_loop3A_862 : i32
          %parallel_loop3A_864 = arith.index_cast %parallel_loop3A_863 : i32 to index
          %parallel_loop3A_865 = tpu.vector_load %arg7[%parallel_loop3A_864] {strides = array<i32>} : memref<16384xf32, #tpu.memory_space<vmem>>, vector<16xf32>,
          %parallel_loop3A_866 = arith.constant 2.550000e+02 : f32
          %parallel_loop3A_867 = vector.broadcast %parallel_loop3A_866 : f32 to vector<16xf32>
          %parallel_loop3A_868 = arith.mulf %parallel_loop3A_865, %parallel_loop3A_867 : vector<16xf32>
          %parallel_loop3A_869 = arith.fptosi %parallel_loop3A_868 : vector<16xf32> to vector<16xi32>
          %parallel_loop3A_870 = arith.constant 16 : i32
          %parallel_loop3A_871 = arith.muli %parallel_loop3A_860, %parallel_loop3A_870 : i32
          %parallel_loop3A_872 = arith.index_cast %parallel_loop3A_871 : i32 to index
          %parallel_loop3A_873 = tpu.vector_load %arg14[%parallel_loop3A_872] {strides = array<i32>} : memref<512xi32, #tpu.memory_space<vmem>>, vector<16xi32>,
          %parallel_loop3A_874 = arith.constant 65535 : i32
          %parallel_loop3A_875 = vector.broadcast %parallel_loop3A_874 : i32 to vector<16xi32>
          %parallel_loop3A_876 = arith.andi %parallel_loop3A_873, %parallel_loop3A_875 : vector<16xi32>
          %parallel_loop3A_877 = arith.constant 16 : i32
          %parallel_loop3A_878 = vector.broadcast %parallel_loop3A_877 : i32 to vector<16xi32>
          %parallel_loop3A_879 = arith.shrui %parallel_loop3A_873, %parallel_loop3A_878 : vector<16xi32>
          %parallel_loop3A_880 = arith.addi %parallel_loop3A_869, %parallel_loop3A_876 : vector<16xi32>
          %parallel_loop3A_881 = tpu.vector_load_idx %arg13[%parallel_loop3A_880] : memref<2048xi32, #tpu.memory_space<vmem>>[vector<16xi32>], vector<16xi32>,
          %parallel_loop3A_882 = arith.addi %parallel_loop3A_869, %parallel_loop3A_879 : vector<16xi32>
          %parallel_loop3A_883 = tpu.vector_load_idx %arg13[%parallel_loop3A_882] : memref<2048xi32, #tpu.memory_space<vmem>>[vector<16xi32>], vector<16xi32>,
          %parallel_loop3A_884 = vector.bitcast %parallel_loop3A_881 : vector<16xi32> to vector<32xbf16>
          %parallel_loop3A_885 = tpu.unpack_subelements %parallel_loop3A_884, 0 {pack_format = #tpu.pack_format<interleaved>} : vector<32xbf16> -> vector<16xf32>
          %parallel_loop3A_886 = tpu.unpack_subelements %parallel_loop3A_884, 1 {pack_format = #tpu.pack_format<interleaved>} : vector<32xbf16> -> vector<16xf32>
          %parallel_loop3A_887 = vector.bitcast %parallel_loop3A_883 : vector<16xi32> to vector<32xbf16>
          %parallel_loop3A_888 = tpu.unpack_subelements %parallel_loop3A_887, 0 {pack_format = #tpu.pack_format<interleaved>} : vector<32xbf16> -> vector<16xf32>
          %parallel_loop3A_889 = tpu.unpack_subelements %parallel_loop3A_887, 1 {pack_format = #tpu.pack_format<interleaved>} : vector<32xbf16> -> vector<16xf32>
          %parallel_loop3A_890 = arith.constant 16 : i32
          %parallel_loop3A_891 = arith.muli %parallel_loop3A_860, %parallel_loop3A_890 : i32
          %parallel_loop3A_892 = arith.index_cast %parallel_loop3A_891 : i32 to index
          %parallel_loop3A_893 = tpu.vector_load %arg15[%parallel_loop3A_892] {strides = array<i32>} : memref<512xf32, #tpu.memory_space<vmem>>, vector<16xf32>,
          %parallel_loop3A_894 = arith.constant 1.000000e+00 : f32
          %parallel_loop3A_895 = vector.broadcast %parallel_loop3A_894 : f32 to vector<16xf32>
          %parallel_loop3A_896 = arith.subf %parallel_loop3A_895, %parallel_loop3A_893 : vector<16xf32>
          %parallel_loop3A_897 = vector.broadcast %parallel_loop3A_852 : f32 to vector<16xf32>
          %parallel_loop3A_898 = arith.mulf %parallel_loop3A_897, %parallel_loop3A_885 : vector<16xf32>
          %parallel_loop3A_899 = vector.broadcast %parallel_loop3A_854 : f32 to vector<16xf32>
          %parallel_loop3A_900 = arith.mulf %parallel_loop3A_899, %parallel_loop3A_886 : vector<16xf32>
          %parallel_loop3A_901 = arith.addf %parallel_loop3A_898, %parallel_loop3A_900 : vector<16xf32>
          %parallel_loop3A_902 = vector.broadcast %parallel_loop3A_852 : f32 to vector<16xf32>
          %parallel_loop3A_903 = arith.mulf %parallel_loop3A_902, %parallel_loop3A_888 : vector<16xf32>
          %parallel_loop3A_904 = vector.broadcast %parallel_loop3A_854 : f32 to vector<16xf32>
          %parallel_loop3A_905 = arith.mulf %parallel_loop3A_904, %parallel_loop3A_889 : vector<16xf32>
          %parallel_loop3A_906 = arith.addf %parallel_loop3A_903, %parallel_loop3A_905 : vector<16xf32>
          %parallel_loop3A_907 = arith.mulf %parallel_loop3A_893, %parallel_loop3A_901 : vector<16xf32>
          %parallel_loop3A_908 = arith.mulf %parallel_loop3A_896, %parallel_loop3A_906 : vector<16xf32>
          %parallel_loop3A_909 = arith.addf %parallel_loop3A_907, %parallel_loop3A_908 : vector<16xf32>
          %parallel_loop3A_910 = arith.constant 0.00392156886 : f32
          %parallel_loop3A_911 = vector.broadcast %parallel_loop3A_910 : f32 to vector<16xf32>
          %parallel_loop3A_912 = arith.mulf %parallel_loop3A_909, %parallel_loop3A_911 : vector<16xf32>
          %parallel_loop3A_913 = arith.constant 16 : i32
          %parallel_loop3A_914 = arith.muli %parallel_loop3A_860, %parallel_loop3A_913 : i32
          %parallel_loop3A_915 = arith.addi %parallel_loop3A_856, %parallel_loop3A_914 : i32
          %parallel_loop3A_916 = arith.index_cast %parallel_loop3A_915 : i32 to index
          %parallel_loop3A_917 = tpu.vector_load %arg9[%parallel_loop3A_916] {strides = array<i32>} : memref<16384xf32, #tpu.memory_space<vmem>>, vector<16xf32>,
          tpu.vector_store %arg9[%parallel_loop3A_916], %parallel_loop3A_912 {strides = array<i32>} : memref<16384xf32, #tpu.memory_space<vmem>>, vector<16xf32>,
        } {sc.loop_unroll_factor = 4 : i64, sc.parallel_access}
      } {sc.loop_unroll_factor = 1 : i64, sc.parallel_access}
      %add3A_459 = arith.constant 49152 : i32
      %add3A_460 = arith.addi %add3A_79, %add3A_459 : i32
      %dma_start3A_461 = tpu.memref_slice %arg5[%add3A_460] : memref<12582912xf32, #tpu.memory_space<hbm>> -> memref<16384xf32, #tpu.memory_space<hbm>>
      %dma_start3A_462 = tpu.memref_slice %arg5[%add3A_460] : memref<12582912xf32, #tpu.memory_space<hbm>> -> memref<16384xf32, #tpu.memory_space<hbm>>
      tpu.enqueue_dma source(%arg9 : memref<16384xf32, #tpu.memory_space<vmem>>) target(%dma_start3A_462 : memref<16384xf32, #tpu.memory_space<hbm>>) target_semaphore(%arg21 : memref<!tpu.dma_semaphore, #tpu.memory_space<semaphore_mem>>)
      %add3A_463 = arith.constant 81920 : i32
      %add3A_464 = arith.addi %add3A_79, %add3A_463 : i32
      %dma_start3A_465 = tpu.memref_slice %arg2[%add3A_464] : memref<12582912xf32, #tpu.memory_space<hbm>> -> memref<16384xf32, #tpu.memory_space<hbm>>
      %dma_start3A_466 = tpu.memref_slice %arg2[%add3A_464] : memref<12582912xf32, #tpu.memory_space<hbm>> -> memref<16384xf32, #tpu.memory_space<hbm>>
      tpu.enqueue_dma source(%dma_start3A_466 : memref<16384xf32, #tpu.memory_space<hbm>>) target(%arg7 : memref<16384xf32, #tpu.memory_space<vmem>>) target_semaphore(%arg18 : memref<!tpu.dma_semaphore, #tpu.memory_space<semaphore_mem>>)
      %mul3A_467 = arith.constant 8 : i32
      %mul3A_468 = arith.muli %select_n3A_69, %mul3A_467 : i32
      %add3A_469 = arith.constant 4 : i32
      %add3A_470 = arith.addi %mul3A_468, %add3A_469 : i32
      %sub3A_471 = arith.constant 1 : i32
      %sub3A_472 = arith.subi %add3A_470, %sub3A_471 : i32
      %jit3A_473 = arith.constant 2 : i32
      %div3A_474 = arith.divsi %sub3A_472, %jit3A_473 : i32
      %sign3A_475 = arith.constant 0 : i32
      %sign3A_476 = arith.cmpi sgt, %sub3A_472, %sign3A_475 : i32
      %sign3A_477 = arith.extui %sign3A_476 : i1 to i32
      %sign3A_478 = arith.constant 0 : i32
      %sign3A_479 = arith.cmpi slt, %sub3A_472, %sign3A_478 : i32
      %sign3A_480 = arith.extui %sign3A_479 : i1 to i32
      %sign3A_481 = arith.subi %sign3A_477, %sign3A_480 : i32
      %sign3A_482 = arith.constant 0 : i32
      %sign3A_483 = arith.cmpi sgt, %jit3A_473, %sign3A_482 : i32
      %sign3A_484 = arith.extui %sign3A_483 : i1 to i32
      %sign3A_485 = arith.constant 0 : i32
      %sign3A_486 = arith.cmpi slt, %jit3A_473, %sign3A_485 : i32
      %sign3A_487 = arith.extui %sign3A_486 : i1 to i32
      %sign3A_488 = arith.subi %sign3A_484, %sign3A_487 : i32
      %ne3A_489 = arith.cmpi ne, %sign3A_481, %sign3A_488 : i32
      %rem3A_490 = arith.remsi %sub3A_472, %jit3A_473 : i32
      %ne3A_491 = arith.constant 0 : i32
      %ne3A_492 = arith.cmpi ne, %rem3A_490, %ne3A_491 : i32
      %and3A_493 = arith.andi %ne3A_489, %ne3A_492 : i1
      %sub3A_494 = arith.constant 1 : i32
      %sub3A_495 = arith.subi %div3A_474, %sub3A_494 : i32
      %select_n3A_496 = arith.select %and3A_493, %sub3A_495, %div3A_474 : i32
      %jit3A_497 = arith.constant 0 : i32
      %jit3A_498 = arith.constant 6 : i32
      %max3A_499 = arith.maxsi %jit3A_497, %select_n3A_496 : i32
      %min3A_500 = arith.minsi %jit3A_498, %max3A_499 : i32
      %eq3A_501 = arith.constant 0 : i32
      %eq3A_502 = arith.cmpi eq, %add3A_470, %eq3A_501 : i32
      %eq3A_503 = arith.constant 15 : i32
      %eq3A_504 = arith.cmpi eq, %add3A_470, %eq3A_503 : i32
      %jit3A_505 = arith.constant 7 : i32
      %select_n3A_506 = arith.select %eq3A_504, %jit3A_505, %min3A_500 : i32
      %jit3A_507 = arith.constant 0 : i32
      %select_n3A_508 = arith.select %eq3A_502, %jit3A_507, %select_n3A_506 : i32
      %eq3A_509 = arith.constant 0 : i32
      %eq3A_510 = arith.cmpi eq, %add3A_470, %eq3A_509 : i32
      %eq3A_511 = arith.constant 15 : i32
      %eq3A_512 = arith.cmpi eq, %add3A_470, %eq3A_511 : i32
      %add3A_513 = arith.constant 1 : i32
      %add3A_514 = arith.addi %min3A_500, %add3A_513 : i32
      %min3A_515 = arith.constant 7 : i32
      %min3A_516 = arith.minsi %add3A_514, %min3A_515 : i32
      %jit3A_517 = arith.constant 7 : i32
      %select_n3A_518 = arith.select %eq3A_512, %jit3A_517, %min3A_516 : i32
      %jit3A_519 = arith.constant 0 : i32
      %select_n3A_520 = arith.select %eq3A_510, %jit3A_519, %select_n3A_518 : i32
      %gt3A_521 = arith.constant 0 : i32
      %gt3A_522 = arith.cmpi sgt, %add3A_470, %gt3A_521 : i32
      %lt3A_523 = arith.constant 15 : i32
      %lt3A_524 = arith.cmpi slt, %add3A_470, %lt3A_523 : i32
      %and3A_525 = arith.andi %gt3A_522, %lt3A_524 : i1
      %sub3A_526 = arith.subi %select_n3A_508, %mul3A_71 : i32
      %mul3A_527 = arith.constant 2048 : i32
      %mul3A_528 = arith.muli %sub3A_526, %mul3A_527 : i32
      %sub3A_529 = arith.subi %select_n3A_520, %mul3A_71 : i32
      %mul3A_530 = arith.constant 2048 : i32
      %mul3A_531 = arith.muli %sub3A_529, %mul3A_530 : i32
      %mul3A_532 = arith.constant 256 : i32
      %mul3A_533 = arith.muli %select_n3A_69, %mul3A_532 : i32
      %add3A_534 = arith.constant 128 : i32
      %add3A_535 = arith.addi %mul3A_533, %add3A_534 : i32
      %mul3A_536 = arith.constant 2 : i32
      %mul3A_537 = arith.muli %mul3A_536, %min3A_500 : i32
      %add3A_538 = arith.constant 1 : i32
      %add3A_539 = arith.addi %mul3A_537, %add3A_538 : i32
      %mul3A_540 = arith.constant 32 : i32
      %mul3A_541 = arith.muli %add3A_539, %mul3A_540 : i32
      %sub3A_542 = arith.subi %add3A_535, %mul3A_541 : i32
      %convert_element_type3A_543 = arith.sitofp %sub3A_542 : i32 to f32
      %parallel_loop3A_544 = arith.constant 0 : i32
      %parallel_loop3A_545 = arith.constant 32 : i32
      %parallel_loop3A_546 = arith.constant 1 : i32
      scf.for %parallel_loop3A_844 = %parallel_loop3A_544 to %parallel_loop3A_545 step %parallel_loop3A_546  : i32 {
        %parallel_loop3A_845 = arith.constant 64 : i32
        %parallel_loop3A_846 = arith.muli %parallel_loop3A_844, %parallel_loop3A_845 : i32
        %parallel_loop3A_847 = arith.constant 0 : i32
        %parallel_loop3A_848 = arith.addi %parallel_loop3A_846, %parallel_loop3A_847 : i32
        %parallel_loop3A_849 = arith.addi %mul3A_528, %parallel_loop3A_848 : i32
        %parallel_loop3A_850 = arith.index_cast %parallel_loop3A_849 : i32 to index
        %parallel_loop3A_851 = tpu.vector_load %arg12[%parallel_loop3A_850] {strides = array<i32>} : memref<10240xf32, #tpu.memory_space<vmem>>, vector<16xf32>,
        %parallel_loop3A_852 = arith.addi %mul3A_531, %parallel_loop3A_848 : i32
        %parallel_loop3A_853 = arith.index_cast %parallel_loop3A_852 : i32 to index
        %parallel_loop3A_854 = tpu.vector_load %arg12[%parallel_loop3A_853] {strides = array<i32>} : memref<10240xf32, #tpu.memory_space<vmem>>, vector<16xf32>,
        %parallel_loop3A_855 = tpu.pack_subelements %parallel_loop3A_851, %parallel_loop3A_854 {pack_format = #tpu.pack_format<interleaved>, positions = array<i32: 0, 1>} : vector<16xf32>, vector<16xf32> -> vector<32xbf16>
        %parallel_loop3A_856 = vector.bitcast %parallel_loop3A_855 : vector<32xbf16> to vector<16xi32>
        %parallel_loop3A_857 = arith.index_cast %parallel_loop3A_848 : i32 to index
        %parallel_loop3A_858 = tpu.vector_load %arg13[%parallel_loop3A_857] {strides = array<i32>} : memref<2048xi32, #tpu.memory_space<vmem>>, vector<16xi32>,
        tpu.vector_store %arg13[%parallel_loop3A_857], %parallel_loop3A_856 {strides = array<i32>} : memref<2048xi32, #tpu.memory_space<vmem>>, vector<16xi32>,
        %parallel_loop3A_859 = arith.constant 64 : i32
        %parallel_loop3A_860 = arith.muli %parallel_loop3A_844, %parallel_loop3A_859 : i32
        %parallel_loop3A_861 = arith.constant 16 : i32
        %parallel_loop3A_862 = arith.addi %parallel_loop3A_860, %parallel_loop3A_861 : i32
        %parallel_loop3A_863 = arith.addi %mul3A_528, %parallel_loop3A_862 : i32
        %parallel_loop3A_864 = arith.index_cast %parallel_loop3A_863 : i32 to index
        %parallel_loop3A_865 = tpu.vector_load %arg12[%parallel_loop3A_864] {strides = array<i32>} : memref<10240xf32, #tpu.memory_space<vmem>>, vector<16xf32>,
        %parallel_loop3A_866 = arith.addi %mul3A_531, %parallel_loop3A_862 : i32
        %parallel_loop3A_867 = arith.index_cast %parallel_loop3A_866 : i32 to index
        %parallel_loop3A_868 = tpu.vector_load %arg12[%parallel_loop3A_867] {strides = array<i32>} : memref<10240xf32, #tpu.memory_space<vmem>>, vector<16xf32>,
        %parallel_loop3A_869 = tpu.pack_subelements %parallel_loop3A_865, %parallel_loop3A_868 {pack_format = #tpu.pack_format<interleaved>, positions = array<i32: 0, 1>} : vector<16xf32>, vector<16xf32> -> vector<32xbf16>
        %parallel_loop3A_870 = vector.bitcast %parallel_loop3A_869 : vector<32xbf16> to vector<16xi32>
        %parallel_loop3A_871 = arith.index_cast %parallel_loop3A_862 : i32 to index
        %parallel_loop3A_872 = tpu.vector_load %arg13[%parallel_loop3A_871] {strides = array<i32>} : memref<2048xi32, #tpu.memory_space<vmem>>, vector<16xi32>,
        tpu.vector_store %arg13[%parallel_loop3A_871], %parallel_loop3A_870 {strides = array<i32>} : memref<2048xi32, #tpu.memory_space<vmem>>, vector<16xi32>,
        %parallel_loop3A_873 = arith.constant 64 : i32
        %parallel_loop3A_874 = arith.muli %parallel_loop3A_844, %parallel_loop3A_873 : i32
        %parallel_loop3A_875 = arith.constant 32 : i32
        %parallel_loop3A_876 = arith.addi %parallel_loop3A_874, %parallel_loop3A_875 : i32
        %parallel_loop3A_877 = arith.addi %mul3A_528, %parallel_loop3A_876 : i32
        %parallel_loop3A_878 = arith.index_cast %parallel_loop3A_877 : i32 to index
        %parallel_loop3A_879 = tpu.vector_load %arg12[%parallel_loop3A_878] {strides = array<i32>} : memref<10240xf32, #tpu.memory_space<vmem>>, vector<16xf32>,
        %parallel_loop3A_880 = arith.addi %mul3A_531, %parallel_loop3A_876 : i32
        %parallel_loop3A_881 = arith.index_cast %parallel_loop3A_880 : i32 to index
        %parallel_loop3A_882 = tpu.vector_load %arg12[%parallel_loop3A_881] {strides = array<i32>} : memref<10240xf32, #tpu.memory_space<vmem>>, vector<16xf32>,
        %parallel_loop3A_883 = tpu.pack_subelements %parallel_loop3A_879, %parallel_loop3A_882 {pack_format = #tpu.pack_format<interleaved>, positions = array<i32: 0, 1>} : vector<16xf32>, vector<16xf32> -> vector<32xbf16>
        %parallel_loop3A_884 = vector.bitcast %parallel_loop3A_883 : vector<32xbf16> to vector<16xi32>
        %parallel_loop3A_885 = arith.index_cast %parallel_loop3A_876 : i32 to index
        %parallel_loop3A_886 = tpu.vector_load %arg13[%parallel_loop3A_885] {strides = array<i32>} : memref<2048xi32, #tpu.memory_space<vmem>>, vector<16xi32>,
        tpu.vector_store %arg13[%parallel_loop3A_885], %parallel_loop3A_884 {strides = array<i32>} : memref<2048xi32, #tpu.memory_space<vmem>>, vector<16xi32>,
        %parallel_loop3A_887 = arith.constant 64 : i32
        %parallel_loop3A_888 = arith.muli %parallel_loop3A_844, %parallel_loop3A_887 : i32
        %parallel_loop3A_889 = arith.constant 48 : i32
        %parallel_loop3A_890 = arith.addi %parallel_loop3A_888, %parallel_loop3A_889 : i32
        %parallel_loop3A_891 = arith.addi %mul3A_528, %parallel_loop3A_890 : i32
        %parallel_loop3A_892 = arith.index_cast %parallel_loop3A_891 : i32 to index
        %parallel_loop3A_893 = tpu.vector_load %arg12[%parallel_loop3A_892] {strides = array<i32>} : memref<10240xf32, #tpu.memory_space<vmem>>, vector<16xf32>,
        %parallel_loop3A_894 = arith.addi %mul3A_531, %parallel_loop3A_890 : i32
        %parallel_loop3A_895 = arith.index_cast %parallel_loop3A_894 : i32 to index
        %parallel_loop3A_896 = tpu.vector_load %arg12[%parallel_loop3A_895] {strides = array<i32>} : memref<10240xf32, #tpu.memory_space<vmem>>, vector<16xf32>,
        %parallel_loop3A_897 = tpu.pack_subelements %parallel_loop3A_893, %parallel_loop3A_896 {pack_format = #tpu.pack_format<interleaved>, positions = array<i32: 0, 1>} : vector<16xf32>, vector<16xf32> -> vector<32xbf16>
        %parallel_loop3A_898 = vector.bitcast %parallel_loop3A_897 : vector<32xbf16> to vector<16xi32>
        %parallel_loop3A_899 = arith.index_cast %parallel_loop3A_890 : i32 to index
        %parallel_loop3A_900 = tpu.vector_load %arg13[%parallel_loop3A_899] {strides = array<i32>} : memref<2048xi32, #tpu.memory_space<vmem>>, vector<16xi32>,
        tpu.vector_store %arg13[%parallel_loop3A_899], %parallel_loop3A_898 {strides = array<i32>} : memref<2048xi32, #tpu.memory_space<vmem>>, vector<16xi32>,
      } {sc.loop_unroll_factor = 2 : i64, sc.parallel_access}
      %dma_wait3A_547 = tpu.memref_slice %arg5[%add3A_365] : memref<12582912xf32, #tpu.memory_space<hbm>> -> memref<16384xf32, #tpu.memory_space<hbm>>
      %dma_wait3A_548 = tpu.memref_slice %arg5[%add3A_365] : memref<12582912xf32, #tpu.memory_space<hbm>> -> memref<16384xf32, #tpu.memory_space<hbm>>
      tpu.wait_dma2 semaphore(%arg20 : memref<!tpu.dma_semaphore, #tpu.memory_space<semaphore_mem>>) src(%arg8 : memref<16384xf32, #tpu.memory_space<vmem>>) dst(%dma_wait3A_548 : memref<16384xf32, #tpu.memory_space<hbm>>)
      %dma_wait3A_549 = tpu.memref_slice %arg2[%add3A_369] : memref<12582912xf32, #tpu.memory_space<hbm>> -> memref<16384xf32, #tpu.memory_space<hbm>>
      %dma_wait3A_550 = tpu.memref_slice %arg2[%add3A_369] : memref<12582912xf32, #tpu.memory_space<hbm>> -> memref<16384xf32, #tpu.memory_space<hbm>>
      tpu.wait_dma2 semaphore(%arg17 : memref<!tpu.dma_semaphore, #tpu.memory_space<semaphore_mem>>) src(%dma_wait3A_550 : memref<16384xf32, #tpu.memory_space<hbm>>) dst(%arg6 : memref<16384xf32, #tpu.memory_space<vmem>>)
      %parallel_loop3A_551 = arith.constant 0 : i32
      %parallel_loop3A_552 = arith.constant 32 : i32
      %parallel_loop3A_553 = arith.constant 1 : i32
      scf.for %parallel_loop3A_844 = %parallel_loop3A_551 to %parallel_loop3A_552 step %parallel_loop3A_553  : i32 {
        %parallel_loop3A_845 = arith.sitofp %parallel_loop3A_844 : i32 to f32
        %parallel_loop3A_846 = arith.addf %convert_element_type3A_543, %parallel_loop3A_845 : f32
        %parallel_loop3A_847 = arith.constant 6.300000e+01 : f32
        %parallel_loop3A_848 = arith.subf %parallel_loop3A_847, %parallel_loop3A_846 : f32
        %parallel_loop3A_849 = arith.constant 0.0158730168 : f32
        %parallel_loop3A_850 = arith.mulf %parallel_loop3A_848, %parallel_loop3A_849 : f32
        %parallel_loop3A_851 = arith.constant 1.000000e+00 : f32
        %parallel_loop3A_852 = arith.select %and3A_525, %parallel_loop3A_850, %parallel_loop3A_851 : f32
        %parallel_loop3A_853 = arith.constant 1.000000e+00 : f32
        %parallel_loop3A_854 = arith.subf %parallel_loop3A_853, %parallel_loop3A_852 : f32
        %parallel_loop3A_855 = arith.constant 512 : i32
        %parallel_loop3A_856 = arith.muli %parallel_loop3A_844, %parallel_loop3A_855 : i32
        %parallel_loop3A_857 = arith.constant 0 : i32
        %parallel_loop3A_858 = arith.constant 32 : i32
        %parallel_loop3A_859 = arith.constant 1 : i32
        scf.for %parallel_loop3A_860 = %parallel_loop3A_857 to %parallel_loop3A_858 step %parallel_loop3A_859  : i32 {
          %parallel_loop3A_861 = arith.constant 16 : i32
          %parallel_loop3A_862 = arith.muli %parallel_loop3A_860, %parallel_loop3A_861 : i32
          %parallel_loop3A_863 = arith.addi %parallel_loop3A_856, %parallel_loop3A_862 : i32
          %parallel_loop3A_864 = arith.index_cast %parallel_loop3A_863 : i32 to index
          %parallel_loop3A_865 = tpu.vector_load %arg6[%parallel_loop3A_864] {strides = array<i32>} : memref<16384xf32, #tpu.memory_space<vmem>>, vector<16xf32>,
          %parallel_loop3A_866 = arith.constant 2.550000e+02 : f32
          %parallel_loop3A_867 = vector.broadcast %parallel_loop3A_866 : f32 to vector<16xf32>
          %parallel_loop3A_868 = arith.mulf %parallel_loop3A_865, %parallel_loop3A_867 : vector<16xf32>
          %parallel_loop3A_869 = arith.fptosi %parallel_loop3A_868 : vector<16xf32> to vector<16xi32>
          %parallel_loop3A_870 = arith.constant 16 : i32
          %parallel_loop3A_871 = arith.muli %parallel_loop3A_860, %parallel_loop3A_870 : i32
          %parallel_loop3A_872 = arith.index_cast %parallel_loop3A_871 : i32 to index
          %parallel_loop3A_873 = tpu.vector_load %arg14[%parallel_loop3A_872] {strides = array<i32>} : memref<512xi32, #tpu.memory_space<vmem>>, vector<16xi32>,
          %parallel_loop3A_874 = arith.constant 65535 : i32
          %parallel_loop3A_875 = vector.broadcast %parallel_loop3A_874 : i32 to vector<16xi32>
          %parallel_loop3A_876 = arith.andi %parallel_loop3A_873, %parallel_loop3A_875 : vector<16xi32>
          %parallel_loop3A_877 = arith.constant 16 : i32
          %parallel_loop3A_878 = vector.broadcast %parallel_loop3A_877 : i32 to vector<16xi32>
          %parallel_loop3A_879 = arith.shrui %parallel_loop3A_873, %parallel_loop3A_878 : vector<16xi32>
          %parallel_loop3A_880 = arith.addi %parallel_loop3A_869, %parallel_loop3A_876 : vector<16xi32>
          %parallel_loop3A_881 = tpu.vector_load_idx %arg13[%parallel_loop3A_880] : memref<2048xi32, #tpu.memory_space<vmem>>[vector<16xi32>], vector<16xi32>,
          %parallel_loop3A_882 = arith.addi %parallel_loop3A_869, %parallel_loop3A_879 : vector<16xi32>
          %parallel_loop3A_883 = tpu.vector_load_idx %arg13[%parallel_loop3A_882] : memref<2048xi32, #tpu.memory_space<vmem>>[vector<16xi32>], vector<16xi32>,
          %parallel_loop3A_884 = vector.bitcast %parallel_loop3A_881 : vector<16xi32> to vector<32xbf16>
          %parallel_loop3A_885 = tpu.unpack_subelements %parallel_loop3A_884, 0 {pack_format = #tpu.pack_format<interleaved>} : vector<32xbf16> -> vector<16xf32>
          %parallel_loop3A_886 = tpu.unpack_subelements %parallel_loop3A_884, 1 {pack_format = #tpu.pack_format<interleaved>} : vector<32xbf16> -> vector<16xf32>
          %parallel_loop3A_887 = vector.bitcast %parallel_loop3A_883 : vector<16xi32> to vector<32xbf16>
          %parallel_loop3A_888 = tpu.unpack_subelements %parallel_loop3A_887, 0 {pack_format = #tpu.pack_format<interleaved>} : vector<32xbf16> -> vector<16xf32>
          %parallel_loop3A_889 = tpu.unpack_subelements %parallel_loop3A_887, 1 {pack_format = #tpu.pack_format<interleaved>} : vector<32xbf16> -> vector<16xf32>
          %parallel_loop3A_890 = arith.constant 16 : i32
          %parallel_loop3A_891 = arith.muli %parallel_loop3A_860, %parallel_loop3A_890 : i32
          %parallel_loop3A_892 = arith.index_cast %parallel_loop3A_891 : i32 to index
          %parallel_loop3A_893 = tpu.vector_load %arg15[%parallel_loop3A_892] {strides = array<i32>} : memref<512xf32, #tpu.memory_space<vmem>>, vector<16xf32>,
          %parallel_loop3A_894 = arith.constant 1.000000e+00 : f32
          %parallel_loop3A_895 = vector.broadcast %parallel_loop3A_894 : f32 to vector<16xf32>
          %parallel_loop3A_896 = arith.subf %parallel_loop3A_895, %parallel_loop3A_893 : vector<16xf32>
          %parallel_loop3A_897 = vector.broadcast %parallel_loop3A_852 : f32 to vector<16xf32>
          %parallel_loop3A_898 = arith.mulf %parallel_loop3A_897, %parallel_loop3A_885 : vector<16xf32>
          %parallel_loop3A_899 = vector.broadcast %parallel_loop3A_854 : f32 to vector<16xf32>
          %parallel_loop3A_900 = arith.mulf %parallel_loop3A_899, %parallel_loop3A_886 : vector<16xf32>
          %parallel_loop3A_901 = arith.addf %parallel_loop3A_898, %parallel_loop3A_900 : vector<16xf32>
          %parallel_loop3A_902 = vector.broadcast %parallel_loop3A_852 : f32 to vector<16xf32>
          %parallel_loop3A_903 = arith.mulf %parallel_loop3A_902, %parallel_loop3A_888 : vector<16xf32>
          %parallel_loop3A_904 = vector.broadcast %parallel_loop3A_854 : f32 to vector<16xf32>
          %parallel_loop3A_905 = arith.mulf %parallel_loop3A_904, %parallel_loop3A_889 : vector<16xf32>
          %parallel_loop3A_906 = arith.addf %parallel_loop3A_903, %parallel_loop3A_905 : vector<16xf32>
          %parallel_loop3A_907 = arith.mulf %parallel_loop3A_893, %parallel_loop3A_901 : vector<16xf32>
          %parallel_loop3A_908 = arith.mulf %parallel_loop3A_896, %parallel_loop3A_906 : vector<16xf32>
          %parallel_loop3A_909 = arith.addf %parallel_loop3A_907, %parallel_loop3A_908 : vector<16xf32>
          %parallel_loop3A_910 = arith.constant 0.00392156886 : f32
          %parallel_loop3A_911 = vector.broadcast %parallel_loop3A_910 : f32 to vector<16xf32>
          %parallel_loop3A_912 = arith.mulf %parallel_loop3A_909, %parallel_loop3A_911 : vector<16xf32>
          %parallel_loop3A_913 = arith.constant 16 : i32
          %parallel_loop3A_914 = arith.muli %parallel_loop3A_860, %parallel_loop3A_913 : i32
          %parallel_loop3A_915 = arith.addi %parallel_loop3A_856, %parallel_loop3A_914 : i32
          %parallel_loop3A_916 = arith.index_cast %parallel_loop3A_915 : i32 to index
          %parallel_loop3A_917 = tpu.vector_load %arg8[%parallel_loop3A_916] {strides = array<i32>} : memref<16384xf32, #tpu.memory_space<vmem>>, vector<16xf32>,
          tpu.vector_store %arg8[%parallel_loop3A_916], %parallel_loop3A_912 {strides = array<i32>} : memref<16384xf32, #tpu.memory_space<vmem>>, vector<16xf32>,
        } {sc.loop_unroll_factor = 4 : i64, sc.parallel_access}
      } {sc.loop_unroll_factor = 1 : i64, sc.parallel_access}
      %add3A_554 = arith.constant 65536 : i32
      %add3A_555 = arith.addi %add3A_79, %add3A_554 : i32
      %dma_start3A_556 = tpu.memref_slice %arg5[%add3A_555] : memref<12582912xf32, #tpu.memory_space<hbm>> -> memref<16384xf32, #tpu.memory_space<hbm>>
      %dma_start3A_557 = tpu.memref_slice %arg5[%add3A_555] : memref<12582912xf32, #tpu.memory_space<hbm>> -> memref<16384xf32, #tpu.memory_space<hbm>>
      tpu.enqueue_dma source(%arg8 : memref<16384xf32, #tpu.memory_space<vmem>>) target(%dma_start3A_557 : memref<16384xf32, #tpu.memory_space<hbm>>) target_semaphore(%arg20 : memref<!tpu.dma_semaphore, #tpu.memory_space<semaphore_mem>>)
      %add3A_558 = arith.constant 98304 : i32
      %add3A_559 = arith.addi %add3A_79, %add3A_558 : i32
      %dma_start3A_560 = tpu.memref_slice %arg2[%add3A_559] : memref<12582912xf32, #tpu.memory_space<hbm>> -> memref<16384xf32, #tpu.memory_space<hbm>>
      %dma_start3A_561 = tpu.memref_slice %arg2[%add3A_559] : memref<12582912xf32, #tpu.memory_space<hbm>> -> memref<16384xf32, #tpu.memory_space<hbm>>
      tpu.enqueue_dma source(%dma_start3A_561 : memref<16384xf32, #tpu.memory_space<hbm>>) target(%arg6 : memref<16384xf32, #tpu.memory_space<vmem>>) target_semaphore(%arg17 : memref<!tpu.dma_semaphore, #tpu.memory_space<semaphore_mem>>)
      %mul3A_562 = arith.constant 8 : i32
      %mul3A_563 = arith.muli %select_n3A_69, %mul3A_562 : i32
      %add3A_564 = arith.constant 5 : i32
      %add3A_565 = arith.addi %mul3A_563, %add3A_564 : i32
      %sub3A_566 = arith.constant 1 : i32
      %sub3A_567 = arith.subi %add3A_565, %sub3A_566 : i32
      %jit3A_568 = arith.constant 2 : i32
      %div3A_569 = arith.divsi %sub3A_567, %jit3A_568 : i32
      %sign3A_570 = arith.constant 0 : i32
      %sign3A_571 = arith.cmpi sgt, %sub3A_567, %sign3A_570 : i32
      %sign3A_572 = arith.extui %sign3A_571 : i1 to i32
      %sign3A_573 = arith.constant 0 : i32
      %sign3A_574 = arith.cmpi slt, %sub3A_567, %sign3A_573 : i32
      %sign3A_575 = arith.extui %sign3A_574 : i1 to i32
      %sign3A_576 = arith.subi %sign3A_572, %sign3A_575 : i32
      %sign3A_577 = arith.constant 0 : i32
      %sign3A_578 = arith.cmpi sgt, %jit3A_568, %sign3A_577 : i32
      %sign3A_579 = arith.extui %sign3A_578 : i1 to i32
      %sign3A_580 = arith.constant 0 : i32
      %sign3A_581 = arith.cmpi slt, %jit3A_568, %sign3A_580 : i32
      %sign3A_582 = arith.extui %sign3A_581 : i1 to i32
      %sign3A_583 = arith.subi %sign3A_579, %sign3A_582 : i32
      %ne3A_584 = arith.cmpi ne, %sign3A_576, %sign3A_583 : i32
      %rem3A_585 = arith.remsi %sub3A_567, %jit3A_568 : i32
      %ne3A_586 = arith.constant 0 : i32
      %ne3A_587 = arith.cmpi ne, %rem3A_585, %ne3A_586 : i32
      %and3A_588 = arith.andi %ne3A_584, %ne3A_587 : i1
      %sub3A_589 = arith.constant 1 : i32
      %sub3A_590 = arith.subi %div3A_569, %sub3A_589 : i32
      %select_n3A_591 = arith.select %and3A_588, %sub3A_590, %div3A_569 : i32
      %jit3A_592 = arith.constant 0 : i32
      %jit3A_593 = arith.constant 6 : i32
      %max3A_594 = arith.maxsi %jit3A_592, %select_n3A_591 : i32
      %min3A_595 = arith.minsi %jit3A_593, %max3A_594 : i32
      %eq3A_596 = arith.constant 0 : i32
      %eq3A_597 = arith.cmpi eq, %add3A_565, %eq3A_596 : i32
      %eq3A_598 = arith.constant 15 : i32
      %eq3A_599 = arith.cmpi eq, %add3A_565, %eq3A_598 : i32
      %jit3A_600 = arith.constant 7 : i32
      %select_n3A_601 = arith.select %eq3A_599, %jit3A_600, %min3A_595 : i32
      %jit3A_602 = arith.constant 0 : i32
      %select_n3A_603 = arith.select %eq3A_597, %jit3A_602, %select_n3A_601 : i32
      %eq3A_604 = arith.constant 0 : i32
      %eq3A_605 = arith.cmpi eq, %add3A_565, %eq3A_604 : i32
      %eq3A_606 = arith.constant 15 : i32
      %eq3A_607 = arith.cmpi eq, %add3A_565, %eq3A_606 : i32
      %add3A_608 = arith.constant 1 : i32
      %add3A_609 = arith.addi %min3A_595, %add3A_608 : i32
      %min3A_610 = arith.constant 7 : i32
      %min3A_611 = arith.minsi %add3A_609, %min3A_610 : i32
      %jit3A_612 = arith.constant 7 : i32
      %select_n3A_613 = arith.select %eq3A_607, %jit3A_612, %min3A_611 : i32
      %jit3A_614 = arith.constant 0 : i32
      %select_n3A_615 = arith.select %eq3A_605, %jit3A_614, %select_n3A_613 : i32
      %gt3A_616 = arith.constant 0 : i32
      %gt3A_617 = arith.cmpi sgt, %add3A_565, %gt3A_616 : i32
      %lt3A_618 = arith.constant 15 : i32
      %lt3A_619 = arith.cmpi slt, %add3A_565, %lt3A_618 : i32
      %and3A_620 = arith.andi %gt3A_617, %lt3A_619 : i1
      %sub3A_621 = arith.subi %select_n3A_603, %mul3A_71 : i32
      %mul3A_622 = arith.constant 2048 : i32
      %mul3A_623 = arith.muli %sub3A_621, %mul3A_622 : i32
      %sub3A_624 = arith.subi %select_n3A_615, %mul3A_71 : i32
      %mul3A_625 = arith.constant 2048 : i32
      %mul3A_626 = arith.muli %sub3A_624, %mul3A_625 : i32
      %mul3A_627 = arith.constant 256 : i32
      %mul3A_628 = arith.muli %select_n3A_69, %mul3A_627 : i32
      %add3A_629 = arith.constant 160 : i32
      %add3A_630 = arith.addi %mul3A_628, %add3A_629 : i32
      %mul3A_631 = arith.constant 2 : i32
      %mul3A_632 = arith.muli %mul3A_631, %min3A_595 : i32
      %add3A_633 = arith.constant 1 : i32
      %add3A_634 = arith.addi %mul3A_632, %add3A_633 : i32
      %mul3A_635 = arith.constant 32 : i32
      %mul3A_636 = arith.muli %add3A_634, %mul3A_635 : i32
      %sub3A_637 = arith.subi %add3A_630, %mul3A_636 : i32
      %convert_element_type3A_638 = arith.sitofp %sub3A_637 : i32 to f32
      %parallel_loop3A_639 = arith.constant 0 : i32
      %parallel_loop3A_640 = arith.constant 32 : i32
      %parallel_loop3A_641 = arith.constant 1 : i32
      scf.for %parallel_loop3A_844 = %parallel_loop3A_639 to %parallel_loop3A_640 step %parallel_loop3A_641  : i32 {
        %parallel_loop3A_845 = arith.constant 64 : i32
        %parallel_loop3A_846 = arith.muli %parallel_loop3A_844, %parallel_loop3A_845 : i32
        %parallel_loop3A_847 = arith.constant 0 : i32
        %parallel_loop3A_848 = arith.addi %parallel_loop3A_846, %parallel_loop3A_847 : i32
        %parallel_loop3A_849 = arith.addi %mul3A_623, %parallel_loop3A_848 : i32
        %parallel_loop3A_850 = arith.index_cast %parallel_loop3A_849 : i32 to index
        %parallel_loop3A_851 = tpu.vector_load %arg12[%parallel_loop3A_850] {strides = array<i32>} : memref<10240xf32, #tpu.memory_space<vmem>>, vector<16xf32>,
        %parallel_loop3A_852 = arith.addi %mul3A_626, %parallel_loop3A_848 : i32
        %parallel_loop3A_853 = arith.index_cast %parallel_loop3A_852 : i32 to index
        %parallel_loop3A_854 = tpu.vector_load %arg12[%parallel_loop3A_853] {strides = array<i32>} : memref<10240xf32, #tpu.memory_space<vmem>>, vector<16xf32>,
        %parallel_loop3A_855 = tpu.pack_subelements %parallel_loop3A_851, %parallel_loop3A_854 {pack_format = #tpu.pack_format<interleaved>, positions = array<i32: 0, 1>} : vector<16xf32>, vector<16xf32> -> vector<32xbf16>
        %parallel_loop3A_856 = vector.bitcast %parallel_loop3A_855 : vector<32xbf16> to vector<16xi32>
        %parallel_loop3A_857 = arith.index_cast %parallel_loop3A_848 : i32 to index
        %parallel_loop3A_858 = tpu.vector_load %arg13[%parallel_loop3A_857] {strides = array<i32>} : memref<2048xi32, #tpu.memory_space<vmem>>, vector<16xi32>,
        tpu.vector_store %arg13[%parallel_loop3A_857], %parallel_loop3A_856 {strides = array<i32>} : memref<2048xi32, #tpu.memory_space<vmem>>, vector<16xi32>,
        %parallel_loop3A_859 = arith.constant 64 : i32
        %parallel_loop3A_860 = arith.muli %parallel_loop3A_844, %parallel_loop3A_859 : i32
        %parallel_loop3A_861 = arith.constant 16 : i32
        %parallel_loop3A_862 = arith.addi %parallel_loop3A_860, %parallel_loop3A_861 : i32
        %parallel_loop3A_863 = arith.addi %mul3A_623, %parallel_loop3A_862 : i32
        %parallel_loop3A_864 = arith.index_cast %parallel_loop3A_863 : i32 to index
        %parallel_loop3A_865 = tpu.vector_load %arg12[%parallel_loop3A_864] {strides = array<i32>} : memref<10240xf32, #tpu.memory_space<vmem>>, vector<16xf32>,
        %parallel_loop3A_866 = arith.addi %mul3A_626, %parallel_loop3A_862 : i32
        %parallel_loop3A_867 = arith.index_cast %parallel_loop3A_866 : i32 to index
        %parallel_loop3A_868 = tpu.vector_load %arg12[%parallel_loop3A_867] {strides = array<i32>} : memref<10240xf32, #tpu.memory_space<vmem>>, vector<16xf32>,
        %parallel_loop3A_869 = tpu.pack_subelements %parallel_loop3A_865, %parallel_loop3A_868 {pack_format = #tpu.pack_format<interleaved>, positions = array<i32: 0, 1>} : vector<16xf32>, vector<16xf32> -> vector<32xbf16>
        %parallel_loop3A_870 = vector.bitcast %parallel_loop3A_869 : vector<32xbf16> to vector<16xi32>
        %parallel_loop3A_871 = arith.index_cast %parallel_loop3A_862 : i32 to index
        %parallel_loop3A_872 = tpu.vector_load %arg13[%parallel_loop3A_871] {strides = array<i32>} : memref<2048xi32, #tpu.memory_space<vmem>>, vector<16xi32>,
        tpu.vector_store %arg13[%parallel_loop3A_871], %parallel_loop3A_870 {strides = array<i32>} : memref<2048xi32, #tpu.memory_space<vmem>>, vector<16xi32>,
        %parallel_loop3A_873 = arith.constant 64 : i32
        %parallel_loop3A_874 = arith.muli %parallel_loop3A_844, %parallel_loop3A_873 : i32
        %parallel_loop3A_875 = arith.constant 32 : i32
        %parallel_loop3A_876 = arith.addi %parallel_loop3A_874, %parallel_loop3A_875 : i32
        %parallel_loop3A_877 = arith.addi %mul3A_623, %parallel_loop3A_876 : i32
        %parallel_loop3A_878 = arith.index_cast %parallel_loop3A_877 : i32 to index
        %parallel_loop3A_879 = tpu.vector_load %arg12[%parallel_loop3A_878] {strides = array<i32>} : memref<10240xf32, #tpu.memory_space<vmem>>, vector<16xf32>,
        %parallel_loop3A_880 = arith.addi %mul3A_626, %parallel_loop3A_876 : i32
        %parallel_loop3A_881 = arith.index_cast %parallel_loop3A_880 : i32 to index
        %parallel_loop3A_882 = tpu.vector_load %arg12[%parallel_loop3A_881] {strides = array<i32>} : memref<10240xf32, #tpu.memory_space<vmem>>, vector<16xf32>,
        %parallel_loop3A_883 = tpu.pack_subelements %parallel_loop3A_879, %parallel_loop3A_882 {pack_format = #tpu.pack_format<interleaved>, positions = array<i32: 0, 1>} : vector<16xf32>, vector<16xf32> -> vector<32xbf16>
        %parallel_loop3A_884 = vector.bitcast %parallel_loop3A_883 : vector<32xbf16> to vector<16xi32>
        %parallel_loop3A_885 = arith.index_cast %parallel_loop3A_876 : i32 to index
        %parallel_loop3A_886 = tpu.vector_load %arg13[%parallel_loop3A_885] {strides = array<i32>} : memref<2048xi32, #tpu.memory_space<vmem>>, vector<16xi32>,
        tpu.vector_store %arg13[%parallel_loop3A_885], %parallel_loop3A_884 {strides = array<i32>} : memref<2048xi32, #tpu.memory_space<vmem>>, vector<16xi32>,
        %parallel_loop3A_887 = arith.constant 64 : i32
        %parallel_loop3A_888 = arith.muli %parallel_loop3A_844, %parallel_loop3A_887 : i32
        %parallel_loop3A_889 = arith.constant 48 : i32
        %parallel_loop3A_890 = arith.addi %parallel_loop3A_888, %parallel_loop3A_889 : i32
        %parallel_loop3A_891 = arith.addi %mul3A_623, %parallel_loop3A_890 : i32
        %parallel_loop3A_892 = arith.index_cast %parallel_loop3A_891 : i32 to index
        %parallel_loop3A_893 = tpu.vector_load %arg12[%parallel_loop3A_892] {strides = array<i32>} : memref<10240xf32, #tpu.memory_space<vmem>>, vector<16xf32>,
        %parallel_loop3A_894 = arith.addi %mul3A_626, %parallel_loop3A_890 : i32
        %parallel_loop3A_895 = arith.index_cast %parallel_loop3A_894 : i32 to index
        %parallel_loop3A_896 = tpu.vector_load %arg12[%parallel_loop3A_895] {strides = array<i32>} : memref<10240xf32, #tpu.memory_space<vmem>>, vector<16xf32>,
        %parallel_loop3A_897 = tpu.pack_subelements %parallel_loop3A_893, %parallel_loop3A_896 {pack_format = #tpu.pack_format<interleaved>, positions = array<i32: 0, 1>} : vector<16xf32>, vector<16xf32> -> vector<32xbf16>
        %parallel_loop3A_898 = vector.bitcast %parallel_loop3A_897 : vector<32xbf16> to vector<16xi32>
        %parallel_loop3A_899 = arith.index_cast %parallel_loop3A_890 : i32 to index
        %parallel_loop3A_900 = tpu.vector_load %arg13[%parallel_loop3A_899] {strides = array<i32>} : memref<2048xi32, #tpu.memory_space<vmem>>, vector<16xi32>,
        tpu.vector_store %arg13[%parallel_loop3A_899], %parallel_loop3A_898 {strides = array<i32>} : memref<2048xi32, #tpu.memory_space<vmem>>, vector<16xi32>,
      } {sc.loop_unroll_factor = 2 : i64, sc.parallel_access}
      %dma_wait3A_642 = tpu.memref_slice %arg5[%add3A_460] : memref<12582912xf32, #tpu.memory_space<hbm>> -> memref<16384xf32, #tpu.memory_space<hbm>>
      %dma_wait3A_643 = tpu.memref_slice %arg5[%add3A_460] : memref<12582912xf32, #tpu.memory_space<hbm>> -> memref<16384xf32, #tpu.memory_space<hbm>>
      tpu.wait_dma2 semaphore(%arg21 : memref<!tpu.dma_semaphore, #tpu.memory_space<semaphore_mem>>) src(%arg9 : memref<16384xf32, #tpu.memory_space<vmem>>) dst(%dma_wait3A_643 : memref<16384xf32, #tpu.memory_space<hbm>>)
      %dma_wait3A_644 = tpu.memref_slice %arg2[%add3A_464] : memref<12582912xf32, #tpu.memory_space<hbm>> -> memref<16384xf32, #tpu.memory_space<hbm>>
      %dma_wait3A_645 = tpu.memref_slice %arg2[%add3A_464] : memref<12582912xf32, #tpu.memory_space<hbm>> -> memref<16384xf32, #tpu.memory_space<hbm>>
      tpu.wait_dma2 semaphore(%arg18 : memref<!tpu.dma_semaphore, #tpu.memory_space<semaphore_mem>>) src(%dma_wait3A_645 : memref<16384xf32, #tpu.memory_space<hbm>>) dst(%arg7 : memref<16384xf32, #tpu.memory_space<vmem>>)
      %parallel_loop3A_646 = arith.constant 0 : i32
      %parallel_loop3A_647 = arith.constant 32 : i32
      %parallel_loop3A_648 = arith.constant 1 : i32
      scf.for %parallel_loop3A_844 = %parallel_loop3A_646 to %parallel_loop3A_647 step %parallel_loop3A_648  : i32 {
        %parallel_loop3A_845 = arith.sitofp %parallel_loop3A_844 : i32 to f32
        %parallel_loop3A_846 = arith.addf %convert_element_type3A_638, %parallel_loop3A_845 : f32
        %parallel_loop3A_847 = arith.constant 6.300000e+01 : f32
        %parallel_loop3A_848 = arith.subf %parallel_loop3A_847, %parallel_loop3A_846 : f32
        %parallel_loop3A_849 = arith.constant 0.0158730168 : f32
        %parallel_loop3A_850 = arith.mulf %parallel_loop3A_848, %parallel_loop3A_849 : f32
        %parallel_loop3A_851 = arith.constant 1.000000e+00 : f32
        %parallel_loop3A_852 = arith.select %and3A_620, %parallel_loop3A_850, %parallel_loop3A_851 : f32
        %parallel_loop3A_853 = arith.constant 1.000000e+00 : f32
        %parallel_loop3A_854 = arith.subf %parallel_loop3A_853, %parallel_loop3A_852 : f32
        %parallel_loop3A_855 = arith.constant 512 : i32
        %parallel_loop3A_856 = arith.muli %parallel_loop3A_844, %parallel_loop3A_855 : i32
        %parallel_loop3A_857 = arith.constant 0 : i32
        %parallel_loop3A_858 = arith.constant 32 : i32
        %parallel_loop3A_859 = arith.constant 1 : i32
        scf.for %parallel_loop3A_860 = %parallel_loop3A_857 to %parallel_loop3A_858 step %parallel_loop3A_859  : i32 {
          %parallel_loop3A_861 = arith.constant 16 : i32
          %parallel_loop3A_862 = arith.muli %parallel_loop3A_860, %parallel_loop3A_861 : i32
          %parallel_loop3A_863 = arith.addi %parallel_loop3A_856, %parallel_loop3A_862 : i32
          %parallel_loop3A_864 = arith.index_cast %parallel_loop3A_863 : i32 to index
          %parallel_loop3A_865 = tpu.vector_load %arg7[%parallel_loop3A_864] {strides = array<i32>} : memref<16384xf32, #tpu.memory_space<vmem>>, vector<16xf32>,
          %parallel_loop3A_866 = arith.constant 2.550000e+02 : f32
          %parallel_loop3A_867 = vector.broadcast %parallel_loop3A_866 : f32 to vector<16xf32>
          %parallel_loop3A_868 = arith.mulf %parallel_loop3A_865, %parallel_loop3A_867 : vector<16xf32>
          %parallel_loop3A_869 = arith.fptosi %parallel_loop3A_868 : vector<16xf32> to vector<16xi32>
          %parallel_loop3A_870 = arith.constant 16 : i32
          %parallel_loop3A_871 = arith.muli %parallel_loop3A_860, %parallel_loop3A_870 : i32
          %parallel_loop3A_872 = arith.index_cast %parallel_loop3A_871 : i32 to index
          %parallel_loop3A_873 = tpu.vector_load %arg14[%parallel_loop3A_872] {strides = array<i32>} : memref<512xi32, #tpu.memory_space<vmem>>, vector<16xi32>,
          %parallel_loop3A_874 = arith.constant 65535 : i32
          %parallel_loop3A_875 = vector.broadcast %parallel_loop3A_874 : i32 to vector<16xi32>
          %parallel_loop3A_876 = arith.andi %parallel_loop3A_873, %parallel_loop3A_875 : vector<16xi32>
          %parallel_loop3A_877 = arith.constant 16 : i32
          %parallel_loop3A_878 = vector.broadcast %parallel_loop3A_877 : i32 to vector<16xi32>
          %parallel_loop3A_879 = arith.shrui %parallel_loop3A_873, %parallel_loop3A_878 : vector<16xi32>
          %parallel_loop3A_880 = arith.addi %parallel_loop3A_869, %parallel_loop3A_876 : vector<16xi32>
          %parallel_loop3A_881 = tpu.vector_load_idx %arg13[%parallel_loop3A_880] : memref<2048xi32, #tpu.memory_space<vmem>>[vector<16xi32>], vector<16xi32>,
          %parallel_loop3A_882 = arith.addi %parallel_loop3A_869, %parallel_loop3A_879 : vector<16xi32>
          %parallel_loop3A_883 = tpu.vector_load_idx %arg13[%parallel_loop3A_882] : memref<2048xi32, #tpu.memory_space<vmem>>[vector<16xi32>], vector<16xi32>,
          %parallel_loop3A_884 = vector.bitcast %parallel_loop3A_881 : vector<16xi32> to vector<32xbf16>
          %parallel_loop3A_885 = tpu.unpack_subelements %parallel_loop3A_884, 0 {pack_format = #tpu.pack_format<interleaved>} : vector<32xbf16> -> vector<16xf32>
          %parallel_loop3A_886 = tpu.unpack_subelements %parallel_loop3A_884, 1 {pack_format = #tpu.pack_format<interleaved>} : vector<32xbf16> -> vector<16xf32>
          %parallel_loop3A_887 = vector.bitcast %parallel_loop3A_883 : vector<16xi32> to vector<32xbf16>
          %parallel_loop3A_888 = tpu.unpack_subelements %parallel_loop3A_887, 0 {pack_format = #tpu.pack_format<interleaved>} : vector<32xbf16> -> vector<16xf32>
          %parallel_loop3A_889 = tpu.unpack_subelements %parallel_loop3A_887, 1 {pack_format = #tpu.pack_format<interleaved>} : vector<32xbf16> -> vector<16xf32>
          %parallel_loop3A_890 = arith.constant 16 : i32
          %parallel_loop3A_891 = arith.muli %parallel_loop3A_860, %parallel_loop3A_890 : i32
          %parallel_loop3A_892 = arith.index_cast %parallel_loop3A_891 : i32 to index
          %parallel_loop3A_893 = tpu.vector_load %arg15[%parallel_loop3A_892] {strides = array<i32>} : memref<512xf32, #tpu.memory_space<vmem>>, vector<16xf32>,
          %parallel_loop3A_894 = arith.constant 1.000000e+00 : f32
          %parallel_loop3A_895 = vector.broadcast %parallel_loop3A_894 : f32 to vector<16xf32>
          %parallel_loop3A_896 = arith.subf %parallel_loop3A_895, %parallel_loop3A_893 : vector<16xf32>
          %parallel_loop3A_897 = vector.broadcast %parallel_loop3A_852 : f32 to vector<16xf32>
          %parallel_loop3A_898 = arith.mulf %parallel_loop3A_897, %parallel_loop3A_885 : vector<16xf32>
          %parallel_loop3A_899 = vector.broadcast %parallel_loop3A_854 : f32 to vector<16xf32>
          %parallel_loop3A_900 = arith.mulf %parallel_loop3A_899, %parallel_loop3A_886 : vector<16xf32>
          %parallel_loop3A_901 = arith.addf %parallel_loop3A_898, %parallel_loop3A_900 : vector<16xf32>
          %parallel_loop3A_902 = vector.broadcast %parallel_loop3A_852 : f32 to vector<16xf32>
          %parallel_loop3A_903 = arith.mulf %parallel_loop3A_902, %parallel_loop3A_888 : vector<16xf32>
          %parallel_loop3A_904 = vector.broadcast %parallel_loop3A_854 : f32 to vector<16xf32>
          %parallel_loop3A_905 = arith.mulf %parallel_loop3A_904, %parallel_loop3A_889 : vector<16xf32>
          %parallel_loop3A_906 = arith.addf %parallel_loop3A_903, %parallel_loop3A_905 : vector<16xf32>
          %parallel_loop3A_907 = arith.mulf %parallel_loop3A_893, %parallel_loop3A_901 : vector<16xf32>
          %parallel_loop3A_908 = arith.mulf %parallel_loop3A_896, %parallel_loop3A_906 : vector<16xf32>
          %parallel_loop3A_909 = arith.addf %parallel_loop3A_907, %parallel_loop3A_908 : vector<16xf32>
          %parallel_loop3A_910 = arith.constant 0.00392156886 : f32
          %parallel_loop3A_911 = vector.broadcast %parallel_loop3A_910 : f32 to vector<16xf32>
          %parallel_loop3A_912 = arith.mulf %parallel_loop3A_909, %parallel_loop3A_911 : vector<16xf32>
          %parallel_loop3A_913 = arith.constant 16 : i32
          %parallel_loop3A_914 = arith.muli %parallel_loop3A_860, %parallel_loop3A_913 : i32
          %parallel_loop3A_915 = arith.addi %parallel_loop3A_856, %parallel_loop3A_914 : i32
          %parallel_loop3A_916 = arith.index_cast %parallel_loop3A_915 : i32 to index
          %parallel_loop3A_917 = tpu.vector_load %arg9[%parallel_loop3A_916] {strides = array<i32>} : memref<16384xf32, #tpu.memory_space<vmem>>, vector<16xf32>,
          tpu.vector_store %arg9[%parallel_loop3A_916], %parallel_loop3A_912 {strides = array<i32>} : memref<16384xf32, #tpu.memory_space<vmem>>, vector<16xf32>,
        } {sc.loop_unroll_factor = 4 : i64, sc.parallel_access}
      } {sc.loop_unroll_factor = 1 : i64, sc.parallel_access}
      %add3A_649 = arith.constant 81920 : i32
      %add3A_650 = arith.addi %add3A_79, %add3A_649 : i32
      %dma_start3A_651 = tpu.memref_slice %arg5[%add3A_650] : memref<12582912xf32, #tpu.memory_space<hbm>> -> memref<16384xf32, #tpu.memory_space<hbm>>
      %dma_start3A_652 = tpu.memref_slice %arg5[%add3A_650] : memref<12582912xf32, #tpu.memory_space<hbm>> -> memref<16384xf32, #tpu.memory_space<hbm>>
      tpu.enqueue_dma source(%arg9 : memref<16384xf32, #tpu.memory_space<vmem>>) target(%dma_start3A_652 : memref<16384xf32, #tpu.memory_space<hbm>>) target_semaphore(%arg21 : memref<!tpu.dma_semaphore, #tpu.memory_space<semaphore_mem>>)
      %add3A_653 = arith.constant 114688 : i32
      %add3A_654 = arith.addi %add3A_79, %add3A_653 : i32
      %dma_start3A_655 = tpu.memref_slice %arg2[%add3A_654] : memref<12582912xf32, #tpu.memory_space<hbm>> -> memref<16384xf32, #tpu.memory_space<hbm>>
      %dma_start3A_656 = tpu.memref_slice %arg2[%add3A_654] : memref<12582912xf32, #tpu.memory_space<hbm>> -> memref<16384xf32, #tpu.memory_space<hbm>>
      tpu.enqueue_dma source(%dma_start3A_656 : memref<16384xf32, #tpu.memory_space<hbm>>) target(%arg7 : memref<16384xf32, #tpu.memory_space<vmem>>) target_semaphore(%arg18 : memref<!tpu.dma_semaphore, #tpu.memory_space<semaphore_mem>>)
      %mul3A_657 = arith.constant 8 : i32
      %mul3A_658 = arith.muli %select_n3A_69, %mul3A_657 : i32
      %add3A_659 = arith.constant 6 : i32
      %add3A_660 = arith.addi %mul3A_658, %add3A_659 : i32
      %sub3A_661 = arith.constant 1 : i32
      %sub3A_662 = arith.subi %add3A_660, %sub3A_661 : i32
      %jit3A_663 = arith.constant 2 : i32
      %div3A_664 = arith.divsi %sub3A_662, %jit3A_663 : i32
      %sign3A_665 = arith.constant 0 : i32
      %sign3A_666 = arith.cmpi sgt, %sub3A_662, %sign3A_665 : i32
      %sign3A_667 = arith.extui %sign3A_666 : i1 to i32
      %sign3A_668 = arith.constant 0 : i32
      %sign3A_669 = arith.cmpi slt, %sub3A_662, %sign3A_668 : i32
      %sign3A_670 = arith.extui %sign3A_669 : i1 to i32
      %sign3A_671 = arith.subi %sign3A_667, %sign3A_670 : i32
      %sign3A_672 = arith.constant 0 : i32
      %sign3A_673 = arith.cmpi sgt, %jit3A_663, %sign3A_672 : i32
      %sign3A_674 = arith.extui %sign3A_673 : i1 to i32
      %sign3A_675 = arith.constant 0 : i32
      %sign3A_676 = arith.cmpi slt, %jit3A_663, %sign3A_675 : i32
      %sign3A_677 = arith.extui %sign3A_676 : i1 to i32
      %sign3A_678 = arith.subi %sign3A_674, %sign3A_677 : i32
      %ne3A_679 = arith.cmpi ne, %sign3A_671, %sign3A_678 : i32
      %rem3A_680 = arith.remsi %sub3A_662, %jit3A_663 : i32
      %ne3A_681 = arith.constant 0 : i32
      %ne3A_682 = arith.cmpi ne, %rem3A_680, %ne3A_681 : i32
      %and3A_683 = arith.andi %ne3A_679, %ne3A_682 : i1
      %sub3A_684 = arith.constant 1 : i32
      %sub3A_685 = arith.subi %div3A_664, %sub3A_684 : i32
      %select_n3A_686 = arith.select %and3A_683, %sub3A_685, %div3A_664 : i32
      %jit3A_687 = arith.constant 0 : i32
      %jit3A_688 = arith.constant 6 : i32
      %max3A_689 = arith.maxsi %jit3A_687, %select_n3A_686 : i32
      %min3A_690 = arith.minsi %jit3A_688, %max3A_689 : i32
      %eq3A_691 = arith.constant 0 : i32
      %eq3A_692 = arith.cmpi eq, %add3A_660, %eq3A_691 : i32
      %eq3A_693 = arith.constant 15 : i32
      %eq3A_694 = arith.cmpi eq, %add3A_660, %eq3A_693 : i32
      %jit3A_695 = arith.constant 7 : i32
      %select_n3A_696 = arith.select %eq3A_694, %jit3A_695, %min3A_690 : i32
      %jit3A_697 = arith.constant 0 : i32
      %select_n3A_698 = arith.select %eq3A_692, %jit3A_697, %select_n3A_696 : i32
      %eq3A_699 = arith.constant 0 : i32
      %eq3A_700 = arith.cmpi eq, %add3A_660, %eq3A_699 : i32
      %eq3A_701 = arith.constant 15 : i32
      %eq3A_702 = arith.cmpi eq, %add3A_660, %eq3A_701 : i32
      %add3A_703 = arith.constant 1 : i32
      %add3A_704 = arith.addi %min3A_690, %add3A_703 : i32
      %min3A_705 = arith.constant 7 : i32
      %min3A_706 = arith.minsi %add3A_704, %min3A_705 : i32
      %jit3A_707 = arith.constant 7 : i32
      %select_n3A_708 = arith.select %eq3A_702, %jit3A_707, %min3A_706 : i32
      %jit3A_709 = arith.constant 0 : i32
      %select_n3A_710 = arith.select %eq3A_700, %jit3A_709, %select_n3A_708 : i32
      %gt3A_711 = arith.constant 0 : i32
      %gt3A_712 = arith.cmpi sgt, %add3A_660, %gt3A_711 : i32
      %lt3A_713 = arith.constant 15 : i32
      %lt3A_714 = arith.cmpi slt, %add3A_660, %lt3A_713 : i32
      %and3A_715 = arith.andi %gt3A_712, %lt3A_714 : i1
      %sub3A_716 = arith.subi %select_n3A_698, %mul3A_71 : i32
      %mul3A_717 = arith.constant 2048 : i32
      %mul3A_718 = arith.muli %sub3A_716, %mul3A_717 : i32
      %sub3A_719 = arith.subi %select_n3A_710, %mul3A_71 : i32
      %mul3A_720 = arith.constant 2048 : i32
      %mul3A_721 = arith.muli %sub3A_719, %mul3A_720 : i32
      %mul3A_722 = arith.constant 256 : i32
      %mul3A_723 = arith.muli %select_n3A_69, %mul3A_722 : i32
      %add3A_724 = arith.constant 192 : i32
      %add3A_725 = arith.addi %mul3A_723, %add3A_724 : i32
      %mul3A_726 = arith.constant 2 : i32
      %mul3A_727 = arith.muli %mul3A_726, %min3A_690 : i32
      %add3A_728 = arith.constant 1 : i32
      %add3A_729 = arith.addi %mul3A_727, %add3A_728 : i32
      %mul3A_730 = arith.constant 32 : i32
      %mul3A_731 = arith.muli %add3A_729, %mul3A_730 : i32
      %sub3A_732 = arith.subi %add3A_725, %mul3A_731 : i32
      %convert_element_type3A_733 = arith.sitofp %sub3A_732 : i32 to f32
      %parallel_loop3A_734 = arith.constant 0 : i32
      %parallel_loop3A_735 = arith.constant 32 : i32
      %parallel_loop3A_736 = arith.constant 1 : i32
      scf.for %parallel_loop3A_844 = %parallel_loop3A_734 to %parallel_loop3A_735 step %parallel_loop3A_736  : i32 {
        %parallel_loop3A_845 = arith.constant 64 : i32
        %parallel_loop3A_846 = arith.muli %parallel_loop3A_844, %parallel_loop3A_845 : i32
        %parallel_loop3A_847 = arith.constant 0 : i32
        %parallel_loop3A_848 = arith.addi %parallel_loop3A_846, %parallel_loop3A_847 : i32
        %parallel_loop3A_849 = arith.addi %mul3A_718, %parallel_loop3A_848 : i32
        %parallel_loop3A_850 = arith.index_cast %parallel_loop3A_849 : i32 to index
        %parallel_loop3A_851 = tpu.vector_load %arg12[%parallel_loop3A_850] {strides = array<i32>} : memref<10240xf32, #tpu.memory_space<vmem>>, vector<16xf32>,
        %parallel_loop3A_852 = arith.addi %mul3A_721, %parallel_loop3A_848 : i32
        %parallel_loop3A_853 = arith.index_cast %parallel_loop3A_852 : i32 to index
        %parallel_loop3A_854 = tpu.vector_load %arg12[%parallel_loop3A_853] {strides = array<i32>} : memref<10240xf32, #tpu.memory_space<vmem>>, vector<16xf32>,
        %parallel_loop3A_855 = tpu.pack_subelements %parallel_loop3A_851, %parallel_loop3A_854 {pack_format = #tpu.pack_format<interleaved>, positions = array<i32: 0, 1>} : vector<16xf32>, vector<16xf32> -> vector<32xbf16>
        %parallel_loop3A_856 = vector.bitcast %parallel_loop3A_855 : vector<32xbf16> to vector<16xi32>
        %parallel_loop3A_857 = arith.index_cast %parallel_loop3A_848 : i32 to index
        %parallel_loop3A_858 = tpu.vector_load %arg13[%parallel_loop3A_857] {strides = array<i32>} : memref<2048xi32, #tpu.memory_space<vmem>>, vector<16xi32>,
        tpu.vector_store %arg13[%parallel_loop3A_857], %parallel_loop3A_856 {strides = array<i32>} : memref<2048xi32, #tpu.memory_space<vmem>>, vector<16xi32>,
        %parallel_loop3A_859 = arith.constant 64 : i32
        %parallel_loop3A_860 = arith.muli %parallel_loop3A_844, %parallel_loop3A_859 : i32
        %parallel_loop3A_861 = arith.constant 16 : i32
        %parallel_loop3A_862 = arith.addi %parallel_loop3A_860, %parallel_loop3A_861 : i32
        %parallel_loop3A_863 = arith.addi %mul3A_718, %parallel_loop3A_862 : i32
        %parallel_loop3A_864 = arith.index_cast %parallel_loop3A_863 : i32 to index
        %parallel_loop3A_865 = tpu.vector_load %arg12[%parallel_loop3A_864] {strides = array<i32>} : memref<10240xf32, #tpu.memory_space<vmem>>, vector<16xf32>,
        %parallel_loop3A_866 = arith.addi %mul3A_721, %parallel_loop3A_862 : i32
        %parallel_loop3A_867 = arith.index_cast %parallel_loop3A_866 : i32 to index
        %parallel_loop3A_868 = tpu.vector_load %arg12[%parallel_loop3A_867] {strides = array<i32>} : memref<10240xf32, #tpu.memory_space<vmem>>, vector<16xf32>,
        %parallel_loop3A_869 = tpu.pack_subelements %parallel_loop3A_865, %parallel_loop3A_868 {pack_format = #tpu.pack_format<interleaved>, positions = array<i32: 0, 1>} : vector<16xf32>, vector<16xf32> -> vector<32xbf16>
        %parallel_loop3A_870 = vector.bitcast %parallel_loop3A_869 : vector<32xbf16> to vector<16xi32>
        %parallel_loop3A_871 = arith.index_cast %parallel_loop3A_862 : i32 to index
        %parallel_loop3A_872 = tpu.vector_load %arg13[%parallel_loop3A_871] {strides = array<i32>} : memref<2048xi32, #tpu.memory_space<vmem>>, vector<16xi32>,
        tpu.vector_store %arg13[%parallel_loop3A_871], %parallel_loop3A_870 {strides = array<i32>} : memref<2048xi32, #tpu.memory_space<vmem>>, vector<16xi32>,
        %parallel_loop3A_873 = arith.constant 64 : i32
        %parallel_loop3A_874 = arith.muli %parallel_loop3A_844, %parallel_loop3A_873 : i32
        %parallel_loop3A_875 = arith.constant 32 : i32
        %parallel_loop3A_876 = arith.addi %parallel_loop3A_874, %parallel_loop3A_875 : i32
        %parallel_loop3A_877 = arith.addi %mul3A_718, %parallel_loop3A_876 : i32
        %parallel_loop3A_878 = arith.index_cast %parallel_loop3A_877 : i32 to index
        %parallel_loop3A_879 = tpu.vector_load %arg12[%parallel_loop3A_878] {strides = array<i32>} : memref<10240xf32, #tpu.memory_space<vmem>>, vector<16xf32>,
        %parallel_loop3A_880 = arith.addi %mul3A_721, %parallel_loop3A_876 : i32
        %parallel_loop3A_881 = arith.index_cast %parallel_loop3A_880 : i32 to index
        %parallel_loop3A_882 = tpu.vector_load %arg12[%parallel_loop3A_881] {strides = array<i32>} : memref<10240xf32, #tpu.memory_space<vmem>>, vector<16xf32>,
        %parallel_loop3A_883 = tpu.pack_subelements %parallel_loop3A_879, %parallel_loop3A_882 {pack_format = #tpu.pack_format<interleaved>, positions = array<i32: 0, 1>} : vector<16xf32>, vector<16xf32> -> vector<32xbf16>
        %parallel_loop3A_884 = vector.bitcast %parallel_loop3A_883 : vector<32xbf16> to vector<16xi32>
        %parallel_loop3A_885 = arith.index_cast %parallel_loop3A_876 : i32 to index
        %parallel_loop3A_886 = tpu.vector_load %arg13[%parallel_loop3A_885] {strides = array<i32>} : memref<2048xi32, #tpu.memory_space<vmem>>, vector<16xi32>,
        tpu.vector_store %arg13[%parallel_loop3A_885], %parallel_loop3A_884 {strides = array<i32>} : memref<2048xi32, #tpu.memory_space<vmem>>, vector<16xi32>,
        %parallel_loop3A_887 = arith.constant 64 : i32
        %parallel_loop3A_888 = arith.muli %parallel_loop3A_844, %parallel_loop3A_887 : i32
        %parallel_loop3A_889 = arith.constant 48 : i32
        %parallel_loop3A_890 = arith.addi %parallel_loop3A_888, %parallel_loop3A_889 : i32
        %parallel_loop3A_891 = arith.addi %mul3A_718, %parallel_loop3A_890 : i32
        %parallel_loop3A_892 = arith.index_cast %parallel_loop3A_891 : i32 to index
        %parallel_loop3A_893 = tpu.vector_load %arg12[%parallel_loop3A_892] {strides = array<i32>} : memref<10240xf32, #tpu.memory_space<vmem>>, vector<16xf32>,
        %parallel_loop3A_894 = arith.addi %mul3A_721, %parallel_loop3A_890 : i32
        %parallel_loop3A_895 = arith.index_cast %parallel_loop3A_894 : i32 to index
        %parallel_loop3A_896 = tpu.vector_load %arg12[%parallel_loop3A_895] {strides = array<i32>} : memref<10240xf32, #tpu.memory_space<vmem>>, vector<16xf32>,
        %parallel_loop3A_897 = tpu.pack_subelements %parallel_loop3A_893, %parallel_loop3A_896 {pack_format = #tpu.pack_format<interleaved>, positions = array<i32: 0, 1>} : vector<16xf32>, vector<16xf32> -> vector<32xbf16>
        %parallel_loop3A_898 = vector.bitcast %parallel_loop3A_897 : vector<32xbf16> to vector<16xi32>
        %parallel_loop3A_899 = arith.index_cast %parallel_loop3A_890 : i32 to index
        %parallel_loop3A_900 = tpu.vector_load %arg13[%parallel_loop3A_899] {strides = array<i32>} : memref<2048xi32, #tpu.memory_space<vmem>>, vector<16xi32>,
        tpu.vector_store %arg13[%parallel_loop3A_899], %parallel_loop3A_898 {strides = array<i32>} : memref<2048xi32, #tpu.memory_space<vmem>>, vector<16xi32>,
      } {sc.loop_unroll_factor = 2 : i64, sc.parallel_access}
      %dma_wait3A_737 = tpu.memref_slice %arg5[%add3A_555] : memref<12582912xf32, #tpu.memory_space<hbm>> -> memref<16384xf32, #tpu.memory_space<hbm>>
      %dma_wait3A_738 = tpu.memref_slice %arg5[%add3A_555] : memref<12582912xf32, #tpu.memory_space<hbm>> -> memref<16384xf32, #tpu.memory_space<hbm>>
      tpu.wait_dma2 semaphore(%arg20 : memref<!tpu.dma_semaphore, #tpu.memory_space<semaphore_mem>>) src(%arg8 : memref<16384xf32, #tpu.memory_space<vmem>>) dst(%dma_wait3A_738 : memref<16384xf32, #tpu.memory_space<hbm>>)
      %dma_wait3A_739 = tpu.memref_slice %arg2[%add3A_559] : memref<12582912xf32, #tpu.memory_space<hbm>> -> memref<16384xf32, #tpu.memory_space<hbm>>
      %dma_wait3A_740 = tpu.memref_slice %arg2[%add3A_559] : memref<12582912xf32, #tpu.memory_space<hbm>> -> memref<16384xf32, #tpu.memory_space<hbm>>
      tpu.wait_dma2 semaphore(%arg17 : memref<!tpu.dma_semaphore, #tpu.memory_space<semaphore_mem>>) src(%dma_wait3A_740 : memref<16384xf32, #tpu.memory_space<hbm>>) dst(%arg6 : memref<16384xf32, #tpu.memory_space<vmem>>)
      %parallel_loop3A_741 = arith.constant 0 : i32
      %parallel_loop3A_742 = arith.constant 32 : i32
      %parallel_loop3A_743 = arith.constant 1 : i32
      scf.for %parallel_loop3A_844 = %parallel_loop3A_741 to %parallel_loop3A_742 step %parallel_loop3A_743  : i32 {
        %parallel_loop3A_845 = arith.sitofp %parallel_loop3A_844 : i32 to f32
        %parallel_loop3A_846 = arith.addf %convert_element_type3A_733, %parallel_loop3A_845 : f32
        %parallel_loop3A_847 = arith.constant 6.300000e+01 : f32
        %parallel_loop3A_848 = arith.subf %parallel_loop3A_847, %parallel_loop3A_846 : f32
        %parallel_loop3A_849 = arith.constant 0.0158730168 : f32
        %parallel_loop3A_850 = arith.mulf %parallel_loop3A_848, %parallel_loop3A_849 : f32
        %parallel_loop3A_851 = arith.constant 1.000000e+00 : f32
        %parallel_loop3A_852 = arith.select %and3A_715, %parallel_loop3A_850, %parallel_loop3A_851 : f32
        %parallel_loop3A_853 = arith.constant 1.000000e+00 : f32
        %parallel_loop3A_854 = arith.subf %parallel_loop3A_853, %parallel_loop3A_852 : f32
        %parallel_loop3A_855 = arith.constant 512 : i32
        %parallel_loop3A_856 = arith.muli %parallel_loop3A_844, %parallel_loop3A_855 : i32
        %parallel_loop3A_857 = arith.constant 0 : i32
        %parallel_loop3A_858 = arith.constant 32 : i32
        %parallel_loop3A_859 = arith.constant 1 : i32
        scf.for %parallel_loop3A_860 = %parallel_loop3A_857 to %parallel_loop3A_858 step %parallel_loop3A_859  : i32 {
          %parallel_loop3A_861 = arith.constant 16 : i32
          %parallel_loop3A_862 = arith.muli %parallel_loop3A_860, %parallel_loop3A_861 : i32
          %parallel_loop3A_863 = arith.addi %parallel_loop3A_856, %parallel_loop3A_862 : i32
          %parallel_loop3A_864 = arith.index_cast %parallel_loop3A_863 : i32 to index
          %parallel_loop3A_865 = tpu.vector_load %arg6[%parallel_loop3A_864] {strides = array<i32>} : memref<16384xf32, #tpu.memory_space<vmem>>, vector<16xf32>,
          %parallel_loop3A_866 = arith.constant 2.550000e+02 : f32
          %parallel_loop3A_867 = vector.broadcast %parallel_loop3A_866 : f32 to vector<16xf32>
          %parallel_loop3A_868 = arith.mulf %parallel_loop3A_865, %parallel_loop3A_867 : vector<16xf32>
          %parallel_loop3A_869 = arith.fptosi %parallel_loop3A_868 : vector<16xf32> to vector<16xi32>
          %parallel_loop3A_870 = arith.constant 16 : i32
          %parallel_loop3A_871 = arith.muli %parallel_loop3A_860, %parallel_loop3A_870 : i32
          %parallel_loop3A_872 = arith.index_cast %parallel_loop3A_871 : i32 to index
          %parallel_loop3A_873 = tpu.vector_load %arg14[%parallel_loop3A_872] {strides = array<i32>} : memref<512xi32, #tpu.memory_space<vmem>>, vector<16xi32>,
          %parallel_loop3A_874 = arith.constant 65535 : i32
          %parallel_loop3A_875 = vector.broadcast %parallel_loop3A_874 : i32 to vector<16xi32>
          %parallel_loop3A_876 = arith.andi %parallel_loop3A_873, %parallel_loop3A_875 : vector<16xi32>
          %parallel_loop3A_877 = arith.constant 16 : i32
          %parallel_loop3A_878 = vector.broadcast %parallel_loop3A_877 : i32 to vector<16xi32>
          %parallel_loop3A_879 = arith.shrui %parallel_loop3A_873, %parallel_loop3A_878 : vector<16xi32>
          %parallel_loop3A_880 = arith.addi %parallel_loop3A_869, %parallel_loop3A_876 : vector<16xi32>
          %parallel_loop3A_881 = tpu.vector_load_idx %arg13[%parallel_loop3A_880] : memref<2048xi32, #tpu.memory_space<vmem>>[vector<16xi32>], vector<16xi32>,
          %parallel_loop3A_882 = arith.addi %parallel_loop3A_869, %parallel_loop3A_879 : vector<16xi32>
          %parallel_loop3A_883 = tpu.vector_load_idx %arg13[%parallel_loop3A_882] : memref<2048xi32, #tpu.memory_space<vmem>>[vector<16xi32>], vector<16xi32>,
          %parallel_loop3A_884 = vector.bitcast %parallel_loop3A_881 : vector<16xi32> to vector<32xbf16>
          %parallel_loop3A_885 = tpu.unpack_subelements %parallel_loop3A_884, 0 {pack_format = #tpu.pack_format<interleaved>} : vector<32xbf16> -> vector<16xf32>
          %parallel_loop3A_886 = tpu.unpack_subelements %parallel_loop3A_884, 1 {pack_format = #tpu.pack_format<interleaved>} : vector<32xbf16> -> vector<16xf32>
          %parallel_loop3A_887 = vector.bitcast %parallel_loop3A_883 : vector<16xi32> to vector<32xbf16>
          %parallel_loop3A_888 = tpu.unpack_subelements %parallel_loop3A_887, 0 {pack_format = #tpu.pack_format<interleaved>} : vector<32xbf16> -> vector<16xf32>
          %parallel_loop3A_889 = tpu.unpack_subelements %parallel_loop3A_887, 1 {pack_format = #tpu.pack_format<interleaved>} : vector<32xbf16> -> vector<16xf32>
          %parallel_loop3A_890 = arith.constant 16 : i32
          %parallel_loop3A_891 = arith.muli %parallel_loop3A_860, %parallel_loop3A_890 : i32
          %parallel_loop3A_892 = arith.index_cast %parallel_loop3A_891 : i32 to index
          %parallel_loop3A_893 = tpu.vector_load %arg15[%parallel_loop3A_892] {strides = array<i32>} : memref<512xf32, #tpu.memory_space<vmem>>, vector<16xf32>,
          %parallel_loop3A_894 = arith.constant 1.000000e+00 : f32
          %parallel_loop3A_895 = vector.broadcast %parallel_loop3A_894 : f32 to vector<16xf32>
          %parallel_loop3A_896 = arith.subf %parallel_loop3A_895, %parallel_loop3A_893 : vector<16xf32>
          %parallel_loop3A_897 = vector.broadcast %parallel_loop3A_852 : f32 to vector<16xf32>
          %parallel_loop3A_898 = arith.mulf %parallel_loop3A_897, %parallel_loop3A_885 : vector<16xf32>
          %parallel_loop3A_899 = vector.broadcast %parallel_loop3A_854 : f32 to vector<16xf32>
          %parallel_loop3A_900 = arith.mulf %parallel_loop3A_899, %parallel_loop3A_886 : vector<16xf32>
          %parallel_loop3A_901 = arith.addf %parallel_loop3A_898, %parallel_loop3A_900 : vector<16xf32>
          %parallel_loop3A_902 = vector.broadcast %parallel_loop3A_852 : f32 to vector<16xf32>
          %parallel_loop3A_903 = arith.mulf %parallel_loop3A_902, %parallel_loop3A_888 : vector<16xf32>
          %parallel_loop3A_904 = vector.broadcast %parallel_loop3A_854 : f32 to vector<16xf32>
          %parallel_loop3A_905 = arith.mulf %parallel_loop3A_904, %parallel_loop3A_889 : vector<16xf32>
          %parallel_loop3A_906 = arith.addf %parallel_loop3A_903, %parallel_loop3A_905 : vector<16xf32>
          %parallel_loop3A_907 = arith.mulf %parallel_loop3A_893, %parallel_loop3A_901 : vector<16xf32>
          %parallel_loop3A_908 = arith.mulf %parallel_loop3A_896, %parallel_loop3A_906 : vector<16xf32>
          %parallel_loop3A_909 = arith.addf %parallel_loop3A_907, %parallel_loop3A_908 : vector<16xf32>
          %parallel_loop3A_910 = arith.constant 0.00392156886 : f32
          %parallel_loop3A_911 = vector.broadcast %parallel_loop3A_910 : f32 to vector<16xf32>
          %parallel_loop3A_912 = arith.mulf %parallel_loop3A_909, %parallel_loop3A_911 : vector<16xf32>
          %parallel_loop3A_913 = arith.constant 16 : i32
          %parallel_loop3A_914 = arith.muli %parallel_loop3A_860, %parallel_loop3A_913 : i32
          %parallel_loop3A_915 = arith.addi %parallel_loop3A_856, %parallel_loop3A_914 : i32
          %parallel_loop3A_916 = arith.index_cast %parallel_loop3A_915 : i32 to index
          %parallel_loop3A_917 = tpu.vector_load %arg8[%parallel_loop3A_916] {strides = array<i32>} : memref<16384xf32, #tpu.memory_space<vmem>>, vector<16xf32>,
          tpu.vector_store %arg8[%parallel_loop3A_916], %parallel_loop3A_912 {strides = array<i32>} : memref<16384xf32, #tpu.memory_space<vmem>>, vector<16xf32>,
        } {sc.loop_unroll_factor = 4 : i64, sc.parallel_access}
      } {sc.loop_unroll_factor = 1 : i64, sc.parallel_access}
      %add3A_744 = arith.constant 98304 : i32
      %add3A_745 = arith.addi %add3A_79, %add3A_744 : i32
      %dma_start3A_746 = tpu.memref_slice %arg5[%add3A_745] : memref<12582912xf32, #tpu.memory_space<hbm>> -> memref<16384xf32, #tpu.memory_space<hbm>>
      %dma_start3A_747 = tpu.memref_slice %arg5[%add3A_745] : memref<12582912xf32, #tpu.memory_space<hbm>> -> memref<16384xf32, #tpu.memory_space<hbm>>
      tpu.enqueue_dma source(%arg8 : memref<16384xf32, #tpu.memory_space<vmem>>) target(%dma_start3A_747 : memref<16384xf32, #tpu.memory_space<hbm>>) target_semaphore(%arg20 : memref<!tpu.dma_semaphore, #tpu.memory_space<semaphore_mem>>)
      %mul3A_748 = arith.constant 8 : i32
      %mul3A_749 = arith.muli %select_n3A_69, %mul3A_748 : i32
      %add3A_750 = arith.constant 7 : i32
      %add3A_751 = arith.addi %mul3A_749, %add3A_750 : i32
      %sub3A_752 = arith.constant 1 : i32
      %sub3A_753 = arith.subi %add3A_751, %sub3A_752 : i32
      %jit3A_754 = arith.constant 2 : i32
      %div3A_755 = arith.divsi %sub3A_753, %jit3A_754 : i32
      %sign3A_756 = arith.constant 0 : i32
      %sign3A_757 = arith.cmpi sgt, %sub3A_753, %sign3A_756 : i32
      %sign3A_758 = arith.extui %sign3A_757 : i1 to i32
      %sign3A_759 = arith.constant 0 : i32
      %sign3A_760 = arith.cmpi slt, %sub3A_753, %sign3A_759 : i32
      %sign3A_761 = arith.extui %sign3A_760 : i1 to i32
      %sign3A_762 = arith.subi %sign3A_758, %sign3A_761 : i32
      %sign3A_763 = arith.constant 0 : i32
      %sign3A_764 = arith.cmpi sgt, %jit3A_754, %sign3A_763 : i32
      %sign3A_765 = arith.extui %sign3A_764 : i1 to i32
      %sign3A_766 = arith.constant 0 : i32
      %sign3A_767 = arith.cmpi slt, %jit3A_754, %sign3A_766 : i32
      %sign3A_768 = arith.extui %sign3A_767 : i1 to i32
      %sign3A_769 = arith.subi %sign3A_765, %sign3A_768 : i32
      %ne3A_770 = arith.cmpi ne, %sign3A_762, %sign3A_769 : i32
      %rem3A_771 = arith.remsi %sub3A_753, %jit3A_754 : i32
      %ne3A_772 = arith.constant 0 : i32
      %ne3A_773 = arith.cmpi ne, %rem3A_771, %ne3A_772 : i32
      %and3A_774 = arith.andi %ne3A_770, %ne3A_773 : i1
      %sub3A_775 = arith.constant 1 : i32
      %sub3A_776 = arith.subi %div3A_755, %sub3A_775 : i32
      %select_n3A_777 = arith.select %and3A_774, %sub3A_776, %div3A_755 : i32
      %jit3A_778 = arith.constant 0 : i32
      %jit3A_779 = arith.constant 6 : i32
      %max3A_780 = arith.maxsi %jit3A_778, %select_n3A_777 : i32
      %min3A_781 = arith.minsi %jit3A_779, %max3A_780 : i32
      %eq3A_782 = arith.constant 0 : i32
      %eq3A_783 = arith.cmpi eq, %add3A_751, %eq3A_782 : i32
      %eq3A_784 = arith.constant 15 : i32
      %eq3A_785 = arith.cmpi eq, %add3A_751, %eq3A_784 : i32
      %jit3A_786 = arith.constant 7 : i32
      %select_n3A_787 = arith.select %eq3A_785, %jit3A_786, %min3A_781 : i32
      %jit3A_788 = arith.constant 0 : i32
      %select_n3A_789 = arith.select %eq3A_783, %jit3A_788, %select_n3A_787 : i32
      %eq3A_790 = arith.constant 0 : i32
      %eq3A_791 = arith.cmpi eq, %add3A_751, %eq3A_790 : i32
      %eq3A_792 = arith.constant 15 : i32
      %eq3A_793 = arith.cmpi eq, %add3A_751, %eq3A_792 : i32
      %add3A_794 = arith.constant 1 : i32
      %add3A_795 = arith.addi %min3A_781, %add3A_794 : i32
      %min3A_796 = arith.constant 7 : i32
      %min3A_797 = arith.minsi %add3A_795, %min3A_796 : i32
      %jit3A_798 = arith.constant 7 : i32
      %select_n3A_799 = arith.select %eq3A_793, %jit3A_798, %min3A_797 : i32
      %jit3A_800 = arith.constant 0 : i32
      %select_n3A_801 = arith.select %eq3A_791, %jit3A_800, %select_n3A_799 : i32
      %gt3A_802 = arith.constant 0 : i32
      %gt3A_803 = arith.cmpi sgt, %add3A_751, %gt3A_802 : i32
      %lt3A_804 = arith.constant 15 : i32
      %lt3A_805 = arith.cmpi slt, %add3A_751, %lt3A_804 : i32
      %and3A_806 = arith.andi %gt3A_803, %lt3A_805 : i1
      %sub3A_807 = arith.subi %select_n3A_789, %mul3A_71 : i32
      %mul3A_808 = arith.constant 2048 : i32
      %mul3A_809 = arith.muli %sub3A_807, %mul3A_808 : i32
      %sub3A_810 = arith.subi %select_n3A_801, %mul3A_71 : i32
      %mul3A_811 = arith.constant 2048 : i32
      %mul3A_812 = arith.muli %sub3A_810, %mul3A_811 : i32
      %mul3A_813 = arith.constant 256 : i32
      %mul3A_814 = arith.muli %select_n3A_69, %mul3A_813 : i32
      %add3A_815 = arith.constant 224 : i32
      %add3A_816 = arith.addi %mul3A_814, %add3A_815 : i32
      %mul3A_817 = arith.constant 2 : i32
      %mul3A_818 = arith.muli %mul3A_817, %min3A_781 : i32
      %add3A_819 = arith.constant 1 : i32
      %add3A_820 = arith.addi %mul3A_818, %add3A_819 : i32
      %mul3A_821 = arith.constant 32 : i32
      %mul3A_822 = arith.muli %add3A_820, %mul3A_821 : i32
      %sub3A_823 = arith.subi %add3A_816, %mul3A_822 : i32
      %convert_element_type3A_824 = arith.sitofp %sub3A_823 : i32 to f32
      %parallel_loop3A_825 = arith.constant 0 : i32
      %parallel_loop3A_826 = arith.constant 32 : i32
      %parallel_loop3A_827 = arith.constant 1 : i32
      scf.for %parallel_loop3A_844 = %parallel_loop3A_825 to %parallel_loop3A_826 step %parallel_loop3A_827  : i32 {
        %parallel_loop3A_845 = arith.constant 64 : i32
        %parallel_loop3A_846 = arith.muli %parallel_loop3A_844, %parallel_loop3A_845 : i32
        %parallel_loop3A_847 = arith.constant 0 : i32
        %parallel_loop3A_848 = arith.addi %parallel_loop3A_846, %parallel_loop3A_847 : i32
        %parallel_loop3A_849 = arith.addi %mul3A_809, %parallel_loop3A_848 : i32
        %parallel_loop3A_850 = arith.index_cast %parallel_loop3A_849 : i32 to index
        %parallel_loop3A_851 = tpu.vector_load %arg12[%parallel_loop3A_850] {strides = array<i32>} : memref<10240xf32, #tpu.memory_space<vmem>>, vector<16xf32>,
        %parallel_loop3A_852 = arith.addi %mul3A_812, %parallel_loop3A_848 : i32
        %parallel_loop3A_853 = arith.index_cast %parallel_loop3A_852 : i32 to index
        %parallel_loop3A_854 = tpu.vector_load %arg12[%parallel_loop3A_853] {strides = array<i32>} : memref<10240xf32, #tpu.memory_space<vmem>>, vector<16xf32>,
        %parallel_loop3A_855 = tpu.pack_subelements %parallel_loop3A_851, %parallel_loop3A_854 {pack_format = #tpu.pack_format<interleaved>, positions = array<i32: 0, 1>} : vector<16xf32>, vector<16xf32> -> vector<32xbf16>
        %parallel_loop3A_856 = vector.bitcast %parallel_loop3A_855 : vector<32xbf16> to vector<16xi32>
        %parallel_loop3A_857 = arith.index_cast %parallel_loop3A_848 : i32 to index
        %parallel_loop3A_858 = tpu.vector_load %arg13[%parallel_loop3A_857] {strides = array<i32>} : memref<2048xi32, #tpu.memory_space<vmem>>, vector<16xi32>,
        tpu.vector_store %arg13[%parallel_loop3A_857], %parallel_loop3A_856 {strides = array<i32>} : memref<2048xi32, #tpu.memory_space<vmem>>, vector<16xi32>,
        %parallel_loop3A_859 = arith.constant 64 : i32
        %parallel_loop3A_860 = arith.muli %parallel_loop3A_844, %parallel_loop3A_859 : i32
        %parallel_loop3A_861 = arith.constant 16 : i32
        %parallel_loop3A_862 = arith.addi %parallel_loop3A_860, %parallel_loop3A_861 : i32
        %parallel_loop3A_863 = arith.addi %mul3A_809, %parallel_loop3A_862 : i32
        %parallel_loop3A_864 = arith.index_cast %parallel_loop3A_863 : i32 to index
        %parallel_loop3A_865 = tpu.vector_load %arg12[%parallel_loop3A_864] {strides = array<i32>} : memref<10240xf32, #tpu.memory_space<vmem>>, vector<16xf32>,
        %parallel_loop3A_866 = arith.addi %mul3A_812, %parallel_loop3A_862 : i32
        %parallel_loop3A_867 = arith.index_cast %parallel_loop3A_866 : i32 to index
        %parallel_loop3A_868 = tpu.vector_load %arg12[%parallel_loop3A_867] {strides = array<i32>} : memref<10240xf32, #tpu.memory_space<vmem>>, vector<16xf32>,
        %parallel_loop3A_869 = tpu.pack_subelements %parallel_loop3A_865, %parallel_loop3A_868 {pack_format = #tpu.pack_format<interleaved>, positions = array<i32: 0, 1>} : vector<16xf32>, vector<16xf32> -> vector<32xbf16>
        %parallel_loop3A_870 = vector.bitcast %parallel_loop3A_869 : vector<32xbf16> to vector<16xi32>
        %parallel_loop3A_871 = arith.index_cast %parallel_loop3A_862 : i32 to index
        %parallel_loop3A_872 = tpu.vector_load %arg13[%parallel_loop3A_871] {strides = array<i32>} : memref<2048xi32, #tpu.memory_space<vmem>>, vector<16xi32>,
        tpu.vector_store %arg13[%parallel_loop3A_871], %parallel_loop3A_870 {strides = array<i32>} : memref<2048xi32, #tpu.memory_space<vmem>>, vector<16xi32>,
        %parallel_loop3A_873 = arith.constant 64 : i32
        %parallel_loop3A_874 = arith.muli %parallel_loop3A_844, %parallel_loop3A_873 : i32
        %parallel_loop3A_875 = arith.constant 32 : i32
        %parallel_loop3A_876 = arith.addi %parallel_loop3A_874, %parallel_loop3A_875 : i32
        %parallel_loop3A_877 = arith.addi %mul3A_809, %parallel_loop3A_876 : i32
        %parallel_loop3A_878 = arith.index_cast %parallel_loop3A_877 : i32 to index
        %parallel_loop3A_879 = tpu.vector_load %arg12[%parallel_loop3A_878] {strides = array<i32>} : memref<10240xf32, #tpu.memory_space<vmem>>, vector<16xf32>,
        %parallel_loop3A_880 = arith.addi %mul3A_812, %parallel_loop3A_876 : i32
        %parallel_loop3A_881 = arith.index_cast %parallel_loop3A_880 : i32 to index
        %parallel_loop3A_882 = tpu.vector_load %arg12[%parallel_loop3A_881] {strides = array<i32>} : memref<10240xf32, #tpu.memory_space<vmem>>, vector<16xf32>,
        %parallel_loop3A_883 = tpu.pack_subelements %parallel_loop3A_879, %parallel_loop3A_882 {pack_format = #tpu.pack_format<interleaved>, positions = array<i32: 0, 1>} : vector<16xf32>, vector<16xf32> -> vector<32xbf16>
        %parallel_loop3A_884 = vector.bitcast %parallel_loop3A_883 : vector<32xbf16> to vector<16xi32>
        %parallel_loop3A_885 = arith.index_cast %parallel_loop3A_876 : i32 to index
        %parallel_loop3A_886 = tpu.vector_load %arg13[%parallel_loop3A_885] {strides = array<i32>} : memref<2048xi32, #tpu.memory_space<vmem>>, vector<16xi32>,
        tpu.vector_store %arg13[%parallel_loop3A_885], %parallel_loop3A_884 {strides = array<i32>} : memref<2048xi32, #tpu.memory_space<vmem>>, vector<16xi32>,
        %parallel_loop3A_887 = arith.constant 64 : i32
        %parallel_loop3A_888 = arith.muli %parallel_loop3A_844, %parallel_loop3A_887 : i32
        %parallel_loop3A_889 = arith.constant 48 : i32
        %parallel_loop3A_890 = arith.addi %parallel_loop3A_888, %parallel_loop3A_889 : i32
        %parallel_loop3A_891 = arith.addi %mul3A_809, %parallel_loop3A_890 : i32
        %parallel_loop3A_892 = arith.index_cast %parallel_loop3A_891 : i32 to index
        %parallel_loop3A_893 = tpu.vector_load %arg12[%parallel_loop3A_892] {strides = array<i32>} : memref<10240xf32, #tpu.memory_space<vmem>>, vector<16xf32>,
        %parallel_loop3A_894 = arith.addi %mul3A_812, %parallel_loop3A_890 : i32
        %parallel_loop3A_895 = arith.index_cast %parallel_loop3A_894 : i32 to index
        %parallel_loop3A_896 = tpu.vector_load %arg12[%parallel_loop3A_895] {strides = array<i32>} : memref<10240xf32, #tpu.memory_space<vmem>>, vector<16xf32>,
        %parallel_loop3A_897 = tpu.pack_subelements %parallel_loop3A_893, %parallel_loop3A_896 {pack_format = #tpu.pack_format<interleaved>, positions = array<i32: 0, 1>} : vector<16xf32>, vector<16xf32> -> vector<32xbf16>
        %parallel_loop3A_898 = vector.bitcast %parallel_loop3A_897 : vector<32xbf16> to vector<16xi32>
        %parallel_loop3A_899 = arith.index_cast %parallel_loop3A_890 : i32 to index
        %parallel_loop3A_900 = tpu.vector_load %arg13[%parallel_loop3A_899] {strides = array<i32>} : memref<2048xi32, #tpu.memory_space<vmem>>, vector<16xi32>,
        tpu.vector_store %arg13[%parallel_loop3A_899], %parallel_loop3A_898 {strides = array<i32>} : memref<2048xi32, #tpu.memory_space<vmem>>, vector<16xi32>,
      } {sc.loop_unroll_factor = 2 : i64, sc.parallel_access}
      %dma_wait3A_828 = tpu.memref_slice %arg5[%add3A_650] : memref<12582912xf32, #tpu.memory_space<hbm>> -> memref<16384xf32, #tpu.memory_space<hbm>>
      %dma_wait3A_829 = tpu.memref_slice %arg5[%add3A_650] : memref<12582912xf32, #tpu.memory_space<hbm>> -> memref<16384xf32, #tpu.memory_space<hbm>>
      tpu.wait_dma2 semaphore(%arg21 : memref<!tpu.dma_semaphore, #tpu.memory_space<semaphore_mem>>) src(%arg9 : memref<16384xf32, #tpu.memory_space<vmem>>) dst(%dma_wait3A_829 : memref<16384xf32, #tpu.memory_space<hbm>>)
      %dma_wait3A_830 = tpu.memref_slice %arg2[%add3A_654] : memref<12582912xf32, #tpu.memory_space<hbm>> -> memref<16384xf32, #tpu.memory_space<hbm>>
      %dma_wait3A_831 = tpu.memref_slice %arg2[%add3A_654] : memref<12582912xf32, #tpu.memory_space<hbm>> -> memref<16384xf32, #tpu.memory_space<hbm>>
      tpu.wait_dma2 semaphore(%arg18 : memref<!tpu.dma_semaphore, #tpu.memory_space<semaphore_mem>>) src(%dma_wait3A_831 : memref<16384xf32, #tpu.memory_space<hbm>>) dst(%arg7 : memref<16384xf32, #tpu.memory_space<vmem>>)
      %parallel_loop3A_832 = arith.constant 0 : i32
      %parallel_loop3A_833 = arith.constant 32 : i32
      %parallel_loop3A_834 = arith.constant 1 : i32
      scf.for %parallel_loop3A_844 = %parallel_loop3A_832 to %parallel_loop3A_833 step %parallel_loop3A_834  : i32 {
        %parallel_loop3A_845 = arith.sitofp %parallel_loop3A_844 : i32 to f32
        %parallel_loop3A_846 = arith.addf %convert_element_type3A_824, %parallel_loop3A_845 : f32
        %parallel_loop3A_847 = arith.constant 6.300000e+01 : f32
        %parallel_loop3A_848 = arith.subf %parallel_loop3A_847, %parallel_loop3A_846 : f32
        %parallel_loop3A_849 = arith.constant 0.0158730168 : f32
        %parallel_loop3A_850 = arith.mulf %parallel_loop3A_848, %parallel_loop3A_849 : f32
        %parallel_loop3A_851 = arith.constant 1.000000e+00 : f32
        %parallel_loop3A_852 = arith.select %and3A_806, %parallel_loop3A_850, %parallel_loop3A_851 : f32
        %parallel_loop3A_853 = arith.constant 1.000000e+00 : f32
        %parallel_loop3A_854 = arith.subf %parallel_loop3A_853, %parallel_loop3A_852 : f32
        %parallel_loop3A_855 = arith.constant 512 : i32
        %parallel_loop3A_856 = arith.muli %parallel_loop3A_844, %parallel_loop3A_855 : i32
        %parallel_loop3A_857 = arith.constant 0 : i32
        %parallel_loop3A_858 = arith.constant 32 : i32
        %parallel_loop3A_859 = arith.constant 1 : i32
        scf.for %parallel_loop3A_860 = %parallel_loop3A_857 to %parallel_loop3A_858 step %parallel_loop3A_859  : i32 {
          %parallel_loop3A_861 = arith.constant 16 : i32
          %parallel_loop3A_862 = arith.muli %parallel_loop3A_860, %parallel_loop3A_861 : i32
          %parallel_loop3A_863 = arith.addi %parallel_loop3A_856, %parallel_loop3A_862 : i32
          %parallel_loop3A_864 = arith.index_cast %parallel_loop3A_863 : i32 to index
          %parallel_loop3A_865 = tpu.vector_load %arg7[%parallel_loop3A_864] {strides = array<i32>} : memref<16384xf32, #tpu.memory_space<vmem>>, vector<16xf32>,
          %parallel_loop3A_866 = arith.constant 2.550000e+02 : f32
          %parallel_loop3A_867 = vector.broadcast %parallel_loop3A_866 : f32 to vector<16xf32>
          %parallel_loop3A_868 = arith.mulf %parallel_loop3A_865, %parallel_loop3A_867 : vector<16xf32>
          %parallel_loop3A_869 = arith.fptosi %parallel_loop3A_868 : vector<16xf32> to vector<16xi32>
          %parallel_loop3A_870 = arith.constant 16 : i32
          %parallel_loop3A_871 = arith.muli %parallel_loop3A_860, %parallel_loop3A_870 : i32
          %parallel_loop3A_872 = arith.index_cast %parallel_loop3A_871 : i32 to index
          %parallel_loop3A_873 = tpu.vector_load %arg14[%parallel_loop3A_872] {strides = array<i32>} : memref<512xi32, #tpu.memory_space<vmem>>, vector<16xi32>,
          %parallel_loop3A_874 = arith.constant 65535 : i32
          %parallel_loop3A_875 = vector.broadcast %parallel_loop3A_874 : i32 to vector<16xi32>
          %parallel_loop3A_876 = arith.andi %parallel_loop3A_873, %parallel_loop3A_875 : vector<16xi32>
          %parallel_loop3A_877 = arith.constant 16 : i32
          %parallel_loop3A_878 = vector.broadcast %parallel_loop3A_877 : i32 to vector<16xi32>
          %parallel_loop3A_879 = arith.shrui %parallel_loop3A_873, %parallel_loop3A_878 : vector<16xi32>
          %parallel_loop3A_880 = arith.addi %parallel_loop3A_869, %parallel_loop3A_876 : vector<16xi32>
          %parallel_loop3A_881 = tpu.vector_load_idx %arg13[%parallel_loop3A_880] : memref<2048xi32, #tpu.memory_space<vmem>>[vector<16xi32>], vector<16xi32>,
          %parallel_loop3A_882 = arith.addi %parallel_loop3A_869, %parallel_loop3A_879 : vector<16xi32>
          %parallel_loop3A_883 = tpu.vector_load_idx %arg13[%parallel_loop3A_882] : memref<2048xi32, #tpu.memory_space<vmem>>[vector<16xi32>], vector<16xi32>,
          %parallel_loop3A_884 = vector.bitcast %parallel_loop3A_881 : vector<16xi32> to vector<32xbf16>
          %parallel_loop3A_885 = tpu.unpack_subelements %parallel_loop3A_884, 0 {pack_format = #tpu.pack_format<interleaved>} : vector<32xbf16> -> vector<16xf32>
          %parallel_loop3A_886 = tpu.unpack_subelements %parallel_loop3A_884, 1 {pack_format = #tpu.pack_format<interleaved>} : vector<32xbf16> -> vector<16xf32>
          %parallel_loop3A_887 = vector.bitcast %parallel_loop3A_883 : vector<16xi32> to vector<32xbf16>
          %parallel_loop3A_888 = tpu.unpack_subelements %parallel_loop3A_887, 0 {pack_format = #tpu.pack_format<interleaved>} : vector<32xbf16> -> vector<16xf32>
          %parallel_loop3A_889 = tpu.unpack_subelements %parallel_loop3A_887, 1 {pack_format = #tpu.pack_format<interleaved>} : vector<32xbf16> -> vector<16xf32>
          %parallel_loop3A_890 = arith.constant 16 : i32
          %parallel_loop3A_891 = arith.muli %parallel_loop3A_860, %parallel_loop3A_890 : i32
          %parallel_loop3A_892 = arith.index_cast %parallel_loop3A_891 : i32 to index
          %parallel_loop3A_893 = tpu.vector_load %arg15[%parallel_loop3A_892] {strides = array<i32>} : memref<512xf32, #tpu.memory_space<vmem>>, vector<16xf32>,
          %parallel_loop3A_894 = arith.constant 1.000000e+00 : f32
          %parallel_loop3A_895 = vector.broadcast %parallel_loop3A_894 : f32 to vector<16xf32>
          %parallel_loop3A_896 = arith.subf %parallel_loop3A_895, %parallel_loop3A_893 : vector<16xf32>
          %parallel_loop3A_897 = vector.broadcast %parallel_loop3A_852 : f32 to vector<16xf32>
          %parallel_loop3A_898 = arith.mulf %parallel_loop3A_897, %parallel_loop3A_885 : vector<16xf32>
          %parallel_loop3A_899 = vector.broadcast %parallel_loop3A_854 : f32 to vector<16xf32>
          %parallel_loop3A_900 = arith.mulf %parallel_loop3A_899, %parallel_loop3A_886 : vector<16xf32>
          %parallel_loop3A_901 = arith.addf %parallel_loop3A_898, %parallel_loop3A_900 : vector<16xf32>
          %parallel_loop3A_902 = vector.broadcast %parallel_loop3A_852 : f32 to vector<16xf32>
          %parallel_loop3A_903 = arith.mulf %parallel_loop3A_902, %parallel_loop3A_888 : vector<16xf32>
          %parallel_loop3A_904 = vector.broadcast %parallel_loop3A_854 : f32 to vector<16xf32>
          %parallel_loop3A_905 = arith.mulf %parallel_loop3A_904, %parallel_loop3A_889 : vector<16xf32>
          %parallel_loop3A_906 = arith.addf %parallel_loop3A_903, %parallel_loop3A_905 : vector<16xf32>
          %parallel_loop3A_907 = arith.mulf %parallel_loop3A_893, %parallel_loop3A_901 : vector<16xf32>
          %parallel_loop3A_908 = arith.mulf %parallel_loop3A_896, %parallel_loop3A_906 : vector<16xf32>
          %parallel_loop3A_909 = arith.addf %parallel_loop3A_907, %parallel_loop3A_908 : vector<16xf32>
          %parallel_loop3A_910 = arith.constant 0.00392156886 : f32
          %parallel_loop3A_911 = vector.broadcast %parallel_loop3A_910 : f32 to vector<16xf32>
          %parallel_loop3A_912 = arith.mulf %parallel_loop3A_909, %parallel_loop3A_911 : vector<16xf32>
          %parallel_loop3A_913 = arith.constant 16 : i32
          %parallel_loop3A_914 = arith.muli %parallel_loop3A_860, %parallel_loop3A_913 : i32
          %parallel_loop3A_915 = arith.addi %parallel_loop3A_856, %parallel_loop3A_914 : i32
          %parallel_loop3A_916 = arith.index_cast %parallel_loop3A_915 : i32 to index
          %parallel_loop3A_917 = tpu.vector_load %arg9[%parallel_loop3A_916] {strides = array<i32>} : memref<16384xf32, #tpu.memory_space<vmem>>, vector<16xf32>,
          tpu.vector_store %arg9[%parallel_loop3A_916], %parallel_loop3A_912 {strides = array<i32>} : memref<16384xf32, #tpu.memory_space<vmem>>, vector<16xf32>,
        } {sc.loop_unroll_factor = 4 : i64, sc.parallel_access}
      } {sc.loop_unroll_factor = 1 : i64, sc.parallel_access}
      %add3A_835 = arith.constant 114688 : i32
      %add3A_836 = arith.addi %add3A_79, %add3A_835 : i32
      %dma_start3A_837 = tpu.memref_slice %arg5[%add3A_836] : memref<12582912xf32, #tpu.memory_space<hbm>> -> memref<16384xf32, #tpu.memory_space<hbm>>
      %dma_start3A_838 = tpu.memref_slice %arg5[%add3A_836] : memref<12582912xf32, #tpu.memory_space<hbm>> -> memref<16384xf32, #tpu.memory_space<hbm>>
      tpu.enqueue_dma source(%arg9 : memref<16384xf32, #tpu.memory_space<vmem>>) target(%dma_start3A_838 : memref<16384xf32, #tpu.memory_space<hbm>>) target_semaphore(%arg21 : memref<!tpu.dma_semaphore, #tpu.memory_space<semaphore_mem>>)
      %dma_wait3A_839 = tpu.memref_slice %arg5[%add3A_745] : memref<12582912xf32, #tpu.memory_space<hbm>> -> memref<16384xf32, #tpu.memory_space<hbm>>
      %dma_wait3A_840 = tpu.memref_slice %arg5[%add3A_745] : memref<12582912xf32, #tpu.memory_space<hbm>> -> memref<16384xf32, #tpu.memory_space<hbm>>
      tpu.wait_dma2 semaphore(%arg20 : memref<!tpu.dma_semaphore, #tpu.memory_space<semaphore_mem>>) src(%arg8 : memref<16384xf32, #tpu.memory_space<vmem>>) dst(%dma_wait3A_840 : memref<16384xf32, #tpu.memory_space<hbm>>)
      %dma_wait3A_841 = tpu.memref_slice %arg5[%add3A_836] : memref<12582912xf32, #tpu.memory_space<hbm>> -> memref<16384xf32, #tpu.memory_space<hbm>>
      %dma_wait3A_842 = tpu.memref_slice %arg5[%add3A_836] : memref<12582912xf32, #tpu.memory_space<hbm>> -> memref<16384xf32, #tpu.memory_space<hbm>>
      tpu.wait_dma2 semaphore(%arg21 : memref<!tpu.dma_semaphore, #tpu.memory_space<semaphore_mem>>) src(%arg9 : memref<16384xf32, #tpu.memory_space<vmem>>) dst(%dma_wait3A_842 : memref<16384xf32, #tpu.memory_space<hbm>>)
      %scan3A_843 = arith.constant 0 : i32
      scf.yield %scan3A_843 : i32
    }
    %scan3A_33 = arith.constant 3 : i32
    return
  }
}

</mosaic_0001>

<sc_bundles>
// kernel: kernel.3.cloned.1.call-start
scs
__scs_entry_jumppad:
0x0: {  	(pc) =	sbr.rel $0x88, $3  }
0x1: {  	(tag) =	ssettag $0x0;
	lr =	simm.s32 $0x1  }
0x2: {  	[smem:$0x3FA0] =	sst lr;
	_ =	strace $0xD0000000  }
0x3: {  	_ = 	snop  }
0x4: {  	_ = 	snop  }
0x5: {  	_ = 	snop  }
0x6: {  	_ = 	snop  }
0x7: {  	_ = 	snop  }
__scs_overlays_trampoline_lowered:
0x8: {  	[smem:$0x3FAF] =	sst s0  }
0x9: {  	[smem:$0x3FB0] =	sst s1  }
0xa: {  	[smem:$0x3FB1] =	sst s2  }
0xb: {  	[smem:$0x3FB2] =	sst s3  }
0xc: {  	[smem:$0x3FB3] =	sst s4  }
0xd: {  	[smem:$0x3FB4] =	sst s5  }
0xe: {  	[smem:$0x3FB5] =	sst s6  }
0xf: {  	[smem:$0x3FB6] =	sst s7  }
0x10: {  	[smem:$0x3FB7] =	sst s8  }
0x11: {  	[smem:$0x3FB8] =	sst s9;
	s0 =	simm.s32 @!p0 $0x0  }
0x12: {  	s1 =	sld [smem:$0x3F9E];
	s0 =	simm.s32 @p0 $0x1  }
0x13: {  	[smem:$0x3FB9] =	sst s0;
	s0 =	simm.s32 @!p1 $0x0  }
0x14: {  	s2 =	sld [smem:$0x3F9D];
	s0 =	simm.s32 @p1 $0x1  }
0x15: {  	[smem:$0x3FBA] =	sst s0;
	s0 =	simm.s32 @!p2 $0x0  }
0x16: {  	s3 =	sld [smem:$0x3FDB];
	s0 =	simm.s32 @p2 $0x1  }
0x17: {  	s4 =	simm.s32 $0x1BF5;
	[smem:$0x3FBC] =	sst s0  }
0x18: {  	s0 =	sld [smem:$0x3F9F];
	_ =	swait.ge [sflag:s4], $0x0  }
0x19: {  	s7 =	sld [smem:$0x3FA0]  }
0x1a: {  	s8 =	sadd.s32 $0xFFFFE003, lr  }
0x1b: {  	s9 =	sadd.s32 $0xFFFFFEF7, lr;
	s5 =	simm.s32 $0xFFFFFFFF;
	p2 =	slt.u32 s8, $0xFFFFF086  }
0x1c: {  	p1 =	slt.u32 s9, $0xF7A;
	s5 =	simm.s32 @!p2 $0x0  }
0x1d: {  	s5 =	simm.s32 @p1 $0x1;
	p0 =	seq.s32 s7, s2  }
0x1e: {  	s7 =	smul.u32 @!p0 $0xF7A, s2;
	p2 =	seq.s32 @!p0 s5, $0x0  }
0x1f: {  	s9 =	smul.u32 $0xF7A, s1;
	s8 =	simm.s32 @!p0 $0x1BF5;
	p2 =	por !p2, p0  }
0x20: {  	[sflag:s8] =	ssyncset.s32 @!p0 $0xFFFFF086;
	s6 =	sadd.s32 @!p0 s3, s7;
	s7 =	simm.s32 @!p0 $0x108  }
0x21: {  	s3 =	sadd.s32 s3, s9;
	s6 =	sadd.s32 @!p0 $0x88, s6;
	s7 =	simm.s32 @p2 $0x1082  }
0x22: {  	[simem:s7], [sflag:s8] =	dma.local @!p0 [hbm:s6], $0xF7A  }
0x23: {  	s9 =	sor.u32 $0xD0000000, s2;
	s6 =	simm.s32 $0x108;
	_ =	swait.ge @!p0 [sflag:s8], $0x0  }
0x24: {  	s3 =	sadd.s32 $0x88, s3;
	s6 =	simm.s32 @!p1 $0x1082;
	[sflag:s4] =	ssyncset.s32 $0xFFFFF086  }
0x25: {  	[simem:s6], [sflag:s4] =	dma.local [hbm:s3], $0xF7A  }
0x26: {  	[smem:$0x3FA0] =	sst s1;
	(tag) =	ssettag s2;
	_ =	strace s9  }
0x27: {  	s1 =	sld [smem:$0x3FB0]  }
0x28: {  	s2 =	sld [smem:$0x3FB1]  }
0x29: {  	s4 =	sld [smem:$0x3FB3]  }
0x2a: {  	p0 =	seq.s32 s5, $0x0;
	s5 =	sld [smem:$0x3FB4]  }
0x2b: {  	s6 =	sld [smem:$0x3FB5]  }
0x2c: {  	s7 =	sld [smem:$0x3FB6]  }
0x2d: {  	s3 =	simm.s32 $0x108;
	s8 =	sld [smem:$0x3FB7]  }
0x2e: {  	s3 =	simm.s32 @!p0 $0x1082;
	s9 =	sld [smem:$0x3FB8]  }
0x2f: {  	lr =	sadd.s32 s0, s3;
	s0 =	sld [smem:$0x3FAF]  }
0x30: {  	s3 =	sld [smem:$0x3FB2]  }
0x31: {  	[smem:$0x3FBB] =	sst s10  }
0x32: {  	s10 =	sld [smem:$0x3FB9];
	_ =	sdelay $0x3  }
0x33: {  	p0 =	seq.s32 s10, $0x1;
	s10 =	sld [smem:$0x3FBB];
	_ =	sdelay $0x3  }
0x34: {  	[smem:$0x3FBB] =	sst s10  }
0x35: {  	s10 =	sld [smem:$0x3FBA];
	_ =	sdelay $0x3  }
0x36: {  	p1 =	seq.s32 s10, $0x1;
	s10 =	sld [smem:$0x3FBB];
	_ =	sdelay $0x3  }
0x37: {  	[smem:$0x3FBB] =	sst s10  }
0x38: {  	s10 =	sld [smem:$0x3FBC]  }
0x39: {  	_ = 	snop;
	(pc) =	sbr.ind lr, $3  }
0x3a: {  	_ = 	snop  }
0x3b: {  	_ = 	snop  }
0x3c: {  	p2 =	seq.s32 s10, $0x1;
	s10 =	sld [smem:$0x3FBB]  }
0x3d: {  	_ =	shalt  }
0x3e: {  	_ =	shalt  }
0x3f: {  	_ =	shalt  }
0x40: {  	_ =	shalt  }
0x41: {  	_ =	shalt  }
0x42: {  	_ =	shalt  }
0x43: {  	_ =	shalt  }
0x44: {  	_ =	shalt  }
0x45: {  	_ =	shalt  }
0x46: {  	_ =	shalt  }
0x47: {  	_ =	shalt  }
0x48: {  	_ =	shalt  }
0x49: {  	_ =	shalt  }
0x4a: {  	_ =	shalt  }
0x4b: {  	_ =	shalt  }
0x4c: {  	_ =	shalt  }
0x4d: {  	_ =	shalt  }
0x4e: {  	_ =	shalt  }
0x4f: {  	_ =	shalt  }
0x50: {  	_ =	shalt  }
0x51: {  	_ =	shalt  }
0x52: {  	_ =	shalt  }
0x53: {  	_ =	shalt  }
0x54: {  	_ =	shalt  }
0x55: {  	_ =	shalt  }
0x56: {  	_ =	shalt  }
0x57: {  	_ =	shalt  }
0x58: {  	_ =	shalt  }
0x59: {  	_ =	shalt  }
0x5a: {  	_ =	shalt  }
0x5b: {  	_ =	shalt  }
0x5c: {  	_ =	shalt  }
0x5d: {  	_ =	shalt  }
0x5e: {  	_ =	shalt  }
0x5f: {  	_ =	shalt  }
0x60: {  	_ =	shalt  }
0x61: {  	_ =	shalt  }
0x62: {  	_ =	shalt  }
0x63: {  	_ =	shalt  }
0x64: {  	_ =	shalt  }
0x65: {  	_ =	shalt  }
0x66: {  	_ =	shalt  }
0x67: {  	_ =	shalt  }
0x68: {  	_ =	shalt  }
0x69: {  	_ =	shalt  }
0x6a: {  	_ =	shalt  }
0x6b: {  	_ =	shalt  }
0x6c: {  	_ =	shalt  }
0x6d: {  	_ =	shalt  }
0x6e: {  	_ =	shalt  }
0x6f: {  	_ =	shalt  }
0x70: {  	_ =	shalt  }
0x71: {  	_ =	shalt  }
0x72: {  	_ =	shalt  }
0x73: {  	_ =	shalt  }
0x74: {  	_ =	shalt  }
0x75: {  	_ =	shalt  }
0x76: {  	_ =	shalt  }
0x77: {  	_ =	shalt  }
0x78: {  	_ =	shalt  }
0x79: {  	_ =	shalt  }
0x7a: {  	_ =	shalt  }
0x7b: {  	_ =	shalt  }
0x7c: {  	_ =	shalt  }
0x7d: {  	_ =	shalt  }
0x7e: {  	_ =	shalt  }
0x7f: {  	_ =	shalt  }
0x80: {  	_ =	shalt  }
0x81: {  	_ =	shalt  }
0x82: {  	_ =	shalt  }
0x83: {  	_ =	shalt  }
0x84: {  	_ =	shalt  }
0x85: {  	_ =	shalt  }
0x86: {  	_ =	shalt  }
0x87: {  	_ =	shalt  }
.Lfunc_end0:
.L_simem_size_0:
called_computation.1_lowered:
.L_overlay_start_0:
0x88: {  	s2 =	sld [smem:$0x3FD9]  }
0x89: {  	s3 =	sld [smem:$0x3FFE];
	_ =	sdelay $0x1  }
0x8a: {  	s1 =	srdreg.scid  }
0x8b: {  	s0 =	sand.u32 $0x1, s1  }
0x8c: {  	s17 =	sshll.u32 s0, $0xA;
	s2 =	sadd.s32 s3, s2  }
0x8d: {  	s2 =	sadd.s32 s2, s17  }
0x8e: {  	[smem:$0x3FC7] =	sst s2  }
0x8f: {  	_ = 	snop  }
0x90: {  	s2 =	sld [smem:$0x3FD0];
	(tm) =	ssettm $0x1  }
0x91: {  	s18 =	sld [smem:$0x3FFB];
	_ =	sdelay $0x3  }
0x92: {  	_ =	strace s18  }
0x93: {  	s3 =	sld [smem:$0x3FFC];
	_ =	sdelay $0x3  }
0x94: {  	_ =	strace s3  }
0x95: {  	s3 =	sld [smem:$0x3FFD];
	_ =	sdelay $0x3  }
0x96: {  	_ =	strace s3  }
0x97: {  	_ =	strace $0x8FFFFFFF  }
0x98: {  	s19 =	sld [smem:$0x3FDB];
	_ =	sdelay $0x1  }
0x99: {  	s4 =	simm.s32 $_scs_section_size  }
0x9a: {  	s5 =	simm.s32 $_size__tile_overlayer_lowered;
	s6 =	simm.s32 $_tile_overlayer_lowered  }
0x9b: {  	s22 =	simm.s32 $0x1BFF;
	s21 =	sshll.u32 s6, $0x1;
	s3 =	sadd.s32 s4, s19  }
0x9c: {  	s7 =	simm.s32 $0x0;
	s20 =	sshll.u32 s5, $0x1;
	s5 =	sadd.s32 s21, s3  }
0x9d: {  	[timem:s7], [sflag:s22] =	dma.local [hbm:s5], s20  }
0x9e: {  	_ =	swait.ge [sflag:s22], s20  }
0x9f: {  	s4 =	ssub.s32 $0x0, s20;
	[sflag:s22] =	ssyncset.done $0x0  }
0xa0: {  	[sflag:s22] =	ssyncadd.s32 s4;
	_ =	sdelay $0x1  }
0xa1: {  	s23 =	simm.s32 $0x1B8B  }
0xa2: {  	_ =	swait.ge [sflag:s23], $0x1  }
0xa3: {  	[sflag:s23] =	ssyncset.done $0x0  }
0xa4: {  	s25 =	simm.s32 $0x1B8E;
	s24 =	sld [smem:$0x3FFE];
	[sflag:s23] =	ssyncadd.s32 $0xFFFFFFFF  }
0xa5: {  	s26 =	simm.s32 $execute0_lowered;
	[smem:$0x3FD2] =	sst s25  }
0xa6: {  	s5 =	sshll.u32 s26, $0x1;
	_ =	strace $0x80000049;
	[dreg:$0x1] =	wrdreg $0xFFFFFFFF  }
0xa7: {  	s28 =	simm.s32 $_size_execute0_lowered;
	s3 =	sadd.s32 s3, s5;
	[dreg:$0x0] =	wrdreg $0x0  }
0xa8: {  	s5 =	sshll.u32 s28, $0x1;
	[dreg:$0x2] =	wrdreg s3  }
0xa9: {  	[dreg:$0x3] =	wrdreg s5  }
0xaa: {  	[dreg:$0x4] =	wrdreg $0xC0  }
0xab: {  	_ =	task [dreg:s7], $0x5FFFF  }
0xac: {  	[dreg:$0x1] =	wrdreg $0xFFFFFFFF  }
0xad: {  	[dreg:$0x0] =	wrdreg $0x60  }
0xae: {  	[dreg:$0x2] =	wrdreg s2  }
0xaf: {  	[dreg:$0x3] =	wrdreg s24  }
0xb0: {  	[dreg:$0x4] =	wrdreg $0x144000  }
0xb1: {  	[dreg:$0x5] =	wrdreg $0x9  }
0xb2: {  	_ =	task.clear_ibuf [dreg:s7], $0x6FFFF;
	_ =	strace $0x90000049  }
0xb3: {  	s29 =	simm.s32 $0x9;
	_ =	strace $0x8000004B  }
0xb4: {  	_ =	swait.ge [sflag:s29], $0x1  }
0xb5: {  	[sflag:s29] =	ssyncadd.s32 $0xFFFFFFFF  }
0xb6: {  	_ =	strace $0x9000004B  }
0xb7: {  	_ =	sfence  }
0xb8: {  	s30 =	sld [smem:$0x0];
	_ =	sdelay $0x2  }
0xb9: {  	s31 =	sshll.u32 s1, $0xD;
	s1 =	sshrl.u32 s1, $0x2  }
0xba: {  	s3 =	sand.u32 $0x4000, s31;
	s1 =	sadd.s32 s1, s30  }
0xbb: {  	s0 =	sor.u32 s3, s0;
	s1 =	sshll.u32 s1, $0x11  }
0xbc: {  	s0 =	sor.u32 s1, s0  }
0xbd: {  	s0 =	sadd.s32 $0x8F2B, s0  }
0xbe: {  	[sflag:s0] =	ssyncadd.remote.s32 $0x1  }
0xbf: {  	_ =	sfence.sel $0xFFFF  }
0xc0: {  	[dreg:$0x0] =	wrdreg $0xFFFFFFFF;
	(pc) =	sbr.abs _section_cstart, $3  }
0xc1: {  	[dreg:$0x1] =	wrdreg $0xFFFFFFFF  }
0xc2: {  	_ =	task.clear_ibuf [dreg:s7], $0x2FFFF;
	_ =	strace $0x9FFFFFFF  }
0xc3: {  	(tm) =	ssettm $0x7FFFFFFF  }
tec
execute0_lowered:
.L_overlay_start_1:
0x0: {  	(tag) =	ssettag $0x1  }
0x1: {  	v0 =	vimm.f32 $1.500000000e+01;
	vm0 =	vcmask $0x300  }
0x2: {  	vm14 =	vcmask $0x704;
	v0 =	vsel vm0, $0x0, v0  }
0x3: {  	s5 =	rddreg [dreg:$0x0];
	vm15 =	vcmask $0xB08;
	v0 =	vsel vm14, $0x3F800000, v0  }
0x4: {  	s0 =	rddreg [dreg:$0x1];
	s1 =	srdreg.scid;
	vm4 =	vcmask $0xF0C;
	v0 =	vsel vm15, $0x40000000, v0  }
0x5: {  	s6 =	stileid.u32;
	s4 =	simm.s32 $0x0;
	vm5 =	vcmask $0x1310;
	s30 =	simm.s32 $0x4000;
	v0 =	vsel vm4, $0x40400000, v0  }
0x6: {  	vm6 =	vcmask $0x1714;
	s17 =	simm.s32 $0x10000;
	s18 =	simm.s32 $0x2;
	s1 =	sand.u32 $0x1, s1;
	v0 =	vsel vm5, $0x40800000, v0  }
0x7: {  	vm7 =	vcmask $0x1B18;
	s3 =	smul.u32 $0xC, s6;
	[smem:$0x7FF] =	sst s4;
	s2 =	sadd.s32 $0xE00, s0;
	v0 =	vsel vm6, $0x40A00000, v0  }
0x8: {  	vm8 =	vcmask $0x1F1C;
	s24 =	sadd.s32 $0xC00, s0;
	_ =	strace $0x8000004A;
	[dreg:$0x6] =	wrdreg s2;
	v0 =	vsel vm7, $0x40C00000, v0  }
0x9: {  	vm9 =	vcmask $0x2320;
	s9 =	sadd.s32 $0x1000, s0;
	s29 =	smul.u32 $0x3, s6;
	[dreg:$0x7] =	wrdreg s24;
	v0 =	vsel vm8, $0x40E00000, v0  }
0xa: {  	vm10 =	vcmask $0x2724;
	s7 =	smul.u32 $0xC0, s1;
	s25 =	ssub.s32 $0x2, s1;
	[dreg:$0x4] =	wrdreg s3;
	v0 =	vsel vm9, $0x41000000, v0  }
0xb: {  	vm11 =	vcmask $0x2B28;
	s1 =	smul.u32 $0x18, s1;
	s26 =	sshrl.u32 s25, $0x1;
	[dreg:$0x9] =	wrdreg s29;
	v0 =	vsel vm10, $0x41100000, v0  }
0xc: {  	vm12 =	vcmask $0x2F2C;
	[dreg:$0x5] =	wrdreg s7;
	s3 =	sadd.s32 s3, s7;
	s0 =	ssub.s32 s25, s26;
	v0 =	vsel vm11, $0x41200000, v0  }
0xd: {  	vm13 =	vcmask $0x3330;
	[dreg:$0xb] =	wrdreg s1;
	s3 =	sshll.u32 s3, $0xC;
	s0 =	smax.u32 s0, $0x1;
	v0 =	vsel vm12, $0x41300000, v0  }
0xe: {  	s31 =	sand.u32 $0x1, s6;
	vm14 =	vcmask $0x3734;
	s28 =	sadd.s32 s5, s3;
	[dreg:$0xc] =	wrdreg s0;
	v1 =	vsel vm13, $0x41400000, v0  }
0xf: {  	v3 =	vimm.s32 $0xF;
	p0 =	seq.s32 s31, $0x1;
	vm15 =	vcmask $0x3B38;
	[dreg:$0x8] =	wrdreg s28;
	s2 =	sadd.s32 $0x800, s28;
	v2 =	vsel vm14, $0x41500000, v1  }
0x10: {  	s25 =	simm.s32 $0x13800;
	s1 =	simm.s32 $0x0;
	[dreg:$0xa] =	wrdreg s2;
	v0 =	vimm.f32 $0.0e+00;
	v1 =	vimm.f32 $1.000000000e+00;
	v2 =	vsel vm15, $0x41600000, v2  }
.LBB2_1:
0x11: {  	[dreg:$0xd] =	wrdreg s1  }
0x12: {  	s0 =	rddreg [dreg:$0x8]  }
0x13: {  	[tilespmem:s4], [sflag:$0x1] =	stream.linear.gather [hbm4b:s0+s4], $0x4000, $0x38;
	[tilespmem:$0x1A400] =	vst v63  }
0x14: {  	s31 =	rddreg [dreg:$0xa];
	s0 =	simm.s32 $0x0  }
0x15: {  	[tilespmem:s30], [sflag:$0x2] =	stream.linear.gather [hbm4b:s31+s4], $0x4000, $0x38;
	[tilespmem:$0x1A400] =	vst v63  }
.LBB2_2:
0x16: {  	s2 =	simm.s32 $0x100;
	s1 =	simm.s32 $0x0  }
.LBB2_3:
0x17: {  	p1 =	sne.s32 s2, $0x1F00;
	[tilespmem:s1+$0x10030] =	vst v0;
	s3 =	smov.u32 s2;
	s2 =	sadd.s32 $0x100, s2  }
.Ltmp0:
0x18: {  	[tilespmem:s1+$0x10020] =	vst v0;
	(pc) =	sbr.rel @p1 .LBB2_3-.Ltmp0, $3  }
0x19: {  	[tilespmem:s1+$0x10000] =	vst v0  }
0x1a: {  	[tilespmem:s1+$0x10010] =	vst v0;
	_ =	sdelay $0x1  }
0x1b: {  	s1 =	sshra.s32 s3, $0x2  }
0x1c: {  	[tilespmem:s1+$0x10030] =	vst v0  }
0x1d: {  	[tilespmem:s1+$0x10020] =	vst v0  }
0x1e: {  	[tilespmem:s1+$0x10000] =	vst v0  }
0x1f: {  	[tilespmem:s1+$0x10010] =	vst v0;
	s15 =	simm.s32 $0x1  }
0x20: {  	_ =	swait.ge [sflag:s15], $0x4000  }
0x21: {  	[sflag:s15] =	ssyncset.done $0x0  }
0x22: {  	s8 =	simm.s32 $0x0;
	[sflag:s15] =	ssyncadd.s32 $0xFFFFC000  }
0x23: {  	v4 =	vld [tilespmem:s8+$0xC0];
	_ =	sdelay $0x4  }
0x24: {  	v4 =	vmul.f32 $2.560000000e+02, v4  }
0x25: {  	v5 =	vld [tilespmem:s8+$0x0]  }
0x26: {  	v6 =	vld [tilespmem:s8+$0x40];
	v4 =	vtrunc.f32 v4  }
0x27: {  	v4 =	vcvt.f32.s32 v4;
	_ =	sdelay $0x1  }
0x28: {  	v7 =	vld [tilespmem:s8+$0x80];
	vm0 =	vgt.s32 v4, $0x0  }
0x29: {  	s16 =	simm.s32 $0x300;
	v5 =	vmul.f32 $2.560000000e+02, v5;
	v4 =	vnsel vm0, $0x0, v4  }
0x2a: {  	s11 =	sand.u32 $0x700, s16;
	v6 =	vmul.f32 $2.560000000e+02, v6;
	v4 =	vmin.u32 v4, $0xFF  }
0x2b: {  	v5 =	vtrunc.f32 v5;
	v4 =	vor.u32 s11, v4  }
0x2c: {  	v6 =	vtrunc.f32 v6;
	v5 =	vcvt.f32.s32 v5  }
0x2d: {  	v7 =	vmul.f32 $2.560000000e+02, v7;
	v6 =	vcvt.f32.s32 v6  }
0x2e: {  	vm6 =	vgt.s32 v5, $0x0  }
0x2f: {  	s2 =	simm.s32 $0xC0;
	s19 =	simm.s32 $0x0;
	v7 =	vtrunc.f32 v7;
	vm7 =	vgt.s32 v6, $0x0;
	v5 =	vnsel vm6, $0x0, v5  }
0x30: {  	s5 =	simm.s32 $0x100;
	s3 =	sor.u32 $0x50, s2;
	s14 =	sand.u32 $0x400, s19;
	v7 =	vcvt.f32.s32 v7;
	[tilespmem:v4+s17+$0x0] =	vst.idx.add.f32.msk $0xffff, v1;
	v4 =	vmin.u32 v5, $0xFF;
	v5 =	vnsel vm7, $0x0, v6  }
0x31: {  	s31 =	sand.u32 $0x500, s5;
	v6 =	vld [tilespmem:s3+$0x0];
	v4 =	vor.u32 s14, v4;
	v5 =	vmin.u32 v5, $0xFF  }
0x32: {  	vm1 =	vgt.s32 v7, $0x0;
	v5 =	vor.u32 s31, v5  }
0x33: {  	s20 =	simm.s32 $0x200;
	v7 =	vnsel vm1, $0x0, v7  }
0x34: {  	s19 =	sand.u32 $0x600, s20;
	v7 =	vmin.u32 v7, $0xFF  }
0x35: {  	v7 =	vor.u32 s19, v7  }
0x36: {  	v6 =	vmul.f32 $2.560000000e+02, v6;
	[tilespmem:v4+s17+$0x0] =	vst.idx.add.f32.msk $0xffff, v1  }
0x37: {  	[tilespmem:v5+s17+$0x0] =	vst.idx.add.f32.msk $0xffff, v1  }
0x38: {  	s5 =	simm.s32 $0x100;
	v5 =	vld [tilespmem:s8+$0x10];
	v4 =	vtrunc.f32 v6  }
0x39: {  	v8 =	vld [tilespmem:s5+$0xC0];
	v4 =	vcvt.f32.s32 v4  }
0x3a: {  	s10 =	simm.s32 $0x40;
	[tilespmem:v7+s17+$0x0] =	vst.idx.add.f32.msk $0xffff, v1  }
0x3b: {  	s21 =	sor.u32 $0x50, s10;
	v7 =	vld [tilespmem:s8+$0x90];
	vm8 =	vgt.s32 v4, $0x0  }
0x3c: {  	v6 =	vld [tilespmem:s21+$0x0];
	v4 =	vnsel vm8, $0x0, v4  }
0x3d: {  	v5 =	vmul.f32 $2.560000000e+02, v5;
	v4 =	vmin.u32 v4, $0xFF  }
0x3e: {  	v8 =	vmul.f32 $2.560000000e+02, v8;
	v4 =	vor.u32 s11, v4  }
0x3f: {  	v5 =	vtrunc.f32 v5  }
0x40: {  	v9 =	vld [tilespmem:s5+$0x0];
	v8 =	vtrunc.f32 v8;
	v5 =	vcvt.f32.s32 v5  }
0x41: {  	v7 =	vmul.f32 $2.560000000e+02, v7;
	v6 =	vmul.f32 $2.560000000e+02, v6  }
0x42: {  	v8 =	vcvt.f32.s32 v8;
	vm9 =	vgt.s32 v5, $0x0  }
0x43: {  	s22 =	sor.u32 $0x60, s2;
	v7 =	vtrunc.f32 v7;
	v6 =	vtrunc.f32 v6;
	v5 =	vnsel vm9, $0x0, v5;
	[tilespmem:v4+s17+$0x0] =	vst.idx.add.f32.msk $0xffff, v1  }
0x44: {  	v4 =	vcvt.f32.s32 v6;
	v6 =	vcvt.f32.s32 v7;
	v5 =	vmin.u32 v5, $0xFF;
	v7 =	vld [tilespmem:s22+$0x0]  }
0x45: {  	v11 =	vld [tilespmem:s5+$0x80];
	v9 =	vmul.f32 $2.560000000e+02, v9;
	vm12 =	vgt.s32 v8, $0x0;
	v5 =	vor.u32 s14, v5  }
0x46: {  	s23 =	simm.s32 $0x700;
	v8 =	vnsel vm12, $0x0, v8;
	vm10 =	vgt.s32 v4, $0x0  }
0x47: {  	v9 =	vtrunc.f32 v9;
	v8 =	vmin.u32 v8, $0xFF;
	s22 =	sand.u32 $0x700, s23;
	v4 =	vnsel vm10, $0x0, v4  }
0x48: {  	v10 =	vld [tilespmem:s5+$0x40];
	vm11 =	vgt.s32 v6, $0x0;
	v8 =	vor.u32 s22, v8;
	v4 =	vmin.u32 v4, $0xFF  }
0x49: {  	v6 =	vnsel vm11, $0x0, v6;
	v4 =	vor.u32 s31, v4;
	v7 =	vmul.f32 $2.560000000e+02, v7  }
0x4a: {  	v9 =	vcvt.f32.s32 v9;
	v6 =	vmin.u32 v6, $0xFF;
	[tilespmem:v5+s17+$0x0] =	vst.idx.add.f32.msk $0xffff, v1;
	v5 =	vmul.f32 $2.560000000e+02, v11  }
0x4b: {  	v6 =	vor.u32 s19, v6;
	v7 =	vtrunc.f32 v7  }
0x4c: {  	vm14 =	vgt.s32 v9, $0x0;
	v5 =	vtrunc.f32 v5;
	v7 =	vcvt.f32.s32 v7  }
0x4d: {  	v10 =	vmul.f32 $2.560000000e+02, v10;
	v9 =	vnsel vm14, $0x0, v9;
	[tilespmem:v8+s17+$0x0] =	vst.idx.add.f32.msk $0xffff, v1;
	v5 =	vcvt.f32.s32 v5  }
0x4e: {  	s26 =	simm.s32 $0x400;
	v9 =	vmin.u32 v9, $0xFF;
	[tilespmem:v4+s17+$0x0] =	vst.idx.add.f32.msk $0xffff, v1;
	vm13 =	vgt.s32 v7, $0x0  }
0x4f: {  	s13 =	simm.s32 $0x1C0;
	s6 =	sand.u32 $0x400, s26;
	v4 =	vtrunc.f32 v10;
	v10 =	vld [tilespmem:s8+$0x20];
	vm4 =	vgt.s32 v5, $0x0;
	v7 =	vnsel vm13, $0x0, v7  }
0x50: {  	s12 =	simm.s32 $0x600;
	s30 =	sor.u32 $0x50, s13;
	v8 =	vor.u32 s6, v9;
	[tilespmem:v6+s17+$0x0] =	vst.idx.add.f32.msk $0xffff, v1;
	v5 =	vnsel vm4, $0x0, v5;
	v6 =	vmin.u32 v7, $0xFF  }
0x51: {  	s24 =	sor.u32 $0x60, s10;
	s3 =	sand.u32 $0x600, s12;
	v9 =	vld [tilespmem:s30+$0x0];
	v4 =	vcvt.f32.s32 v4;
	v5 =	vmin.u32 v5, $0xFF;
	v6 =	vor.u32 s11, v6  }
0x52: {  	v7 =	vld [tilespmem:s24+$0x0];
	v5 =	vor.u32 s3, v5  }
0x53: {  	vm15 =	vgt.s32 v4, $0x0  }
0x54: {  	s29 =	simm.s32 $0x500;
	v11 =	vld [tilespmem:s8+$0xA0];
	v4 =	vnsel vm15, $0x0, v4  }
0x55: {  	s7 =	sand.u32 $0x500, s29;
	[tilespmem:v8+s17+$0x0] =	vst.idx.add.f32.msk $0xffff, v1;
	v4 =	vmin.u32 v4, $0xFF;
	v10 =	vmul.f32 $2.560000000e+02, v10  }
0x56: {  	v8 =	vmul.f32 $2.560000000e+02, v9;
	v4 =	vor.u32 s7, v4;
	[tilespmem:v6+s17+$0x0] =	vst.idx.add.f32.msk $0xffff, v1  }
0x57: {  	v10 =	vtrunc.f32 v10;
	v6 =	vmul.f32 $2.560000000e+02, v7;
	[tilespmem:v5+s17+$0x0] =	vst.idx.add.f32.msk $0xffff, v1  }
0x58: {  	s12 =	sor.u32 $0x70, s2;
	v7 =	vcvt.f32.s32 v10;
	v5 =	vtrunc.f32 v8;
	v8 =	vld [tilespmem:s5+$0x10]  }
0x59: {  	v9 =	vmul.f32 $2.560000000e+02, v11;
	v10 =	vld [tilespmem:s12+$0x0]  }
0x5a: {  	s21 =	simm.s32 $0x140;
	v5 =	vcvt.f32.s32 v5;
	v6 =	vtrunc.f32 v6;
	vm5 =	vgt.s32 v7, $0x0  }
0x5b: {  	s15 =	sor.u32 $0x50, s21;
	[tilespmem:v4+s17+$0x0] =	vst.idx.add.f32.msk $0xffff, v1;
	v4 =	vcvt.f32.s32 v6;
	v6 =	vnsel vm5, $0x0, v7;
	v7 =	vtrunc.f32 v9  }
0x5c: {  	v9 =	vld [tilespmem:s15+$0x0];
	vm7 =	vgt.s32 v5, $0x0;
	v6 =	vmin.u32 v6, $0xFF;
	v7 =	vcvt.f32.s32 v7  }
0x5d: {  	v5 =	vnsel vm7, $0x0, v5;
	v6 =	vor.u32 s14, v6;
	vm6 =	vgt.s32 v4, $0x0  }
0x5e: {  	v11 =	vld [tilespmem:s5+$0x90];
	v5 =	vmin.u32 v5, $0xFF;
	v8 =	vmul.f32 $2.560000000e+02, v8;
	v10 =	vmul.f32 $2.560000000e+02, v10  }
0x5f: {  	s2 =	simm.s32 $0x200;
	v4 =	vnsel vm6, $0x0, v4;
	vm8 =	vgt.s32 v7, $0x0;
	v5 =	vor.u32 s22, v5  }
0x60: {  	v13 =	vld [tilespmem:s2+$0x0];
	v7 =	vnsel vm8, $0x0, v7;
	v8 =	vtrunc.f32 v8;
	v10 =	vtrunc.f32 v10  }
0x61: {  	v14 =	vld [tilespmem:s2+$0x40];
	v4 =	vmin.u32 v4, $0xFF;
	v9 =	vmul.f32 $2.560000000e+02, v9;
	v8 =	vcvt.f32.s32 v8  }
0x62: {  	v7 =	vmin.u32 v7, $0xFF;
	v12 =	vor.u32 s31, v4;
	v10 =	vcvt.f32.s32 v10;
	[tilespmem:v6+s17+$0x0] =	vst.idx.add.f32.msk $0xffff, v1  }
0x63: {  	v6 =	vmul.f32 $2.560000000e+02, v11;
	v9 =	vtrunc.f32 v9;
	vm10 =	vgt.s32 v8, $0x0;
	v11 =	vld [tilespmem:s8+$0x30]  }
0x64: {  	vm9 =	vgt.s32 v10, $0x0;
	v9 =	vcvt.f32.s32 v9;
	[tilespmem:v5+s17+$0x0] =	vst.idx.add.f32.msk $0xffff, v1;
	v5 =	vor.u32 s19, v7  }
0x65: {  	s16 =	sor.u32 $0x60, s13;
	v7 =	vnsel vm10, $0x0, v8;
	v4 =	vnsel vm9, $0x0, v10;
	v6 =	vtrunc.f32 v6;
	v10 =	vld [tilespmem:s2+$0xC0]  }
0x66: {  	v8 =	vld [tilespmem:s16+$0x0];
	v7 =	vmin.u32 v7, $0xFF;
	v6 =	vcvt.f32.s32 v6  }
0x67: {  	vm11 =	vgt.s32 v9, $0x0;
	v7 =	vor.u32 s6, v7  }
0x68: {  	[tilespmem:v12+s17+$0x0] =	vst.idx.add.f32.msk $0xffff, v1;
	v12 =	vmul.f32 $2.560000000e+02, v13;
	v9 =	vnsel vm11, $0x0, v9;
	vm12 =	vgt.s32 v6, $0x0  }
0x69: {  	v9 =	vmin.u32 v9, $0xFF;
	v11 =	vmul.f32 $2.560000000e+02, v11;
	v6 =	vnsel vm12, $0x0, v6  }
0x6a: {  	v9 =	vor.u32 s7, v9;
	[tilespmem:v5+s17+$0x0] =	vst.idx.add.f32.msk $0xffff, v1;
	v5 =	vmul.f32 $2.560000000e+02, v14;
	v10 =	vmul.f32 $2.560000000e+02, v10  }
0x6b: {  	v6 =	vmin.u32 v6, $0xFF;
	v8 =	vmul.f32 $2.560000000e+02, v8;
	v11 =	vtrunc.f32 v11  }
0x6c: {  	v6 =	vor.u32 s3, v6;
	v11 =	vcvt.f32.s32 v11;
	v10 =	vtrunc.f32 v10  }
0x6d: {  	v15 =	vld [tilespmem:s2+$0x80];
	v4 =	vmin.u32 v4, $0xFF;
	v8 =	vtrunc.f32 v8;
	v10 =	vcvt.f32.s32 v10  }
0x6e: {  	v4 =	vor.u32 s11, v4;
	v12 =	vtrunc.f32 v12;
	v8 =	vcvt.f32.s32 v8  }
0x6f: {  	[tilespmem:v7+s17+$0x0] =	vst.idx.add.f32.msk $0xffff, v1;
	v5 =	vtrunc.f32 v5;
	vm13 =	vgt.s32 v11, $0x0;
	vm14 =	vgt.s32 v10, $0x0  }
0x70: {  	s20 =	simm.s32 $0xB00;
	[tilespmem:v9+s17+$0x0] =	vst.idx.add.f32.msk $0xffff, v1;
	v7 =	vnsel vm13, $0x0, v11;
	vm15 =	vgt.s32 v8, $0x0;
	v10 =	vnsel vm14, $0x0, v10  }
0x71: {  	s24 =	sor.u32 $0x70, s10;
	s11 =	sand.u32 $0x700, s20;
	[tilespmem:v6+s17+$0x0] =	vst.idx.add.f32.msk $0xffff, v1;
	v6 =	vcvt.f32.s32 v12;
	v8 =	vnsel vm15, $0x0, v8;
	v9 =	vmin.u32 v10, $0xFF  }
0x72: {  	v14 =	vld [tilespmem:s24+$0x0];
	v11 =	vmul.f32 $2.560000000e+02, v15;
	v8 =	vmin.u32 v8, $0xFF;
	v9 =	vor.u32 s11, v9  }
0x73: {  	s23 =	sor.u32 $0x60, s21;
	v13 =	vld [tilespmem:s5+$0x20];
	v5 =	vcvt.f32.s32 v5;
	vm4 =	vgt.s32 v6, $0x0;
	v8 =	vor.u32 s22, v8  }
0x74: {  	s26 =	simm.s32 $0x800;
	v10 =	vld [tilespmem:s23+$0x0];
	v11 =	vtrunc.f32 v11;
	v6 =	vnsel vm4, $0x0, v6  }
0x75: {  	s12 =	sand.u32 $0x400, s26;
	vm5 =	vgt.s32 v5, $0x0;
	v12 =	vld [tilespmem:s5+$0xA0];
	v11 =	vcvt.f32.s32 v11;
	v6 =	vmin.u32 v6, $0xFF  }
0x76: {  	v15 =	vld [tilespmem:s8+$0xB0];
	v5 =	vnsel vm5, $0x0, v5;
	v6 =	vor.u32 s12, v6  }
0x77: {  	s29 =	simm.s32 $0x900;
	s26 =	simm.s32 $0x2C0;
	v5 =	vmin.u32 v5, $0xFF;
	vm6 =	vgt.s32 v11, $0x0;
	[tilespmem:v9+s17+$0x0] =	vst.idx.add.f32.msk $0xffff, v1  }
0x78: {  	s30 =	simm.s32 $0xA00;
	s15 =	sor.u32 $0x50, s26;
	s8 =	sand.u32 $0x500, s29;
	v7 =	vmin.u32 v7, $0xFF;
	v13 =	vmul.f32 $2.560000000e+02, v13;
	v11 =	vnsel vm6, $0x0, v11;
	[tilespmem:v8+s17+$0x0] =	vst.idx.add.f32.msk $0xffff, v1  }
0x79: {  	s10 =	sand.u32 $0x600, s30;
	s16 =	sor.u32 $0x70, s13;
	v9 =	vmin.u32 v11, $0xFF;
	v11 =	vor.u32 s8, v5;
	v5 =	vmul.f32 $2.560000000e+02, v10;
	v16 =	vld [tilespmem:s15+$0x0]  }
0x7a: {  	v12 =	vmul.f32 $2.560000000e+02, v12;
	v10 =	vtrunc.f32 v13;
	v9 =	vor.u32 s10, v9;
	v13 =	vld [tilespmem:s16+$0x0]  }
0x7b: {  	v8 =	vcvt.f32.s32 v10;
	v10 =	vtrunc.f32 v5;
	v5 =	vor.u32 s14, v7;
	s14 =	simm.s32 $0x300;
	[tilespmem:v6+s17+$0x0] =	vst.idx.add.f32.msk $0xffff, v1  }
0x7c: {  	v7 =	vcvt.f32.s32 v10;
	v10 =	vtrunc.f32 v12;
	v17 =	vld [tilespmem:s14+$0x0]  }
0x7d: {  	vm7 =	vgt.s32 v8, $0x0;
	v12 =	vmul.f32 $2.560000000e+02, v15;
	v19 =	vld [tilespmem:s14+$0x80];
	v6 =	vcvt.f32.s32 v10  }
0x7e: {  	v10 =	vmul.f32 $2.560000000e+02, v14;
	v8 =	vnsel vm7, $0x0, v8;
	[tilespmem:v11+s17+$0x0] =	vst.idx.add.f32.msk $0xffff, v1;
	vm8 =	vgt.s32 v7, $0x0  }
0x7f: {  	s13 =	simm.s32 $0x240;
	v8 =	vmin.u32 v8, $0xFF;
	v12 =	vtrunc.f32 v12;
	v11 =	vmul.f32 $2.560000000e+02, v16;
	[tilespmem:v9+s17+$0x0] =	vst.idx.add.f32.msk $0xffff, v1  }
0x80: {  	s20 =	sor.u32 $0x50, s13;
	v7 =	vnsel vm8, $0x0, v7;
	vm9 =	vgt.s32 v6, $0x0;
	v9 =	vld [tilespmem:s2+$0x10];
	v13 =	vmul.f32 $2.560000000e+02, v13  }
0x81: {  	v14 =	vld [tilespmem:s20+$0x0];
	v8 =	vor.u32 s6, v8;
	v10 =	vtrunc.f32 v10;
	v11 =	vtrunc.f32 v11  }
0x82: {  	v12 =	vcvt.f32.s32 v12;
	v6 =	vnsel vm9, $0x0, v6;
	v15 =	vld [tilespmem:s2+$0x90];
	v11 =	vcvt.f32.s32 v11  }
0x83: {  	v7 =	vmin.u32 v7, $0xFF;
	v10 =	vcvt.f32.s32 v10;
	v6 =	vmin.u32 v6, $0xFF  }
0x84: {  	v13 =	vtrunc.f32 v13;
	v17 =	vmul.f32 $2.560000000e+02, v17;
	vm10 =	vgt.s32 v11, $0x0  }
0x85: {  	v54 =	vor.u32 s3, v6;
	v6 =	vcvt.f32.s32 v13;
	v11 =	vnsel vm10, $0x0, v11  }
0x86: {  	v9 =	vmul.f32 $2.560000000e+02, v9;
	v13 =	vmul.f32 $2.560000000e+02, v14;
	v11 =	vmin.u32 v11, $0xFF  }
0x87: {  	v55 =	vmul.f32 $2.560000000e+02, v19;
	[tilespmem:v8+s17+$0x0] =	vst.idx.add.f32.msk $0xffff, v1;
	v14 =	vmul.f32 $2.560000000e+02, v15;
	v11 =	vor.u32 s11, v11  }
0x88: {  	v7 =	vor.u32 s7, v7;
	v15 =	vld [tilespmem:s14+$0xC0];
	v9 =	vtrunc.f32 v9;
	v8 =	vtrunc.f32 v13  }
0x89: {  	vm4 =	vgt.s32 v12, $0x0;
	v9 =	vcvt.f32.s32 v9;
	v13 =	vtrunc.f32 v14  }
0x8a: {  	vm15 =	vgt.s32 v10, $0x0;
	v8 =	vcvt.f32.s32 v8;
	v13 =	vcvt.f32.s32 v13  }
0x8b: {  	v18 =	vld [tilespmem:s14+$0x40];
	v12 =	vnsel vm4, $0x0, v12;
	v10 =	vnsel vm15, $0x0, v10;
	vm12 =	vgt.s32 v9, $0x0  }
0x8c: {  	s23 =	sor.u32 $0x60, s26;
	vm13 =	vgt.s32 v8, $0x0;
	v9 =	vnsel vm12, $0x0, v9;
	vm14 =	vgt.s32 v13, $0x0;
	[tilespmem:v11+s17+$0x0] =	vst.idx.add.f32.msk $0xffff, v1  }
0x8d: {  	v8 =	vnsel vm13, $0x0, v8;
	v15 =	vmul.f32 $2.560000000e+02, v15;
	v9 =	vmin.u32 v9, $0xFF;
	v11 =	vld [tilespmem:s23+$0x0]  }
0x8e: {  	v14 =	vld [tilespmem:s5+$0x30];
	v13 =	vnsel vm14, $0x0, v13;
	v8 =	vmin.u32 v8, $0xFF;
	v9 =	vor.u32 s12, v9  }
0x8f: {  	v59 =	vmin.u32 v12, $0xFF;
	v13 =	vmin.u32 v13, $0xFF;
	v8 =	vor.u32 s8, v8  }
0x90: {  	vm11 =	vgt.s32 v6, $0x0;
	v15 =	vtrunc.f32 v15;
	v13 =	vor.u32 s10, v13  }
0x91: {  	v10 =	vmin.u32 v10, $0xFF;
	v6 =	vnsel vm11, $0x0, v6;
	[tilespmem:v7+s17+$0x0] =	vst.idx.add.f32.msk $0xffff, v1;
	v7 =	vcvt.f32.s32 v15  }
0x92: {  	v10 =	vor.u32 s31, v10;
	v15 =	vmul.f32 $2.560000000e+02, v18;
	v11 =	vmul.f32 $2.560000000e+02, v11  }
0x93: {  	v6 =	vmin.u32 v6, $0xFF;
	v14 =	vmul.f32 $2.560000000e+02, v14;
	vm6 =	vgt.s32 v7, $0x0;
	[tilespmem:v9+s17+$0x0] =	vst.idx.add.f32.msk $0xffff, v1  }
0x94: {  	s24 =	simm.s32 $0xF00;
	v7 =	vnsel vm6, $0x0, v7;
	[tilespmem:v8+s17+$0x0] =	vst.idx.add.f32.msk $0xffff, v1;
	v8 =	vtrunc.f32 v15;
	v11 =	vtrunc.f32 v11  }
0x95: {  	s29 =	sor.u32 $0x60, s13;
	s23 =	sand.u32 $0x700, s24;
	v15 =	vtrunc.f32 v55;
	v7 =	vmin.u32 v7, $0xFF;
	[tilespmem:v13+s17+$0x0] =	vst.idx.add.f32.msk $0xffff, v1;
	v9 =	vcvt.f32.s32 v11  }
0x96: {  	v7 =	vor.u32 s23, v7;
	v8 =	vcvt.f32.s32 v8;
	v13 =	vld [tilespmem:s29+$0x0];
	v15 =	vcvt.f32.s32 v15  }
0x97: {  	v6 =	vor.u32 s22, v6;
	[tilespmem:v54+s17+$0x0] =	vst.idx.add.f32.msk $0xffff, v1;
	v14 =	vtrunc.f32 v14;
	vm7 =	vgt.s32 v9, $0x0  }
0x98: {  	v56 =	vld [tilespmem:s2+$0x20];
	vm9 =	vgt.s32 v8, $0x0;
	vm10 =	vgt.s32 v15, $0x0;
	v9 =	vnsel vm7, $0x0, v9  }
0x99: {  	s30 =	sor.u32 $0x70, s21;
	v57 =	vld [tilespmem:s2+$0xA0];
	v11 =	vtrunc.f32 v17;
	v8 =	vnsel vm9, $0x0, v8;
	v9 =	vmin.u32 v9, $0xFF  }
0x9a: {  	s16 =	simm.s32 $0xE00;
	s20 =	simm.s32 $0xD00;
	v12 =	vnsel vm10, $0x0, v15;
	v15 =	vld [tilespmem:s5+$0xB0];
	s5 =	simm.s32 $0x3C0;
	v11 =	vcvt.f32.s32 v11;
	v9 =	vor.u32 s11, v9  }
0x9b: {  	s21 =	sand.u32 $0x600, s16;
	s22 =	sand.u32 $0x500, s20;
	v8 =	vmin.u32 v8, $0xFF;
	v12 =	vmin.u32 v12, $0xFF;
	s20 =	sor.u32 $0x50, s5;
	[tilespmem:v7+s17+$0x0] =	vst.idx.add.f32.msk $0xffff, v1;
	v13 =	vmul.f32 $2.560000000e+02, v13  }
0x9c: {  	v7 =	vor.u32 s22, v8;
	v8 =	vor.u32 s21, v12;
	vm8 =	vgt.s32 v11, $0x0;
	v12 =	vld [tilespmem:s20+$0x0]  }
0x9d: {  	[tilespmem:v4+s17+$0x0] =	vst.idx.add.f32.msk $0xffff, v1;
	s15 =	simm.s32 $0xC00;
	v14 =	vcvt.f32.s32 v14;
	v11 =	vnsel vm8, $0x0, v11;
	v13 =	vtrunc.f32 v13  }
0x9e: {  	v58 =	vld [tilespmem:s30+$0x0];
	s24 =	sand.u32 $0x400, s15;
	v16 =	vmul.f32 $2.560000000e+02, v56;
	v11 =	vmin.u32 v11, $0xFF;
	v4 =	vcvt.f32.s32 v13  }
0x9f: {  	s26 =	sor.u32 $0x70, s26;
	vm5 =	vgt.s32 v14, $0x0;
	v17 =	vmul.f32 $2.560000000e+02, v57;
	v11 =	vor.u32 s24, v11;
	[tilespmem:v9+s17+$0x0] =	vst.idx.add.f32.msk $0xffff, v1  }
0xa0: {  	v14 =	vnsel vm5, $0x0, v14;
	v16 =	vtrunc.f32 v16;
	vm12 =	vgt.s32 v4, $0x0;
	v60 =	vld [tilespmem:s26+$0x0]  }
0xa1: {  	s29 =	simm.s32 $0x340;
	v13 =	vtrunc.f32 v17;
	[tilespmem:v8+s17+$0x0] =	vst.idx.add.f32.msk $0xffff, v1;
	v8 =	vmul.f32 $2.560000000e+02, v12;
	v4 =	vnsel vm12, $0x0, v4  }
0xa2: {  	s30 =	sor.u32 $0x50, s29;
	[tilespmem:v7+s17+$0x0] =	vst.idx.add.f32.msk $0xffff, v1;
	v4 =	vmin.u32 v4, $0xFF;
	v9 =	vmin.u32 v14, $0xFF;
	v14 =	vcvt.f32.s32 v16  }
0xa3: {  	v61 =	vld [tilespmem:s30+$0x0];
	v8 =	vtrunc.f32 v8;
	v4 =	vor.u32 s8, v4;
	v9 =	vor.u32 s6, v9  }
0xa4: {  	[tilespmem:v11+s17+$0x0] =	vst.idx.add.f32.msk $0xffff, v1;
	v11 =	vcvt.f32.s32 v13;
	v13 =	vmul.f32 $2.560000000e+02, v58;
	vm11 =	vgt.s32 v14, $0x0  }
0xa5: {  	v12 =	vld [tilespmem:s14+$0x10];
	v7 =	vnsel vm11, $0x0, v14;
	v14 =	vmul.f32 $2.560000000e+02, v15;
	v15 =	vmul.f32 $2.560000000e+02, v60  }
0xa6: {  	v62 =	vld [tilespmem:s14+$0x90];
	v63 =	vcvt.f32.s32 v8;
	vm13 =	vgt.s32 v11, $0x0;
	v7 =	vmin.u32 v7, $0xFF  }
0xa7: {  	[tilespmem:v5+s17+$0x0] =	vst.idx.add.f32.msk $0xffff, v1;
	v11 =	vnsel vm13, $0x0, v11;
	v20 =	vor.u32 s12, v7;
	v7 =	vtrunc.f32 v15  }
0xa8: {  	[tilespmem:v10+s17+$0x0] =	vst.idx.add.f32.msk $0xffff, v1;
	vm14 =	vgt.s32 v63, $0x0;
	v11 =	vmin.u32 v11, $0xFF;
	v5 =	vcvt.f32.s32 v7  }
0xa9: {  	[tilespmem:v6+s17+$0x0] =	vst.idx.add.f32.msk $0xffff, v1;
	v8 =	vtrunc.f32 v13;
	v10 =	vmul.f32 $2.560000000e+02, v61;
	v15 =	vor.u32 s10, v11  }
0xaa: {  	[tilespmem:v9+s17+$0x0] =	vst.idx.add.f32.msk $0xffff, v1;
	v9 =	vnsel vm14, $0x0, v63;
	v6 =	vmul.f32 $2.560000000e+02, v12;
	vm15 =	vgt.s32 v5, $0x0  }
0xab: {  	v9 =	vmin.u32 v9, $0xFF;
	v12 =	vmul.f32 $2.560000000e+02, v62;
	v5 =	vnsel vm15, $0x0, v5  }
0xac: {  	[tilespmem:v4+s17+$0x0] =	vst.idx.add.f32.msk $0xffff, v1;
	v9 =	vor.u32 s23, v9;
	v11 =	vtrunc.f32 v10;
	v5 =	vmin.u32 v5, $0xFF  }
0xad: {  	s28 =	sor.u32 $0x60, s29;
	s31 =	sor.u32 $0x70, s29;
	s6 =	sor.u32 $0x70, s13;
	v7 =	vtrunc.f32 v14;
	v6 =	vtrunc.f32 v6;
	[tilespmem:v20+s17+$0x0] =	vst.idx.add.f32.msk $0xffff, v1;
	v5 =	vor.u32 s11, v5  }
0xae: {  	s13 =	simm.s32 $0xC;
	s26 =	simm.s32 $0x1000;
	v4 =	vor.u32 s19, v59;
	v12 =	vtrunc.f32 v12;
	v10 =	vcvt.f32.s32 v6;
	[tilespmem:v15+s17+$0x0] =	vst.idx.add.f32.msk $0xffff, v1;
	s11 =	simm.s32 $0x3C0  }
.LBB2_5:
0xaf: {  	s29 =	sshra.s32 s26, $0x2;
	s1 =	sadd.s32 $0x100, s26;
	s19 =	sadd.s32 $0x200, s26;
	v6 =	vcvt.f32.s32 v11;
	v11 =	vcvt.f32.s32 v12;
	v12 =	vld [tilespmem:s2+$0x30]  }
0xb0: {  	s20 =	sand.u32 $0x400, s26;
	v8 =	vcvt.f32.s32 v8;
	v7 =	vcvt.f32.s32 v7;
	s15 =	sand.u32 $0x500, s1;
	s1 =	sand.u32 $0x600, s19;
	v13 =	vld [tilespmem:s29+$0xC0];
	vm0 =	vgt.s32 v10, $0x0  }
0xb1: {  	s19 =	smov.u32 s21;
	v10 =	vnsel vm0, $0x0, v10;
	vm0 =	vgt.s32 v6, $0x0;
	vm1 =	vgt.s32 v11, $0x0;
	[tilespmem:v9+s17+$0x0] =	vst.idx.add.f32.msk $0xffff, v1;
	s21 =	smov.u32 s1  }
0xb2: {  	s13 =	sadd.s32 $0x4, s13;
	s1 =	sor.u32 $0x60, s5;
	v9 =	vmin.u32 v10, $0xFF;
	v6 =	vnsel vm0, $0x0, v6;
	v10 =	vnsel vm1, $0x0, v11;
	[tilespmem:v5+s17+$0x0] =	vst.idx.add.f32.msk $0xffff, v1  }
0xb3: {  	p1 =	slt.u32 s13, $0xFC;
	v5 =	vor.u32 s24, v9;
	v6 =	vmin.u32 v6, $0xFF;
	v9 =	vmin.u32 v10, $0xFF;
	v10 =	vld [tilespmem:s1+$0x0]  }
0xb4: {  	v11 =	vld [tilespmem:s29+$0x0];
	v14 =	vor.u32 s22, v6;
	v9 =	vor.u32 s19, v9;
	v6 =	vmul.f32 $2.560000000e+02, v12  }
0xb5: {  	vm0 =	vgt.s32 v8, $0x0;
	vm1 =	vgt.s32 v7, $0x0;
	v12 =	vld [tilespmem:s29+$0x40]  }
0xb6: {  	v8 =	vnsel vm0, $0x0, v8;
	v13 =	vmul.f32 $2.560000000e+02, v13;
	v15 =	vld [tilespmem:s29+$0x80];
	v6 =	vtrunc.f32 v6  }
0xb7: {  	v8 =	vmin.u32 v8, $0xFF;
	v16 =	vcvt.f32.s32 v6;
	v17 =	vld [tilespmem:s6+$0x0];
	v6 =	vnsel vm1, $0x0, v7;
	s6 =	smov.u32 s31  }
0xb8: {  	v7 =	vtrunc.f32 v13;
	[tilespmem:v5+s17+$0x0] =	vst.idx.add.f32.msk $0xffff, v1;
	v5 =	vmul.f32 $2.560000000e+02, v10;
	v6 =	vmin.u32 v6, $0xFF  }
0xb9: {  	v7 =	vcvt.f32.s32 v7;
	v10 =	vmul.f32 $2.560000000e+02, v11;
	[tilespmem:v14+s17+$0x0] =	vst.idx.add.f32.msk $0xffff, v1;
	vm0 =	vgt.s32 v16, $0x0  }
0xba: {  	v11 =	vmul.f32 $2.560000000e+02, v12;
	[tilespmem:v9+s17+$0x0] =	vst.idx.add.f32.msk $0xffff, v1;
	v5 =	vtrunc.f32 v5;
	v9 =	vnsel vm0, $0x0, v16  }
0xbb: {  	vm0 =	vgt.s32 v7, $0x0;
	v12 =	vmul.f32 $2.560000000e+02, v15;
	v13 =	vld [tilespmem:s14+$0x20];
	v5 =	vcvt.f32.s32 v5  }
0xbc: {  	s1 =	sadd.s32 $0x300, s26;
	v10 =	vtrunc.f32 v10;
	v7 =	vnsel vm0, $0x0, v7;
	v11 =	vtrunc.f32 v11;
	v14 =	vld [tilespmem:s28+$0x0]  }
0xbd: {  	s1 =	sand.u32 $0x700, s1;
	v7 =	vmin.u32 v7, $0xFF;
	v12 =	vtrunc.f32 v12;
	v15 =	vld [tilespmem:s14+$0xA0];
	vm0 =	vgt.s32 v5, $0x0  }
0xbe: {  	v10 =	vcvt.f32.s32 v10;
	v7 =	vor.u32 s1, v7;
	v5 =	vnsel vm0, $0x0, v5;
	v16 =	vld [tilespmem:s2+$0xB0];
	s2 =	smov.u32 s14;
	s14 =	smov.u32 s29  }
0xbf: {  	v11 =	vcvt.f32.s32 v11;
	v12 =	vcvt.f32.s32 v12;
	v5 =	vmin.u32 v5, $0xFF;
	[tilespmem:v4+s17+$0x0] =	vst.idx.add.f32.msk $0xffff, v1  }
0xc0: {  	vm0 =	vgt.s32 v10, $0x0;
	v4 =	vmul.f32 $2.560000000e+02, v13;
	v5 =	vor.u32 s23, v5  }
0xc1: {  	v10 =	vnsel vm0, $0x0, v10;
	vm0 =	vgt.s32 v11, $0x0;
	vm1 =	vgt.s32 v12, $0x0  }
0xc2: {  	s5 =	sadd.s32 $0x100, s5;
	v10 =	vmin.u32 v10, $0xFF;
	v11 =	vnsel vm0, $0x0, v11;
	v12 =	vnsel vm1, $0x0, v12  }
0xc3: {  	s30 =	sor.u32 $0x50, s5;
	s29 =	sadd.s32 $0xFFFFFF80, s5;
	v10 =	vor.u32 s20, v10;
	v11 =	vmin.u32 v11, $0xFF;
	v12 =	vmin.u32 v12, $0xFF;
	[tilespmem:v7+s17+$0x0] =	vst.idx.add.f32.msk $0xffff, v1  }
0xc4: {  	s16 =	sor.u32 $0x50, s29;
	s28 =	sor.u32 $0x60, s29;
	s31 =	sor.u32 $0x70, s29;
	v13 =	vmul.f32 $2.560000000e+02, v14;
	v7 =	vor.u32 s15, v11;
	v11 =	vor.u32 s21, v12;
	v12 =	vld [tilespmem:s30+$0x0]  }
0xc5: {  	s29 =	sor.u32 $0x70, s11;
	s11 =	smov.u32 s5;
	v4 =	vtrunc.f32 v4;
	v14 =	vmul.f32 $2.560000000e+02, v15;
	[tilespmem:v5+s17+$0x0] =	vst.idx.add.f32.msk $0xffff, v1;
	v5 =	vmin.u32 v9, $0xFF  }
0xc6: {  	v4 =	vcvt.f32.s32 v4;
	v9 =	vtrunc.f32 v13;
	v13 =	vld [tilespmem:s29+$0x0];
	v5 =	vor.u32 s12, v5;
	s12 =	smov.u32 s24;
	s24 =	smov.u32 s20  }
0xc7: {  	v15 =	vor.u32 s7, v8;
	s7 =	smov.u32 s8;
	s8 =	smov.u32 s22;
	s22 =	smov.u32 s15;
	v14 =	vtrunc.f32 v14;
	v9 =	vcvt.f32.s32 v9  }
0xc8: {  	vm0 =	vgt.s32 v4, $0x0;
	v8 =	vcvt.f32.s32 v14;
	[tilespmem:v10+s17+$0x0] =	vst.idx.add.f32.msk $0xffff, v1;
	v10 =	vmul.f32 $2.560000000e+02, v17  }
0xc9: {  	v4 =	vnsel vm0, $0x0, v4;
	vm0 =	vgt.s32 v9, $0x0;
	[tilespmem:v7+s17+$0x0] =	vst.idx.add.f32.msk $0xffff, v1;
	v7 =	vmul.f32 $2.560000000e+02, v16  }
0xca: {  	v9 =	vnsel vm0, $0x0, v9;
	vm0 =	vgt.s32 v8, $0x0;
	[tilespmem:v11+s17+$0x0] =	vst.idx.add.f32.msk $0xffff, v1;
	v11 =	vmul.f32 $2.560000000e+02, v12  }
0xcb: {  	v4 =	vmin.u32 v4, $0xFF;
	v8 =	vnsel vm0, $0x0, v8;
	v12 =	vld [tilespmem:s14+$0x10];
	v13 =	vmul.f32 $2.560000000e+02, v13  }
0xcc: {  	v9 =	vmin.u32 v9, $0xFF;
	v8 =	vmin.u32 v8, $0xFF;
	v14 =	vld [tilespmem:s16+$0x0];
	v11 =	vtrunc.f32 v11  }
0xcd: {  	v4 =	vor.u32 s12, v4;
	v16 =	vld [tilespmem:s14+$0x90];
	v11 =	vcvt.f32.s32 v11;
	v13 =	vtrunc.f32 v13  }
0xce: {  	v17 =	vor.u32 s8, v9;
	v18 =	vor.u32 s19, v8;
	v9 =	vcvt.f32.s32 v13;
	[tilespmem:v5+s17+$0x0] =	vst.idx.add.f32.msk $0xffff, v1  }
0xcf: {  	v7 =	vtrunc.f32 v7;
	v8 =	vtrunc.f32 v10;
	vm0 =	vgt.s32 v11, $0x0;
	[tilespmem:v15+s17+$0x0] =	vst.idx.add.f32.msk $0xffff, v1  }
.Ltmp1:
0xd0: {  	v5 =	vmul.f32 $2.560000000e+02, v12;
	v10 =	vnsel vm0, $0x0, v11;
	vm0 =	vgt.s32 v9, $0x0;
	(pc) =	sbr.rel @p1 .LBB2_5-.Ltmp1, $4  }
0xd1: {  	v11 =	vmul.f32 $2.560000000e+02, v14;
	v10 =	vmin.u32 v10, $0xFF;
	v12 =	vnsel vm0, $0x0, v9  }
0xd2: {  	v13 =	vmul.f32 $2.560000000e+02, v16;
	v9 =	vor.u32 s1, v10;
	[tilespmem:v4+s17+$0x0] =	vst.idx.add.f32.msk $0xffff, v1;
	v4 =	vmin.u32 v12, $0xFF  }
0xd3: {  	v10 =	vtrunc.f32 v5;
	v11 =	vtrunc.f32 v11;
	[tilespmem:v17+s17+$0x0] =	vst.idx.add.f32.msk $0xffff, v1;
	v5 =	vor.u32 s23, v4;
	s23 =	smov.u32 s1  }
0xd4: {  	s26 =	sadd.s32 $0x400, s26;
	v10 =	vcvt.f32.s32 v10;
	v4 =	vor.u32 s3, v6;
	s3 =	smov.u32 s10;
	s10 =	smov.u32 s19;
	v12 =	vtrunc.f32 v13;
	[tilespmem:v18+s17+$0x0] =	vst.idx.add.f32.msk $0xffff, v1  }
0xd5: {  	_ = 	snop  }
0xd6: {  	v6 =	vcvt.f32.s32 v11  }
0xd7: {  	vm0 =	vgt.s32 v10, $0x0  }
0xd8: {  	v10 =	vnsel vm0, $0x0, v10;
	vm14 =	vgt.s32 v6, $0x0  }
0xd9: {  	[tilespmem:v9+s17+$0x0] =	vst.idx.add.f32.msk $0xffff, v1;
	s1 =	sor.u32 $0x60, s5;
	v9 =	vmin.u32 v10, $0xFF;
	v6 =	vnsel vm14, $0x0, v6  }
0xda: {  	v11 =	vcvt.f32.s32 v12;
	v10 =	vld [tilespmem:s1+$0x0];
	v9 =	vor.u32 s24, v9;
	v6 =	vmin.u32 v6, $0xFF  }
0xdb: {  	v6 =	vor.u32 s22, v6  }
0xdc: {  	vm15 =	vgt.s32 v11, $0x0  }
0xdd: {  	v11 =	vnsel vm15, $0x0, v11  }
0xde: {  	v11 =	vmin.u32 v11, $0xFF  }
0xdf: {  	v11 =	vor.u32 s21, v11;
	[tilespmem:v9+s17+$0x0] =	vst.idx.add.f32.msk $0xffff, v1;
	v9 =	vmul.f32 $2.560000000e+02, v10  }
0xe0: {  	[tilespmem:v6+s17+$0x0] =	vst.idx.add.f32.msk $0xffff, v1  }
0xe1: {  	v6 =	vtrunc.f32 v9;
	v9 =	vld [tilespmem:s14+$0x20]  }
0xe2: {  	v10 =	vld [tilespmem:s28+$0x0]  }
0xe3: {  	v6 =	vcvt.f32.s32 v6  }
0xe4: {  	[tilespmem:v11+s17+$0x0] =	vst.idx.add.f32.msk $0xffff, v1  }
0xe5: {  	v11 =	vld [tilespmem:s14+$0xA0];
	vm4 =	vgt.s32 v6, $0x0  }
0xe6: {  	v6 =	vnsel vm4, $0x0, v6;
	v9 =	vmul.f32 $2.560000000e+02, v9  }
0xe7: {  	v6 =	vmin.u32 v6, $0xFF;
	v10 =	vmul.f32 $2.560000000e+02, v10  }
0xe8: {  	v6 =	vor.u32 s23, v6;
	v9 =	vtrunc.f32 v9  }
0xe9: {  	v10 =	vtrunc.f32 v10;
	v9 =	vcvt.f32.s32 v9  }
0xea: {  	v12 =	vld [tilespmem:s2+$0x30];
	v11 =	vmul.f32 $2.560000000e+02, v11;
	v10 =	vcvt.f32.s32 v10  }
0xeb: {  	vm5 =	vgt.s32 v9, $0x0  }
0xec: {  	v11 =	vtrunc.f32 v11;
	vm6 =	vgt.s32 v10, $0x0;
	v9 =	vnsel vm5, $0x0, v9  }
0xed: {  	s11 =	sor.u32 $0x70, s11;
	[tilespmem:v6+s17+$0x0] =	vst.idx.add.f32.msk $0xffff, v1;
	v6 =	vcvt.f32.s32 v11;
	v10 =	vnsel vm6, $0x0, v10;
	v9 =	vmin.u32 v9, $0xFF  }
0xee: {  	v11 =	vld [tilespmem:s11+$0x0];
	v10 =	vmin.u32 v10, $0xFF;
	v9 =	vor.u32 s24, v9  }
0xef: {  	v12 =	vmul.f32 $2.560000000e+02, v12;
	vm7 =	vgt.s32 v6, $0x0;
	v10 =	vor.u32 s22, v10  }
0xf0: {  	v6 =	vnsel vm7, $0x0, v6  }
0xf1: {  	v13 =	vld [tilespmem:s6+$0x0];
	v12 =	vtrunc.f32 v12;
	v6 =	vmin.u32 v6, $0xFF  }
0xf2: {  	v8 =	vcvt.f32.s32 v8;
	v14 =	vld [tilespmem:s2+$0xB0];
	v12 =	vcvt.f32.s32 v12;
	v6 =	vor.u32 s21, v6  }
0xf3: {  	v7 =	vcvt.f32.s32 v7;
	v11 =	vmul.f32 $2.560000000e+02, v11;
	[tilespmem:v9+s17+$0x0] =	vst.idx.add.f32.msk $0xffff, v1  }
0xf4: {  	vm8 =	vgt.s32 v8, $0x0;
	vm9 =	vgt.s32 v12, $0x0;
	[tilespmem:v10+s17+$0x0] =	vst.idx.add.f32.msk $0xffff, v1  }
0xf5: {  	vm1 =	vgt.s32 v7, $0x0;
	v12 =	vnsel vm9, $0x0, v12;
	v9 =	vtrunc.f32 v11;
	v11 =	vld [tilespmem:s14+$0x30]  }
0xf6: {  	v8 =	vnsel vm8, $0x0, v8;
	v7 =	vnsel vm1, $0x0, v7;
	v10 =	vmin.u32 v12, $0xFF;
	v12 =	vld [tilespmem:s31+$0x0]  }
0xf7: {  	v9 =	vcvt.f32.s32 v9;
	[tilespmem:v6+s17+$0x0] =	vst.idx.add.f32.msk $0xffff, v1;
	v6 =	vor.u32 s12, v10;
	v10 =	vmul.f32 $2.560000000e+02, v13  }
0xf8: {  	v8 =	vmin.u32 v8, $0xFF;
	v7 =	vmin.u32 v7, $0xFF;
	v13 =	vmul.f32 $2.560000000e+02, v14  }
0xf9: {  	v8 =	vor.u32 s7, v8;
	vm10 =	vgt.s32 v9, $0x0;
	v14 =	vld [tilespmem:s14+$0xB0];
	v10 =	vtrunc.f32 v10  }
0xfa: {  	v9 =	vnsel vm10, $0x0, v9;
	v13 =	vtrunc.f32 v13;
	v11 =	vmul.f32 $2.560000000e+02, v11  }
0xfb: {  	v9 =	vmin.u32 v9, $0xFF;
	v10 =	vcvt.f32.s32 v10;
	v12 =	vmul.f32 $2.560000000e+02, v12  }
0xfc: {  	v7 =	vor.u32 s3, v7;
	v13 =	vcvt.f32.s32 v13;
	v9 =	vor.u32 s23, v9  }
0xfd: {  	v11 =	vtrunc.f32 v11;
	vm11 =	vgt.s32 v10, $0x0;
	v12 =	vtrunc.f32 v12  }
0xfe: {  	vm12 =	vgt.s32 v13, $0x0;
	v11 =	vcvt.f32.s32 v11;
	v14 =	vmul.f32 $2.560000000e+02, v14  }
0xff: {  	[tilespmem:v5+s17+$0x0] =	vst.idx.add.f32.msk $0xffff, v1;
	v10 =	vnsel vm11, $0x0, v10;
	v12 =	vcvt.f32.s32 v12;
	v5 =	vnsel vm12, $0x0, v13  }
0x100: {  	[tilespmem:v4+s17+$0x0] =	vst.idx.add.f32.msk $0xffff, v1;
	v10 =	vmin.u32 v10, $0xFF;
	v4 =	vmin.u32 v5, $0xFF;
	v14 =	vtrunc.f32 v14  }
0x101: {  	vm13 =	vgt.s32 v11, $0x0;
	vm14 =	vgt.s32 v12, $0x0;
	v13 =	vcvt.f32.s32 v14  }
0x102: {  	[tilespmem:v6+s17+$0x0] =	vst.idx.add.f32.msk $0xffff, v1;
	v6 =	vor.u32 s8, v10;
	v4 =	vor.u32 s10, v4;
	v11 =	vnsel vm13, $0x0, v11  }
0x103: {  	v10 =	vnsel vm14, $0x0, v12;
	v11 =	vmin.u32 v11, $0xFF;
	vm15 =	vgt.s32 v13, $0x0  }
0x104: {  	[tilespmem:v8+s17+$0x0] =	vst.idx.add.f32.msk $0xffff, v1;
	v8 =	vmin.u32 v10, $0xFF;
	v5 =	vor.u32 s24, v11;
	v10 =	vnsel vm15, $0x0, v13  }
0x105: {  	[tilespmem:v9+s17+$0x0] =	vst.idx.add.f32.msk $0xffff, v1;
	v8 =	vor.u32 s22, v8;
	v9 =	vmin.u32 v10, $0xFF  }
0x106: {  	[tilespmem:v7+s17+$0x0] =	vst.idx.add.f32.msk $0xffff, v1;
	v7 =	vor.u32 s21, v9  }
0x107: {  	[tilespmem:v6+s17+$0x0] =	vst.idx.add.f32.msk $0xffff, v1  }
0x108: {  	[tilespmem:v4+s17+$0x0] =	vst.idx.add.f32.msk $0xffff, v1  }
0x109: {  	[tilespmem:v5+s17+$0x0] =	vst.idx.add.f32.msk $0xffff, v1  }
0x10a: {  	[tilespmem:v8+s17+$0x0] =	vst.idx.add.f32.msk $0xffff, v1  }
0x10b: {  	[tilespmem:v7+s17+$0x0] =	vst.idx.add.f32.msk $0xffff, v1  }
0x10c: {  	_ =	swait.ge [sflag:s18], $0x4000  }
0x10d: {  	[sflag:s18] =	ssyncset.done $0x0  }
0x10e: {  	s8 =	simm.s32 $0x0;
	[sflag:s18] =	ssyncadd.s32 $0xFFFFC000  }
0x10f: {  	v4 =	vld [tilespmem:s8+$0x40C0];
	_ =	sdelay $0x4  }
0x110: {  	v4 =	vmul.f32 $2.560000000e+02, v4  }
0x111: {  	v5 =	vld [tilespmem:s8+$0x4000]  }
0x112: {  	v6 =	vld [tilespmem:s8+$0x4040];
	v4 =	vtrunc.f32 v4  }
0x113: {  	v4 =	vcvt.f32.s32 v4;
	_ =	sdelay $0x1  }
0x114: {  	v7 =	vld [tilespmem:s8+$0x4080];
	vm4 =	vgt.s32 v4, $0x0  }
0x115: {  	s13 =	simm.s32 $0x300;
	v5 =	vmul.f32 $2.560000000e+02, v5;
	v4 =	vnsel vm4, $0x0, v4  }
0x116: {  	s11 =	sand.u32 $0x700, s13;
	v6 =	vmul.f32 $2.560000000e+02, v6;
	v4 =	vmin.u32 v4, $0xFF  }
0x117: {  	v5 =	vtrunc.f32 v5;
	v4 =	vor.u32 s11, v4  }
0x118: {  	v6 =	vtrunc.f32 v6;
	v5 =	vcvt.f32.s32 v5  }
0x119: {  	v7 =	vmul.f32 $2.560000000e+02, v7;
	v6 =	vcvt.f32.s32 v6  }
0x11a: {  	vm5 =	vgt.s32 v5, $0x0  }
0x11b: {  	s2 =	simm.s32 $0xC0;
	s14 =	simm.s32 $0x0;
	v7 =	vtrunc.f32 v7;
	vm6 =	vgt.s32 v6, $0x0;
	v5 =	vnsel vm5, $0x0, v5  }
0x11c: {  	s16 =	simm.s32 $0x100;
	s15 =	sor.u32 $0x50, s2;
	s14 =	sand.u32 $0x400, s14;
	v7 =	vcvt.f32.s32 v7;
	[tilespmem:v4+s17+$0x0] =	vst.idx.add.f32.msk $0xffff, v1;
	v4 =	vmin.u32 v5, $0xFF;
	v5 =	vnsel vm6, $0x0, v6  }
0x11d: {  	s31 =	sand.u32 $0x500, s16;
	v6 =	vld [tilespmem:s15+$0x4000];
	v4 =	vor.u32 s14, v4;
	v5 =	vmin.u32 v5, $0xFF  }
0x11e: {  	vm7 =	vgt.s32 v7, $0x0;
	v5 =	vor.u32 s31, v5  }
0x11f: {  	s19 =	simm.s32 $0x200;
	v7 =	vnsel vm7, $0x0, v7  }
0x120: {  	s19 =	sand.u32 $0x600, s19;
	v7 =	vmin.u32 v7, $0xFF  }
0x121: {  	v7 =	vor.u32 s19, v7  }
0x122: {  	v6 =	vmul.f32 $2.560000000e+02, v6;
	[tilespmem:v4+s17+$0x0] =	vst.idx.add.f32.msk $0xffff, v1  }
0x123: {  	[tilespmem:v5+s17+$0x0] =	vst.idx.add.f32.msk $0xffff, v1  }
0x124: {  	s5 =	simm.s32 $0x100;
	v5 =	vld [tilespmem:s8+$0x4010];
	v4 =	vtrunc.f32 v6  }
0x125: {  	v8 =	vld [tilespmem:s5+$0x40C0];
	v4 =	vcvt.f32.s32 v4  }
0x126: {  	s10 =	simm.s32 $0x40;
	[tilespmem:v7+s17+$0x0] =	vst.idx.add.f32.msk $0xffff, v1  }
0x127: {  	s20 =	sor.u32 $0x50, s10;
	v7 =	vld [tilespmem:s8+$0x4090];
	vm8 =	vgt.s32 v4, $0x0  }
0x128: {  	v6 =	vld [tilespmem:s20+$0x4000];
	v4 =	vnsel vm8, $0x0, v4  }
0x129: {  	v5 =	vmul.f32 $2.560000000e+02, v5;
	v4 =	vmin.u32 v4, $0xFF  }
0x12a: {  	v8 =	vmul.f32 $2.560000000e+02, v8;
	v4 =	vor.u32 s11, v4  }
0x12b: {  	v5 =	vtrunc.f32 v5  }
0x12c: {  	v9 =	vld [tilespmem:s5+$0x4000];
	v8 =	vtrunc.f32 v8;
	v5 =	vcvt.f32.s32 v5  }
0x12d: {  	v7 =	vmul.f32 $2.560000000e+02, v7;
	v6 =	vmul.f32 $2.560000000e+02, v6  }
0x12e: {  	v8 =	vcvt.f32.s32 v8;
	vm9 =	vgt.s32 v5, $0x0  }
0x12f: {  	s21 =	sor.u32 $0x60, s2;
	v7 =	vtrunc.f32 v7;
	v6 =	vtrunc.f32 v6;
	v5 =	vnsel vm9, $0x0, v5;
	[tilespmem:v4+s17+$0x0] =	vst.idx.add.f32.msk $0xffff, v1  }
0x130: {  	v4 =	vcvt.f32.s32 v6;
	v6 =	vcvt.f32.s32 v7;
	v5 =	vmin.u32 v5, $0xFF;
	v7 =	vld [tilespmem:s21+$0x4000]  }
0x131: {  	v11 =	vld [tilespmem:s5+$0x4080];
	v9 =	vmul.f32 $2.560000000e+02, v9;
	vm12 =	vgt.s32 v8, $0x0;
	v5 =	vor.u32 s14, v5  }
0x132: {  	s22 =	simm.s32 $0x700;
	v8 =	vnsel vm12, $0x0, v8;
	vm10 =	vgt.s32 v4, $0x0  }
0x133: {  	s22 =	sand.u32 $0x700, s22;
	v9 =	vtrunc.f32 v9;
	v8 =	vmin.u32 v8, $0xFF;
	v4 =	vnsel vm10, $0x0, v4  }
0x134: {  	v10 =	vld [tilespmem:s5+$0x4040];
	v8 =	vor.u32 s22, v8;
	vm11 =	vgt.s32 v6, $0x0;
	v4 =	vmin.u32 v4, $0xFF  }
0x135: {  	v6 =	vnsel vm11, $0x0, v6;
	v4 =	vor.u32 s31, v4;
	v7 =	vmul.f32 $2.560000000e+02, v7  }
0x136: {  	v9 =	vcvt.f32.s32 v9;
	v6 =	vmin.u32 v6, $0xFF;
	[tilespmem:v5+s17+$0x0] =	vst.idx.add.f32.msk $0xffff, v1;
	v5 =	vmul.f32 $2.560000000e+02, v11  }
0x137: {  	v6 =	vor.u32 s19, v6;
	v7 =	vtrunc.f32 v7  }
0x138: {  	vm14 =	vgt.s32 v9, $0x0;
	v5 =	vtrunc.f32 v5;
	v7 =	vcvt.f32.s32 v7  }
0x139: {  	v10 =	vmul.f32 $2.560000000e+02, v10;
	v9 =	vnsel vm14, $0x0, v9;
	[tilespmem:v8+s17+$0x0] =	vst.idx.add.f32.msk $0xffff, v1;
	v5 =	vcvt.f32.s32 v5  }
0x13a: {  	s24 =	simm.s32 $0x400;
	v9 =	vmin.u32 v9, $0xFF;
	[tilespmem:v4+s17+$0x0] =	vst.idx.add.f32.msk $0xffff, v1;
	vm13 =	vgt.s32 v7, $0x0  }
0x13b: {  	s13 =	simm.s32 $0x1C0;
	s6 =	sand.u32 $0x400, s24;
	v4 =	vtrunc.f32 v10;
	v10 =	vld [tilespmem:s8+$0x4020];
	vm4 =	vgt.s32 v5, $0x0;
	v7 =	vnsel vm13, $0x0, v7  }
0x13c: {  	s30 =	simm.s32 $0x600;
	s29 =	sor.u32 $0x50, s13;
	v8 =	vor.u32 s6, v9;
	[tilespmem:v6+s17+$0x0] =	vst.idx.add.f32.msk $0xffff, v1;
	v5 =	vnsel vm4, $0x0, v5;
	v6 =	vmin.u32 v7, $0xFF  }
0x13d: {  	s3 =	sand.u32 $0x600, s30;
	s23 =	sor.u32 $0x60, s10;
	v9 =	vld [tilespmem:s29+$0x4000];
	v4 =	vcvt.f32.s32 v4;
	v5 =	vmin.u32 v5, $0xFF;
	v6 =	vor.u32 s11, v6  }
0x13e: {  	v7 =	vld [tilespmem:s23+$0x4000];
	v5 =	vor.u32 s3, v5  }
0x13f: {  	vm15 =	vgt.s32 v4, $0x0  }
0x140: {  	s26 =	simm.s32 $0x500;
	v11 =	vld [tilespmem:s8+$0x40A0];
	v4 =	vnsel vm15, $0x0, v4  }
0x141: {  	s7 =	sand.u32 $0x500, s26;
	[tilespmem:v8+s17+$0x0] =	vst.idx.add.f32.msk $0xffff, v1;
	v4 =	vmin.u32 v4, $0xFF;
	v10 =	vmul.f32 $2.560000000e+02, v10  }
0x142: {  	v8 =	vmul.f32 $2.560000000e+02, v9;
	v4 =	vor.u32 s7, v4;
	[tilespmem:v6+s17+$0x0] =	vst.idx.add.f32.msk $0xffff, v1  }
0x143: {  	v10 =	vtrunc.f32 v10;
	v6 =	vmul.f32 $2.560000000e+02, v7;
	[tilespmem:v5+s17+$0x0] =	vst.idx.add.f32.msk $0xffff, v1  }
0x144: {  	s12 =	sor.u32 $0x70, s2;
	v7 =	vcvt.f32.s32 v10;
	v5 =	vtrunc.f32 v8;
	v8 =	vld [tilespmem:s5+$0x4010]  }
0x145: {  	v9 =	vmul.f32 $2.560000000e+02, v11;
	v10 =	vld [tilespmem:s12+$0x4000]  }
0x146: {  	s21 =	simm.s32 $0x140;
	v5 =	vcvt.f32.s32 v5;
	v6 =	vtrunc.f32 v6;
	vm5 =	vgt.s32 v7, $0x0  }
0x147: {  	s15 =	sor.u32 $0x50, s21;
	[tilespmem:v4+s17+$0x0] =	vst.idx.add.f32.msk $0xffff, v1;
	v4 =	vcvt.f32.s32 v6;
	v6 =	vnsel vm5, $0x0, v7;
	v7 =	vtrunc.f32 v9  }
0x148: {  	v9 =	vld [tilespmem:s15+$0x4000];
	vm7 =	vgt.s32 v5, $0x0;
	v6 =	vmin.u32 v6, $0xFF;
	v7 =	vcvt.f32.s32 v7  }
0x149: {  	v5 =	vnsel vm7, $0x0, v5;
	v6 =	vor.u32 s14, v6;
	vm6 =	vgt.s32 v4, $0x0  }
0x14a: {  	v11 =	vld [tilespmem:s5+$0x4090];
	v5 =	vmin.u32 v5, $0xFF;
	v8 =	vmul.f32 $2.560000000e+02, v8;
	v10 =	vmul.f32 $2.560000000e+02, v10  }
0x14b: {  	s2 =	simm.s32 $0x200;
	v4 =	vnsel vm6, $0x0, v4;
	vm8 =	vgt.s32 v7, $0x0;
	v5 =	vor.u32 s22, v5  }
0x14c: {  	v13 =	vld [tilespmem:s2+$0x4000];
	v7 =	vnsel vm8, $0x0, v7;
	v8 =	vtrunc.f32 v8;
	v10 =	vtrunc.f32 v10  }
0x14d: {  	v14 =	vld [tilespmem:s2+$0x4040];
	v4 =	vmin.u32 v4, $0xFF;
	v9 =	vmul.f32 $2.560000000e+02, v9;
	v8 =	vcvt.f32.s32 v8  }
0x14e: {  	v7 =	vmin.u32 v7, $0xFF;
	v12 =	vor.u32 s31, v4;
	v10 =	vcvt.f32.s32 v10;
	[tilespmem:v6+s17+$0x0] =	vst.idx.add.f32.msk $0xffff, v1  }
0x14f: {  	v6 =	vmul.f32 $2.560000000e+02, v11;
	v9 =	vtrunc.f32 v9;
	vm10 =	vgt.s32 v8, $0x0;
	v11 =	vld [tilespmem:s8+$0x4030]  }
0x150: {  	vm9 =	vgt.s32 v10, $0x0;
	v9 =	vcvt.f32.s32 v9;
	[tilespmem:v5+s17+$0x0] =	vst.idx.add.f32.msk $0xffff, v1;
	v5 =	vor.u32 s19, v7  }
0x151: {  	s16 =	sor.u32 $0x60, s13;
	v7 =	vnsel vm10, $0x0, v8;
	v4 =	vnsel vm9, $0x0, v10;
	v6 =	vtrunc.f32 v6;
	v10 =	vld [tilespmem:s2+$0x40C0]  }
0x152: {  	v8 =	vld [tilespmem:s16+$0x4000];
	v7 =	vmin.u32 v7, $0xFF;
	v6 =	vcvt.f32.s32 v6  }
0x153: {  	v4 =	vmin.u32 v4, $0xFF;
	vm11 =	vgt.s32 v9, $0x0;
	[tilespmem:v12+s17+$0x0] =	vst.idx.add.f32.msk $0xffff, v1;
	v12 =	vmul.f32 $2.560000000e+02, v13  }
0x154: {  	v7 =	vor.u32 s6, v7;
	v9 =	vnsel vm11, $0x0, v9;
	vm12 =	vgt.s32 v6, $0x0  }
0x155: {  	v9 =	vmin.u32 v9, $0xFF;
	v12 =	vtrunc.f32 v12;
	v11 =	vmul.f32 $2.560000000e+02, v11  }
0x156: {  	v6 =	vnsel vm12, $0x0, v6;
	[tilespmem:v5+s17+$0x0] =	vst.idx.add.f32.msk $0xffff, v1;
	v5 =	vmul.f32 $2.560000000e+02, v14;
	v10 =	vmul.f32 $2.560000000e+02, v10  }
0x157: {  	v9 =	vor.u32 s7, v9;
	v8 =	vmul.f32 $2.560000000e+02, v8;
	v11 =	vtrunc.f32 v11  }
0x158: {  	v15 =	vld [tilespmem:s2+$0x4080];
	v6 =	vmin.u32 v6, $0xFF;
	v11 =	vcvt.f32.s32 v11;
	v10 =	vtrunc.f32 v10  }
0x159: {  	v6 =	vor.u32 s3, v6;
	v8 =	vtrunc.f32 v8;
	v10 =	vcvt.f32.s32 v10  }
0x15a: {  	v4 =	vor.u32 s11, v4;
	v5 =	vtrunc.f32 v5;
	v8 =	vcvt.f32.s32 v8  }
0x15b: {  	[tilespmem:v7+s17+$0x0] =	vst.idx.add.f32.msk $0xffff, v1;
	v5 =	vcvt.f32.s32 v5;
	vm13 =	vgt.s32 v11, $0x0;
	vm14 =	vgt.s32 v10, $0x0  }
0x15c: {  	s20 =	simm.s32 $0xB00;
	v13 =	vld [tilespmem:s5+$0x4020];
	v7 =	vnsel vm13, $0x0, v11;
	vm15 =	vgt.s32 v8, $0x0;
	v10 =	vnsel vm14, $0x0, v10  }
0x15d: {  	s11 =	sand.u32 $0x700, s20;
	[tilespmem:v9+s17+$0x0] =	vst.idx.add.f32.msk $0xffff, v1;
	v11 =	vmul.f32 $2.560000000e+02, v15;
	v8 =	vnsel vm15, $0x0, v8;
	v9 =	vmin.u32 v10, $0xFF  }
0x15e: {  	s23 =	sor.u32 $0x60, s21;
	[tilespmem:v6+s17+$0x0] =	vst.idx.add.f32.msk $0xffff, v1;
	v6 =	vcvt.f32.s32 v12;
	v8 =	vmin.u32 v8, $0xFF;
	v9 =	vor.u32 s11, v9  }
0x15f: {  	v10 =	vld [tilespmem:s23+$0x4000];
	v11 =	vtrunc.f32 v11;
	v8 =	vor.u32 s22, v8  }
0x160: {  	s24 =	sor.u32 $0x70, s10;
	vm5 =	vgt.s32 v5, $0x0;
	v12 =	vld [tilespmem:s5+$0x40A0];
	v11 =	vcvt.f32.s32 v11;
	vm4 =	vgt.s32 v6, $0x0  }
0x161: {  	s26 =	simm.s32 $0x800;
	v14 =	vld [tilespmem:s24+$0x4000];
	v5 =	vnsel vm5, $0x0, v5;
	v6 =	vnsel vm4, $0x0, v6  }
0x162: {  	s29 =	simm.s32 $0x900;
	s12 =	sand.u32 $0x400, s26;
	v15 =	vld [tilespmem:s8+$0x40B0];
	v5 =	vmin.u32 v5, $0xFF;
	vm6 =	vgt.s32 v11, $0x0;
	v6 =	vmin.u32 v6, $0xFF  }
0x163: {  	s30 =	simm.s32 $0xA00;
	s26 =	simm.s32 $0x2C0;
	s8 =	sand.u32 $0x500, s29;
	v13 =	vmul.f32 $2.560000000e+02, v13;
	v11 =	vnsel vm6, $0x0, v11;
	v6 =	vor.u32 s12, v6;
	[tilespmem:v9+s17+$0x0] =	vst.idx.add.f32.msk $0xffff, v1  }
0x164: {  	s10 =	sand.u32 $0x600, s30;
	s15 =	sor.u32 $0x50, s26;
	v9 =	vmin.u32 v11, $0xFF;
	v11 =	vor.u32 s8, v5;
	v5 =	vmul.f32 $2.560000000e+02, v10;
	[tilespmem:v8+s17+$0x0] =	vst.idx.add.f32.msk $0xffff, v1  }
0x165: {  	s16 =	sor.u32 $0x70, s13;
	v12 =	vmul.f32 $2.560000000e+02, v12;
	v10 =	vtrunc.f32 v13;
	v16 =	vld [tilespmem:s15+$0x4000];
	v9 =	vor.u32 s10, v9  }
0x166: {  	v7 =	vmin.u32 v7, $0xFF;
	v8 =	vcvt.f32.s32 v10;
	v13 =	vld [tilespmem:s16+$0x4000];
	v10 =	vtrunc.f32 v5  }
0x167: {  	v5 =	vor.u32 s14, v7;
	v7 =	vcvt.f32.s32 v10;
	v10 =	vtrunc.f32 v12  }
0x168: {  	[tilespmem:v6+s17+$0x0] =	vst.idx.add.f32.msk $0xffff, v1;
	vm7 =	vgt.s32 v8, $0x0;
	v12 =	vmul.f32 $2.560000000e+02, v15;
	v6 =	vcvt.f32.s32 v10  }
0x169: {  	v10 =	vmul.f32 $2.560000000e+02, v14;
	v8 =	vnsel vm7, $0x0, v8;
	[tilespmem:v11+s17+$0x0] =	vst.idx.add.f32.msk $0xffff, v1;
	vm8 =	vgt.s32 v7, $0x0  }
0x16a: {  	s13 =	simm.s32 $0x240;
	v8 =	vmin.u32 v8, $0xFF;
	v12 =	vtrunc.f32 v12;
	v11 =	vmul.f32 $2.560000000e+02, v16;
	[tilespmem:v9+s17+$0x0] =	vst.idx.add.f32.msk $0xffff, v1  }
0x16b: {  	s20 =	sor.u32 $0x50, s13;
	v7 =	vnsel vm8, $0x0, v7;
	vm9 =	vgt.s32 v6, $0x0;
	v9 =	vld [tilespmem:s2+$0x4010];
	v13 =	vmul.f32 $2.560000000e+02, v13  }
0x16c: {  	v14 =	vld [tilespmem:s20+$0x4000];
	v8 =	vor.u32 s6, v8;
	v10 =	vtrunc.f32 v10;
	v11 =	vtrunc.f32 v11  }
0x16d: {  	v12 =	vcvt.f32.s32 v12;
	v6 =	vnsel vm9, $0x0, v6;
	v15 =	vld [tilespmem:s2+$0x4090];
	v11 =	vcvt.f32.s32 v11  }
0x16e: {  	v7 =	vmin.u32 v7, $0xFF;
	v10 =	vcvt.f32.s32 v10;
	v6 =	vmin.u32 v6, $0xFF  }
0x16f: {  	v13 =	vtrunc.f32 v13;
	v7 =	vor.u32 s7, v7;
	vm10 =	vgt.s32 v11, $0x0  }
0x170: {  	s14 =	simm.s32 $0x300;
	v54 =	vor.u32 s3, v6;
	v6 =	vcvt.f32.s32 v13;
	v11 =	vnsel vm10, $0x0, v11  }
0x171: {  	v17 =	vld [tilespmem:s14+$0x4000];
	v9 =	vmul.f32 $2.560000000e+02, v9;
	v13 =	vmul.f32 $2.560000000e+02, v14;
	v11 =	vmin.u32 v11, $0xFF  }
0x172: {  	vm4 =	vgt.s32 v12, $0x0;
	[tilespmem:v8+s17+$0x0] =	vst.idx.add.f32.msk $0xffff, v1;
	v14 =	vmul.f32 $2.560000000e+02, v15;
	v11 =	vor.u32 s11, v11  }
0x173: {  	vm11 =	vgt.s32 v6, $0x0;
	v15 =	vld [tilespmem:s14+$0x40C0];
	v9 =	vtrunc.f32 v9;
	v8 =	vtrunc.f32 v13  }
0x174: {  	v6 =	vnsel vm11, $0x0, v6;
	v9 =	vcvt.f32.s32 v9;
	v13 =	vtrunc.f32 v14  }
0x175: {  	v19 =	vld [tilespmem:s14+$0x4080];
	v6 =	vmin.u32 v6, $0xFF;
	v8 =	vcvt.f32.s32 v8;
	v13 =	vcvt.f32.s32 v13  }
0x176: {  	v18 =	vld [tilespmem:s14+$0x4040];
	v17 =	vmul.f32 $2.560000000e+02, v17;
	v6 =	vor.u32 s22, v6;
	vm12 =	vgt.s32 v9, $0x0  }
0x177: {  	s22 =	sor.u32 $0x60, s26;
	vm13 =	vgt.s32 v8, $0x0;
	v9 =	vnsel vm12, $0x0, v9;
	vm14 =	vgt.s32 v13, $0x0;
	[tilespmem:v11+s17+$0x0] =	vst.idx.add.f32.msk $0xffff, v1  }
0x178: {  	v8 =	vnsel vm13, $0x0, v8;
	v15 =	vmul.f32 $2.560000000e+02, v15;
	v9 =	vmin.u32 v9, $0xFF;
	v11 =	vld [tilespmem:s22+$0x4000]  }
0x179: {  	v14 =	vld [tilespmem:s5+$0x4030];
	v13 =	vnsel vm14, $0x0, v13;
	v8 =	vmin.u32 v8, $0xFF;
	v9 =	vor.u32 s12, v9  }
0x17a: {  	v55 =	vmul.f32 $2.560000000e+02, v19;
	v13 =	vmin.u32 v13, $0xFF;
	v8 =	vor.u32 s8, v8  }
0x17b: {  	vm15 =	vgt.s32 v10, $0x0;
	v15 =	vtrunc.f32 v15;
	v13 =	vor.u32 s10, v13  }
0x17c: {  	v12 =	vnsel vm4, $0x0, v12;
	v10 =	vnsel vm15, $0x0, v10;
	[tilespmem:v7+s17+$0x0] =	vst.idx.add.f32.msk $0xffff, v1;
	v7 =	vcvt.f32.s32 v15  }
0x17d: {  	v59 =	vmin.u32 v12, $0xFF;
	v15 =	vmul.f32 $2.560000000e+02, v18;
	v11 =	vmul.f32 $2.560000000e+02, v11  }
0x17e: {  	v10 =	vmin.u32 v10, $0xFF;
	v14 =	vmul.f32 $2.560000000e+02, v14;
	vm6 =	vgt.s32 v7, $0x0;
	[tilespmem:v9+s17+$0x0] =	vst.idx.add.f32.msk $0xffff, v1  }
0x17f: {  	s23 =	simm.s32 $0xF00;
	v7 =	vnsel vm6, $0x0, v7;
	[tilespmem:v8+s17+$0x0] =	vst.idx.add.f32.msk $0xffff, v1;
	v8 =	vtrunc.f32 v15;
	v11 =	vtrunc.f32 v11  }
0x180: {  	s24 =	sor.u32 $0x60, s13;
	s23 =	sand.u32 $0x700, s23;
	v15 =	vtrunc.f32 v55;
	v7 =	vmin.u32 v7, $0xFF;
	[tilespmem:v13+s17+$0x0] =	vst.idx.add.f32.msk $0xffff, v1;
	v9 =	vcvt.f32.s32 v11  }
0x181: {  	v7 =	vor.u32 s23, v7;
	v8 =	vcvt.f32.s32 v8;
	v13 =	vld [tilespmem:s24+$0x4000];
	v15 =	vcvt.f32.s32 v15  }
0x182: {  	v10 =	vor.u32 s31, v10;
	[tilespmem:v54+s17+$0x0] =	vst.idx.add.f32.msk $0xffff, v1;
	v14 =	vtrunc.f32 v14;
	vm7 =	vgt.s32 v9, $0x0  }
0x183: {  	v56 =	vld [tilespmem:s2+$0x4020];
	vm9 =	vgt.s32 v8, $0x0;
	vm10 =	vgt.s32 v15, $0x0;
	v9 =	vnsel vm7, $0x0, v9  }
0x184: {  	s30 =	simm.s32 $0xE00;
	v57 =	vld [tilespmem:s2+$0x40A0];
	v11 =	vtrunc.f32 v17;
	v8 =	vnsel vm9, $0x0, v8;
	v9 =	vmin.u32 v9, $0xFF  }
0x185: {  	s29 =	sor.u32 $0x70, s21;
	s16 =	simm.s32 $0xD00;
	v12 =	vnsel vm10, $0x0, v15;
	v15 =	vld [tilespmem:s5+$0x40B0];
	s5 =	simm.s32 $0x3C0;
	v11 =	vcvt.f32.s32 v11;
	v9 =	vor.u32 s11, v9  }
0x186: {  	s21 =	sand.u32 $0x600, s30;
	s22 =	sand.u32 $0x500, s16;
	v8 =	vmin.u32 v8, $0xFF;
	v12 =	vmin.u32 v12, $0xFF;
	s20 =	sor.u32 $0x50, s5;
	[tilespmem:v7+s17+$0x0] =	vst.idx.add.f32.msk $0xffff, v1;
	v13 =	vmul.f32 $2.560000000e+02, v13  }
0x187: {  	v7 =	vor.u32 s22, v8;
	v8 =	vor.u32 s21, v12;
	vm8 =	vgt.s32 v11, $0x0;
	v12 =	vld [tilespmem:s20+$0x4000]  }
0x188: {  	[tilespmem:v4+s17+$0x0] =	vst.idx.add.f32.msk $0xffff, v1;
	s15 =	simm.s32 $0xC00;
	v14 =	vcvt.f32.s32 v14;
	v11 =	vnsel vm8, $0x0, v11;
	v13 =	vtrunc.f32 v13  }
0x189: {  	v58 =	vld [tilespmem:s29+$0x4000];
	s24 =	sand.u32 $0x400, s15;
	v16 =	vmul.f32 $2.560000000e+02, v56;
	v11 =	vmin.u32 v11, $0xFF;
	v4 =	vcvt.f32.s32 v13  }
0x18a: {  	s29 =	sor.u32 $0x70, s26;
	vm5 =	vgt.s32 v14, $0x0;
	v17 =	vmul.f32 $2.560000000e+02, v57;
	v11 =	vor.u32 s24, v11;
	[tilespmem:v9+s17+$0x0] =	vst.idx.add.f32.msk $0xffff, v1  }
0x18b: {  	v14 =	vnsel vm5, $0x0, v14;
	v16 =	vtrunc.f32 v16;
	vm12 =	vgt.s32 v4, $0x0;
	v60 =	vld [tilespmem:s29+$0x4000]  }
0x18c: {  	s30 =	simm.s32 $0x340;
	v13 =	vtrunc.f32 v17;
	[tilespmem:v8+s17+$0x0] =	vst.idx.add.f32.msk $0xffff, v1;
	v8 =	vmul.f32 $2.560000000e+02, v12;
	v4 =	vnsel vm12, $0x0, v4  }
0x18d: {  	s31 =	sor.u32 $0x50, s30;
	[tilespmem:v7+s17+$0x0] =	vst.idx.add.f32.msk $0xffff, v1;
	v4 =	vmin.u32 v4, $0xFF;
	v9 =	vmin.u32 v14, $0xFF;
	v14 =	vcvt.f32.s32 v16  }
0x18e: {  	v61 =	vld [tilespmem:s31+$0x4000];
	v8 =	vtrunc.f32 v8;
	v4 =	vor.u32 s8, v4;
	v9 =	vor.u32 s6, v9  }
0x18f: {  	[tilespmem:v11+s17+$0x0] =	vst.idx.add.f32.msk $0xffff, v1;
	v11 =	vcvt.f32.s32 v13;
	v13 =	vmul.f32 $2.560000000e+02, v58;
	vm11 =	vgt.s32 v14, $0x0  }
0x190: {  	v12 =	vld [tilespmem:s14+$0x4010];
	v7 =	vnsel vm11, $0x0, v14;
	v14 =	vmul.f32 $2.560000000e+02, v15;
	v15 =	vmul.f32 $2.560000000e+02, v60  }
0x191: {  	v62 =	vld [tilespmem:s14+$0x4090];
	v63 =	vcvt.f32.s32 v8;
	vm13 =	vgt.s32 v11, $0x0;
	v7 =	vmin.u32 v7, $0xFF  }
0x192: {  	[tilespmem:v5+s17+$0x0] =	vst.idx.add.f32.msk $0xffff, v1;
	v11 =	vnsel vm13, $0x0, v11;
	v20 =	vor.u32 s12, v7;
	v7 =	vtrunc.f32 v15  }
0x193: {  	[tilespmem:v10+s17+$0x0] =	vst.idx.add.f32.msk $0xffff, v1;
	vm14 =	vgt.s32 v63, $0x0;
	v11 =	vmin.u32 v11, $0xFF;
	v5 =	vcvt.f32.s32 v7  }
0x194: {  	[tilespmem:v6+s17+$0x0] =	vst.idx.add.f32.msk $0xffff, v1;
	v8 =	vtrunc.f32 v13;
	v10 =	vmul.f32 $2.560000000e+02, v61;
	v15 =	vor.u32 s10, v11  }
0x195: {  	[tilespmem:v9+s17+$0x0] =	vst.idx.add.f32.msk $0xffff, v1;
	v9 =	vnsel vm14, $0x0, v63;
	v6 =	vmul.f32 $2.560000000e+02, v12;
	vm15 =	vgt.s32 v5, $0x0  }
0x196: {  	v9 =	vmin.u32 v9, $0xFF;
	v12 =	vmul.f32 $2.560000000e+02, v62;
	v5 =	vnsel vm15, $0x0, v5  }
0x197: {  	[tilespmem:v4+s17+$0x0] =	vst.idx.add.f32.msk $0xffff, v1;
	v9 =	vor.u32 s23, v9;
	v11 =	vtrunc.f32 v10;
	v5 =	vmin.u32 v5, $0xFF  }
0x198: {  	s28 =	sor.u32 $0x60, s30;
	s26 =	simm.s32 $0x1000;
	s6 =	sor.u32 $0x70, s13;
	v7 =	vtrunc.f32 v14;
	v6 =	vtrunc.f32 v6;
	[tilespmem:v20+s17+$0x0] =	vst.idx.add.f32.msk $0xffff, v1;
	v5 =	vor.u32 s11, v5  }
0x199: {  	s13 =	simm.s32 $0xC;
	v4 =	vor.u32 s19, v59;
	s19 =	simm.s32 $0x3C0;
	v12 =	vtrunc.f32 v12;
	v10 =	vcvt.f32.s32 v6;
	[tilespmem:v15+s17+$0x0] =	vst.idx.add.f32.msk $0xffff, v1;
	s11 =	sor.u32 $0x70, s30  }
.LBB2_7:
0x19a: {  	s29 =	sshra.s32 s26, $0x2;
	s1 =	sadd.s32 $0x100, s26;
	s16 =	sadd.s32 $0x200, s26;
	v6 =	vcvt.f32.s32 v11;
	v11 =	vcvt.f32.s32 v12;
	v12 =	vld [tilespmem:s2+$0x4030]  }
0x19b: {  	s20 =	sand.u32 $0x400, s26;
	v8 =	vcvt.f32.s32 v8;
	v7 =	vcvt.f32.s32 v7;
	s15 =	sand.u32 $0x500, s1;
	s1 =	sand.u32 $0x600, s16;
	v13 =	vld [tilespmem:s29+$0x40C0];
	vm0 =	vgt.s32 v10, $0x0  }
0x19c: {  	s31 =	smov.u32 s21;
	v10 =	vnsel vm0, $0x0, v10;
	vm0 =	vgt.s32 v6, $0x0;
	vm1 =	vgt.s32 v11, $0x0;
	[tilespmem:v9+s17+$0x0] =	vst.idx.add.f32.msk $0xffff, v1;
	s21 =	smov.u32 s1  }
0x19d: {  	s13 =	sadd.s32 $0x4, s13;
	s1 =	sor.u32 $0x60, s5;
	v9 =	vmin.u32 v10, $0xFF;
	v6 =	vnsel vm0, $0x0, v6;
	v10 =	vnsel vm1, $0x0, v11;
	[tilespmem:v5+s17+$0x0] =	vst.idx.add.f32.msk $0xffff, v1  }
0x19e: {  	p1 =	slt.u32 s13, $0xFC;
	v5 =	vor.u32 s24, v9;
	v6 =	vmin.u32 v6, $0xFF;
	v9 =	vmin.u32 v10, $0xFF;
	v10 =	vld [tilespmem:s1+$0x4000]  }
0x19f: {  	v11 =	vld [tilespmem:s29+$0x4000];
	v14 =	vor.u32 s22, v6;
	v9 =	vor.u32 s31, v9;
	v6 =	vmul.f32 $2.560000000e+02, v12  }
0x1a0: {  	vm0 =	vgt.s32 v8, $0x0;
	vm1 =	vgt.s32 v7, $0x0;
	v12 =	vld [tilespmem:s29+$0x4040]  }
0x1a1: {  	v8 =	vnsel vm0, $0x0, v8;
	v13 =	vmul.f32 $2.560000000e+02, v13;
	v15 =	vld [tilespmem:s29+$0x4080];
	v6 =	vtrunc.f32 v6  }
0x1a2: {  	v8 =	vmin.u32 v8, $0xFF;
	v16 =	vcvt.f32.s32 v6;
	v17 =	vld [tilespmem:s6+$0x4000];
	v6 =	vnsel vm1, $0x0, v7;
	s6 =	smov.u32 s11  }
0x1a3: {  	v7 =	vtrunc.f32 v13;
	[tilespmem:v5+s17+$0x0] =	vst.idx.add.f32.msk $0xffff, v1;
	v5 =	vmul.f32 $2.560000000e+02, v10;
	v6 =	vmin.u32 v6, $0xFF  }
0x1a4: {  	v7 =	vcvt.f32.s32 v7;
	v10 =	vmul.f32 $2.560000000e+02, v11;
	[tilespmem:v14+s17+$0x0] =	vst.idx.add.f32.msk $0xffff, v1;
	vm0 =	vgt.s32 v16, $0x0  }
0x1a5: {  	v11 =	vmul.f32 $2.560000000e+02, v12;
	[tilespmem:v9+s17+$0x0] =	vst.idx.add.f32.msk $0xffff, v1;
	v5 =	vtrunc.f32 v5;
	v9 =	vnsel vm0, $0x0, v16  }
0x1a6: {  	vm0 =	vgt.s32 v7, $0x0;
	v12 =	vmul.f32 $2.560000000e+02, v15;
	v13 =	vld [tilespmem:s14+$0x4020];
	v5 =	vcvt.f32.s32 v5  }
0x1a7: {  	s1 =	sadd.s32 $0x300, s26;
	v10 =	vtrunc.f32 v10;
	v7 =	vnsel vm0, $0x0, v7;
	v11 =	vtrunc.f32 v11;
	v14 =	vld [tilespmem:s28+$0x4000]  }
0x1a8: {  	s1 =	sand.u32 $0x700, s1;
	v7 =	vmin.u32 v7, $0xFF;
	v12 =	vtrunc.f32 v12;
	v15 =	vld [tilespmem:s14+$0x40A0];
	vm0 =	vgt.s32 v5, $0x0  }
0x1a9: {  	v10 =	vcvt.f32.s32 v10;
	v7 =	vor.u32 s1, v7;
	v5 =	vnsel vm0, $0x0, v5;
	v16 =	vld [tilespmem:s2+$0x40B0];
	s2 =	smov.u32 s14;
	s14 =	smov.u32 s29  }
0x1aa: {  	v11 =	vcvt.f32.s32 v11;
	v12 =	vcvt.f32.s32 v12;
	v5 =	vmin.u32 v5, $0xFF;
	[tilespmem:v4+s17+$0x0] =	vst.idx.add.f32.msk $0xffff, v1  }
0x1ab: {  	vm0 =	vgt.s32 v10, $0x0;
	v4 =	vmul.f32 $2.560000000e+02, v13;
	v5 =	vor.u32 s23, v5  }
0x1ac: {  	v10 =	vnsel vm0, $0x0, v10;
	vm0 =	vgt.s32 v11, $0x0;
	vm1 =	vgt.s32 v12, $0x0  }
0x1ad: {  	s5 =	sadd.s32 $0x100, s5;
	v10 =	vmin.u32 v10, $0xFF;
	v11 =	vnsel vm0, $0x0, v11;
	v12 =	vnsel vm1, $0x0, v12  }
0x1ae: {  	s16 =	sor.u32 $0x50, s5;
	s11 =	sadd.s32 $0xFFFFFF80, s5;
	v10 =	vor.u32 s20, v10;
	v11 =	vmin.u32 v11, $0xFF;
	v12 =	vmin.u32 v12, $0xFF;
	[tilespmem:v7+s17+$0x0] =	vst.idx.add.f32.msk $0xffff, v1  }
0x1af: {  	s28 =	sor.u32 $0x60, s11;
	s29 =	sor.u32 $0x50, s11;
	s11 =	sor.u32 $0x70, s11;
	v13 =	vmul.f32 $2.560000000e+02, v14;
	v7 =	vor.u32 s15, v11;
	v11 =	vor.u32 s21, v12;
	v12 =	vld [tilespmem:s16+$0x4000]  }
0x1b0: {  	v4 =	vtrunc.f32 v4;
	v14 =	vmul.f32 $2.560000000e+02, v15;
	s16 =	sor.u32 $0x70, s19;
	s19 =	smov.u32 s5;
	[tilespmem:v5+s17+$0x0] =	vst.idx.add.f32.msk $0xffff, v1;
	v5 =	vmin.u32 v9, $0xFF  }
0x1b1: {  	v4 =	vcvt.f32.s32 v4;
	v9 =	vtrunc.f32 v13;
	v13 =	vld [tilespmem:s16+$0x4000];
	v5 =	vor.u32 s12, v5;
	s12 =	smov.u32 s24;
	s24 =	smov.u32 s20  }
0x1b2: {  	v15 =	vor.u32 s7, v8;
	s7 =	smov.u32 s8;
	s8 =	smov.u32 s22;
	s22 =	smov.u32 s15;
	v14 =	vtrunc.f32 v14;
	v9 =	vcvt.f32.s32 v9  }
0x1b3: {  	vm0 =	vgt.s32 v4, $0x0;
	v8 =	vcvt.f32.s32 v14;
	[tilespmem:v10+s17+$0x0] =	vst.idx.add.f32.msk $0xffff, v1;
	v10 =	vmul.f32 $2.560000000e+02, v17  }
0x1b4: {  	v4 =	vnsel vm0, $0x0, v4;
	vm0 =	vgt.s32 v9, $0x0;
	[tilespmem:v7+s17+$0x0] =	vst.idx.add.f32.msk $0xffff, v1;
	v7 =	vmul.f32 $2.560000000e+02, v16  }
0x1b5: {  	v9 =	vnsel vm0, $0x0, v9;
	vm0 =	vgt.s32 v8, $0x0;
	[tilespmem:v11+s17+$0x0] =	vst.idx.add.f32.msk $0xffff, v1;
	v11 =	vmul.f32 $2.560000000e+02, v12  }
0x1b6: {  	v4 =	vmin.u32 v4, $0xFF;
	v8 =	vnsel vm0, $0x0, v8;
	v12 =	vld [tilespmem:s14+$0x4010];
	v13 =	vmul.f32 $2.560000000e+02, v13  }
0x1b7: {  	v9 =	vmin.u32 v9, $0xFF;
	v8 =	vmin.u32 v8, $0xFF;
	v14 =	vld [tilespmem:s29+$0x4000];
	v11 =	vtrunc.f32 v11  }
0x1b8: {  	v4 =	vor.u32 s12, v4;
	v16 =	vld [tilespmem:s14+$0x4090];
	v11 =	vcvt.f32.s32 v11;
	v13 =	vtrunc.f32 v13  }
0x1b9: {  	v17 =	vor.u32 s8, v9;
	v18 =	vor.u32 s31, v8;
	v9 =	vcvt.f32.s32 v13;
	[tilespmem:v5+s17+$0x0] =	vst.idx.add.f32.msk $0xffff, v1  }
0x1ba: {  	v7 =	vtrunc.f32 v7;
	v8 =	vtrunc.f32 v10;
	vm0 =	vgt.s32 v11, $0x0;
	[tilespmem:v15+s17+$0x0] =	vst.idx.add.f32.msk $0xffff, v1  }
.Ltmp2:
0x1bb: {  	v5 =	vmul.f32 $2.560000000e+02, v12;
	v10 =	vnsel vm0, $0x0, v11;
	vm0 =	vgt.s32 v9, $0x0;
	(pc) =	sbr.rel @p1 .LBB2_7-.Ltmp2, $4  }
0x1bc: {  	v11 =	vmul.f32 $2.560000000e+02, v14;
	v10 =	vmin.u32 v10, $0xFF;
	v12 =	vnsel vm0, $0x0, v9  }
0x1bd: {  	v13 =	vmul.f32 $2.560000000e+02, v16;
	v9 =	vor.u32 s1, v10;
	[tilespmem:v4+s17+$0x0] =	vst.idx.add.f32.msk $0xffff, v1;
	v4 =	vmin.u32 v12, $0xFF  }
0x1be: {  	v10 =	vtrunc.f32 v5;
	v11 =	vtrunc.f32 v11;
	[tilespmem:v17+s17+$0x0] =	vst.idx.add.f32.msk $0xffff, v1;
	v5 =	vor.u32 s23, v4;
	s23 =	smov.u32 s1  }
0x1bf: {  	s26 =	sadd.s32 $0x400, s26;
	v10 =	vcvt.f32.s32 v10;
	v4 =	vor.u32 s3, v6;
	s3 =	smov.u32 s10;
	s10 =	smov.u32 s31;
	v12 =	vtrunc.f32 v13;
	[tilespmem:v18+s17+$0x0] =	vst.idx.add.f32.msk $0xffff, v1  }
0x1c0: {  	_ = 	snop  }
0x1c1: {  	vm0 =	vgt.s32 v10, $0x0  }
0x1c2: {  	v6 =	vcvt.f32.s32 v11;
	v10 =	vnsel vm0, $0x0, v10  }
0x1c3: {  	v40 =	vcvt.f32.s32 v12;
	v10 =	vmin.u32 v10, $0xFF  }
0x1c4: {  	vm14 =	vgt.s32 v6, $0x0;
	v41 =	vor.u32 s24, v10  }
0x1c5: {  	vm1 =	vgt.s32 v40, $0x0;
	v6 =	vnsel vm14, $0x0, v6  }
0x1c6: {  	v42 =	vnsel vm1, $0x0, v40;
	v6 =	vmin.u32 v6, $0xFF  }
0x1c7: {  	[tilespmem:v9+s17+$0x0] =	vst.idx.add.f32.msk $0xffff, v1;
	s1 =	sor.u32 $0x60, s5;
	v10 =	vmin.u32 v42, $0xFF;
	v6 =	vor.u32 s22, v6  }
0x1c8: {  	v43 =	vld [tilespmem:s1+$0x4000];
	v10 =	vor.u32 s21, v10  }
0x1c9: {  	[tilespmem:v41+s17+$0x0] =	vst.idx.add.f32.msk $0xffff, v1  }
0x1ca: {  	v45 =	vld [tilespmem:s14+$0x4020];
	_ =	sdelay $0x1  }
0x1cb: {  	[tilespmem:v6+s17+$0x0] =	vst.idx.add.f32.msk $0xffff, v1  }
0x1cc: {  	v44 =	vmul.f32 $2.560000000e+02, v43;
	[tilespmem:v10+s17+$0x0] =	vst.idx.add.f32.msk $0xffff, v1  }
0x1cd: {  	v47 =	vld [tilespmem:s28+$0x4000]  }
0x1ce: {  	v46 =	vtrunc.f32 v44;
	v10 =	vld [tilespmem:s14+$0x40A0];
	v11 =	vmul.f32 $2.560000000e+02, v45  }
0x1cf: {  	v6 =	vcvt.f32.s32 v46  }
0x1d0: {  	v11 =	vtrunc.f32 v11  }
0x1d1: {  	vm15 =	vgt.s32 v6, $0x0;
	v11 =	vcvt.f32.s32 v11  }
0x1d2: {  	v6 =	vnsel vm15, $0x0, v6;
	v9 =	vmul.f32 $2.560000000e+02, v47  }
0x1d3: {  	v48 =	vld [tilespmem:s2+$0x4030];
	v6 =	vmin.u32 v6, $0xFF;
	v10 =	vmul.f32 $2.560000000e+02, v10;
	vm4 =	vgt.s32 v11, $0x0  }
0x1d4: {  	v6 =	vor.u32 s23, v6;
	v9 =	vtrunc.f32 v9;
	v11 =	vnsel vm4, $0x0, v11  }
0x1d5: {  	v10 =	vtrunc.f32 v10;
	v9 =	vcvt.f32.s32 v9;
	v11 =	vmin.u32 v11, $0xFF  }
0x1d6: {  	v10 =	vcvt.f32.s32 v10;
	v49 =	vor.u32 s24, v11  }
0x1d7: {  	v8 =	vcvt.f32.s32 v8;
	v13 =	vld [tilespmem:s6+$0x4000];
	vm5 =	vgt.s32 v9, $0x0  }
0x1d8: {  	v14 =	vld [tilespmem:s2+$0x40B0];
	v12 =	vmul.f32 $2.560000000e+02, v48;
	vm6 =	vgt.s32 v10, $0x0;
	v9 =	vnsel vm5, $0x0, v9  }
0x1d9: {  	v7 =	vcvt.f32.s32 v7;
	s28 =	sor.u32 $0x70, s19;
	[tilespmem:v6+s17+$0x0] =	vst.idx.add.f32.msk $0xffff, v1;
	v10 =	vnsel vm6, $0x0, v10;
	v9 =	vmin.u32 v9, $0xFF  }
0x1da: {  	v12 =	vtrunc.f32 v12;
	v50 =	vld [tilespmem:s28+$0x4000];
	v10 =	vmin.u32 v10, $0xFF;
	v9 =	vor.u32 s22, v9  }
0x1db: {  	v12 =	vcvt.f32.s32 v12;
	v10 =	vor.u32 s21, v10;
	[tilespmem:v49+s17+$0x0] =	vst.idx.add.f32.msk $0xffff, v1  }
0x1dc: {  	vm7 =	vgt.s32 v8, $0x0;
	vm8 =	vgt.s32 v7, $0x0;
	v52 =	vld [tilespmem:s14+$0x4030]  }
0x1dd: {  	v8 =	vnsel vm7, $0x0, v8;
	v55 =	vmul.f32 $2.560000000e+02, v14;
	vm9 =	vgt.s32 v12, $0x0  }
0x1de: {  	v7 =	vnsel vm8, $0x0, v7;
	v8 =	vmin.u32 v8, $0xFF;
	v12 =	vnsel vm9, $0x0, v12  }
0x1df: {  	v53 =	vmin.u32 v12, $0xFF;
	v12 =	vtrunc.f32 v55;
	v51 =	vmul.f32 $2.560000000e+02, v50;
	[tilespmem:v9+s17+$0x0] =	vst.idx.add.f32.msk $0xffff, v1  }
0x1e0: {  	v7 =	vmin.u32 v7, $0xFF;
	v54 =	vmul.f32 $2.560000000e+02, v13;
	v12 =	vcvt.f32.s32 v12;
	[tilespmem:v10+s17+$0x0] =	vst.idx.add.f32.msk $0xffff, v1  }
0x1e1: {  	v8 =	vor.u32 s7, v8;
	v6 =	vtrunc.f32 v51;
	v56 =	vld [tilespmem:s11+$0x4000];
	v11 =	vmul.f32 $2.560000000e+02, v52  }
0x1e2: {  	v7 =	vor.u32 s3, v7;
	vm13 =	vgt.s32 v12, $0x0;
	v6 =	vcvt.f32.s32 v6;
	v57 =	vld [tilespmem:s14+$0x40B0]  }
0x1e3: {  	[tilespmem:v5+s17+$0x0] =	vst.idx.add.f32.msk $0xffff, v1;
	v5 =	vnsel vm13, $0x0, v12;
	v10 =	vtrunc.f32 v54;
	v11 =	vtrunc.f32 v11  }
0x1e4: {  	v10 =	vcvt.f32.s32 v10;
	vm10 =	vgt.s32 v6, $0x0;
	v11 =	vcvt.f32.s32 v11  }
0x1e5: {  	[tilespmem:v4+s17+$0x0] =	vst.idx.add.f32.msk $0xffff, v1;
	v4 =	vmin.u32 v5, $0xFF;
	v9 =	vor.u32 s12, v53;
	v6 =	vnsel vm10, $0x0, v6  }
0x1e6: {  	vm11 =	vgt.s32 v10, $0x0;
	v13 =	vmul.f32 $2.560000000e+02, v56;
	vm12 =	vgt.s32 v11, $0x0  }
0x1e7: {  	v6 =	vmin.u32 v6, $0xFF;
	v14 =	vmul.f32 $2.560000000e+02, v57;
	v11 =	vnsel vm12, $0x0, v11  }
0x1e8: {  	v6 =	vor.u32 s23, v6;
	v13 =	vtrunc.f32 v13;
	v11 =	vmin.u32 v11, $0xFF  }
0x1e9: {  	v14 =	vtrunc.f32 v14;
	v13 =	vcvt.f32.s32 v13;
	v5 =	vor.u32 s24, v11  }
0x1ea: {  	[tilespmem:v8+s17+$0x0] =	vst.idx.add.f32.msk $0xffff, v1;
	v10 =	vnsel vm11, $0x0, v10;
	v58 =	vcvt.f32.s32 v14  }
0x1eb: {  	[tilespmem:v7+s17+$0x0] =	vst.idx.add.f32.msk $0xffff, v1;
	v10 =	vmin.u32 v10, $0xFF;
	vm14 =	vgt.s32 v13, $0x0  }
0x1ec: {  	[tilespmem:v9+s17+$0x0] =	vst.idx.add.f32.msk $0xffff, v1;
	v59 =	vor.u32 s8, v10;
	vm15 =	vgt.s32 v58, $0x0;
	v60 =	vnsel vm14, $0x0, v13  }
0x1ed: {  	v4 =	vor.u32 s10, v4;
	[tilespmem:v6+s17+$0x0] =	vst.idx.add.f32.msk $0xffff, v1;
	v62 =	vnsel vm15, $0x0, v58;
	v61 =	vmin.u32 v60, $0xFF  }
0x1ee: {  	s31 =	rddreg [dreg:$0x4];
	v63 =	vmin.u32 v62, $0xFF;
	v8 =	vor.u32 s22, v61;
	[tilespmem:v5+s17+$0x0] =	vst.idx.add.f32.msk $0xffff, v1  }
0x1ef: {  	p1 =	seq.s32 s0, $0xB;
	s2 =	sadd.s32 s31, s0;
	v6 =	vor.u32 s21, v63;
	s1 =	rddreg [dreg:$0x5]  }
0x1f0: {  	s1 =	sadd.s32 @!p1 s1, s2  }
0x1f1: {  	[tilespmem:v59+s17+$0x0] =	vst.idx.add.f32.msk $0xffff, v1;
	s1 =	sshll.u32 @!p1 s1, $0xC  }
0x1f2: {  	s16 =	rddreg [dreg:$0x0];
	[tilespmem:v4+s17+$0x0] =	vst.idx.add.f32.msk $0xffff, v1;
	s1 =	sand.u32 @!p1 $0x1FFFF000, s1  }
0x1f3: {  	[tilespmem:v8+s17+$0x0] =	vst.idx.add.f32.msk $0xffff, v1;
	s1 =	sadd.s32 @!p1 s16, s1  }
0x1f4: {  	s5 =	simm.s32 @!p1 $0x0;
	[tilespmem:v6+s17+$0x0] =	vst.idx.add.f32.msk $0xffff, v1;
	s3 =	sadd.s32 @!p1 $0x1000, s1  }
0x1f5: {  	[tilespmem:s5], [sflag:$0x1] =	stream.linear.gather @!p1 [hbm4b:s3+s5], $0x4000, $0x38;
	[tilespmem:$0x1A400] =	vst v63  }
0x1f6: {  	p2 =	seq.s32 @!p1 s0, $0x0;
	s1 =	sadd.s32 @!p1 $0x1800, s1;
	s3 =	simm.s32 @!p1 $0x4000  }
0x1f7: {  	[tilespmem:s3], [sflag:$0x2] =	stream.linear.gather @!p1 [hbm4b:s1+s5], $0x4000, $0x38;
	[tilespmem:$0x1A400] =	vst v63  }
0x1f8: {  	p1 =	por p1, !p2  }
0x1f9: {  	s1 =	simm.s32 @p1 $0x3  }
0x1fa: {  	_ =	swait.ge @p1 [sflag:s1], $0x800  }
0x1fb: {  	s30 =	simm.s32 $0x4000;
	[sflag:s1] =	ssyncset.done @p1 $0x0  }
0x1fc: {  	s6 =	simm.s32 $0x10800;
	s7 =	simm.s32 $0x0;
	[sflag:s1] =	ssyncadd.s32 @p1 $0xFFFFF800  }
0x1fd: {  	s3 =	simm.s32 $0x0;
	s5 =	simm.s32 $0x10000;
	s29 =	rddreg [dreg:$0x2]  }
.LBB2_9:
0x1fe: {  	s1 =	sshll.u32 s7, $0x8  }
0x1ff: {  	s8 =	sand.u32 $0x80, s3;
	s1 =	sadd.s32 $0x10000, s1  }
0x200: {  	s10 =	sand.u32 $0x70, s3;
	s8 =	sadd.s32 s8, s1  }
0x201: {  	s8 =	sadd.s32 s10, s8  }
0x202: {  	v5 =	vld [tilespmem:s8+$0x0];
	_ =	sdelay $0x2  }
0x203: {  	s11 =	simm.s32 $0x10  }
0x204: {  	v4 =	vimm.f32 $0.0e+00;
	s12 =	sand.u32 $0x80, s11;
	s10 =	simm.s32 $0x20  }
.LBB2_10:
0x205: {  	p1 =	sne.s32 s10, $0xF0;
	s11 =	sand.u32 $0x70, s11;
	s12 =	sadd.s32 s12, s1;
	v5 =	vmin.f32 v5, $6.400000000e+02  }
0x206: {  	[tilespmem:s8+$0x0] =	vst v5;
	s8 =	sadd.s32 s11, s12;
	v4 =	vadd.f32 v5, v4;
	s11 =	smov.u32 s10  }
.Ltmp3:
0x207: {  	v5 =	vld [tilespmem:s8+$0x0];
	(pc) =	sbr.rel @p1 .LBB2_10-.Ltmp3, $2  }
0x208: {  	_ =	sdelay $0x2  }
0x209: {  	s10 =	sadd.s32 $0x10, s10;
	s12 =	sand.u32 $0x80, s11  }
0x20a: {  	s10 =	sand.u32 $0x70, s11;
	s1 =	sadd.s32 s12, s1;
	v5 =	vmin.f32 v5, $6.400000000e+02  }
0x20b: {  	s1 =	sadd.s32 s10, s1;
	[tilespmem:s8+$0x0] =	vst v5  }
0x20c: {  	v6 =	vld [tilespmem:s1+$0x0];
	_ =	sdelay $0x3  }
0x20d: {  	v4 =	vadd.f32 v5, v4  }
0x20e: {  	v5 =	vmin.f32 v6, $6.400000000e+02  }
0x20f: {  	v4 =	vadd.f32 v5, v4;
	_ =	sdelay $0x1  }
0x210: {  	(xrf2) =	vadd.scan.msk.f32 $0xffff, v4;
	_ =	sdelay $0x9  }
0x211: {  	v4, _, _ =	vpop (xrf2)  }
0x212: {  	(v2sf) =	vpush v4, $0xF;
	_ =	sdelay $0xe  }
0x213: {  	s22 =	spop (v2sf)  }
0x214: {  	s8 =	ssub.f32 $4.096000000e+03, s22;
	_ =	sdelay $0x1  }
0x215: {  	s23 =	smul.f32 $3.906250000e-03, s8;
	_ =	sdelay $0x1  }
0x216: {  	s10 =	scvt.f32.s32 s23;
	_ =	sdelay $0x1  }
0x217: {  	s24 =	simm.s32 $0x0;
	s10 =	scvt.s32.f32 s10  }
0x218: {  	s26 =	scvt.s32.f32 s24;
	[tilespmem:s1+$0x0] =	vst v5  }
0x219: {  	v6 =	vld [tilespmem:s5+$0x0];
	s28 =	smul.f32 $-2.560000000e+02, s10  }
0x21a: {  	s1 =	smul.f32 $1.600000000e+01, s26  }
0x21b: {  	s8 =	sadd.f32 s28, s8  }
0x21c: {  	v7 =	vadd.f32 s1, v2  }
0x21d: {  	v5 =	vmov s10;
	v4 =	vmov s8  }
0x21e: {  	v6 =	vadd.f32 v6, v5;
	vm0 =	vlt.f32 v7, v4  }
0x21f: {  	v7 =	vsel vm0, $0x3F800000, v0  }
0x220: {  	v6 =	vadd.f32 v6, v7;
	_ =	sdelay $0x1  }
0x221: {  	(xrf2) =	vadd.scan.msk.f32 $0xffff, v6;
	_ =	sdelay $0x9  }
0x222: {  	v6 =	vimm.f32 $0.0e+00;
	v7, _, _ =	vpop (xrf2)  }
0x223: {  	v6 =	vadd.f32 v7, v6;
	_ =	sdelay $0x1  }
0x224: {  	v7 =	vmul.f32 $6.225585940e-02, v6;
	_ =	sdelay $0x1  }
0x225: {  	v7 =	vmax.f32 v7, $0.0e+00  }
0x226: {  	v7 =	vmin.f32 v7, $2.550000000e+02  }
0x227: {  	v7 =	vtrunc.f32 v7  }
0x228: {  	v7 =	vcvt.f32.s32 v7;
	_ =	sdelay $0x1  }
0x229: {  	s31 =	simm.s32 $0x1;
	v7 =	vcvt.s32.f32 v7  }
0x22a: {  	s11 =	scvt.s32.f32 s31  }
0x22b: {  	s1 =	smov.u32 s6;
	s10 =	sadd.s32 $0x10, s5;
	s8 =	simm.s32 $0x2;
	v6 =	vperm.xlane v6, v3;
	[tilespmem:s6+$0x0] =	vst v7  }
.LBB2_12:
0x22c: {  	p1 =	sne.s32 s8, $0xF;
	v7 =	vld [tilespmem:s10+$0x0]  }
0x22d: {  	s11 =	smul.f32 $1.600000000e+01, s11;
	_ =	sdelay $0x1  }
0x22e: {  	v8 =	vadd.f32 s11, v2;
	_ =	sdelay $0x1  }
0x22f: {  	vm0 =	vlt.f32 v8, v4;
	v7 =	vadd.f32 v7, v5  }
0x230: {  	v8 =	vsel vm0, $0x3F800000, v0  }
0x231: {  	v7 =	vadd.f32 v7, v8;
	_ =	sdelay $0x1  }
0x232: {  	(xrf2) =	vadd.scan.msk.f32 $0xffff, v7;
	_ =	sdelay $0x9  }
0x233: {  	v7, _, _ =	vpop (xrf2)  }
0x234: {  	v6 =	vadd.f32 v7, v6;
	_ =	sdelay $0x1  }
0x235: {  	v7 =	vmul.f32 $6.225585940e-02, v6;
	v6 =	vperm.xlane v6, v3;
	_ =	sdelay $0x1  }
0x236: {  	v7 =	vmax.f32 v7, $0.0e+00  }
0x237: {  	v7 =	vmin.f32 v7, $2.550000000e+02  }
0x238: {  	v7 =	vtrunc.f32 v7  }
.Ltmp4:
0x239: {  	v7 =	vcvt.f32.s32 v7;
	(pc) =	sbr.rel @p1 .LBB2_12-.Ltmp4, $4  }
0x23a: {  	_ = 	snop  }
0x23b: {  	v7 =	vcvt.s32.f32 v7  }
0x23c: {  	s1 =	sadd.s32 $0x10, s1  }
0x23d: {  	s10 =	sadd.s32 $0x10, s10;
	s11 =	scvt.s32.f32 s8;
	s8 =	sadd.s32 $0x1, s8;
	[tilespmem:s1+$0x0] =	vst v7  }
0x23e: {  	v7 =	vld [tilespmem:s10+$0x0]  }
0x23f: {  	s8 =	smul.f32 $1.600000000e+01, s11;
	_ =	sdelay $0x1  }
0x240: {  	v8 =	vadd.f32 s8, v2;
	_ =	sdelay $0x1  }
0x241: {  	vm0 =	vlt.f32 v8, v4;
	v4 =	vadd.f32 v7, v5  }
0x242: {  	v5 =	vsel vm0, $0x3F800000, v0  }
0x243: {  	v4 =	vadd.f32 v4, v5;
	_ =	sdelay $0x1  }
0x244: {  	(xrf2) =	vadd.scan.msk.f32 $0xffff, v4;
	_ =	sdelay $0x9  }
0x245: {  	v4, _, _ =	vpop (xrf2)  }
0x246: {  	v4 =	vadd.f32 v4, v6;
	_ =	sdelay $0x1  }
0x247: {  	v4 =	vmul.f32 $6.225585940e-02, v4;
	_ =	sdelay $0x1  }
0x248: {  	v4 =	vmax.f32 v4, $0.0e+00  }
0x249: {  	s7 =	sadd.s32 $0x1, s7;
	v4 =	vmin.f32 v4, $2.550000000e+02  }
0x24a: {  	p1 =	sne.s32 s7, $0x8;
	v4 =	vtrunc.f32 v4  }
.Ltmp5:
0x24b: {  	v4 =	vcvt.f32.s32 v4;
	(pc) =	sbr.rel @p1 .LBB2_9-.Ltmp5, $4  }
0x24c: {  	_ = 	snop  }
0x24d: {  	v4 =	vcvt.s32.f32 v4  }
0x24e: {  	s1 =	sadd.s32 $0x10, s1  }
0x24f: {  	s5 =	sadd.s32 $0x100, s5;
	s6 =	sadd.s32 $0x100, s6;
	[tilespmem:s1+$0x0] =	vst v4  }
0x250: {  	s0 =	sadd.s32 $0x1, s0  }
0x251: {  	p1 =	sne.s32 s0, $0xC  }
.Ltmp6:
0x252: {  	_ = 	snop;
	(pc) =	sbr.rel @p1 .LBB2_2-.Ltmp6, $4  }
0x253: {  	s1 =	sshll.u32 s2, $0xB  }
0x254: {  	s1 =	sand.u32 $0x3FFFF800, s1  }
0x255: {  	s31 =	simm.s32 $0x10800;
	s1 =	sadd.s32 s1, s29  }
0x256: {  	[spmem:s1] =	stream.linear.scatter [tilespmem:s31], [sflag:$0x3], $0x800, $0x38;
	[tilespmem:$0x1A400] =	vst v63  }
0x257: {  	s0 =	simm.s32 $0x3  }
0x258: {  	_ =	swait.ge [sflag:s0], $0x800  }
0x259: {  	[sflag:s0] =	ssyncset.done $0x0  }
0x25a: {  	[sflag:s0] =	ssyncadd.s32 $0xFFFFF800  }
0x25b: {  	s2 =	simm.s32 $0x14000;
	[bflag:$0x0] =	sbarrier.arrive $0xFFFF  }
0x25c: {  	s28 =	simm.s32 $0x6;
	s0 =	simm.s32 $0x0;
	s1 =	rddreg [dreg:$0x6]  }
0x25d: {  	[tilespmem:s2], [sflag:$0x6] =	stream.linear.gather [hbm4b:s1+s0], $0x200, $0x38;
	[tilespmem:$0x1A400] =	vst v63  }
0x25e: {  	_ =	swait.ge [sflag:s28], $0x200  }
0x25f: {  	[sflag:s28] =	ssyncset.done $0x0  }
0x260: {  	s3 =	simm.s32 $0x14200;
	s31 =	rddreg [dreg:$0x7];
	[sflag:s28] =	ssyncadd.s32 $0xFFFFFE00  }
0x261: {  	[tilespmem:s3], [sflag:$0x6] =	stream.linear.gather [hbm4b:s31+s0], $0x200, $0x38;
	[tilespmem:$0x1A400] =	vst v63  }
0x262: {  	_ =	swait.ge [sflag:s28], $0x200  }
0x263: {  	[sflag:s28] =	ssyncset.done $0x0  }
0x264: {  	p1 =	por p0, p0;
	[sflag:s28] =	ssyncadd.s32 $0xFFFFFE00  }
.LBB2_16:
0x265: {  	s1 =	rddreg [dreg:$0x9]  }
0x266: {  	s1 =	sadd.s32 s1, s0  }
0x267: {  	s5 =	rddreg [dreg:$0xb];
	s2 =	sshrl.u32 s1, $0x1  }
0x268: {  	s3 =	sand.u32 $0x1, s1;
	s2 =	sadd.s32 s5, s2  }
0x269: {  	s12 =	sshll.u32 s3, $0xE;
	s2 =	sshll.u32 s2, $0xF  }
0x26a: {  	s1 =	sshll.u32 s1, $0xD;
	s23 =	sor.u32 s12, s2  }
0x26b: {  	s13 =	smul.u32 $0x6000, s3;
	s1 =	sand.u32 $0x3FFFC000, s1;
	s2 =	sadd.s32 s16, s23  }
0x26c: {  	[tilespmem:s4], [sflag:$0x1] =	stream.linear.gather [hbm4b:s2+s4], $0x4000, $0x38;
	[tilespmem:$0x1A400] =	vst v63  }
0x26d: {  	s1 =	sadd.s32 s1, s29;
	s2 =	sshrl.u32 s13, $0x2  }
0x26e: {  	s14 =	simm.s32 $0x11000;
	s19 =	sshll.u32 s3, $0x3;
	s1 =	sadd.s32 s2, s1  }
0x26f: {  	[tilespmem:s14], [sflag:$0x3] =	stream.linear.gather [spmem:s1], $0x2800, $0x38;
	[tilespmem:$0x1A400] =	vst v63  }
0x270: {  	s10 =	sor.u32 $0x800, s23;
	s1 =	sadd.s32 $0xFFFFFFFF, s19  }
0x271: {  	s15 =	sadd.s32 s16, s10;
	s20 =	sand.u32 $0x80, s1  }
0x272: {  	[tilespmem:s30], [sflag:$0x2] =	stream.linear.gather [hbm4b:s15+s4], $0x4000, $0x38;
	[tilespmem:$0x1A400] =	vst v63  }
0x273: {  	s21 =	sxor.u32 $0x1, s3;
	s2 =	sshrl.u32 s20, $0x7  }
0x274: {  	s22 =	ssub.s32 s3, s21;
	s1 =	sadd.s32 s2, s1  }
0x275: {  	p2 =	sne.s32 s22, $0x1;
	s2 =	simm.s32 $0x1;
	s1 =	sshrl.u32 s1, $0x1  }
0x276: {  	s2 =	simm.s32 @!p2 $0x0;
	s1 =	sand.u32 $0xFF, s1  }
0x277: {  	s2 =	ssub.s32 s1, s2  }
0x278: {  	s7 =	simm.s32 $0x1;
	p2 =	sgt.s32 s2, $0x0  }
0x279: {  	s7 =	simm.s32 @!p1 $0x0;
	s24 =	ssub.s32 $0x0, s3;
	s2 =	simm.s32 @!p2 $0x0  }
0x27a: {  	s21 =	smul.u32 $0x6000, s7;
	s26 =	sand.u32 s2, s24;
	s6 =	sadd.s32 $0x1, s2  }
0x27b: {  	s28 =	simm.s32 $0x3;
	s1 =	sand.u32 s6, s24;
	s5 =	sshll.u32 s26, $0xD  }
0x27c: {  	_ =	swait.ge [sflag:s28], $0x2800;
	s5 =	ssub.s32 s5, s21;
	s1 =	sshll.u32 s1, $0xD  }
0x27d: {  	[sflag:s28] =	ssyncset.done $0x0;
	s5 =	sshra.s32 s5, $0x2;
	s1 =	ssub.s32 s1, s21  }
0x27e: {  	[sflag:s28] =	ssyncadd.s32 $0xFFFFD800;
	s11 =	sadd.s32 $0x11040, s5;
	s1 =	sshra.s32 s1, $0x2  }
0x27f: {  	s15 =	sadd.s32 $0x11040, s1;
	v4 =	vld [tilespmem:s11+$0x0]  }
0x280: {  	v5 =	vld [tilespmem:s15+$0x0];
	_ =	sdelay $0x2  }
0x281: {  	v7 =	vld [tilespmem:s11+$0xFFFFFFC0]  }
0x282: {  	v6 =	vld [tilespmem:s15+$0xFFFFFFC0]  }
0x283: {  	s5 =	simm.s32 $0x13840;
	v4 =	vpack.i.f32.bf16 v5, v4  }
0x284: {  	[tilespmem:s5+$0x0] =	vst v4  }
0x285: {  	v4 =	vld [tilespmem:s11+$0x10]  }
0x286: {  	v5 =	vld [tilespmem:s15+$0x10]  }
0x287: {  	v6 =	vpack.i.f32.bf16 v6, v7  }
0x288: {  	[tilespmem:s5+$0xFFFFFFC0] =	vst v6  }
0x289: {  	v6 =	vld [tilespmem:s11+$0xFFFFFFD0]  }
0x28a: {  	s1 =	sadd.s32 $0x80, s11;
	v7 =	vld [tilespmem:s15+$0xFFFFFFD0]  }
0x28b: {  	s8 =	sadd.s32 $0x80, s15;
	v4 =	vpack.i.f32.bf16 v5, v4;
	v5 =	vld [tilespmem:s1+$0x0]  }
0x28c: {  	[tilespmem:s5+$0x10] =	vst v4;
	v4 =	vld [tilespmem:s8+$0x0]  }
0x28d: {  	v8 =	vld [tilespmem:s11+$0x20]  }
0x28e: {  	v9 =	vld [tilespmem:s15+$0x20]  }
0x28f: {  	v6 =	vpack.i.f32.bf16 v7, v6;
	v7 =	vld [tilespmem:s8+$0xFFFFFFC0]  }
0x290: {  	[tilespmem:s5+$0xFFFFFFD0] =	vst v6;
	v6 =	vld [tilespmem:s1+$0xFFFFFFC0]  }
0x291: {  	s6 =	simm.s32 $0x138C0;
	v10 =	vld [tilespmem:s11+$0xFFFFFFE0];
	v4 =	vpack.i.f32.bf16 v4, v5  }
0x292: {  	v11 =	vld [tilespmem:s15+$0xFFFFFFE0];
	[tilespmem:s6+$0x0] =	vst v4  }
0x293: {  	v4 =	vpack.i.f32.bf16 v9, v8;
	v12 =	vld [tilespmem:s1+$0x10]  }
0x294: {  	v8 =	vld [tilespmem:s8+$0x10];
	[tilespmem:s5+$0x20] =	vst v4  }
0x295: {  	v5 =	vpack.i.f32.bf16 v7, v6;
	v4 =	vld [tilespmem:s11+$0x30]  }
0x296: {  	[tilespmem:s6+$0xFFFFFFC0] =	vst v5;
	v5 =	vld [tilespmem:s15+$0x30]  }
0x297: {  	v6 =	vpack.i.f32.bf16 v11, v10;
	v7 =	vld [tilespmem:s1+$0xFFFFFFD0]  }
0x298: {  	s13 =	sshll.u32 s7, $0xB;
	v9 =	vld [tilespmem:s8+$0xFFFFFFD0];
	[tilespmem:s5+$0xFFFFFFE0] =	vst v6  }
0x299: {  	s7 =	sadd.s32 $0x12870, s13;
	s12 =	sadd.s32 $0x11840, s13;
	s31 =	sadd.s32 $0x11800, s13;
	v6 =	vld [tilespmem:s11+$0xFFFFFFF0]  }
0x29a: {  	s13 =	simm.s32 $0x2;
	s14 =	sadd.s32 $0x80, s1;
	s11 =	smov.u32 s8;
	v10 =	vpack.i.f32.bf16 v8, v12;
	v8 =	vld [tilespmem:s15+$0xFFFFFFF0]  }
.LBB2_17:
0x29b: {  	v11 =	vld [tilespmem:s14+$0x0];
	[tilespmem:s6+$0x10] =	vst v10;
	s8 =	sadd.s32 $0x80, s8;
	v4 =	vpack.i.f32.bf16 v5, v4  }
0x29c: {  	v5 =	vld [tilespmem:s8+$0x0];
	[tilespmem:s5+$0x30] =	vst v4  }
0x29d: {  	v4 =	vpack.i.f32.bf16 v9, v7;
	v7 =	vld [tilespmem:s1+$0x20]  }
0x29e: {  	[tilespmem:s6+$0xFFFFFFD0] =	vst v4;
	v4 =	vld [tilespmem:s11+$0x20]  }
0x29f: {  	v9 =	vld [tilespmem:s8+$0xFFFFFFC0];
	v6 =	vpack.i.f32.bf16 v8, v6  }
0x2a0: {  	v8 =	vld [tilespmem:s14+$0xFFFFFFC0];
	[tilespmem:s5+$0xFFFFFFF0] =	vst v6;
	s5 =	smov.u32 s6  }
0x2a1: {  	s13 =	sadd.s32 $0x2, s13;
	s6 =	sadd.s32 $0x80, s6;
	v5 =	vpack.i.f32.bf16 v5, v11;
	v6 =	vld [tilespmem:s1+$0xFFFFFFE0]  }
0x2a2: {  	p2 =	slt.u32 s13, $0x1E;
	[tilespmem:s6+$0x0] =	vst v5;
	v10 =	vld [tilespmem:s11+$0xFFFFFFE0]  }
0x2a3: {  	v11 =	vld [tilespmem:s14+$0x10];
	v4 =	vpack.i.f32.bf16 v4, v7  }
0x2a4: {  	v12 =	vld [tilespmem:s8+$0x10];
	[tilespmem:s5+$0x20] =	vst v4  }
0x2a5: {  	v5 =	vpack.i.f32.bf16 v9, v8;
	v4 =	vld [tilespmem:s1+$0x30]  }
.Ltmp7:
0x2a6: {  	[tilespmem:s6+$0xFFFFFFC0] =	vst v5;
	v5 =	vld [tilespmem:s11+$0x30];
	(pc) =	sbr.rel @p2 .LBB2_17-.Ltmp7, $4  }
0x2a7: {  	v7 =	vld [tilespmem:s14+$0xFFFFFFD0];
	v6 =	vpack.i.f32.bf16 v10, v6  }
0x2a8: {  	v9 =	vld [tilespmem:s8+$0xFFFFFFD0];
	[tilespmem:s5+$0xFFFFFFE0] =	vst v6  }
0x2a9: {  	v6 =	vld [tilespmem:s1+$0xFFFFFFF0];
	s1 =	smov.u32 s14  }
0x2aa: {  	v10 =	vpack.i.f32.bf16 v12, v11;
	s14 =	sadd.s32 $0x80, s14;
	v8 =	vld [tilespmem:s11+$0xFFFFFFF0];
	s11 =	smov.u32 s8  }
0x2ab: {  	_ = 	snop  }
0x2ac: {  	[tilespmem:s6+$0x10] =	vst v10  }
0x2ad: {  	v58 =	vld [tilespmem:s1+$0x20];
	v7 =	vpack.i.f32.bf16 v9, v7  }
0x2ae: {  	v59 =	vld [tilespmem:s11+$0x20];
	[tilespmem:s6+$0xFFFFFFD0] =	vst v7  }
0x2af: {  	v60 =	vld [tilespmem:s1+$0xFFFFFFE0]  }
0x2b0: {  	v11 =	vld [tilespmem:s11+$0xFFFFFFE0];
	_ =	sdelay $0x2  }
0x2b1: {  	v7 =	vpack.i.f32.bf16 v59, v58  }
0x2b2: {  	[tilespmem:s6+$0x20] =	vst v7  }
0x2b3: {  	v7 =	vld [tilespmem:s1+$0x30];
	v61 =	vpack.i.f32.bf16 v11, v60  }
0x2b4: {  	v62 =	vld [tilespmem:s11+$0x30];
	[tilespmem:s6+$0xFFFFFFE0] =	vst v61  }
0x2b5: {  	v9 =	vld [tilespmem:s1+$0xFFFFFFF0]  }
0x2b6: {  	v63 =	vld [tilespmem:s11+$0xFFFFFFF0];
	_ =	sdelay $0x1  }
0x2b7: {  	v4 =	vpack.i.f32.bf16 v5, v4  }
0x2b8: {  	[tilespmem:s5+$0x30] =	vst v4;
	v4 =	vpack.i.f32.bf16 v8, v6  }
0x2b9: {  	[tilespmem:s5+$0xFFFFFFF0] =	vst v4;
	v4 =	vpack.i.f32.bf16 v62, v7  }
0x2ba: {  	s8 =	sshll.u32 s3, $0x8;
	[tilespmem:s6+$0x30] =	vst v4;
	v4 =	vpack.i.f32.bf16 v63, v9  }
0x2bb: {  	s26 =	sshll.u32 s2, $0x6;
	s28 =	simm.s32 $0x1;
	p2 =	seq.s32 s3, $0x1;
	[tilespmem:s6+$0xFFFFFFF0] =	vst v4  }
0x2bc: {  	s14 =	simm.s32 $0x0;
	s1 =	ssub.s32 s8, s26;
	_ =	swait.ge [sflag:s28], $0x4000  }
0x2bd: {  	s19 =	simm.s32 $0x8020;
	s1 =	sadd.s32 $0xFFFFFFE0, s1;
	[sflag:s28] =	ssyncset.done $0x0  }
0x2be: {  	s22 =	simm.s32 $0x20;
	s2 =	scvt.s32.f32 s1;
	[sflag:s28] =	ssyncadd.s32 $0xFFFFC000  }
.LBB2_19:
0x2bf: {  	v4 =	vld [tilespmem:s22+$0x10];
	_ =	sdelay $0x2  }
0x2c0: {  	s1 =	simm.s32 $0x14020;
	v5 =	vld [tilespmem:s22+$0xFFFFFFE0]  }
0x2c1: {  	v6 =	vld [tilespmem:s1+$0x10]  }
0x2c2: {  	v4 =	vmul.f32 $2.550000000e+02, v4  }
0x2c3: {  	v7 =	vld [tilespmem:s22+$0xFFFFFFF0]  }
0x2c4: {  	v9 =	vld [tilespmem:s22+$0x0];
	v4 =	vtrunc.f32 v4  }
0x2c5: {  	v8 =	vld [tilespmem:s1+$0xFFFFFFE0];
	v4 =	vcvt.f32.s32 v4  }
0x2c6: {  	s5 =	scvt.s32.f32 s14;
	v5 =	vmul.f32 $2.550000000e+02, v5;
	v10 =	vand.u32 $0xFFFF, v6  }
0x2c7: {  	v6 =	vshrl.u32 v6, $0x10;
	v10 =	vadd.s32 v4, v10  }
0x2c8: {  	v11 =	vld [tilespmem:s1+$0xFFFFFFF0];
	s5 =	sadd.f32 s5, s2;
	v5 =	vtrunc.f32 v5;
	v4 =	vadd.s32 v4, v6  }
0x2c9: {  	v12 =	vld [tilespmem:s1+$0x0];
	v5 =	vcvt.f32.s32 v5;
	v6 =	vmul.f32 $2.550000000e+02, v7  }
0x2ca: {  	s5 =	ssub.f32 $6.300000000e+01, s5;
	v9 =	vmul.f32 $2.550000000e+02, v9;
	v7 =	vand.u32 $0xFFFF, v8  }
0x2cb: {  	v7 =	vadd.s32 v5, v7;
	v6 =	vtrunc.f32 v6  }
0x2cc: {  	s1 =	smul.f32 $1.587301680e-02, s5;
	v9 =	vtrunc.f32 v9;
	v8 =	vshrl.u32 v8, $0x10;
	v6 =	vcvt.f32.s32 v6;
	v10 =	vld.idx.msk [tilespmem:v10+s25+$0x0], $0xffff  }
0x2cd: {  	v13 =	vand.u32 $0xFFFF, v11;
	v9 =	vcvt.f32.s32 v9;
	v8 =	vadd.s32 v5, v8;
	v14 =	vld.idx.msk [tilespmem:v4+s25+$0x0], $0xffff  }
0x2ce: {  	s6 =	simm.s32 $0x14220;
	s1 =	simm.s32 @!p2 $0x3F800000;
	v5 =	vand.u32 $0xFFFF, v12;
	v4 =	vshrl.u32 v11, $0x10;
	v11 =	vadd.s32 v6, v13  }
0x2cf: {  	v15 =	vld [tilespmem:s6+$0x10];
	s26 =	ssub.f32 $1.000000000e+00, s1;
	v12 =	vshrl.u32 v12, $0x10;
	v13 =	vadd.s32 v9, v5  }
0x2d0: {  	v9 =	vadd.s32 v9, v12;
	v7 =	vld.idx.msk [tilespmem:v7+s25+$0x0], $0xffff  }
0x2d1: {  	v5 =	vmov s26;
	v6 =	vadd.s32 v6, v4;
	v4 =	vmov s1  }
0x2d2: {  	v8 =	vld.idx.msk [tilespmem:v8+s25+$0x0], $0xffff;
	v12 =	vunpack.i.u.bf16.f32 v10;
	v10 =	vunpack.i.l.bf16.f32 v10;
	v16 =	vunpack.i.u.bf16.f32 v14  }
0x2d3: {  	v11 =	vld.idx.msk [tilespmem:v11+s25+$0x0], $0xffff;
	v14 =	vunpack.i.l.bf16.f32 v14;
	v10 =	vmul.f32 v10, v4;
	v12 =	vmul.f32 v12, v5  }
0x2d4: {  	v13 =	vld.idx.msk [tilespmem:v13+s25+$0x0], $0xffff;
	v14 =	vmul.f32 v14, v4;
	v16 =	vmul.f32 v16, v5  }
0x2d5: {  	v18 =	vsub.f32 $1.000000000e+00, v15;
	v9 =	vld.idx.msk [tilespmem:v9+s25+$0x0], $0xffff;
	v17 =	vunpack.i.u.bf16.f32 v7;
	v7 =	vunpack.i.l.bf16.f32 v7  }
0x2d6: {  	v6 =	vld.idx.msk [tilespmem:v6+s25+$0x0], $0xffff;
	v7 =	vmul.f32 v7, v4;
	v10 =	vadd.f32 v10, v12;
	v12 =	vadd.f32 v14, v16  }
0x2d7: {  	s28 =	sadd.s32 $0x40, s22;
	v14 =	vunpack.i.u.bf16.f32 v8;
	v16 =	vmul.f32 v17, v5;
	v8 =	vunpack.i.l.bf16.f32 v8  }
0x2d8: {  	v20 =	vld [tilespmem:s28+$0x10];
	v8 =	vmul.f32 v8, v4;
	v14 =	vmul.f32 v14, v5  }
0x2d9: {  	v10 =	vmul.f32 v15, v10;
	v12 =	vmul.f32 v12, v18;
	v18 =	vunpack.i.u.bf16.f32 v11  }
0x2da: {  	v17 =	vld [tilespmem:s6+$0xFFFFFFE0];
	v11 =	vunpack.i.l.bf16.f32 v11;
	v21 =	vunpack.i.u.bf16.f32 v13;
	v22 =	vunpack.i.u.bf16.f32 v9  }
0x2db: {  	v9 =	vunpack.i.l.bf16.f32 v9;
	v7 =	vadd.f32 v7, v16;
	v19 =	vunpack.i.u.bf16.f32 v6  }
0x2dc: {  	v61 =	vld [tilespmem:s6+$0x0];
	v6 =	vunpack.i.l.bf16.f32 v6;
	v11 =	vmul.f32 v11, v4;
	v18 =	vmul.f32 v18, v5  }
0x2dd: {  	v23 =	vld [tilespmem:s28+$0x0];
	s5 =	simm.s32 $0x14060;
	v8 =	vadd.f32 v8, v14;
	v14 =	vmul.f32 $2.550000000e+02, v20;
	v9 =	vmul.f32 v9, v4  }
0x2de: {  	v25 =	vld [tilespmem:s5+$0x10];
	v22 =	vmul.f32 v22, v5;
	v10 =	vadd.f32 v12, v10;
	v12 =	vunpack.i.l.bf16.f32 v13  }
0x2df: {  	v16 =	vld [tilespmem:s28+$0xFFFFFFE0];
	v6 =	vmul.f32 v6, v4;
	v19 =	vmul.f32 v19, v5;
	v24 =	vsub.f32 $1.000000000e+00, v17  }
0x2e0: {  	v15 =	vld [tilespmem:s6+$0xFFFFFFF0];
	v12 =	vmul.f32 v12, v4;
	v11 =	vadd.f32 v11, v18;
	v18 =	vmul.f32 v21, v5  }
0x2e1: {  	v14 =	vtrunc.f32 v14;
	v7 =	vmul.f32 v17, v7;
	v17 =	vsub.f32 $1.000000000e+00, v61  }
0x2e2: {  	v13 =	vld [tilespmem:s28+$0xFFFFFFF0];
	v9 =	vadd.f32 v9, v22;
	v6 =	vadd.f32 v6, v19;
	v14 =	vcvt.f32.s32 v14  }
0x2e3: {  	v20 =	vld [tilespmem:s5+$0xFFFFFFE0];
	v19 =	vmul.f32 $2.550000000e+02, v23;
	v12 =	vadd.f32 v12, v18;
	v18 =	vand.u32 $0xFFFF, v25  }
0x2e4: {  	v16 =	vmul.f32 $2.550000000e+02, v16;
	v25 =	vshrl.u32 v25, $0x10;
	v18 =	vadd.s32 v14, v18  }
0x2e5: {  	v8 =	vmul.f32 v8, v24;
	v11 =	vmul.f32 v15, v11;
	v14 =	vadd.s32 v14, v25  }
0x2e6: {  	v21 =	vld [tilespmem:s5+$0xFFFFFFF0];
	v9 =	vmul.f32 v9, v17;
	v16 =	vtrunc.f32 v16  }
0x2e7: {  	v26 =	vld [tilespmem:s5+$0x0];
	v23 =	vsub.f32 $1.000000000e+00, v15;
	v13 =	vmul.f32 $2.550000000e+02, v13;
	v16 =	vcvt.f32.s32 v16  }
0x2e8: {  	v19 =	vtrunc.f32 v19;
	v27 =	vand.u32 $0xFFFF, v20;
	v20 =	vshrl.u32 v20, $0x10  }
0x2e9: {  	v19 =	vcvt.f32.s32 v19;
	v13 =	vtrunc.f32 v13;
	v27 =	vadd.s32 v16, v27;
	v18 =	vld.idx.msk [tilespmem:v18+s25+$0x0], $0xffff  }
0x2ea: {  	v6 =	vmul.f32 v6, v23;
	v13 =	vcvt.f32.s32 v13;
	v16 =	vadd.s32 v16, v20;
	v14 =	vld.idx.msk [tilespmem:v14+s25+$0x0], $0xffff  }
0x2eb: {  	v7 =	vadd.f32 v8, v7;
	v12 =	vmul.f32 v61, v12;
	v28 =	vand.u32 $0xFFFF, v21  }
0x2ec: {  	s6 =	simm.s32 $0x14260;
	v21 =	vshrl.u32 v21, $0x10;
	v20 =	vand.u32 $0xFFFF, v26;
	v28 =	vadd.s32 v13, v28  }
0x2ed: {  	v26 =	vshrl.u32 v26, $0x10;
	v8 =	vadd.s32 v19, v20;
	v20 =	vld [tilespmem:s6+$0x10];
	v13 =	vadd.s32 v13, v21  }
0x2ee: {  	v6 =	vadd.f32 v6, v11;
	v23 =	vmul.f32 $3.921568860e-03, v7;
	v19 =	vadd.s32 v19, v26;
	v15 =	vld.idx.msk [tilespmem:v27+s25+$0x0], $0xffff  }
0x2ef: {  	v16 =	vld.idx.msk [tilespmem:v16+s25+$0x0], $0xffff;
	v7 =	vunpack.i.u.bf16.f32 v18;
	v11 =	vunpack.i.l.bf16.f32 v18;
	v17 =	vunpack.i.u.bf16.f32 v14  }
0x2f0: {  	v14 =	vunpack.i.l.bf16.f32 v14;
	v21 =	vmul.f32 v11, v4;
	v22 =	vmul.f32 v7, v5  }
0x2f1: {  	v18 =	vld.idx.msk [tilespmem:v28+s25+$0x0], $0xffff;
	v14 =	vmul.f32 v14, v4;
	v17 =	vmul.f32 v17, v5  }
0x2f2: {  	v63 =	vsub.f32 $1.000000000e+00, v20;
	v62 =	vld.idx.msk [tilespmem:v13+s25+$0x0], $0xffff;
	v7 =	vadd.f32 v9, v12  }
0x2f3: {  	v10 =	vmul.f32 $3.921568860e-03, v10;
	v11 =	vld.idx.msk [tilespmem:v8+s25+$0x0], $0xffff;
	v21 =	vadd.f32 v21, v22;
	v22 =	vadd.f32 v14, v17  }
0x2f4: {  	v13 =	vld.idx.msk [tilespmem:v19+s25+$0x0], $0xffff;
	v9 =	vunpack.i.u.bf16.f32 v15;
	v8 =	vunpack.i.l.bf16.f32 v15;
	v14 =	vunpack.i.u.bf16.f32 v16  }
0x2f5: {  	[tilespmem:s19+$0x10] =	vst v10;
	v10 =	vld [tilespmem:s6+$0x0];
	v19 =	vunpack.i.l.bf16.f32 v16;
	v12 =	vmul.f32 v8, v4;
	v17 =	vmul.f32 v9, v5  }
0x2f6: {  	s24 =	simm.s32 $0x4;
	v8 =	vld [tilespmem:s6+$0xFFFFFFE0];
	v21 =	vmul.f32 v20, v21;
	v22 =	vmul.f32 v22, v63;
	v15 =	vunpack.i.u.bf16.f32 v18  }
0x2f7: {  	s13 =	smov.u32 s19;
	s11 =	smov.u32 s19;
	s15 =	sadd.s32 $0x40, s28;
	[tilespmem:s19+$0xFFFFFFE0] =	vst v23;
	v9 =	vld [tilespmem:s6+$0xFFFFFFF0];
	v20 =	vunpack.i.l.bf16.f32 v18;
	v16 =	vunpack.i.u.bf16.f32 v62;
	v18 =	vunpack.i.l.bf16.f32 v62  }
.LBB2_20:
0x2f8: {  	v23 =	vld [tilespmem:s15+$0x10];
	v24 =	vunpack.i.u.bf16.f32 v11;
	v11 =	vunpack.i.l.bf16.f32 v11;
	v21 =	vadd.f32 v22, v21  }
0x2f9: {  	v19 =	vmul.f32 v19, v4;
	v25 =	vunpack.i.u.bf16.f32 v13;
	v13 =	vunpack.i.l.bf16.f32 v13;
	v22 =	vld [tilespmem:s15+$0xFFFFFFF0]  }
0x2fa: {  	s24 =	sadd.s32 $0x4, s24;
	v12 =	vadd.f32 v12, v17;
	v14 =	vmul.f32 v14, v5;
	v26 =	vld [tilespmem:s15+$0x0];
	v17 =	vmul.f32 $3.921568860e-03, v21  }
0x2fb: {  	v20 =	vmul.f32 v20, v4;
	v15 =	vmul.f32 v15, v5;
	s5 =	sadd.s32 $0x40, s5;
	s13 =	sadd.s32 $0x40, s13;
	p3 =	slt.u32 s24, $0x1C;
	v27 =	vsub.f32 $1.000000000e+00, v8;
	v21 =	vld [tilespmem:s15+$0xFFFFFFE0]  }
0x2fc: {  	v18 =	vmul.f32 v18, v4;
	v16 =	vmul.f32 v16, v5;
	v14 =	vadd.f32 v19, v14;
	v28 =	vld [tilespmem:s5+$0x10];
	[tilespmem:s13+$0x10] =	vst v17  }
0x2fd: {  	v11 =	vmul.f32 v11, v4;
	v15 =	vadd.f32 v20, v15;
	v17 =	vld [tilespmem:s5+$0xFFFFFFE0];
	v19 =	vmul.f32 $2.550000000e+02, v23  }
0x2fe: {  	v16 =	vadd.f32 v18, v16;
	v18 =	vmul.f32 v24, v5;
	v20 =	vmul.f32 $2.550000000e+02, v22;
	v22 =	vld [tilespmem:s5+$0xFFFFFFF0]  }
0x2ff: {  	v23 =	vmul.f32 $2.550000000e+02, v26;
	v24 =	vld [tilespmem:s5+$0x0];
	v19 =	vtrunc.f32 v19;
	v26 =	vsub.f32 $1.000000000e+00, v9  }
0x300: {  	v11 =	vadd.f32 v11, v18;
	v21 =	vmul.f32 $2.550000000e+02, v21;
	v19 =	vcvt.f32.s32 v19  }
0x301: {  	v18 =	vtrunc.f32 v20;
	v20 =	vtrunc.f32 v23;
	v23 =	vand.u32 $0xFFFF, v28  }
0x302: {  	v28 =	vshrl.u32 v28, $0x10;
	v21 =	vtrunc.f32 v21;
	v23 =	vadd.s32 v19, v23  }
0x303: {  	v18 =	vcvt.f32.s32 v18;
	v19 =	vadd.s32 v19, v28;
	v21 =	vcvt.f32.s32 v21  }
0x304: {  	v28 =	vand.u32 $0xFFFF, v17;
	v17 =	vshrl.u32 v17, $0x10;
	v20 =	vcvt.f32.s32 v20  }
0x305: {  	v29 =	vand.u32 $0xFFFF, v22;
	v22 =	vshrl.u32 v22, $0x10;
	v30 =	vand.u32 $0xFFFF, v24  }
0x306: {  	v28 =	vadd.s32 v21, v28;
	v17 =	vadd.s32 v21, v17;
	v21 =	vshrl.u32 v24, $0x10  }
0x307: {  	v24 =	vadd.s32 v18, v29;
	v18 =	vadd.s32 v18, v22;
	v22 =	vadd.s32 v20, v30;
	v23 =	vld.idx.msk [tilespmem:v23+s25+$0x0], $0xffff  }
0x308: {  	v13 =	vmul.f32 v13, v4;
	v20 =	vadd.s32 v20, v21;
	v21 =	vmul.f32 v25, v5;
	v19 =	vld.idx.msk [tilespmem:v19+s25+$0x0], $0xffff  }
0x309: {  	v8 =	vmul.f32 v8, v12;
	v12 =	vmul.f32 v14, v27;
	v14 =	vsub.f32 $1.000000000e+00, v10  }
0x30a: {  	v9 =	vmul.f32 v9, v15;
	v15 =	vmul.f32 v16, v26;
	v13 =	vadd.f32 v13, v21  }
0x30b: {  	s6 =	sadd.s32 $0x40, s6;
	v8 =	vadd.f32 v12, v8;
	v10 =	vmul.f32 v10, v11;
	v11 =	vmul.f32 $3.921568860e-03, v6;
	v16 =	vld.idx.msk [tilespmem:v28+s25+$0x0], $0xffff  }
0x30c: {  	v7 =	vmul.f32 $3.921568860e-03, v7;
	v6 =	vadd.f32 v15, v9;
	v9 =	vmul.f32 v13, v14;
	v21 =	vld [tilespmem:s6+$0x10]  }
0x30d: {  	v8 =	vmul.f32 $3.921568860e-03, v8;
	v15 =	vld.idx.msk [tilespmem:v17+s25+$0x0], $0xffff;
	[tilespmem:s11+$0xFFFFFFF0] =	vst v11  }
0x30e: {  	v12 =	vunpack.i.l.bf16.f32 v23;
	v11 =	vunpack.i.u.bf16.f32 v23;
	v13 =	vunpack.i.u.bf16.f32 v19;
	v24 =	vld.idx.msk [tilespmem:v24+s25+$0x0], $0xffff;
	[tilespmem:s11+$0x0] =	vst v7;
	s11 =	smov.u32 s13  }
0x30f: {  	v14 =	vmul.f32 v12, v4;
	v7 =	vunpack.i.l.bf16.f32 v19;
	v17 =	vmul.f32 v11, v5;
	v18 =	vld.idx.msk [tilespmem:v18+s25+$0x0], $0xffff;
	[tilespmem:s13+$0xFFFFFFE0] =	vst v8  }
0x310: {  	v19 =	vmul.f32 v7, v4;
	v7 =	vadd.f32 v9, v10;
	v11 =	vld.idx.msk [tilespmem:v22+s25+$0x0], $0xffff;
	v22 =	vmul.f32 v13, v5  }
.Ltmp8:
0x311: {  	v9 =	vunpack.i.u.bf16.f32 v16;
	v10 =	vunpack.i.l.bf16.f32 v16;
	v13 =	vld.idx.msk [tilespmem:v20+s25+$0x0], $0xffff;
	v16 =	vsub.f32 $1.000000000e+00, v21;
	(pc) =	sbr.rel @p3 .LBB2_20-.Ltmp8, $4  }
0x312: {  	v12 =	vmul.f32 v10, v4;
	v20 =	vadd.f32 v14, v17;
	v8 =	vld [tilespmem:s6+$0xFFFFFFE0];
	v22 =	vadd.f32 v19, v22  }
0x313: {  	v17 =	vmul.f32 v9, v5;
	v14 =	vunpack.i.u.bf16.f32 v15;
	v19 =	vunpack.i.l.bf16.f32 v15;
	v9 =	vld [tilespmem:s6+$0xFFFFFFF0]  }
0x314: {  	v15 =	vunpack.i.u.bf16.f32 v24;
	v21 =	vmul.f32 v21, v20;
	v10 =	vld [tilespmem:s6+$0x0];
	v22 =	vmul.f32 v22, v16  }
0x315: {  	s15 =	sadd.s32 $0x40, s15;
	v20 =	vunpack.i.l.bf16.f32 v24;
	v16 =	vunpack.i.u.bf16.f32 v18;
	v18 =	vunpack.i.l.bf16.f32 v18  }
0x316: {  	v23 =	vunpack.i.u.bf16.f32 v11;
	v52 =	vunpack.i.l.bf16.f32 v11;
	v19 =	vmul.f32 v19, v4  }
0x317: {  	v53 =	vunpack.i.u.bf16.f32 v13;
	v14 =	vmul.f32 v14, v5;
	v55 =	vmul.f32 v20, v4  }
0x318: {  	v54 =	vunpack.i.l.bf16.f32 v13;
	v15 =	vmul.f32 v15, v5;
	v18 =	vmul.f32 v18, v4  }
0x319: {  	v12 =	vadd.f32 v12, v17;
	v16 =	vmul.f32 v16, v5;
	v6 =	vmul.f32 $3.921568860e-03, v6  }
0x31a: {  	v7 =	vmul.f32 $3.921568860e-03, v7;
	v56 =	vsub.f32 $1.000000000e+00, v8;
	v11 =	vmul.f32 v52, v4  }
0x31b: {  	v57 =	vmul.f32 v23, v5;
	v4 =	vmul.f32 v54, v4;
	v14 =	vadd.f32 v19, v14  }
0x31c: {  	v5 =	vmul.f32 v53, v5;
	v15 =	vadd.f32 v55, v15;
	v16 =	vadd.f32 v18, v16  }
0x31d: {  	v58 =	vsub.f32 $1.000000000e+00, v9;
	v59 =	vmul.f32 v8, v12;
	v11 =	vadd.f32 v11, v57  }
0x31e: {  	v61 =	vsub.f32 $1.000000000e+00, v10;
	v4 =	vadd.f32 v4, v5;
	v60 =	vmul.f32 v14, v56  }
0x31f: {  	v21 =	vadd.f32 v22, v21;
	v62 =	vmul.f32 v9, v15;
	v5 =	vmul.f32 v16, v58  }
0x320: {  	s14 =	sadd.s32 $0x1, s14;
	v63 =	vmul.f32 v10, v11;
	v4 =	vmul.f32 v4, v61;
	v8 =	vadd.f32 v60, v59  }
0x321: {  	p3 =	sne.s32 s14, $0x20;
	v21 =	vmul.f32 $3.921568860e-03, v21;
	[tilespmem:s11+$0xFFFFFFF0] =	vst v6;
	v5 =	vadd.f32 v5, v62  }
.Ltmp9:
0x322: {  	s1 =	sadd.s32 $0x40, s13;
	[tilespmem:s11+$0x0] =	vst v7;
	v4 =	vadd.f32 v4, v63;
	v8 =	vmul.f32 $3.921568860e-03, v8;
	(pc) =	sbr.rel @p3 .LBB2_19-.Ltmp9, $4  }
0x323: {  	[tilespmem:s1+$0x10] =	vst v21;
	v5 =	vmul.f32 $3.921568860e-03, v5  }
0x324: {  	v4 =	vmul.f32 $3.921568860e-03, v4;
	[tilespmem:s1+$0xFFFFFFE0] =	vst v8  }
0x325: {  	[tilespmem:s1+$0xFFFFFFF0] =	vst v5  }
0x326: {  	s19 =	sadd.s32 $0x200, s19;
	s22 =	sadd.s32 $0x200, s22;
	[tilespmem:s1+$0x0] =	vst v4  }
0x327: {  	s1 =	sadd.s32 s9, s23;
	s2 =	simm.s32 $0x8000;
	s24 =	sor.u32 $0x1000, s23  }
0x328: {  	[hbm4b:s1+s4] =	stream.linear.scatter [tilespmem:s2], [sflag:$0x4], $0x4000, $0x38;
	[tilespmem:$0x1A400] =	vst v63  }
0x329: {  	s28 =	sadd.s32 s16, s24  }
0x32a: {  	[tilespmem:s4], [sflag:$0x1] =	stream.linear.gather [hbm4b:s28+s4], $0x4000, $0x38;
	[tilespmem:$0x1A400] =	vst v63  }
0x32b: {  	v4 =	vld [tilespmem:s31+$0xFFFFF840]  }
0x32c: {  	v5 =	vld [tilespmem:s31+$0x40];
	_ =	sdelay $0x2  }
0x32d: {  	v6 =	vld [tilespmem:s31+$0x0]  }
0x32e: {  	v7 =	vld [tilespmem:s31+$0xFFFFF800]  }
0x32f: {  	s1 =	simm.s32 $0x13840;
	v4 =	vpack.i.f32.bf16 v5, v4  }
0x330: {  	[tilespmem:s1+$0x0] =	vst v4  }
0x331: {  	v4 =	vld [tilespmem:s31+$0xFFFFF850]  }
0x332: {  	v5 =	vld [tilespmem:s31+$0x50]  }
0x333: {  	v6 =	vpack.i.f32.bf16 v6, v7  }
0x334: {  	[tilespmem:s1+$0xFFFFFFC0] =	vst v6  }
0x335: {  	v6 =	vld [tilespmem:s31+$0xFFFFF810]  }
0x336: {  	s2 =	sadd.s32 $0x80, s31;
	v7 =	vld [tilespmem:s31+$0x10]  }
0x337: {  	v4 =	vpack.i.f32.bf16 v5, v4;
	v5 =	vld [tilespmem:s2+$0xFFFFF840]  }
0x338: {  	[tilespmem:s1+$0x10] =	vst v4;
	v4 =	vld [tilespmem:s2+$0x40]  }
0x339: {  	v8 =	vld [tilespmem:s31+$0xFFFFF860]  }
0x33a: {  	v9 =	vld [tilespmem:s31+$0x60]  }
0x33b: {  	v6 =	vpack.i.f32.bf16 v7, v6;
	v7 =	vld [tilespmem:s2+$0x0]  }
0x33c: {  	[tilespmem:s1+$0xFFFFFFD0] =	vst v6;
	v6 =	vld [tilespmem:s2+$0xFFFFF800]  }
0x33d: {  	s5 =	simm.s32 $0x138C0;
	v10 =	vld [tilespmem:s31+$0xFFFFF820];
	v4 =	vpack.i.f32.bf16 v4, v5  }
0x33e: {  	v11 =	vld [tilespmem:s31+$0x20];
	[tilespmem:s5+$0x0] =	vst v4  }
0x33f: {  	v4 =	vpack.i.f32.bf16 v9, v8;
	v12 =	vld [tilespmem:s2+$0xFFFFF850]  }
0x340: {  	v13 =	vld [tilespmem:s2+$0x50];
	[tilespmem:s1+$0x20] =	vst v4  }
0x341: {  	v5 =	vpack.i.f32.bf16 v7, v6;
	v4 =	vld [tilespmem:s31+$0xFFFFF870]  }
0x342: {  	[tilespmem:s5+$0xFFFFFFC0] =	vst v5;
	v5 =	vld [tilespmem:s31+$0x70]  }
0x343: {  	v6 =	vpack.i.f32.bf16 v11, v10;
	v8 =	vld [tilespmem:s2+$0xFFFFF810]  }
0x344: {  	v9 =	vld [tilespmem:s2+$0x10];
	[tilespmem:s1+$0xFFFFFFE0] =	vst v6  }
0x345: {  	s14 =	sshll.u32 s3, $0x2;
	s11 =	simm.s32 $0x2;
	v6 =	vld [tilespmem:s31+$0xFFFFF830]  }
0x346: {  	s22 =	sor.u32 $0x1, s14;
	s13 =	sadd.s32 $0x80, s2;
	s6 =	smov.u32 s2;
	v7 =	vld [tilespmem:s31+$0x30];
	v10 =	vpack.i.f32.bf16 v13, v12  }
.LBB2_23:
0x347: {  	v11 =	vld [tilespmem:s13+$0xFFFFF840];
	[tilespmem:s5+$0x10] =	vst v10;
	v4 =	vpack.i.f32.bf16 v5, v4  }
0x348: {  	v5 =	vld [tilespmem:s13+$0x40];
	[tilespmem:s1+$0x30] =	vst v4  }
0x349: {  	v4 =	vpack.i.f32.bf16 v9, v8;
	v8 =	vld [tilespmem:s6+$0xFFFFF860]  }
0x34a: {  	[tilespmem:s5+$0xFFFFFFD0] =	vst v4;
	v4 =	vld [tilespmem:s6+$0x60]  }
0x34b: {  	v9 =	vld [tilespmem:s13+$0x0];
	v6 =	vpack.i.f32.bf16 v7, v6  }
0x34c: {  	v7 =	vld [tilespmem:s13+$0xFFFFF800];
	[tilespmem:s1+$0xFFFFFFF0] =	vst v6;
	s1 =	smov.u32 s5  }
0x34d: {  	s11 =	sadd.s32 $0x2, s11;
	s5 =	sadd.s32 $0x80, s5;
	v5 =	vpack.i.f32.bf16 v5, v11;
	v6 =	vld [tilespmem:s6+$0xFFFFF820]  }
0x34e: {  	p2 =	slt.u32 s11, $0x1E;
	[tilespmem:s5+$0x0] =	vst v5;
	v10 =	vld [tilespmem:s6+$0x20]  }
0x34f: {  	v11 =	vld [tilespmem:s13+$0xFFFFF850];
	v4 =	vpack.i.f32.bf16 v4, v8  }
0x350: {  	v12 =	vld [tilespmem:s13+$0x50];
	[tilespmem:s1+$0x20] =	vst v4  }
0x351: {  	v5 =	vpack.i.f32.bf16 v9, v7;
	v4 =	vld [tilespmem:s6+$0xFFFFF870]  }
.Ltmp10:
0x352: {  	[tilespmem:s5+$0xFFFFFFC0] =	vst v5;
	v5 =	vld [tilespmem:s6+$0x70];
	(pc) =	sbr.rel @p2 .LBB2_23-.Ltmp10, $4  }
0x353: {  	v8 =	vld [tilespmem:s13+$0xFFFFF810];
	v6 =	vpack.i.f32.bf16 v10, v6  }
0x354: {  	v9 =	vld [tilespmem:s13+$0x10];
	[tilespmem:s1+$0xFFFFFFE0] =	vst v6  }
0x355: {  	v6 =	vld [tilespmem:s6+$0xFFFFF830]  }
0x356: {  	v10 =	vpack.i.f32.bf16 v12, v11;
	v7 =	vld [tilespmem:s6+$0x30];
	s6 =	smov.u32 s13;
	s13 =	sadd.s32 $0x80, s13  }
0x357: {  	_ = 	snop  }
0x358: {  	[tilespmem:s5+$0x10] =	vst v10  }
0x359: {  	v58 =	vld [tilespmem:s6+$0xFFFFF860];
	v8 =	vpack.i.f32.bf16 v9, v8  }
0x35a: {  	v59 =	vld [tilespmem:s6+$0x60];
	[tilespmem:s5+$0xFFFFFFD0] =	vst v8  }
0x35b: {  	v60 =	vld [tilespmem:s6+$0xFFFFF820]  }
0x35c: {  	v11 =	vld [tilespmem:s6+$0x20];
	_ =	sdelay $0x2  }
0x35d: {  	v8 =	vpack.i.f32.bf16 v59, v58  }
0x35e: {  	[tilespmem:s5+$0x20] =	vst v8  }
0x35f: {  	v8 =	vld [tilespmem:s6+$0xFFFFF870];
	v61 =	vpack.i.f32.bf16 v11, v60  }
0x360: {  	v62 =	vld [tilespmem:s6+$0x70];
	[tilespmem:s5+$0xFFFFFFE0] =	vst v61  }
0x361: {  	v9 =	vld [tilespmem:s6+$0xFFFFF830]  }
0x362: {  	v63 =	vld [tilespmem:s6+$0x30];
	_ =	sdelay $0x1  }
0x363: {  	v4 =	vpack.i.f32.bf16 v5, v4  }
0x364: {  	[tilespmem:s1+$0x30] =	vst v4;
	v4 =	vpack.i.f32.bf16 v7, v6  }
0x365: {  	[tilespmem:s1+$0xFFFFFFF0] =	vst v4;
	v4 =	vpack.i.f32.bf16 v62, v8  }
0x366: {  	[tilespmem:s5+$0x30] =	vst v4;
	v4 =	vpack.i.f32.bf16 v63, v9  }
0x367: {  	[tilespmem:s5+$0xFFFFFFF0] =	vst v4  }
0x368: {  	_ =	swait.ge [sflag:s18], $0x4000  }
0x369: {  	s19 =	simm.s32 $0x0;
	[sflag:s18] =	ssyncset.done $0x0  }
0x36a: {  	s6 =	simm.s32 $0x4020;
	s5 =	simm.s32 $0xC020;
	[sflag:s18] =	ssyncadd.s32 $0xFFFFC000  }
.LBB2_25:
0x36b: {  	v4 =	vld [tilespmem:s6+$0x10];
	_ =	sdelay $0x2  }
0x36c: {  	s1 =	simm.s32 $0x14020;
	v5 =	vld [tilespmem:s6+$0xFFFFFFE0]  }
0x36d: {  	v6 =	vld [tilespmem:s1+$0x10]  }
0x36e: {  	v4 =	vmul.f32 $2.550000000e+02, v4  }
0x36f: {  	v7 =	vld [tilespmem:s6+$0xFFFFFFF0]  }
0x370: {  	v9 =	vld [tilespmem:s6+$0x0];
	v4 =	vtrunc.f32 v4  }
0x371: {  	v8 =	vld [tilespmem:s1+$0xFFFFFFE0];
	v4 =	vcvt.f32.s32 v4  }
0x372: {  	v5 =	vmul.f32 $2.550000000e+02, v5;
	v10 =	vand.u32 $0xFFFF, v6  }
0x373: {  	v6 =	vshrl.u32 v6, $0x10;
	v10 =	vadd.s32 v4, v10  }
0x374: {  	v11 =	vld [tilespmem:s1+$0xFFFFFFF0];
	v5 =	vtrunc.f32 v5;
	v4 =	vadd.s32 v4, v6  }
0x375: {  	s11 =	scvt.s32.f32 s19;
	v12 =	vld [tilespmem:s1+$0x0];
	v5 =	vcvt.f32.s32 v5;
	v6 =	vmul.f32 $2.550000000e+02, v7  }
0x376: {  	v9 =	vmul.f32 $2.550000000e+02, v9;
	v7 =	vand.u32 $0xFFFF, v8  }
0x377: {  	s15 =	ssub.f32 $6.300000000e+01, s11;
	v7 =	vadd.s32 v5, v7;
	v6 =	vtrunc.f32 v6  }
0x378: {  	v9 =	vtrunc.f32 v9;
	v8 =	vshrl.u32 v8, $0x10;
	v6 =	vcvt.f32.s32 v6;
	v10 =	vld.idx.msk [tilespmem:v10+s25+$0x0], $0xffff  }
0x379: {  	s1 =	smul.f32 $1.587301680e-02, s15;
	v13 =	vand.u32 $0xFFFF, v11;
	v9 =	vcvt.f32.s32 v9;
	v8 =	vadd.s32 v5, v8;
	v14 =	vld.idx.msk [tilespmem:v4+s25+$0x0], $0xffff  }
0x37a: {  	s13 =	simm.s32 $0x14220;
	v5 =	vand.u32 $0xFFFF, v12;
	v4 =	vshrl.u32 v11, $0x10;
	v11 =	vadd.s32 v6, v13  }
0x37b: {  	v15 =	vld [tilespmem:s13+$0x10];
	s20 =	ssub.f32 $1.000000000e+00, s1;
	v12 =	vshrl.u32 v12, $0x10;
	v13 =	vadd.s32 v9, v5  }
0x37c: {  	v9 =	vadd.s32 v9, v12;
	v7 =	vld.idx.msk [tilespmem:v7+s25+$0x0], $0xffff  }
0x37d: {  	v5 =	vmov s20;
	v6 =	vadd.s32 v6, v4;
	v4 =	vmov s1  }
0x37e: {  	v8 =	vld.idx.msk [tilespmem:v8+s25+$0x0], $0xffff;
	v12 =	vunpack.i.u.bf16.f32 v10;
	v10 =	vunpack.i.l.bf16.f32 v10;
	v16 =	vunpack.i.u.bf16.f32 v14  }
0x37f: {  	v11 =	vld.idx.msk [tilespmem:v11+s25+$0x0], $0xffff;
	v14 =	vunpack.i.l.bf16.f32 v14;
	v10 =	vmul.f32 v10, v4;
	v12 =	vmul.f32 v12, v5  }
0x380: {  	v13 =	vld.idx.msk [tilespmem:v13+s25+$0x0], $0xffff;
	v14 =	vmul.f32 v14, v4;
	v16 =	vmul.f32 v16, v5  }
0x381: {  	v18 =	vsub.f32 $1.000000000e+00, v15;
	v9 =	vld.idx.msk [tilespmem:v9+s25+$0x0], $0xffff;
	v17 =	vunpack.i.u.bf16.f32 v7;
	v7 =	vunpack.i.l.bf16.f32 v7  }
0x382: {  	v6 =	vld.idx.msk [tilespmem:v6+s25+$0x0], $0xffff;
	v7 =	vmul.f32 v7, v4;
	v10 =	vadd.f32 v10, v12;
	v12 =	vadd.f32 v14, v16  }
0x383: {  	s26 =	sadd.s32 $0x40, s6;
	v14 =	vunpack.i.u.bf16.f32 v8;
	v16 =	vmul.f32 v17, v5;
	v8 =	vunpack.i.l.bf16.f32 v8  }
0x384: {  	v20 =	vld [tilespmem:s26+$0x10];
	v8 =	vmul.f32 v8, v4;
	v14 =	vmul.f32 v14, v5  }
0x385: {  	v10 =	vmul.f32 v15, v10;
	v12 =	vmul.f32 v12, v18;
	v18 =	vunpack.i.u.bf16.f32 v11  }
0x386: {  	v17 =	vld [tilespmem:s13+$0xFFFFFFE0];
	v11 =	vunpack.i.l.bf16.f32 v11;
	v21 =	vunpack.i.u.bf16.f32 v13;
	v22 =	vunpack.i.u.bf16.f32 v9  }
0x387: {  	v9 =	vunpack.i.l.bf16.f32 v9;
	v7 =	vadd.f32 v7, v16;
	v19 =	vunpack.i.u.bf16.f32 v6  }
0x388: {  	v61 =	vld [tilespmem:s13+$0x0];
	v6 =	vunpack.i.l.bf16.f32 v6;
	v11 =	vmul.f32 v11, v4;
	v18 =	vmul.f32 v18, v5  }
0x389: {  	v23 =	vld [tilespmem:s26+$0x0];
	s11 =	simm.s32 $0x14060;
	v8 =	vadd.f32 v8, v14;
	v14 =	vmul.f32 $2.550000000e+02, v20;
	v9 =	vmul.f32 v9, v4  }
0x38a: {  	v25 =	vld [tilespmem:s11+$0x10];
	v22 =	vmul.f32 v22, v5;
	v10 =	vadd.f32 v12, v10;
	v12 =	vunpack.i.l.bf16.f32 v13  }
0x38b: {  	v16 =	vld [tilespmem:s26+$0xFFFFFFE0];
	v6 =	vmul.f32 v6, v4;
	v19 =	vmul.f32 v19, v5;
	v24 =	vsub.f32 $1.000000000e+00, v17  }
0x38c: {  	v15 =	vld [tilespmem:s13+$0xFFFFFFF0];
	v12 =	vmul.f32 v12, v4;
	v11 =	vadd.f32 v11, v18;
	v18 =	vmul.f32 v21, v5  }
0x38d: {  	v14 =	vtrunc.f32 v14;
	v7 =	vmul.f32 v17, v7;
	v17 =	vsub.f32 $1.000000000e+00, v61  }
0x38e: {  	v13 =	vld [tilespmem:s26+$0xFFFFFFF0];
	v9 =	vadd.f32 v9, v22;
	v6 =	vadd.f32 v6, v19;
	v14 =	vcvt.f32.s32 v14  }
0x38f: {  	v20 =	vld [tilespmem:s11+$0xFFFFFFE0];
	v19 =	vmul.f32 $2.550000000e+02, v23;
	v12 =	vadd.f32 v12, v18;
	v18 =	vand.u32 $0xFFFF, v25  }
0x390: {  	v16 =	vmul.f32 $2.550000000e+02, v16;
	v25 =	vshrl.u32 v25, $0x10;
	v18 =	vadd.s32 v14, v18  }
0x391: {  	v8 =	vmul.f32 v8, v24;
	v11 =	vmul.f32 v15, v11;
	v14 =	vadd.s32 v14, v25  }
0x392: {  	v21 =	vld [tilespmem:s11+$0xFFFFFFF0];
	v9 =	vmul.f32 v9, v17;
	v16 =	vtrunc.f32 v16  }
0x393: {  	v26 =	vld [tilespmem:s11+$0x0];
	v23 =	vsub.f32 $1.000000000e+00, v15;
	v13 =	vmul.f32 $2.550000000e+02, v13;
	v16 =	vcvt.f32.s32 v16  }
0x394: {  	v19 =	vtrunc.f32 v19;
	v27 =	vand.u32 $0xFFFF, v20;
	v20 =	vshrl.u32 v20, $0x10  }
0x395: {  	v19 =	vcvt.f32.s32 v19;
	v13 =	vtrunc.f32 v13;
	v27 =	vadd.s32 v16, v27;
	v18 =	vld.idx.msk [tilespmem:v18+s25+$0x0], $0xffff  }
0x396: {  	v6 =	vmul.f32 v6, v23;
	v13 =	vcvt.f32.s32 v13;
	v16 =	vadd.s32 v16, v20;
	v14 =	vld.idx.msk [tilespmem:v14+s25+$0x0], $0xffff  }
0x397: {  	v7 =	vadd.f32 v8, v7;
	v12 =	vmul.f32 v61, v12;
	v28 =	vand.u32 $0xFFFF, v21  }
0x398: {  	s13 =	simm.s32 $0x14260;
	v21 =	vshrl.u32 v21, $0x10;
	v20 =	vand.u32 $0xFFFF, v26;
	v28 =	vadd.s32 v13, v28  }
0x399: {  	v26 =	vshrl.u32 v26, $0x10;
	v8 =	vadd.s32 v19, v20;
	v20 =	vld [tilespmem:s13+$0x10];
	v13 =	vadd.s32 v13, v21  }
0x39a: {  	v6 =	vadd.f32 v6, v11;
	v23 =	vmul.f32 $3.921568860e-03, v7;
	v19 =	vadd.s32 v19, v26;
	v15 =	vld.idx.msk [tilespmem:v27+s25+$0x0], $0xffff  }
0x39b: {  	v16 =	vld.idx.msk [tilespmem:v16+s25+$0x0], $0xffff;
	v7 =	vunpack.i.u.bf16.f32 v18;
	v11 =	vunpack.i.l.bf16.f32 v18;
	v17 =	vunpack.i.u.bf16.f32 v14  }
0x39c: {  	v14 =	vunpack.i.l.bf16.f32 v14;
	v21 =	vmul.f32 v11, v4;
	v22 =	vmul.f32 v7, v5  }
0x39d: {  	v18 =	vld.idx.msk [tilespmem:v28+s25+$0x0], $0xffff;
	v14 =	vmul.f32 v14, v4;
	v17 =	vmul.f32 v17, v5  }
0x39e: {  	v63 =	vsub.f32 $1.000000000e+00, v20;
	v62 =	vld.idx.msk [tilespmem:v13+s25+$0x0], $0xffff;
	v7 =	vadd.f32 v9, v12  }
0x39f: {  	v10 =	vmul.f32 $3.921568860e-03, v10;
	v11 =	vld.idx.msk [tilespmem:v8+s25+$0x0], $0xffff;
	v21 =	vadd.f32 v21, v22;
	v22 =	vadd.f32 v14, v17  }
0x3a0: {  	v13 =	vld.idx.msk [tilespmem:v19+s25+$0x0], $0xffff;
	v9 =	vunpack.i.u.bf16.f32 v15;
	v8 =	vunpack.i.l.bf16.f32 v15;
	v14 =	vunpack.i.u.bf16.f32 v16  }
0x3a1: {  	[tilespmem:s5+$0x10] =	vst v10;
	v10 =	vld [tilespmem:s13+$0x0];
	v19 =	vunpack.i.l.bf16.f32 v16;
	v12 =	vmul.f32 v8, v4;
	v17 =	vmul.f32 v9, v5  }
0x3a2: {  	s28 =	smov.u32 s5;
	v8 =	vld [tilespmem:s13+$0xFFFFFFE0];
	v21 =	vmul.f32 v20, v21;
	v22 =	vmul.f32 v22, v63;
	v15 =	vunpack.i.u.bf16.f32 v18  }
0x3a3: {  	s15 =	simm.s32 $0x4;
	s20 =	sadd.s32 $0x40, s26;
	s26 =	smov.u32 s5;
	[tilespmem:s5+$0xFFFFFFE0] =	vst v23;
	v9 =	vld [tilespmem:s13+$0xFFFFFFF0];
	v20 =	vunpack.i.l.bf16.f32 v18;
	v16 =	vunpack.i.u.bf16.f32 v62;
	v18 =	vunpack.i.l.bf16.f32 v62  }
.LBB2_26:
0x3a4: {  	v23 =	vld [tilespmem:s20+$0x10];
	v24 =	vunpack.i.u.bf16.f32 v11;
	v11 =	vunpack.i.l.bf16.f32 v11;
	v21 =	vadd.f32 v22, v21  }
0x3a5: {  	v19 =	vmul.f32 v19, v4;
	v25 =	vunpack.i.u.bf16.f32 v13;
	v13 =	vunpack.i.l.bf16.f32 v13;
	v22 =	vld [tilespmem:s20+$0xFFFFFFF0]  }
0x3a6: {  	s15 =	sadd.s32 $0x4, s15;
	v12 =	vadd.f32 v12, v17;
	v14 =	vmul.f32 v14, v5;
	v26 =	vld [tilespmem:s20+$0x0];
	v17 =	vmul.f32 $3.921568860e-03, v21  }
0x3a7: {  	v20 =	vmul.f32 v20, v4;
	v15 =	vmul.f32 v15, v5;
	s11 =	sadd.s32 $0x40, s11;
	s28 =	sadd.s32 $0x40, s28;
	p2 =	slt.u32 s15, $0x1C;
	v27 =	vsub.f32 $1.000000000e+00, v8;
	v21 =	vld [tilespmem:s20+$0xFFFFFFE0]  }
0x3a8: {  	v18 =	vmul.f32 v18, v4;
	v16 =	vmul.f32 v16, v5;
	v14 =	vadd.f32 v19, v14;
	v28 =	vld [tilespmem:s11+$0x10];
	[tilespmem:s28+$0x10] =	vst v17  }
0x3a9: {  	v11 =	vmul.f32 v11, v4;
	v15 =	vadd.f32 v20, v15;
	v17 =	vld [tilespmem:s11+$0xFFFFFFE0];
	v19 =	vmul.f32 $2.550000000e+02, v23  }
0x3aa: {  	v16 =	vadd.f32 v18, v16;
	v18 =	vmul.f32 v24, v5;
	v20 =	vmul.f32 $2.550000000e+02, v22;
	v22 =	vld [tilespmem:s11+$0xFFFFFFF0]  }
0x3ab: {  	v23 =	vmul.f32 $2.550000000e+02, v26;
	v24 =	vld [tilespmem:s11+$0x0];
	v19 =	vtrunc.f32 v19;
	v26 =	vsub.f32 $1.000000000e+00, v9  }
0x3ac: {  	v11 =	vadd.f32 v11, v18;
	v21 =	vmul.f32 $2.550000000e+02, v21;
	v19 =	vcvt.f32.s32 v19  }
0x3ad: {  	v18 =	vtrunc.f32 v20;
	v20 =	vtrunc.f32 v23;
	v23 =	vand.u32 $0xFFFF, v28  }
0x3ae: {  	v28 =	vshrl.u32 v28, $0x10;
	v21 =	vtrunc.f32 v21;
	v23 =	vadd.s32 v19, v23  }
0x3af: {  	v18 =	vcvt.f32.s32 v18;
	v19 =	vadd.s32 v19, v28;
	v21 =	vcvt.f32.s32 v21  }
0x3b0: {  	v28 =	vand.u32 $0xFFFF, v17;
	v17 =	vshrl.u32 v17, $0x10;
	v20 =	vcvt.f32.s32 v20  }
0x3b1: {  	v29 =	vand.u32 $0xFFFF, v22;
	v22 =	vshrl.u32 v22, $0x10;
	v30 =	vand.u32 $0xFFFF, v24  }
0x3b2: {  	v28 =	vadd.s32 v21, v28;
	v17 =	vadd.s32 v21, v17;
	v21 =	vshrl.u32 v24, $0x10  }
0x3b3: {  	v24 =	vadd.s32 v18, v29;
	v18 =	vadd.s32 v18, v22;
	v22 =	vadd.s32 v20, v30;
	v23 =	vld.idx.msk [tilespmem:v23+s25+$0x0], $0xffff  }
0x3b4: {  	v13 =	vmul.f32 v13, v4;
	v20 =	vadd.s32 v20, v21;
	v21 =	vmul.f32 v25, v5;
	v19 =	vld.idx.msk [tilespmem:v19+s25+$0x0], $0xffff  }
0x3b5: {  	v8 =	vmul.f32 v8, v12;
	v12 =	vmul.f32 v14, v27;
	v14 =	vsub.f32 $1.000000000e+00, v10  }
0x3b6: {  	v9 =	vmul.f32 v9, v15;
	v15 =	vmul.f32 v16, v26;
	v13 =	vadd.f32 v13, v21  }
0x3b7: {  	s13 =	sadd.s32 $0x40, s13;
	v8 =	vadd.f32 v12, v8;
	v10 =	vmul.f32 v10, v11;
	v11 =	vmul.f32 $3.921568860e-03, v6;
	v16 =	vld.idx.msk [tilespmem:v28+s25+$0x0], $0xffff  }
0x3b8: {  	v7 =	vmul.f32 $3.921568860e-03, v7;
	v6 =	vadd.f32 v15, v9;
	v9 =	vmul.f32 v13, v14;
	v21 =	vld [tilespmem:s13+$0x10]  }
0x3b9: {  	v8 =	vmul.f32 $3.921568860e-03, v8;
	v15 =	vld.idx.msk [tilespmem:v17+s25+$0x0], $0xffff;
	[tilespmem:s26+$0xFFFFFFF0] =	vst v11  }
0x3ba: {  	v12 =	vunpack.i.l.bf16.f32 v23;
	v11 =	vunpack.i.u.bf16.f32 v23;
	v13 =	vunpack.i.u.bf16.f32 v19;
	v24 =	vld.idx.msk [tilespmem:v24+s25+$0x0], $0xffff;
	[tilespmem:s26+$0x0] =	vst v7;
	s26 =	smov.u32 s28  }
0x3bb: {  	v14 =	vmul.f32 v12, v4;
	v7 =	vunpack.i.l.bf16.f32 v19;
	v17 =	vmul.f32 v11, v5;
	v18 =	vld.idx.msk [tilespmem:v18+s25+$0x0], $0xffff;
	[tilespmem:s28+$0xFFFFFFE0] =	vst v8  }
0x3bc: {  	v19 =	vmul.f32 v7, v4;
	v7 =	vadd.f32 v9, v10;
	v11 =	vld.idx.msk [tilespmem:v22+s25+$0x0], $0xffff;
	v22 =	vmul.f32 v13, v5  }
.Ltmp11:
0x3bd: {  	v9 =	vunpack.i.u.bf16.f32 v16;
	v10 =	vunpack.i.l.bf16.f32 v16;
	v13 =	vld.idx.msk [tilespmem:v20+s25+$0x0], $0xffff;
	v16 =	vsub.f32 $1.000000000e+00, v21;
	(pc) =	sbr.rel @p2 .LBB2_26-.Ltmp11, $4  }
0x3be: {  	v12 =	vmul.f32 v10, v4;
	v20 =	vadd.f32 v14, v17;
	v8 =	vld [tilespmem:s13+$0xFFFFFFE0];
	v22 =	vadd.f32 v19, v22  }
0x3bf: {  	v17 =	vmul.f32 v9, v5;
	v14 =	vunpack.i.u.bf16.f32 v15;
	v19 =	vunpack.i.l.bf16.f32 v15;
	v9 =	vld [tilespmem:s13+$0xFFFFFFF0]  }
0x3c0: {  	v15 =	vunpack.i.u.bf16.f32 v24;
	v21 =	vmul.f32 v21, v20;
	v10 =	vld [tilespmem:s13+$0x0];
	v22 =	vmul.f32 v22, v16  }
0x3c1: {  	s20 =	sadd.s32 $0x40, s20;
	v20 =	vunpack.i.l.bf16.f32 v24;
	v16 =	vunpack.i.u.bf16.f32 v18;
	v18 =	vunpack.i.l.bf16.f32 v18  }
0x3c2: {  	v23 =	vunpack.i.u.bf16.f32 v11;
	v52 =	vunpack.i.l.bf16.f32 v11;
	v19 =	vmul.f32 v19, v4  }
0x3c3: {  	v53 =	vunpack.i.u.bf16.f32 v13;
	v14 =	vmul.f32 v14, v5;
	v55 =	vmul.f32 v20, v4  }
0x3c4: {  	v54 =	vunpack.i.l.bf16.f32 v13;
	v15 =	vmul.f32 v15, v5;
	v18 =	vmul.f32 v18, v4  }
0x3c5: {  	v12 =	vadd.f32 v12, v17;
	v16 =	vmul.f32 v16, v5;
	v6 =	vmul.f32 $3.921568860e-03, v6  }
0x3c6: {  	v7 =	vmul.f32 $3.921568860e-03, v7;
	v56 =	vsub.f32 $1.000000000e+00, v8;
	v11 =	vmul.f32 v52, v4  }
0x3c7: {  	v57 =	vmul.f32 v23, v5;
	v4 =	vmul.f32 v54, v4;
	v14 =	vadd.f32 v19, v14  }
0x3c8: {  	v5 =	vmul.f32 v53, v5;
	v15 =	vadd.f32 v55, v15;
	v16 =	vadd.f32 v18, v16  }
0x3c9: {  	v58 =	vsub.f32 $1.000000000e+00, v9;
	v59 =	vmul.f32 v8, v12;
	v11 =	vadd.f32 v11, v57  }
0x3ca: {  	v61 =	vsub.f32 $1.000000000e+00, v10;
	v4 =	vadd.f32 v4, v5;
	v60 =	vmul.f32 v14, v56  }
0x3cb: {  	v21 =	vadd.f32 v22, v21;
	v62 =	vmul.f32 v9, v15;
	v5 =	vmul.f32 v16, v58  }
0x3cc: {  	s19 =	sadd.s32 $0x1, s19;
	v63 =	vmul.f32 v10, v11;
	v4 =	vmul.f32 v4, v61;
	v8 =	vadd.f32 v60, v59  }
0x3cd: {  	p2 =	sne.s32 s19, $0x20;
	v21 =	vmul.f32 $3.921568860e-03, v21;
	[tilespmem:s26+$0xFFFFFFF0] =	vst v6;
	v5 =	vadd.f32 v5, v62  }
.Ltmp12:
0x3ce: {  	s1 =	sadd.s32 $0x40, s28;
	[tilespmem:s26+$0x0] =	vst v7;
	v4 =	vadd.f32 v4, v63;
	v8 =	vmul.f32 $3.921568860e-03, v8;
	(pc) =	sbr.rel @p2 .LBB2_25-.Ltmp12, $4  }
0x3cf: {  	[tilespmem:s1+$0x10] =	vst v21;
	v5 =	vmul.f32 $3.921568860e-03, v5  }
0x3d0: {  	v4 =	vmul.f32 $3.921568860e-03, v4;
	[tilespmem:s1+$0xFFFFFFE0] =	vst v8  }
0x3d1: {  	[tilespmem:s1+$0xFFFFFFF0] =	vst v5  }
0x3d2: {  	s5 =	sadd.s32 $0x200, s5;
	s6 =	sadd.s32 $0x200, s6;
	[tilespmem:s1+$0x0] =	vst v4  }
0x3d3: {  	s1 =	sadd.s32 s9, s10;
	s5 =	simm.s32 $0xC000;
	s19 =	sor.u32 $0x1800, s23  }
0x3d4: {  	[hbm4b:s1+s4] =	stream.linear.scatter [tilespmem:s5], [sflag:$0x5], $0x4000, $0x38;
	[tilespmem:$0x1A400] =	vst v63  }
0x3d5: {  	s28 =	sadd.s32 s16, s19  }
0x3d6: {  	[tilespmem:s30], [sflag:$0x2] =	stream.linear.gather [hbm4b:s28+s4], $0x4000, $0x38;
	[tilespmem:$0x1A400] =	vst v63  }
0x3d7: {  	v4 =	vld [tilespmem:s31+$0xFFFFF840]  }
0x3d8: {  	v5 =	vld [tilespmem:s31+$0x40];
	_ =	sdelay $0x2  }
0x3d9: {  	v6 =	vld [tilespmem:s31+$0x0]  }
0x3da: {  	v7 =	vld [tilespmem:s31+$0xFFFFF800]  }
0x3db: {  	s1 =	simm.s32 $0x13840;
	v4 =	vpack.i.f32.bf16 v5, v4  }
0x3dc: {  	[tilespmem:s1+$0x0] =	vst v4  }
0x3dd: {  	v4 =	vld [tilespmem:s31+$0xFFFFF850]  }
0x3de: {  	v5 =	vld [tilespmem:s31+$0x50]  }
0x3df: {  	v6 =	vpack.i.f32.bf16 v6, v7  }
0x3e0: {  	[tilespmem:s1+$0xFFFFFFC0] =	vst v6  }
0x3e1: {  	v6 =	vld [tilespmem:s31+$0xFFFFF810]  }
0x3e2: {  	v7 =	vld [tilespmem:s31+$0x10]  }
0x3e3: {  	v4 =	vpack.i.f32.bf16 v5, v4;
	v5 =	vld [tilespmem:s2+$0xFFFFF840]  }
0x3e4: {  	[tilespmem:s1+$0x10] =	vst v4;
	v4 =	vld [tilespmem:s2+$0x40]  }
0x3e5: {  	v8 =	vld [tilespmem:s31+$0xFFFFF860]  }
0x3e6: {  	v9 =	vld [tilespmem:s31+$0x60]  }
0x3e7: {  	v6 =	vpack.i.f32.bf16 v7, v6;
	v7 =	vld [tilespmem:s2+$0x0]  }
0x3e8: {  	[tilespmem:s1+$0xFFFFFFD0] =	vst v6;
	v6 =	vld [tilespmem:s2+$0xFFFFF800]  }
0x3e9: {  	s5 =	simm.s32 $0x138C0;
	v10 =	vld [tilespmem:s31+$0x20];
	v4 =	vpack.i.f32.bf16 v4, v5  }
0x3ea: {  	v5 =	vld [tilespmem:s31+$0xFFFFF820];
	[tilespmem:s5+$0x0] =	vst v4  }
0x3eb: {  	v4 =	vpack.i.f32.bf16 v9, v8;
	v11 =	vld [tilespmem:s2+$0xFFFFF850]  }
0x3ec: {  	v12 =	vld [tilespmem:s2+$0x50];
	[tilespmem:s1+$0x20] =	vst v4  }
0x3ed: {  	v6 =	vpack.i.f32.bf16 v7, v6;
	v4 =	vld [tilespmem:s31+$0xFFFFF870]  }
0x3ee: {  	[tilespmem:s5+$0xFFFFFFC0] =	vst v6;
	v6 =	vld [tilespmem:s31+$0x70]  }
0x3ef: {  	v8 =	vld [tilespmem:s2+$0xFFFFF810];
	v5 =	vpack.i.f32.bf16 v10, v5  }
0x3f0: {  	v9 =	vld [tilespmem:s2+$0x10];
	[tilespmem:s1+$0xFFFFFFE0] =	vst v5  }
0x3f1: {  	v5 =	vld [tilespmem:s31+$0xFFFFF830]  }
0x3f2: {  	s6 =	simm.s32 $0x2;
	s10 =	sadd.s32 $0x80, s2;
	v10 =	vpack.i.f32.bf16 v12, v11;
	v7 =	vld [tilespmem:s31+$0x30]  }
.LBB2_29:
0x3f3: {  	v11 =	vld [tilespmem:s10+$0xFFFFF840];
	[tilespmem:s5+$0x10] =	vst v10;
	v4 =	vpack.i.f32.bf16 v6, v4  }
0x3f4: {  	v6 =	vld [tilespmem:s10+$0x40];
	[tilespmem:s1+$0x30] =	vst v4  }
0x3f5: {  	v4 =	vpack.i.f32.bf16 v9, v8;
	v8 =	vld [tilespmem:s2+$0xFFFFF860]  }
0x3f6: {  	[tilespmem:s5+$0xFFFFFFD0] =	vst v4;
	v4 =	vld [tilespmem:s2+$0x60]  }
0x3f7: {  	v9 =	vld [tilespmem:s10+$0x0];
	v5 =	vpack.i.f32.bf16 v7, v5  }
0x3f8: {  	v7 =	vld [tilespmem:s10+$0xFFFFF800];
	[tilespmem:s1+$0xFFFFFFF0] =	vst v5;
	s1 =	smov.u32 s5  }
0x3f9: {  	s6 =	sadd.s32 $0x2, s6;
	s5 =	sadd.s32 $0x80, s5;
	v5 =	vpack.i.f32.bf16 v6, v11;
	v10 =	vld [tilespmem:s2+$0xFFFFF820]  }
0x3fa: {  	p2 =	slt.u32 s6, $0x1E;
	[tilespmem:s5+$0x0] =	vst v5;
	v5 =	vld [tilespmem:s2+$0x20]  }
0x3fb: {  	v11 =	vld [tilespmem:s10+$0xFFFFF850];
	v4 =	vpack.i.f32.bf16 v4, v8  }
0x3fc: {  	v12 =	vld [tilespmem:s10+$0x50];
	[tilespmem:s1+$0x20] =	vst v4  }
0x3fd: {  	v6 =	vpack.i.f32.bf16 v9, v7;
	v4 =	vld [tilespmem:s2+$0xFFFFF870]  }
.Ltmp13:
0x3fe: {  	[tilespmem:s5+$0xFFFFFFC0] =	vst v6;
	v6 =	vld [tilespmem:s2+$0x70];
	(pc) =	sbr.rel @p2 .LBB2_29-.Ltmp13, $4  }
0x3ff: {  	v8 =	vld [tilespmem:s10+$0xFFFFF810];
	v5 =	vpack.i.f32.bf16 v5, v10  }
0x400: {  	v9 =	vld [tilespmem:s10+$0x10];
	[tilespmem:s1+$0xFFFFFFE0] =	vst v5  }
0x401: {  	v5 =	vld [tilespmem:s2+$0xFFFFF830]  }
0x402: {  	v10 =	vpack.i.f32.bf16 v12, v11;
	v7 =	vld [tilespmem:s2+$0x30];
	s2 =	smov.u32 s10;
	s10 =	sadd.s32 $0x80, s10  }
0x403: {  	_ = 	snop  }
0x404: {  	[tilespmem:s5+$0x10] =	vst v10  }
0x405: {  	v58 =	vld [tilespmem:s2+$0xFFFFF860];
	v8 =	vpack.i.f32.bf16 v9, v8  }
0x406: {  	v59 =	vld [tilespmem:s2+$0x60];
	[tilespmem:s5+$0xFFFFFFD0] =	vst v8  }
0x407: {  	v60 =	vld [tilespmem:s2+$0xFFFFF820]  }
0x408: {  	v11 =	vld [tilespmem:s2+$0x20];
	_ =	sdelay $0x2  }
0x409: {  	v8 =	vpack.i.f32.bf16 v59, v58  }
0x40a: {  	[tilespmem:s5+$0x20] =	vst v8  }
0x40b: {  	v8 =	vld [tilespmem:s2+$0xFFFFF870];
	v61 =	vpack.i.f32.bf16 v11, v60  }
0x40c: {  	v62 =	vld [tilespmem:s2+$0x70];
	[tilespmem:s5+$0xFFFFFFE0] =	vst v61  }
0x40d: {  	v9 =	vld [tilespmem:s2+$0xFFFFF830]  }
0x40e: {  	v63 =	vld [tilespmem:s2+$0x30];
	_ =	sdelay $0x1  }
0x40f: {  	v4 =	vpack.i.f32.bf16 v6, v4  }
0x410: {  	[tilespmem:s1+$0x30] =	vst v4;
	v4 =	vpack.i.f32.bf16 v7, v5  }
0x411: {  	[tilespmem:s1+$0xFFFFFFF0] =	vst v4;
	v4 =	vpack.i.f32.bf16 v62, v8  }
0x412: {  	[tilespmem:s5+$0x30] =	vst v4;
	v4 =	vpack.i.f32.bf16 v63, v9  }
0x413: {  	s28 =	simm.s32 $0x4;
	[tilespmem:s5+$0xFFFFFFF0] =	vst v4  }
0x414: {  	_ =	swait.ge [sflag:s28], $0x4000  }
0x415: {  	[sflag:s28] =	ssyncset.done $0x0  }
0x416: {  	s31 =	simm.s32 $0x1;
	[sflag:s28] =	ssyncadd.s32 $0xFFFFC000  }
0x417: {  	_ =	swait.ge [sflag:s31], $0x4000  }
0x418: {  	s10 =	simm.s32 $0x8020;
	[sflag:s31] =	ssyncset.done $0x0  }
0x419: {  	s2 =	simm.s32 $0x0;
	s5 =	simm.s32 $0x20;
	[sflag:s31] =	ssyncadd.s32 $0xFFFFC000  }
.LBB2_31:
0x41a: {  	v4 =	vld [tilespmem:s5+$0x10];
	_ =	sdelay $0x2  }
0x41b: {  	s1 =	simm.s32 $0x14020;
	v5 =	vld [tilespmem:s5+$0xFFFFFFE0]  }
0x41c: {  	v6 =	vld [tilespmem:s1+$0x10]  }
0x41d: {  	v4 =	vmul.f32 $2.550000000e+02, v4  }
0x41e: {  	v7 =	vld [tilespmem:s5+$0xFFFFFFF0]  }
0x41f: {  	v9 =	vld [tilespmem:s5+$0x0];
	v4 =	vtrunc.f32 v4  }
0x420: {  	v8 =	vld [tilespmem:s1+$0xFFFFFFE0];
	v4 =	vcvt.f32.s32 v4  }
0x421: {  	v5 =	vmul.f32 $2.550000000e+02, v5;
	v10 =	vand.u32 $0xFFFF, v6  }
0x422: {  	s6 =	scvt.s32.f32 s2;
	v6 =	vshrl.u32 v6, $0x10;
	v10 =	vadd.s32 v4, v10  }
0x423: {  	v11 =	vld [tilespmem:s1+$0xFFFFFFF0];
	v5 =	vtrunc.f32 v5;
	v4 =	vadd.s32 v4, v6  }
0x424: {  	v12 =	vld [tilespmem:s1+$0x0];
	s6 =	sadd.f32 $3.200000000e+01, s6;
	v5 =	vcvt.f32.s32 v5;
	v6 =	vmul.f32 $2.550000000e+02, v7  }
0x425: {  	v9 =	vmul.f32 $2.550000000e+02, v9;
	v7 =	vand.u32 $0xFFFF, v8  }
0x426: {  	s26 =	ssub.f32 $6.300000000e+01, s6;
	v7 =	vadd.s32 v5, v7;
	v6 =	vtrunc.f32 v6  }
0x427: {  	v9 =	vtrunc.f32 v9;
	v8 =	vshrl.u32 v8, $0x10;
	v6 =	vcvt.f32.s32 v6;
	v10 =	vld.idx.msk [tilespmem:v10+s25+$0x0], $0xffff  }
0x428: {  	s1 =	smul.f32 $1.587301680e-02, s26;
	v13 =	vand.u32 $0xFFFF, v11;
	v9 =	vcvt.f32.s32 v9;
	v8 =	vadd.s32 v5, v8;
	v14 =	vld.idx.msk [tilespmem:v4+s25+$0x0], $0xffff  }
0x429: {  	s11 =	simm.s32 $0x14220;
	v5 =	vand.u32 $0xFFFF, v12;
	v4 =	vshrl.u32 v11, $0x10;
	v11 =	vadd.s32 v6, v13  }
0x42a: {  	v15 =	vld [tilespmem:s11+$0x10];
	s28 =	ssub.f32 $1.000000000e+00, s1;
	v12 =	vshrl.u32 v12, $0x10;
	v13 =	vadd.s32 v9, v5  }
0x42b: {  	v9 =	vadd.s32 v9, v12;
	v7 =	vld.idx.msk [tilespmem:v7+s25+$0x0], $0xffff  }
0x42c: {  	v5 =	vmov s28;
	v6 =	vadd.s32 v6, v4;
	v4 =	vmov s1  }
0x42d: {  	v8 =	vld.idx.msk [tilespmem:v8+s25+$0x0], $0xffff;
	v12 =	vunpack.i.u.bf16.f32 v10;
	v10 =	vunpack.i.l.bf16.f32 v10;
	v16 =	vunpack.i.u.bf16.f32 v14  }
0x42e: {  	v11 =	vld.idx.msk [tilespmem:v11+s25+$0x0], $0xffff;
	v14 =	vunpack.i.l.bf16.f32 v14;
	v10 =	vmul.f32 v10, v4;
	v12 =	vmul.f32 v12, v5  }
0x42f: {  	v13 =	vld.idx.msk [tilespmem:v13+s25+$0x0], $0xffff;
	v14 =	vmul.f32 v14, v4;
	v16 =	vmul.f32 v16, v5  }
0x430: {  	v18 =	vsub.f32 $1.000000000e+00, v15;
	v9 =	vld.idx.msk [tilespmem:v9+s25+$0x0], $0xffff;
	v17 =	vunpack.i.u.bf16.f32 v7;
	v7 =	vunpack.i.l.bf16.f32 v7  }
0x431: {  	v6 =	vld.idx.msk [tilespmem:v6+s25+$0x0], $0xffff;
	v7 =	vmul.f32 v7, v4;
	v10 =	vadd.f32 v10, v12;
	v12 =	vadd.f32 v14, v16  }
0x432: {  	s31 =	sadd.s32 $0x40, s5;
	v14 =	vunpack.i.u.bf16.f32 v8;
	v16 =	vmul.f32 v17, v5;
	v8 =	vunpack.i.l.bf16.f32 v8  }
0x433: {  	v20 =	vld [tilespmem:s31+$0x10];
	v8 =	vmul.f32 v8, v4;
	v14 =	vmul.f32 v14, v5  }
0x434: {  	v10 =	vmul.f32 v15, v10;
	v12 =	vmul.f32 v12, v18;
	v18 =	vunpack.i.u.bf16.f32 v11  }
0x435: {  	v17 =	vld [tilespmem:s11+$0xFFFFFFE0];
	v11 =	vunpack.i.l.bf16.f32 v11;
	v21 =	vunpack.i.u.bf16.f32 v13;
	v22 =	vunpack.i.u.bf16.f32 v9  }
0x436: {  	v9 =	vunpack.i.l.bf16.f32 v9;
	v7 =	vadd.f32 v7, v16;
	v19 =	vunpack.i.u.bf16.f32 v6  }
0x437: {  	v61 =	vld [tilespmem:s11+$0x0];
	v6 =	vunpack.i.l.bf16.f32 v6;
	v11 =	vmul.f32 v11, v4;
	v18 =	vmul.f32 v18, v5  }
0x438: {  	v23 =	vld [tilespmem:s31+$0x0];
	s6 =	simm.s32 $0x14060;
	v8 =	vadd.f32 v8, v14;
	v14 =	vmul.f32 $2.550000000e+02, v20;
	v9 =	vmul.f32 v9, v4  }
0x439: {  	v25 =	vld [tilespmem:s6+$0x10];
	v22 =	vmul.f32 v22, v5;
	v10 =	vadd.f32 v12, v10;
	v12 =	vunpack.i.l.bf16.f32 v13  }
0x43a: {  	v16 =	vld [tilespmem:s31+$0xFFFFFFE0];
	v6 =	vmul.f32 v6, v4;
	v19 =	vmul.f32 v19, v5;
	v24 =	vsub.f32 $1.000000000e+00, v17  }
0x43b: {  	v15 =	vld [tilespmem:s11+$0xFFFFFFF0];
	v12 =	vmul.f32 v12, v4;
	v11 =	vadd.f32 v11, v18;
	v18 =	vmul.f32 v21, v5  }
0x43c: {  	v14 =	vtrunc.f32 v14;
	v7 =	vmul.f32 v17, v7;
	v17 =	vsub.f32 $1.000000000e+00, v61  }
0x43d: {  	v13 =	vld [tilespmem:s31+$0xFFFFFFF0];
	v9 =	vadd.f32 v9, v22;
	v6 =	vadd.f32 v6, v19;
	v14 =	vcvt.f32.s32 v14  }
0x43e: {  	v20 =	vld [tilespmem:s6+$0xFFFFFFE0];
	v19 =	vmul.f32 $2.550000000e+02, v23;
	v12 =	vadd.f32 v12, v18;
	v18 =	vand.u32 $0xFFFF, v25  }
0x43f: {  	v16 =	vmul.f32 $2.550000000e+02, v16;
	v25 =	vshrl.u32 v25, $0x10;
	v18 =	vadd.s32 v14, v18  }
0x440: {  	v8 =	vmul.f32 v8, v24;
	v11 =	vmul.f32 v15, v11;
	v14 =	vadd.s32 v14, v25  }
0x441: {  	v21 =	vld [tilespmem:s6+$0xFFFFFFF0];
	v9 =	vmul.f32 v9, v17;
	v16 =	vtrunc.f32 v16  }
0x442: {  	v26 =	vld [tilespmem:s6+$0x0];
	v23 =	vsub.f32 $1.000000000e+00, v15;
	v13 =	vmul.f32 $2.550000000e+02, v13;
	v16 =	vcvt.f32.s32 v16  }
0x443: {  	v19 =	vtrunc.f32 v19;
	v27 =	vand.u32 $0xFFFF, v20;
	v20 =	vshrl.u32 v20, $0x10  }
0x444: {  	v19 =	vcvt.f32.s32 v19;
	v13 =	vtrunc.f32 v13;
	v27 =	vadd.s32 v16, v27;
	v18 =	vld.idx.msk [tilespmem:v18+s25+$0x0], $0xffff  }
0x445: {  	v6 =	vmul.f32 v6, v23;
	v13 =	vcvt.f32.s32 v13;
	v16 =	vadd.s32 v16, v20;
	v14 =	vld.idx.msk [tilespmem:v14+s25+$0x0], $0xffff  }
0x446: {  	v7 =	vadd.f32 v8, v7;
	v12 =	vmul.f32 v61, v12;
	v28 =	vand.u32 $0xFFFF, v21  }
0x447: {  	s11 =	simm.s32 $0x14260;
	v21 =	vshrl.u32 v21, $0x10;
	v20 =	vand.u32 $0xFFFF, v26;
	v28 =	vadd.s32 v13, v28  }
0x448: {  	v26 =	vshrl.u32 v26, $0x10;
	v8 =	vadd.s32 v19, v20;
	v20 =	vld [tilespmem:s11+$0x10];
	v13 =	vadd.s32 v13, v21  }
0x449: {  	v6 =	vadd.f32 v6, v11;
	v23 =	vmul.f32 $3.921568860e-03, v7;
	v19 =	vadd.s32 v19, v26;
	v15 =	vld.idx.msk [tilespmem:v27+s25+$0x0], $0xffff  }
0x44a: {  	v16 =	vld.idx.msk [tilespmem:v16+s25+$0x0], $0xffff;
	v7 =	vunpack.i.u.bf16.f32 v18;
	v11 =	vunpack.i.l.bf16.f32 v18;
	v17 =	vunpack.i.u.bf16.f32 v14  }
0x44b: {  	v14 =	vunpack.i.l.bf16.f32 v14;
	v21 =	vmul.f32 v11, v4;
	v22 =	vmul.f32 v7, v5  }
0x44c: {  	v18 =	vld.idx.msk [tilespmem:v28+s25+$0x0], $0xffff;
	v14 =	vmul.f32 v14, v4;
	v17 =	vmul.f32 v17, v5  }
0x44d: {  	v63 =	vsub.f32 $1.000000000e+00, v20;
	v62 =	vld.idx.msk [tilespmem:v13+s25+$0x0], $0xffff;
	v7 =	vadd.f32 v9, v12  }
0x44e: {  	v10 =	vmul.f32 $3.921568860e-03, v10;
	v11 =	vld.idx.msk [tilespmem:v8+s25+$0x0], $0xffff;
	v21 =	vadd.f32 v21, v22;
	v22 =	vadd.f32 v14, v17  }
0x44f: {  	v13 =	vld.idx.msk [tilespmem:v19+s25+$0x0], $0xffff;
	v9 =	vunpack.i.u.bf16.f32 v15;
	v8 =	vunpack.i.l.bf16.f32 v15;
	v14 =	vunpack.i.u.bf16.f32 v16  }
0x450: {  	[tilespmem:s10+$0x10] =	vst v10;
	v10 =	vld [tilespmem:s11+$0x0];
	v19 =	vunpack.i.l.bf16.f32 v16;
	v12 =	vmul.f32 v8, v4;
	v17 =	vmul.f32 v9, v5  }
0x451: {  	s15 =	simm.s32 $0x4;
	v8 =	vld [tilespmem:s11+$0xFFFFFFE0];
	v21 =	vmul.f32 v20, v21;
	v22 =	vmul.f32 v22, v63;
	v15 =	vunpack.i.u.bf16.f32 v18  }
0x452: {  	s13 =	smov.u32 s10;
	s20 =	sadd.s32 $0x40, s31;
	s26 =	smov.u32 s10;
	[tilespmem:s10+$0xFFFFFFE0] =	vst v23;
	v9 =	vld [tilespmem:s11+$0xFFFFFFF0];
	v20 =	vunpack.i.l.bf16.f32 v18;
	v16 =	vunpack.i.u.bf16.f32 v62;
	v18 =	vunpack.i.l.bf16.f32 v62  }
.LBB2_32:
0x453: {  	v23 =	vld [tilespmem:s20+$0x10];
	v24 =	vunpack.i.u.bf16.f32 v11;
	v11 =	vunpack.i.l.bf16.f32 v11;
	v21 =	vadd.f32 v22, v21  }
0x454: {  	v19 =	vmul.f32 v19, v4;
	v25 =	vunpack.i.u.bf16.f32 v13;
	v13 =	vunpack.i.l.bf16.f32 v13;
	v22 =	vld [tilespmem:s20+$0xFFFFFFF0]  }
0x455: {  	s15 =	sadd.s32 $0x4, s15;
	v12 =	vadd.f32 v12, v17;
	v14 =	vmul.f32 v14, v5;
	v26 =	vld [tilespmem:s20+$0x0];
	v17 =	vmul.f32 $3.921568860e-03, v21  }
0x456: {  	v20 =	vmul.f32 v20, v4;
	v15 =	vmul.f32 v15, v5;
	s6 =	sadd.s32 $0x40, s6;
	s26 =	sadd.s32 $0x40, s26;
	p2 =	slt.u32 s15, $0x1C;
	v27 =	vsub.f32 $1.000000000e+00, v8;
	v21 =	vld [tilespmem:s20+$0xFFFFFFE0]  }
0x457: {  	v18 =	vmul.f32 v18, v4;
	v16 =	vmul.f32 v16, v5;
	v14 =	vadd.f32 v19, v14;
	v28 =	vld [tilespmem:s6+$0x10];
	[tilespmem:s26+$0x10] =	vst v17  }
0x458: {  	v11 =	vmul.f32 v11, v4;
	v15 =	vadd.f32 v20, v15;
	v17 =	vld [tilespmem:s6+$0xFFFFFFE0];
	v19 =	vmul.f32 $2.550000000e+02, v23  }
0x459: {  	v16 =	vadd.f32 v18, v16;
	v18 =	vmul.f32 v24, v5;
	v20 =	vmul.f32 $2.550000000e+02, v22;
	v22 =	vld [tilespmem:s6+$0xFFFFFFF0]  }
0x45a: {  	v23 =	vmul.f32 $2.550000000e+02, v26;
	v24 =	vld [tilespmem:s6+$0x0];
	v19 =	vtrunc.f32 v19;
	v26 =	vsub.f32 $1.000000000e+00, v9  }
0x45b: {  	v11 =	vadd.f32 v11, v18;
	v21 =	vmul.f32 $2.550000000e+02, v21;
	v19 =	vcvt.f32.s32 v19  }
0x45c: {  	v18 =	vtrunc.f32 v20;
	v20 =	vtrunc.f32 v23;
	v23 =	vand.u32 $0xFFFF, v28  }
0x45d: {  	v28 =	vshrl.u32 v28, $0x10;
	v21 =	vtrunc.f32 v21;
	v23 =	vadd.s32 v19, v23  }
0x45e: {  	v18 =	vcvt.f32.s32 v18;
	v19 =	vadd.s32 v19, v28;
	v21 =	vcvt.f32.s32 v21  }
0x45f: {  	v28 =	vand.u32 $0xFFFF, v17;
	v17 =	vshrl.u32 v17, $0x10;
	v20 =	vcvt.f32.s32 v20  }
0x460: {  	v29 =	vand.u32 $0xFFFF, v22;
	v22 =	vshrl.u32 v22, $0x10;
	v30 =	vand.u32 $0xFFFF, v24  }
0x461: {  	v28 =	vadd.s32 v21, v28;
	v17 =	vadd.s32 v21, v17;
	v21 =	vshrl.u32 v24, $0x10  }
0x462: {  	v24 =	vadd.s32 v18, v29;
	v18 =	vadd.s32 v18, v22;
	v22 =	vadd.s32 v20, v30;
	v23 =	vld.idx.msk [tilespmem:v23+s25+$0x0], $0xffff  }
0x463: {  	v13 =	vmul.f32 v13, v4;
	v20 =	vadd.s32 v20, v21;
	v21 =	vmul.f32 v25, v5;
	v19 =	vld.idx.msk [tilespmem:v19+s25+$0x0], $0xffff  }
0x464: {  	v8 =	vmul.f32 v8, v12;
	v12 =	vmul.f32 v14, v27;
	v14 =	vsub.f32 $1.000000000e+00, v10  }
0x465: {  	v9 =	vmul.f32 v9, v15;
	v15 =	vmul.f32 v16, v26;
	v13 =	vadd.f32 v13, v21  }
0x466: {  	s11 =	sadd.s32 $0x40, s11;
	v8 =	vadd.f32 v12, v8;
	v10 =	vmul.f32 v10, v11;
	v11 =	vmul.f32 $3.921568860e-03, v6;
	v16 =	vld.idx.msk [tilespmem:v28+s25+$0x0], $0xffff  }
0x467: {  	v7 =	vmul.f32 $3.921568860e-03, v7;
	v6 =	vadd.f32 v15, v9;
	v9 =	vmul.f32 v13, v14;
	v21 =	vld [tilespmem:s11+$0x10]  }
0x468: {  	v8 =	vmul.f32 $3.921568860e-03, v8;
	v15 =	vld.idx.msk [tilespmem:v17+s25+$0x0], $0xffff;
	[tilespmem:s13+$0xFFFFFFF0] =	vst v11  }
0x469: {  	v12 =	vunpack.i.l.bf16.f32 v23;
	v11 =	vunpack.i.u.bf16.f32 v23;
	v13 =	vunpack.i.u.bf16.f32 v19;
	v24 =	vld.idx.msk [tilespmem:v24+s25+$0x0], $0xffff;
	[tilespmem:s13+$0x0] =	vst v7;
	s13 =	smov.u32 s26  }
0x46a: {  	v14 =	vmul.f32 v12, v4;
	v7 =	vunpack.i.l.bf16.f32 v19;
	v17 =	vmul.f32 v11, v5;
	v18 =	vld.idx.msk [tilespmem:v18+s25+$0x0], $0xffff;
	[tilespmem:s26+$0xFFFFFFE0] =	vst v8  }
0x46b: {  	v19 =	vmul.f32 v7, v4;
	v7 =	vadd.f32 v9, v10;
	v11 =	vld.idx.msk [tilespmem:v22+s25+$0x0], $0xffff;
	v22 =	vmul.f32 v13, v5  }
.Ltmp14:
0x46c: {  	v9 =	vunpack.i.u.bf16.f32 v16;
	v10 =	vunpack.i.l.bf16.f32 v16;
	v13 =	vld.idx.msk [tilespmem:v20+s25+$0x0], $0xffff;
	v16 =	vsub.f32 $1.000000000e+00, v21;
	(pc) =	sbr.rel @p2 .LBB2_32-.Ltmp14, $4  }
0x46d: {  	v12 =	vmul.f32 v10, v4;
	v20 =	vadd.f32 v14, v17;
	v8 =	vld [tilespmem:s11+$0xFFFFFFE0];
	v22 =	vadd.f32 v19, v22  }
0x46e: {  	v17 =	vmul.f32 v9, v5;
	v14 =	vunpack.i.u.bf16.f32 v15;
	v19 =	vunpack.i.l.bf16.f32 v15;
	v9 =	vld [tilespmem:s11+$0xFFFFFFF0]  }
0x46f: {  	v15 =	vunpack.i.u.bf16.f32 v24;
	v21 =	vmul.f32 v21, v20;
	v10 =	vld [tilespmem:s11+$0x0];
	v22 =	vmul.f32 v22, v16  }
0x470: {  	s20 =	sadd.s32 $0x40, s20;
	v20 =	vunpack.i.l.bf16.f32 v24;
	v16 =	vunpack.i.u.bf16.f32 v18;
	v18 =	vunpack.i.l.bf16.f32 v18  }
0x471: {  	v23 =	vunpack.i.u.bf16.f32 v11;
	v52 =	vunpack.i.l.bf16.f32 v11;
	v19 =	vmul.f32 v19, v4  }
0x472: {  	v53 =	vunpack.i.u.bf16.f32 v13;
	v14 =	vmul.f32 v14, v5;
	v55 =	vmul.f32 v20, v4  }
0x473: {  	v54 =	vunpack.i.l.bf16.f32 v13;
	v15 =	vmul.f32 v15, v5;
	v18 =	vmul.f32 v18, v4  }
0x474: {  	v12 =	vadd.f32 v12, v17;
	v16 =	vmul.f32 v16, v5;
	v6 =	vmul.f32 $3.921568860e-03, v6  }
0x475: {  	v7 =	vmul.f32 $3.921568860e-03, v7;
	v56 =	vsub.f32 $1.000000000e+00, v8;
	v11 =	vmul.f32 v52, v4  }
0x476: {  	v57 =	vmul.f32 v23, v5;
	v4 =	vmul.f32 v54, v4;
	v14 =	vadd.f32 v19, v14  }
0x477: {  	v5 =	vmul.f32 v53, v5;
	v15 =	vadd.f32 v55, v15;
	v16 =	vadd.f32 v18, v16  }
0x478: {  	v58 =	vsub.f32 $1.000000000e+00, v9;
	v59 =	vmul.f32 v8, v12;
	v11 =	vadd.f32 v11, v57  }
0x479: {  	v61 =	vsub.f32 $1.000000000e+00, v10;
	v4 =	vadd.f32 v4, v5;
	v60 =	vmul.f32 v14, v56  }
0x47a: {  	v21 =	vadd.f32 v22, v21;
	v62 =	vmul.f32 v9, v15;
	v5 =	vmul.f32 v16, v58  }
0x47b: {  	s2 =	sadd.s32 $0x1, s2;
	v63 =	vmul.f32 v10, v11;
	v4 =	vmul.f32 v4, v61;
	v8 =	vadd.f32 v60, v59  }
0x47c: {  	p2 =	sne.s32 s2, $0x20;
	v21 =	vmul.f32 $3.921568860e-03, v21;
	[tilespmem:s13+$0xFFFFFFF0] =	vst v6;
	v5 =	vadd.f32 v5, v62  }
.Ltmp15:
0x47d: {  	s1 =	sadd.s32 $0x40, s26;
	[tilespmem:s13+$0x0] =	vst v7;
	v4 =	vadd.f32 v4, v63;
	v8 =	vmul.f32 $3.921568860e-03, v8;
	(pc) =	sbr.rel @p2 .LBB2_31-.Ltmp15, $4  }
0x47e: {  	[tilespmem:s1+$0x10] =	vst v21;
	v5 =	vmul.f32 $3.921568860e-03, v5  }
0x47f: {  	v4 =	vmul.f32 $3.921568860e-03, v4;
	[tilespmem:s1+$0xFFFFFFE0] =	vst v8  }
0x480: {  	[tilespmem:s1+$0xFFFFFFF0] =	vst v5  }
0x481: {  	s10 =	sadd.s32 $0x200, s10;
	s5 =	sadd.s32 $0x200, s5;
	[tilespmem:s1+$0x0] =	vst v4  }
0x482: {  	s1 =	sadd.s32 s9, s24;
	s2 =	simm.s32 $0x8000;
	s31 =	sor.u32 $0x2000, s23  }
0x483: {  	[hbm4b:s1+s4] =	stream.linear.scatter [tilespmem:s2], [sflag:$0x4], $0x4000, $0x38;
	[tilespmem:$0x1A400] =	vst v63  }
0x484: {  	s28 =	sadd.s32 s16, s31  }
0x485: {  	[tilespmem:s4], [sflag:$0x1] =	stream.linear.gather [hbm4b:s28+s4], $0x4000, $0x38;
	[tilespmem:$0x1A400] =	vst v63  }
0x486: {  	v4 =	vld [tilespmem:s12+$0x0]  }
0x487: {  	v5 =	vld [tilespmem:s12+$0x800];
	_ =	sdelay $0x2  }
0x488: {  	v6 =	vld [tilespmem:s12+$0x7C0]  }
0x489: {  	v7 =	vld [tilespmem:s12+$0xFFFFFFC0]  }
0x48a: {  	s1 =	simm.s32 $0x13840;
	v4 =	vpack.i.f32.bf16 v5, v4  }
0x48b: {  	[tilespmem:s1+$0x0] =	vst v4  }
0x48c: {  	v4 =	vld [tilespmem:s12+$0x10]  }
0x48d: {  	v5 =	vld [tilespmem:s12+$0x810]  }
0x48e: {  	v6 =	vpack.i.f32.bf16 v6, v7  }
0x48f: {  	[tilespmem:s1+$0xFFFFFFC0] =	vst v6  }
0x490: {  	v6 =	vld [tilespmem:s12+$0xFFFFFFD0]  }
0x491: {  	s24 =	sadd.s32 $0x80, s12;
	v7 =	vld [tilespmem:s12+$0x7D0]  }
0x492: {  	v4 =	vpack.i.f32.bf16 v5, v4;
	v5 =	vld [tilespmem:s24+$0x0]  }
0x493: {  	[tilespmem:s1+$0x10] =	vst v4;
	v4 =	vld [tilespmem:s24+$0x800]  }
0x494: {  	v8 =	vld [tilespmem:s12+$0x20]  }
0x495: {  	v9 =	vld [tilespmem:s12+$0x820]  }
0x496: {  	v6 =	vpack.i.f32.bf16 v7, v6;
	v7 =	vld [tilespmem:s24+$0x7C0]  }
0x497: {  	[tilespmem:s1+$0xFFFFFFD0] =	vst v6;
	v6 =	vld [tilespmem:s24+$0xFFFFFFC0]  }
0x498: {  	s2 =	simm.s32 $0x138C0;
	v10 =	vld [tilespmem:s12+$0x7E0];
	v4 =	vpack.i.f32.bf16 v4, v5  }
0x499: {  	v5 =	vld [tilespmem:s12+$0xFFFFFFE0];
	[tilespmem:s2+$0x0] =	vst v4  }
0x49a: {  	v4 =	vpack.i.f32.bf16 v9, v8;
	v11 =	vld [tilespmem:s24+$0x10]  }
0x49b: {  	v12 =	vld [tilespmem:s24+$0x810];
	[tilespmem:s1+$0x20] =	vst v4  }
0x49c: {  	v6 =	vpack.i.f32.bf16 v7, v6;
	v4 =	vld [tilespmem:s12+$0x30]  }
0x49d: {  	[tilespmem:s2+$0xFFFFFFC0] =	vst v6;
	v6 =	vld [tilespmem:s12+$0x830]  }
0x49e: {  	v8 =	vld [tilespmem:s24+$0xFFFFFFD0];
	v5 =	vpack.i.f32.bf16 v10, v5  }
0x49f: {  	v9 =	vld [tilespmem:s24+$0x7D0];
	[tilespmem:s1+$0xFFFFFFE0] =	vst v5  }
0x4a0: {  	s10 =	sor.u32 $0x2, s14;
	v5 =	vld [tilespmem:s12+$0xFFFFFFF0]  }
0x4a1: {  	s6 =	simm.s32 $0x2;
	s11 =	sadd.s32 $0x80, s24;
	s5 =	smov.u32 s24;
	v10 =	vpack.i.f32.bf16 v12, v11;
	v7 =	vld [tilespmem:s12+$0x7F0]  }
.LBB2_35:
0x4a2: {  	v11 =	vld [tilespmem:s11+$0x0];
	[tilespmem:s2+$0x10] =	vst v10;
	v4 =	vpack.i.f32.bf16 v6, v4  }
0x4a3: {  	v6 =	vld [tilespmem:s11+$0x800];
	[tilespmem:s1+$0x30] =	vst v4  }
0x4a4: {  	v4 =	vpack.i.f32.bf16 v9, v8;
	v8 =	vld [tilespmem:s5+$0x20]  }
0x4a5: {  	[tilespmem:s2+$0xFFFFFFD0] =	vst v4;
	v4 =	vld [tilespmem:s5+$0x820]  }
0x4a6: {  	v9 =	vld [tilespmem:s11+$0x7C0];
	v5 =	vpack.i.f32.bf16 v7, v5  }
0x4a7: {  	v7 =	vld [tilespmem:s11+$0xFFFFFFC0];
	[tilespmem:s1+$0xFFFFFFF0] =	vst v5;
	s1 =	smov.u32 s2  }
0x4a8: {  	s6 =	sadd.s32 $0x2, s6;
	s2 =	sadd.s32 $0x80, s2;
	v5 =	vpack.i.f32.bf16 v6, v11;
	v10 =	vld [tilespmem:s5+$0xFFFFFFE0]  }
0x4a9: {  	p2 =	slt.u32 s6, $0x1E;
	[tilespmem:s2+$0x0] =	vst v5;
	v5 =	vld [tilespmem:s5+$0x7E0]  }
0x4aa: {  	v11 =	vld [tilespmem:s11+$0x10];
	v4 =	vpack.i.f32.bf16 v4, v8  }
0x4ab: {  	v12 =	vld [tilespmem:s11+$0x810];
	[tilespmem:s1+$0x20] =	vst v4  }
0x4ac: {  	v6 =	vpack.i.f32.bf16 v9, v7;
	v4 =	vld [tilespmem:s5+$0x30]  }
.Ltmp16:
0x4ad: {  	[tilespmem:s2+$0xFFFFFFC0] =	vst v6;
	v6 =	vld [tilespmem:s5+$0x830];
	(pc) =	sbr.rel @p2 .LBB2_35-.Ltmp16, $4  }
0x4ae: {  	v8 =	vld [tilespmem:s11+$0xFFFFFFD0];
	v5 =	vpack.i.f32.bf16 v5, v10  }
0x4af: {  	v9 =	vld [tilespmem:s11+$0x7D0];
	[tilespmem:s1+$0xFFFFFFE0] =	vst v5  }
0x4b0: {  	v5 =	vld [tilespmem:s5+$0xFFFFFFF0]  }
0x4b1: {  	v10 =	vpack.i.f32.bf16 v12, v11;
	v7 =	vld [tilespmem:s5+$0x7F0];
	s5 =	smov.u32 s11;
	s11 =	sadd.s32 $0x80, s11  }
0x4b2: {  	_ = 	snop  }
0x4b3: {  	[tilespmem:s2+$0x10] =	vst v10  }
0x4b4: {  	v58 =	vld [tilespmem:s5+$0x20];
	v8 =	vpack.i.f32.bf16 v9, v8  }
0x4b5: {  	v59 =	vld [tilespmem:s5+$0x820];
	[tilespmem:s2+$0xFFFFFFD0] =	vst v8  }
0x4b6: {  	v60 =	vld [tilespmem:s5+$0xFFFFFFE0]  }
0x4b7: {  	v11 =	vld [tilespmem:s5+$0x7E0];
	_ =	sdelay $0x2  }
0x4b8: {  	v8 =	vpack.i.f32.bf16 v59, v58  }
0x4b9: {  	[tilespmem:s2+$0x20] =	vst v8  }
0x4ba: {  	v8 =	vld [tilespmem:s5+$0x30];
	v61 =	vpack.i.f32.bf16 v11, v60  }
0x4bb: {  	v62 =	vld [tilespmem:s5+$0x830];
	[tilespmem:s2+$0xFFFFFFE0] =	vst v61  }
0x4bc: {  	v9 =	vld [tilespmem:s5+$0xFFFFFFF0]  }
0x4bd: {  	v63 =	vld [tilespmem:s5+$0x7F0];
	_ =	sdelay $0x1  }
0x4be: {  	v4 =	vpack.i.f32.bf16 v6, v4  }
0x4bf: {  	[tilespmem:s1+$0x30] =	vst v4;
	v4 =	vpack.i.f32.bf16 v7, v5  }
0x4c0: {  	[tilespmem:s1+$0xFFFFFFF0] =	vst v4;
	v4 =	vpack.i.f32.bf16 v62, v8  }
0x4c1: {  	[tilespmem:s2+$0x30] =	vst v4;
	v4 =	vpack.i.f32.bf16 v63, v9  }
0x4c2: {  	s28 =	simm.s32 $0x5;
	[tilespmem:s2+$0xFFFFFFF0] =	vst v4  }
0x4c3: {  	_ =	swait.ge [sflag:s28], $0x4000  }
0x4c4: {  	[sflag:s28] =	ssyncset.done $0x0  }
0x4c5: {  	[sflag:s28] =	ssyncadd.s32 $0xFFFFC000  }
0x4c6: {  	_ =	swait.ge [sflag:s18], $0x4000  }
0x4c7: {  	s6 =	simm.s32 $0x4020;
	[sflag:s18] =	ssyncset.done $0x0  }
0x4c8: {  	s5 =	simm.s32 $0xC020;
	s2 =	simm.s32 $0x0;
	[sflag:s18] =	ssyncadd.s32 $0xFFFFC000  }
.LBB2_37:
0x4c9: {  	v4 =	vld [tilespmem:s6+$0x10];
	_ =	sdelay $0x2  }
0x4ca: {  	s1 =	simm.s32 $0x14020;
	v5 =	vld [tilespmem:s6+$0xFFFFFFE0]  }
0x4cb: {  	v6 =	vld [tilespmem:s1+$0x10]  }
0x4cc: {  	v4 =	vmul.f32 $2.550000000e+02, v4  }
0x4cd: {  	v7 =	vld [tilespmem:s6+$0xFFFFFFF0]  }
0x4ce: {  	v9 =	vld [tilespmem:s6+$0x0];
	v4 =	vtrunc.f32 v4  }
0x4cf: {  	v8 =	vld [tilespmem:s1+$0xFFFFFFE0];
	v4 =	vcvt.f32.s32 v4  }
0x4d0: {  	v5 =	vmul.f32 $2.550000000e+02, v5;
	v10 =	vand.u32 $0xFFFF, v6  }
0x4d1: {  	v6 =	vshrl.u32 v6, $0x10;
	v10 =	vadd.s32 v4, v10  }
0x4d2: {  	v11 =	vld [tilespmem:s1+$0xFFFFFFF0];
	v5 =	vtrunc.f32 v5;
	v4 =	vadd.s32 v4, v6  }
0x4d3: {  	s11 =	scvt.s32.f32 s2;
	v12 =	vld [tilespmem:s1+$0x0];
	v5 =	vcvt.f32.s32 v5;
	v6 =	vmul.f32 $2.550000000e+02, v7  }
0x4d4: {  	v9 =	vmul.f32 $2.550000000e+02, v9;
	v7 =	vand.u32 $0xFFFF, v8  }
0x4d5: {  	s15 =	ssub.f32 $6.300000000e+01, s11;
	v7 =	vadd.s32 v5, v7;
	v6 =	vtrunc.f32 v6  }
0x4d6: {  	v9 =	vtrunc.f32 v9;
	v8 =	vshrl.u32 v8, $0x10;
	v6 =	vcvt.f32.s32 v6;
	v10 =	vld.idx.msk [tilespmem:v10+s25+$0x0], $0xffff  }
0x4d7: {  	s1 =	smul.f32 $1.587301680e-02, s15;
	v13 =	vand.u32 $0xFFFF, v11;
	v9 =	vcvt.f32.s32 v9;
	v8 =	vadd.s32 v5, v8;
	v14 =	vld.idx.msk [tilespmem:v4+s25+$0x0], $0xffff  }
0x4d8: {  	s13 =	simm.s32 $0x14220;
	v5 =	vand.u32 $0xFFFF, v12;
	v4 =	vshrl.u32 v11, $0x10;
	v11 =	vadd.s32 v6, v13  }
0x4d9: {  	v15 =	vld [tilespmem:s13+$0x10];
	s20 =	ssub.f32 $1.000000000e+00, s1;
	v12 =	vshrl.u32 v12, $0x10;
	v13 =	vadd.s32 v9, v5  }
0x4da: {  	v9 =	vadd.s32 v9, v12;
	v7 =	vld.idx.msk [tilespmem:v7+s25+$0x0], $0xffff  }
0x4db: {  	v5 =	vmov s20;
	v6 =	vadd.s32 v6, v4;
	v4 =	vmov s1  }
0x4dc: {  	v8 =	vld.idx.msk [tilespmem:v8+s25+$0x0], $0xffff;
	v12 =	vunpack.i.u.bf16.f32 v10;
	v10 =	vunpack.i.l.bf16.f32 v10;
	v16 =	vunpack.i.u.bf16.f32 v14  }
0x4dd: {  	v11 =	vld.idx.msk [tilespmem:v11+s25+$0x0], $0xffff;
	v14 =	vunpack.i.l.bf16.f32 v14;
	v10 =	vmul.f32 v10, v4;
	v12 =	vmul.f32 v12, v5  }
0x4de: {  	v13 =	vld.idx.msk [tilespmem:v13+s25+$0x0], $0xffff;
	v14 =	vmul.f32 v14, v4;
	v16 =	vmul.f32 v16, v5  }
0x4df: {  	v18 =	vsub.f32 $1.000000000e+00, v15;
	v9 =	vld.idx.msk [tilespmem:v9+s25+$0x0], $0xffff;
	v17 =	vunpack.i.u.bf16.f32 v7;
	v7 =	vunpack.i.l.bf16.f32 v7  }
0x4e0: {  	v6 =	vld.idx.msk [tilespmem:v6+s25+$0x0], $0xffff;
	v7 =	vmul.f32 v7, v4;
	v10 =	vadd.f32 v10, v12;
	v12 =	vadd.f32 v14, v16  }
0x4e1: {  	s26 =	sadd.s32 $0x40, s6;
	v14 =	vunpack.i.u.bf16.f32 v8;
	v16 =	vmul.f32 v17, v5;
	v8 =	vunpack.i.l.bf16.f32 v8  }
0x4e2: {  	v20 =	vld [tilespmem:s26+$0x10];
	v8 =	vmul.f32 v8, v4;
	v14 =	vmul.f32 v14, v5  }
0x4e3: {  	v10 =	vmul.f32 v15, v10;
	v12 =	vmul.f32 v12, v18;
	v18 =	vunpack.i.u.bf16.f32 v11  }
0x4e4: {  	v17 =	vld [tilespmem:s13+$0xFFFFFFE0];
	v11 =	vunpack.i.l.bf16.f32 v11;
	v21 =	vunpack.i.u.bf16.f32 v13;
	v22 =	vunpack.i.u.bf16.f32 v9  }
0x4e5: {  	v9 =	vunpack.i.l.bf16.f32 v9;
	v7 =	vadd.f32 v7, v16;
	v19 =	vunpack.i.u.bf16.f32 v6  }
0x4e6: {  	v61 =	vld [tilespmem:s13+$0x0];
	v6 =	vunpack.i.l.bf16.f32 v6;
	v11 =	vmul.f32 v11, v4;
	v18 =	vmul.f32 v18, v5  }
0x4e7: {  	v23 =	vld [tilespmem:s26+$0x0];
	s11 =	simm.s32 $0x14060;
	v8 =	vadd.f32 v8, v14;
	v14 =	vmul.f32 $2.550000000e+02, v20;
	v9 =	vmul.f32 v9, v4  }
0x4e8: {  	v25 =	vld [tilespmem:s11+$0x10];
	v22 =	vmul.f32 v22, v5;
	v10 =	vadd.f32 v12, v10;
	v12 =	vunpack.i.l.bf16.f32 v13  }
0x4e9: {  	v16 =	vld [tilespmem:s26+$0xFFFFFFE0];
	v6 =	vmul.f32 v6, v4;
	v19 =	vmul.f32 v19, v5;
	v24 =	vsub.f32 $1.000000000e+00, v17  }
0x4ea: {  	v15 =	vld [tilespmem:s13+$0xFFFFFFF0];
	v12 =	vmul.f32 v12, v4;
	v11 =	vadd.f32 v11, v18;
	v18 =	vmul.f32 v21, v5  }
0x4eb: {  	v14 =	vtrunc.f32 v14;
	v7 =	vmul.f32 v17, v7;
	v17 =	vsub.f32 $1.000000000e+00, v61  }
0x4ec: {  	v13 =	vld [tilespmem:s26+$0xFFFFFFF0];
	v9 =	vadd.f32 v9, v22;
	v6 =	vadd.f32 v6, v19;
	v14 =	vcvt.f32.s32 v14  }
0x4ed: {  	v20 =	vld [tilespmem:s11+$0xFFFFFFE0];
	v19 =	vmul.f32 $2.550000000e+02, v23;
	v12 =	vadd.f32 v12, v18;
	v18 =	vand.u32 $0xFFFF, v25  }
0x4ee: {  	v16 =	vmul.f32 $2.550000000e+02, v16;
	v25 =	vshrl.u32 v25, $0x10;
	v18 =	vadd.s32 v14, v18  }
0x4ef: {  	v8 =	vmul.f32 v8, v24;
	v11 =	vmul.f32 v15, v11;
	v14 =	vadd.s32 v14, v25  }
0x4f0: {  	v21 =	vld [tilespmem:s11+$0xFFFFFFF0];
	v9 =	vmul.f32 v9, v17;
	v16 =	vtrunc.f32 v16  }
0x4f1: {  	v26 =	vld [tilespmem:s11+$0x0];
	v23 =	vsub.f32 $1.000000000e+00, v15;
	v13 =	vmul.f32 $2.550000000e+02, v13;
	v16 =	vcvt.f32.s32 v16  }
0x4f2: {  	v19 =	vtrunc.f32 v19;
	v27 =	vand.u32 $0xFFFF, v20;
	v20 =	vshrl.u32 v20, $0x10  }
0x4f3: {  	v19 =	vcvt.f32.s32 v19;
	v13 =	vtrunc.f32 v13;
	v27 =	vadd.s32 v16, v27;
	v18 =	vld.idx.msk [tilespmem:v18+s25+$0x0], $0xffff  }
0x4f4: {  	v6 =	vmul.f32 v6, v23;
	v13 =	vcvt.f32.s32 v13;
	v16 =	vadd.s32 v16, v20;
	v14 =	vld.idx.msk [tilespmem:v14+s25+$0x0], $0xffff  }
0x4f5: {  	v7 =	vadd.f32 v8, v7;
	v12 =	vmul.f32 v61, v12;
	v28 =	vand.u32 $0xFFFF, v21  }
0x4f6: {  	s13 =	simm.s32 $0x14260;
	v21 =	vshrl.u32 v21, $0x10;
	v20 =	vand.u32 $0xFFFF, v26;
	v28 =	vadd.s32 v13, v28  }
0x4f7: {  	v26 =	vshrl.u32 v26, $0x10;
	v8 =	vadd.s32 v19, v20;
	v20 =	vld [tilespmem:s13+$0x10];
	v13 =	vadd.s32 v13, v21  }
0x4f8: {  	v6 =	vadd.f32 v6, v11;
	v23 =	vmul.f32 $3.921568860e-03, v7;
	v19 =	vadd.s32 v19, v26;
	v15 =	vld.idx.msk [tilespmem:v27+s25+$0x0], $0xffff  }
0x4f9: {  	v16 =	vld.idx.msk [tilespmem:v16+s25+$0x0], $0xffff;
	v7 =	vunpack.i.u.bf16.f32 v18;
	v11 =	vunpack.i.l.bf16.f32 v18;
	v17 =	vunpack.i.u.bf16.f32 v14  }
0x4fa: {  	v14 =	vunpack.i.l.bf16.f32 v14;
	v21 =	vmul.f32 v11, v4;
	v22 =	vmul.f32 v7, v5  }
0x4fb: {  	v18 =	vld.idx.msk [tilespmem:v28+s25+$0x0], $0xffff;
	v14 =	vmul.f32 v14, v4;
	v17 =	vmul.f32 v17, v5  }
0x4fc: {  	v63 =	vsub.f32 $1.000000000e+00, v20;
	v62 =	vld.idx.msk [tilespmem:v13+s25+$0x0], $0xffff;
	v7 =	vadd.f32 v9, v12  }
0x4fd: {  	v10 =	vmul.f32 $3.921568860e-03, v10;
	v11 =	vld.idx.msk [tilespmem:v8+s25+$0x0], $0xffff;
	v21 =	vadd.f32 v21, v22;
	v22 =	vadd.f32 v14, v17  }
0x4fe: {  	v13 =	vld.idx.msk [tilespmem:v19+s25+$0x0], $0xffff;
	v9 =	vunpack.i.u.bf16.f32 v15;
	v8 =	vunpack.i.l.bf16.f32 v15;
	v14 =	vunpack.i.u.bf16.f32 v16  }
0x4ff: {  	[tilespmem:s5+$0x10] =	vst v10;
	v10 =	vld [tilespmem:s13+$0x0];
	v19 =	vunpack.i.l.bf16.f32 v16;
	v12 =	vmul.f32 v8, v4;
	v17 =	vmul.f32 v9, v5  }
0x500: {  	s28 =	smov.u32 s5;
	v8 =	vld [tilespmem:s13+$0xFFFFFFE0];
	v21 =	vmul.f32 v20, v21;
	v22 =	vmul.f32 v22, v63;
	v15 =	vunpack.i.u.bf16.f32 v18  }
0x501: {  	s15 =	simm.s32 $0x4;
	s20 =	sadd.s32 $0x40, s26;
	s26 =	smov.u32 s5;
	[tilespmem:s5+$0xFFFFFFE0] =	vst v23;
	v9 =	vld [tilespmem:s13+$0xFFFFFFF0];
	v20 =	vunpack.i.l.bf16.f32 v18;
	v16 =	vunpack.i.u.bf16.f32 v62;
	v18 =	vunpack.i.l.bf16.f32 v62  }
.LBB2_38:
0x502: {  	v23 =	vld [tilespmem:s20+$0x10];
	v24 =	vunpack.i.u.bf16.f32 v11;
	v11 =	vunpack.i.l.bf16.f32 v11;
	v21 =	vadd.f32 v22, v21  }
0x503: {  	v19 =	vmul.f32 v19, v4;
	v25 =	vunpack.i.u.bf16.f32 v13;
	v13 =	vunpack.i.l.bf16.f32 v13;
	v22 =	vld [tilespmem:s20+$0xFFFFFFF0]  }
0x504: {  	s15 =	sadd.s32 $0x4, s15;
	v12 =	vadd.f32 v12, v17;
	v14 =	vmul.f32 v14, v5;
	v26 =	vld [tilespmem:s20+$0x0];
	v17 =	vmul.f32 $3.921568860e-03, v21  }
0x505: {  	v20 =	vmul.f32 v20, v4;
	v15 =	vmul.f32 v15, v5;
	s11 =	sadd.s32 $0x40, s11;
	s28 =	sadd.s32 $0x40, s28;
	p2 =	slt.u32 s15, $0x1C;
	v27 =	vsub.f32 $1.000000000e+00, v8;
	v21 =	vld [tilespmem:s20+$0xFFFFFFE0]  }
0x506: {  	v18 =	vmul.f32 v18, v4;
	v16 =	vmul.f32 v16, v5;
	v14 =	vadd.f32 v19, v14;
	v28 =	vld [tilespmem:s11+$0x10];
	[tilespmem:s28+$0x10] =	vst v17  }
0x507: {  	v11 =	vmul.f32 v11, v4;
	v15 =	vadd.f32 v20, v15;
	v17 =	vld [tilespmem:s11+$0xFFFFFFE0];
	v19 =	vmul.f32 $2.550000000e+02, v23  }
0x508: {  	v16 =	vadd.f32 v18, v16;
	v18 =	vmul.f32 v24, v5;
	v20 =	vmul.f32 $2.550000000e+02, v22;
	v22 =	vld [tilespmem:s11+$0xFFFFFFF0]  }
0x509: {  	v23 =	vmul.f32 $2.550000000e+02, v26;
	v24 =	vld [tilespmem:s11+$0x0];
	v19 =	vtrunc.f32 v19;
	v26 =	vsub.f32 $1.000000000e+00, v9  }
0x50a: {  	v11 =	vadd.f32 v11, v18;
	v21 =	vmul.f32 $2.550000000e+02, v21;
	v19 =	vcvt.f32.s32 v19  }
0x50b: {  	v18 =	vtrunc.f32 v20;
	v20 =	vtrunc.f32 v23;
	v23 =	vand.u32 $0xFFFF, v28  }
0x50c: {  	v28 =	vshrl.u32 v28, $0x10;
	v21 =	vtrunc.f32 v21;
	v23 =	vadd.s32 v19, v23  }
0x50d: {  	v18 =	vcvt.f32.s32 v18;
	v19 =	vadd.s32 v19, v28;
	v21 =	vcvt.f32.s32 v21  }
0x50e: {  	v28 =	vand.u32 $0xFFFF, v17;
	v17 =	vshrl.u32 v17, $0x10;
	v20 =	vcvt.f32.s32 v20  }
0x50f: {  	v29 =	vand.u32 $0xFFFF, v22;
	v22 =	vshrl.u32 v22, $0x10;
	v30 =	vand.u32 $0xFFFF, v24  }
0x510: {  	v28 =	vadd.s32 v21, v28;
	v17 =	vadd.s32 v21, v17;
	v21 =	vshrl.u32 v24, $0x10  }
0x511: {  	v24 =	vadd.s32 v18, v29;
	v18 =	vadd.s32 v18, v22;
	v22 =	vadd.s32 v20, v30;
	v23 =	vld.idx.msk [tilespmem:v23+s25+$0x0], $0xffff  }
0x512: {  	v13 =	vmul.f32 v13, v4;
	v20 =	vadd.s32 v20, v21;
	v21 =	vmul.f32 v25, v5;
	v19 =	vld.idx.msk [tilespmem:v19+s25+$0x0], $0xffff  }
0x513: {  	v8 =	vmul.f32 v8, v12;
	v12 =	vmul.f32 v14, v27;
	v14 =	vsub.f32 $1.000000000e+00, v10  }
0x514: {  	v9 =	vmul.f32 v9, v15;
	v15 =	vmul.f32 v16, v26;
	v13 =	vadd.f32 v13, v21  }
0x515: {  	s13 =	sadd.s32 $0x40, s13;
	v8 =	vadd.f32 v12, v8;
	v10 =	vmul.f32 v10, v11;
	v11 =	vmul.f32 $3.921568860e-03, v6;
	v16 =	vld.idx.msk [tilespmem:v28+s25+$0x0], $0xffff  }
0x516: {  	v7 =	vmul.f32 $3.921568860e-03, v7;
	v6 =	vadd.f32 v15, v9;
	v9 =	vmul.f32 v13, v14;
	v21 =	vld [tilespmem:s13+$0x10]  }
0x517: {  	v8 =	vmul.f32 $3.921568860e-03, v8;
	v15 =	vld.idx.msk [tilespmem:v17+s25+$0x0], $0xffff;
	[tilespmem:s26+$0xFFFFFFF0] =	vst v11  }
0x518: {  	v12 =	vunpack.i.l.bf16.f32 v23;
	v11 =	vunpack.i.u.bf16.f32 v23;
	v13 =	vunpack.i.u.bf16.f32 v19;
	v24 =	vld.idx.msk [tilespmem:v24+s25+$0x0], $0xffff;
	[tilespmem:s26+$0x0] =	vst v7;
	s26 =	smov.u32 s28  }
0x519: {  	v14 =	vmul.f32 v12, v4;
	v7 =	vunpack.i.l.bf16.f32 v19;
	v17 =	vmul.f32 v11, v5;
	v18 =	vld.idx.msk [tilespmem:v18+s25+$0x0], $0xffff;
	[tilespmem:s28+$0xFFFFFFE0] =	vst v8  }
0x51a: {  	v19 =	vmul.f32 v7, v4;
	v7 =	vadd.f32 v9, v10;
	v11 =	vld.idx.msk [tilespmem:v22+s25+$0x0], $0xffff;
	v22 =	vmul.f32 v13, v5  }
.Ltmp17:
0x51b: {  	v9 =	vunpack.i.u.bf16.f32 v16;
	v10 =	vunpack.i.l.bf16.f32 v16;
	v13 =	vld.idx.msk [tilespmem:v20+s25+$0x0], $0xffff;
	v16 =	vsub.f32 $1.000000000e+00, v21;
	(pc) =	sbr.rel @p2 .LBB2_38-.Ltmp17, $4  }
0x51c: {  	v12 =	vmul.f32 v10, v4;
	v20 =	vadd.f32 v14, v17;
	v8 =	vld [tilespmem:s13+$0xFFFFFFE0];
	v22 =	vadd.f32 v19, v22  }
0x51d: {  	v17 =	vmul.f32 v9, v5;
	v14 =	vunpack.i.u.bf16.f32 v15;
	v19 =	vunpack.i.l.bf16.f32 v15;
	v9 =	vld [tilespmem:s13+$0xFFFFFFF0]  }
0x51e: {  	v15 =	vunpack.i.u.bf16.f32 v24;
	v21 =	vmul.f32 v21, v20;
	v10 =	vld [tilespmem:s13+$0x0];
	v22 =	vmul.f32 v22, v16  }
0x51f: {  	s20 =	sadd.s32 $0x40, s20;
	v20 =	vunpack.i.l.bf16.f32 v24;
	v16 =	vunpack.i.u.bf16.f32 v18;
	v18 =	vunpack.i.l.bf16.f32 v18  }
0x520: {  	v23 =	vunpack.i.u.bf16.f32 v11;
	v52 =	vunpack.i.l.bf16.f32 v11;
	v19 =	vmul.f32 v19, v4  }
0x521: {  	v53 =	vunpack.i.u.bf16.f32 v13;
	v14 =	vmul.f32 v14, v5;
	v55 =	vmul.f32 v20, v4  }
0x522: {  	v54 =	vunpack.i.l.bf16.f32 v13;
	v15 =	vmul.f32 v15, v5;
	v18 =	vmul.f32 v18, v4  }
0x523: {  	v12 =	vadd.f32 v12, v17;
	v16 =	vmul.f32 v16, v5;
	v6 =	vmul.f32 $3.921568860e-03, v6  }
0x524: {  	v7 =	vmul.f32 $3.921568860e-03, v7;
	v56 =	vsub.f32 $1.000000000e+00, v8;
	v11 =	vmul.f32 v52, v4  }
0x525: {  	v57 =	vmul.f32 v23, v5;
	v4 =	vmul.f32 v54, v4;
	v14 =	vadd.f32 v19, v14  }
0x526: {  	v5 =	vmul.f32 v53, v5;
	v15 =	vadd.f32 v55, v15;
	v16 =	vadd.f32 v18, v16  }
0x527: {  	v58 =	vsub.f32 $1.000000000e+00, v9;
	v59 =	vmul.f32 v8, v12;
	v11 =	vadd.f32 v11, v57  }
0x528: {  	v61 =	vsub.f32 $1.000000000e+00, v10;
	v4 =	vadd.f32 v4, v5;
	v60 =	vmul.f32 v14, v56  }
0x529: {  	v21 =	vadd.f32 v22, v21;
	v62 =	vmul.f32 v9, v15;
	v5 =	vmul.f32 v16, v58  }
0x52a: {  	s2 =	sadd.s32 $0x1, s2;
	v63 =	vmul.f32 v10, v11;
	v4 =	vmul.f32 v4, v61;
	v8 =	vadd.f32 v60, v59  }
0x52b: {  	p2 =	sne.s32 s2, $0x20;
	v21 =	vmul.f32 $3.921568860e-03, v21;
	[tilespmem:s26+$0xFFFFFFF0] =	vst v6;
	v5 =	vadd.f32 v5, v62  }
.Ltmp18:
0x52c: {  	s1 =	sadd.s32 $0x40, s28;
	[tilespmem:s26+$0x0] =	vst v7;
	v4 =	vadd.f32 v4, v63;
	v8 =	vmul.f32 $3.921568860e-03, v8;
	(pc) =	sbr.rel @p2 .LBB2_37-.Ltmp18, $4  }
0x52d: {  	[tilespmem:s1+$0x10] =	vst v21;
	v5 =	vmul.f32 $3.921568860e-03, v5  }
0x52e: {  	v4 =	vmul.f32 $3.921568860e-03, v4;
	[tilespmem:s1+$0xFFFFFFE0] =	vst v8  }
0x52f: {  	[tilespmem:s1+$0xFFFFFFF0] =	vst v5  }
0x530: {  	s5 =	sadd.s32 $0x200, s5;
	s6 =	sadd.s32 $0x200, s6;
	[tilespmem:s1+$0x0] =	vst v4  }
0x531: {  	s1 =	sadd.s32 s9, s19;
	s2 =	simm.s32 $0xC000;
	s19 =	sor.u32 $0x2800, s23  }
0x532: {  	[hbm4b:s1+s4] =	stream.linear.scatter [tilespmem:s2], [sflag:$0x5], $0x4000, $0x38;
	[tilespmem:$0x1A400] =	vst v63  }
0x533: {  	s28 =	sadd.s32 s16, s19  }
0x534: {  	[tilespmem:s30], [sflag:$0x2] =	stream.linear.gather [hbm4b:s28+s4], $0x4000, $0x38;
	[tilespmem:$0x1A400] =	vst v63  }
0x535: {  	v4 =	vld [tilespmem:s12+$0x0]  }
0x536: {  	v5 =	vld [tilespmem:s12+$0x800];
	_ =	sdelay $0x2  }
0x537: {  	v6 =	vld [tilespmem:s12+$0x7C0]  }
0x538: {  	v7 =	vld [tilespmem:s12+$0xFFFFFFC0]  }
0x539: {  	s1 =	simm.s32 $0x13840;
	v4 =	vpack.i.f32.bf16 v5, v4  }
0x53a: {  	[tilespmem:s1+$0x0] =	vst v4  }
0x53b: {  	v4 =	vld [tilespmem:s12+$0x10]  }
0x53c: {  	v5 =	vld [tilespmem:s12+$0x810]  }
0x53d: {  	v6 =	vpack.i.f32.bf16 v6, v7  }
0x53e: {  	[tilespmem:s1+$0xFFFFFFC0] =	vst v6  }
0x53f: {  	v6 =	vld [tilespmem:s12+$0xFFFFFFD0]  }
0x540: {  	v7 =	vld [tilespmem:s12+$0x7D0]  }
0x541: {  	v4 =	vpack.i.f32.bf16 v5, v4;
	v5 =	vld [tilespmem:s24+$0x0]  }
0x542: {  	[tilespmem:s1+$0x10] =	vst v4;
	v4 =	vld [tilespmem:s24+$0x800]  }
0x543: {  	v8 =	vld [tilespmem:s12+$0x20]  }
0x544: {  	v9 =	vld [tilespmem:s12+$0x820]  }
0x545: {  	v6 =	vpack.i.f32.bf16 v7, v6;
	v7 =	vld [tilespmem:s24+$0x7C0]  }
0x546: {  	[tilespmem:s1+$0xFFFFFFD0] =	vst v6;
	v6 =	vld [tilespmem:s24+$0xFFFFFFC0]  }
0x547: {  	s2 =	simm.s32 $0x138C0;
	v10 =	vld [tilespmem:s12+$0x7E0];
	v4 =	vpack.i.f32.bf16 v4, v5  }
0x548: {  	v5 =	vld [tilespmem:s12+$0xFFFFFFE0];
	[tilespmem:s2+$0x0] =	vst v4  }
0x549: {  	v4 =	vpack.i.f32.bf16 v9, v8;
	v11 =	vld [tilespmem:s24+$0x10]  }
0x54a: {  	v12 =	vld [tilespmem:s24+$0x810];
	[tilespmem:s1+$0x20] =	vst v4  }
0x54b: {  	v6 =	vpack.i.f32.bf16 v7, v6;
	v4 =	vld [tilespmem:s12+$0x30]  }
0x54c: {  	[tilespmem:s2+$0xFFFFFFC0] =	vst v6;
	v6 =	vld [tilespmem:s12+$0x830]  }
0x54d: {  	v8 =	vld [tilespmem:s24+$0xFFFFFFD0];
	v5 =	vpack.i.f32.bf16 v10, v5  }
0x54e: {  	v9 =	vld [tilespmem:s24+$0x7D0];
	[tilespmem:s1+$0xFFFFFFE0] =	vst v5  }
0x54f: {  	v5 =	vld [tilespmem:s12+$0xFFFFFFF0]  }
0x550: {  	s5 =	simm.s32 $0x2;
	s6 =	sadd.s32 $0x80, s24;
	v10 =	vpack.i.f32.bf16 v12, v11;
	v7 =	vld [tilespmem:s12+$0x7F0]  }
.LBB2_41:
0x551: {  	v11 =	vld [tilespmem:s6+$0x0];
	[tilespmem:s2+$0x10] =	vst v10;
	v4 =	vpack.i.f32.bf16 v6, v4  }
0x552: {  	v6 =	vld [tilespmem:s6+$0x800];
	[tilespmem:s1+$0x30] =	vst v4  }
0x553: {  	v4 =	vpack.i.f32.bf16 v9, v8;
	v8 =	vld [tilespmem:s24+$0x20]  }
0x554: {  	[tilespmem:s2+$0xFFFFFFD0] =	vst v4;
	v4 =	vld [tilespmem:s24+$0x820]  }
0x555: {  	v9 =	vld [tilespmem:s6+$0x7C0];
	v5 =	vpack.i.f32.bf16 v7, v5  }
0x556: {  	v7 =	vld [tilespmem:s6+$0xFFFFFFC0];
	[tilespmem:s1+$0xFFFFFFF0] =	vst v5;
	s1 =	smov.u32 s2  }
0x557: {  	s5 =	sadd.s32 $0x2, s5;
	s2 =	sadd.s32 $0x80, s2;
	v5 =	vpack.i.f32.bf16 v6, v11;
	v10 =	vld [tilespmem:s24+$0xFFFFFFE0]  }
0x558: {  	p2 =	slt.u32 s5, $0x1E;
	[tilespmem:s2+$0x0] =	vst v5;
	v5 =	vld [tilespmem:s24+$0x7E0]  }
0x559: {  	v11 =	vld [tilespmem:s6+$0x10];
	v4 =	vpack.i.f32.bf16 v4, v8  }
0x55a: {  	v12 =	vld [tilespmem:s6+$0x810];
	[tilespmem:s1+$0x20] =	vst v4  }
0x55b: {  	v6 =	vpack.i.f32.bf16 v9, v7;
	v4 =	vld [tilespmem:s24+$0x30]  }
.Ltmp19:
0x55c: {  	[tilespmem:s2+$0xFFFFFFC0] =	vst v6;
	v6 =	vld [tilespmem:s24+$0x830];
	(pc) =	sbr.rel @p2 .LBB2_41-.Ltmp19, $4  }
0x55d: {  	v8 =	vld [tilespmem:s6+$0xFFFFFFD0];
	v5 =	vpack.i.f32.bf16 v5, v10  }
0x55e: {  	v9 =	vld [tilespmem:s6+$0x7D0];
	[tilespmem:s1+$0xFFFFFFE0] =	vst v5  }
0x55f: {  	v5 =	vld [tilespmem:s24+$0xFFFFFFF0]  }
0x560: {  	v10 =	vpack.i.f32.bf16 v12, v11;
	v7 =	vld [tilespmem:s24+$0x7F0];
	s24 =	smov.u32 s6;
	s6 =	sadd.s32 $0x80, s6  }
0x561: {  	_ = 	snop  }
0x562: {  	[tilespmem:s2+$0x10] =	vst v10  }
0x563: {  	v58 =	vld [tilespmem:s24+$0x20];
	v8 =	vpack.i.f32.bf16 v9, v8  }
0x564: {  	v59 =	vld [tilespmem:s24+$0x820];
	[tilespmem:s2+$0xFFFFFFD0] =	vst v8  }
0x565: {  	v60 =	vld [tilespmem:s24+$0xFFFFFFE0]  }
0x566: {  	v11 =	vld [tilespmem:s24+$0x7E0];
	_ =	sdelay $0x2  }
0x567: {  	v8 =	vpack.i.f32.bf16 v59, v58  }
0x568: {  	[tilespmem:s2+$0x20] =	vst v8  }
0x569: {  	v8 =	vld [tilespmem:s24+$0x30];
	v61 =	vpack.i.f32.bf16 v11, v60  }
0x56a: {  	v62 =	vld [tilespmem:s24+$0x830];
	[tilespmem:s2+$0xFFFFFFE0] =	vst v61  }
0x56b: {  	v9 =	vld [tilespmem:s24+$0xFFFFFFF0]  }
0x56c: {  	v63 =	vld [tilespmem:s24+$0x7F0];
	_ =	sdelay $0x1  }
0x56d: {  	v4 =	vpack.i.f32.bf16 v6, v4  }
0x56e: {  	[tilespmem:s1+$0x30] =	vst v4;
	v4 =	vpack.i.f32.bf16 v7, v5  }
0x56f: {  	[tilespmem:s1+$0xFFFFFFF0] =	vst v4;
	v4 =	vpack.i.f32.bf16 v62, v8  }
0x570: {  	[tilespmem:s2+$0x30] =	vst v4;
	v4 =	vpack.i.f32.bf16 v63, v9  }
0x571: {  	s24 =	simm.s32 $0x4;
	[tilespmem:s2+$0xFFFFFFF0] =	vst v4  }
0x572: {  	_ =	swait.ge [sflag:s24], $0x4000  }
0x573: {  	[sflag:s24] =	ssyncset.done $0x0  }
0x574: {  	s26 =	sshll.u32 s22, $0x6;
	s5 =	simm.s32 $0x1;
	[sflag:s24] =	ssyncadd.s32 $0xFFFFC000  }
0x575: {  	s28 =	sor.u32 $0x80, s8;
	s12 =	simm.s32 $0x0;
	_ =	swait.ge [sflag:s5], $0x4000  }
0x576: {  	s22 =	simm.s32 $0x8020;
	s1 =	ssub.s32 s28, s26;
	[sflag:s5] =	ssyncset.done $0x0  }
0x577: {  	s2 =	sadd.s32 $0xFFFFFFE0, s1;
	[sflag:s5] =	ssyncadd.s32 $0xFFFFC000;
	s5 =	simm.s32 $0x20  }
.LBB2_43:
0x578: {  	v4 =	vld [tilespmem:s5+$0x10];
	_ =	sdelay $0x2  }
0x579: {  	s1 =	simm.s32 $0x14020;
	v5 =	vld [tilespmem:s5+$0xFFFFFFE0]  }
0x57a: {  	v6 =	vld [tilespmem:s1+$0x10]  }
0x57b: {  	v4 =	vmul.f32 $2.550000000e+02, v4  }
0x57c: {  	v7 =	vld [tilespmem:s5+$0xFFFFFFF0]  }
0x57d: {  	v9 =	vld [tilespmem:s5+$0x0];
	v4 =	vtrunc.f32 v4  }
0x57e: {  	v8 =	vld [tilespmem:s1+$0xFFFFFFE0];
	v4 =	vcvt.f32.s32 v4  }
0x57f: {  	v5 =	vmul.f32 $2.550000000e+02, v5;
	v10 =	vand.u32 $0xFFFF, v6  }
0x580: {  	v6 =	vshrl.u32 v6, $0x10;
	v10 =	vadd.s32 v4, v10  }
0x581: {  	s6 =	sadd.s32 s12, s2;
	v11 =	vld [tilespmem:s1+$0xFFFFFFF0];
	v5 =	vtrunc.f32 v5;
	v4 =	vadd.s32 v4, v6  }
0x582: {  	s6 =	scvt.s32.f32 s6;
	v12 =	vld [tilespmem:s1+$0x0];
	v5 =	vcvt.f32.s32 v5;
	v6 =	vmul.f32 $2.550000000e+02, v7  }
0x583: {  	v9 =	vmul.f32 $2.550000000e+02, v9;
	v7 =	vand.u32 $0xFFFF, v8  }
0x584: {  	s24 =	ssub.f32 $6.300000000e+01, s6;
	v7 =	vadd.s32 v5, v7;
	v6 =	vtrunc.f32 v6  }
0x585: {  	v9 =	vtrunc.f32 v9;
	v8 =	vshrl.u32 v8, $0x10;
	v6 =	vcvt.f32.s32 v6;
	v10 =	vld.idx.msk [tilespmem:v10+s25+$0x0], $0xffff  }
0x586: {  	s1 =	smul.f32 $1.587301680e-02, s24;
	v13 =	vand.u32 $0xFFFF, v11;
	v9 =	vcvt.f32.s32 v9;
	v8 =	vadd.s32 v5, v8;
	v14 =	vld.idx.msk [tilespmem:v4+s25+$0x0], $0xffff  }
0x587: {  	s11 =	simm.s32 $0x14220;
	v5 =	vand.u32 $0xFFFF, v12;
	v4 =	vshrl.u32 v11, $0x10;
	v11 =	vadd.s32 v6, v13  }
0x588: {  	v15 =	vld [tilespmem:s11+$0x10];
	s26 =	ssub.f32 $1.000000000e+00, s1;
	v12 =	vshrl.u32 v12, $0x10;
	v13 =	vadd.s32 v9, v5  }
0x589: {  	v9 =	vadd.s32 v9, v12;
	v7 =	vld.idx.msk [tilespmem:v7+s25+$0x0], $0xffff  }
0x58a: {  	v5 =	vmov s26;
	v6 =	vadd.s32 v6, v4;
	v4 =	vmov s1  }
0x58b: {  	v8 =	vld.idx.msk [tilespmem:v8+s25+$0x0], $0xffff;
	v12 =	vunpack.i.u.bf16.f32 v10;
	v10 =	vunpack.i.l.bf16.f32 v10;
	v16 =	vunpack.i.u.bf16.f32 v14  }
0x58c: {  	v11 =	vld.idx.msk [tilespmem:v11+s25+$0x0], $0xffff;
	v14 =	vunpack.i.l.bf16.f32 v14;
	v10 =	vmul.f32 v10, v4;
	v12 =	vmul.f32 v12, v5  }
0x58d: {  	v13 =	vld.idx.msk [tilespmem:v13+s25+$0x0], $0xffff;
	v14 =	vmul.f32 v14, v4;
	v16 =	vmul.f32 v16, v5  }
0x58e: {  	v18 =	vsub.f32 $1.000000000e+00, v15;
	v9 =	vld.idx.msk [tilespmem:v9+s25+$0x0], $0xffff;
	v17 =	vunpack.i.u.bf16.f32 v7;
	v7 =	vunpack.i.l.bf16.f32 v7  }
0x58f: {  	v6 =	vld.idx.msk [tilespmem:v6+s25+$0x0], $0xffff;
	v7 =	vmul.f32 v7, v4;
	v10 =	vadd.f32 v10, v12;
	v12 =	vadd.f32 v14, v16  }
0x590: {  	s28 =	sadd.s32 $0x40, s5;
	v14 =	vunpack.i.u.bf16.f32 v8;
	v16 =	vmul.f32 v17, v5;
	v8 =	vunpack.i.l.bf16.f32 v8  }
0x591: {  	v20 =	vld [tilespmem:s28+$0x10];
	v8 =	vmul.f32 v8, v4;
	v14 =	vmul.f32 v14, v5  }
0x592: {  	v10 =	vmul.f32 v15, v10;
	v12 =	vmul.f32 v12, v18;
	v18 =	vunpack.i.u.bf16.f32 v11  }
0x593: {  	v17 =	vld [tilespmem:s11+$0xFFFFFFE0];
	v11 =	vunpack.i.l.bf16.f32 v11;
	v21 =	vunpack.i.u.bf16.f32 v13;
	v22 =	vunpack.i.u.bf16.f32 v9  }
0x594: {  	v9 =	vunpack.i.l.bf16.f32 v9;
	v7 =	vadd.f32 v7, v16;
	v19 =	vunpack.i.u.bf16.f32 v6  }
0x595: {  	v61 =	vld [tilespmem:s11+$0x0];
	v6 =	vunpack.i.l.bf16.f32 v6;
	v11 =	vmul.f32 v11, v4;
	v18 =	vmul.f32 v18, v5  }
0x596: {  	v23 =	vld [tilespmem:s28+$0x0];
	s6 =	simm.s32 $0x14060;
	v8 =	vadd.f32 v8, v14;
	v14 =	vmul.f32 $2.550000000e+02, v20;
	v9 =	vmul.f32 v9, v4  }
0x597: {  	v25 =	vld [tilespmem:s6+$0x10];
	v22 =	vmul.f32 v22, v5;
	v10 =	vadd.f32 v12, v10;
	v12 =	vunpack.i.l.bf16.f32 v13  }
0x598: {  	v16 =	vld [tilespmem:s28+$0xFFFFFFE0];
	v6 =	vmul.f32 v6, v4;
	v19 =	vmul.f32 v19, v5;
	v24 =	vsub.f32 $1.000000000e+00, v17  }
0x599: {  	v15 =	vld [tilespmem:s11+$0xFFFFFFF0];
	v12 =	vmul.f32 v12, v4;
	v11 =	vadd.f32 v11, v18;
	v18 =	vmul.f32 v21, v5  }
0x59a: {  	v14 =	vtrunc.f32 v14;
	v7 =	vmul.f32 v17, v7;
	v17 =	vsub.f32 $1.000000000e+00, v61  }
0x59b: {  	v13 =	vld [tilespmem:s28+$0xFFFFFFF0];
	v9 =	vadd.f32 v9, v22;
	v6 =	vadd.f32 v6, v19;
	v14 =	vcvt.f32.s32 v14  }
0x59c: {  	v20 =	vld [tilespmem:s6+$0xFFFFFFE0];
	v19 =	vmul.f32 $2.550000000e+02, v23;
	v12 =	vadd.f32 v12, v18;
	v18 =	vand.u32 $0xFFFF, v25  }
0x59d: {  	v16 =	vmul.f32 $2.550000000e+02, v16;
	v25 =	vshrl.u32 v25, $0x10;
	v18 =	vadd.s32 v14, v18  }
0x59e: {  	v8 =	vmul.f32 v8, v24;
	v11 =	vmul.f32 v15, v11;
	v14 =	vadd.s32 v14, v25  }
0x59f: {  	v21 =	vld [tilespmem:s6+$0xFFFFFFF0];
	v9 =	vmul.f32 v9, v17;
	v16 =	vtrunc.f32 v16  }
0x5a0: {  	v26 =	vld [tilespmem:s6+$0x0];
	v23 =	vsub.f32 $1.000000000e+00, v15;
	v13 =	vmul.f32 $2.550000000e+02, v13;
	v16 =	vcvt.f32.s32 v16  }
0x5a1: {  	v19 =	vtrunc.f32 v19;
	v27 =	vand.u32 $0xFFFF, v20;
	v20 =	vshrl.u32 v20, $0x10  }
0x5a2: {  	v19 =	vcvt.f32.s32 v19;
	v13 =	vtrunc.f32 v13;
	v27 =	vadd.s32 v16, v27;
	v18 =	vld.idx.msk [tilespmem:v18+s25+$0x0], $0xffff  }
0x5a3: {  	v6 =	vmul.f32 v6, v23;
	v13 =	vcvt.f32.s32 v13;
	v16 =	vadd.s32 v16, v20;
	v14 =	vld.idx.msk [tilespmem:v14+s25+$0x0], $0xffff  }
0x5a4: {  	v7 =	vadd.f32 v8, v7;
	v12 =	vmul.f32 v61, v12;
	v28 =	vand.u32 $0xFFFF, v21  }
0x5a5: {  	s11 =	simm.s32 $0x14260;
	v21 =	vshrl.u32 v21, $0x10;
	v20 =	vand.u32 $0xFFFF, v26;
	v28 =	vadd.s32 v13, v28  }
0x5a6: {  	v26 =	vshrl.u32 v26, $0x10;
	v8 =	vadd.s32 v19, v20;
	v20 =	vld [tilespmem:s11+$0x10];
	v13 =	vadd.s32 v13, v21  }
0x5a7: {  	v6 =	vadd.f32 v6, v11;
	v23 =	vmul.f32 $3.921568860e-03, v7;
	v19 =	vadd.s32 v19, v26;
	v15 =	vld.idx.msk [tilespmem:v27+s25+$0x0], $0xffff  }
0x5a8: {  	v16 =	vld.idx.msk [tilespmem:v16+s25+$0x0], $0xffff;
	v7 =	vunpack.i.u.bf16.f32 v18;
	v11 =	vunpack.i.l.bf16.f32 v18;
	v17 =	vunpack.i.u.bf16.f32 v14  }
0x5a9: {  	v14 =	vunpack.i.l.bf16.f32 v14;
	v21 =	vmul.f32 v11, v4;
	v22 =	vmul.f32 v7, v5  }
0x5aa: {  	v18 =	vld.idx.msk [tilespmem:v28+s25+$0x0], $0xffff;
	v14 =	vmul.f32 v14, v4;
	v17 =	vmul.f32 v17, v5  }
0x5ab: {  	v63 =	vsub.f32 $1.000000000e+00, v20;
	v62 =	vld.idx.msk [tilespmem:v13+s25+$0x0], $0xffff;
	v7 =	vadd.f32 v9, v12  }
0x5ac: {  	v10 =	vmul.f32 $3.921568860e-03, v10;
	v11 =	vld.idx.msk [tilespmem:v8+s25+$0x0], $0xffff;
	v21 =	vadd.f32 v21, v22;
	v22 =	vadd.f32 v14, v17  }
0x5ad: {  	v13 =	vld.idx.msk [tilespmem:v19+s25+$0x0], $0xffff;
	v9 =	vunpack.i.u.bf16.f32 v15;
	v8 =	vunpack.i.l.bf16.f32 v15;
	v14 =	vunpack.i.u.bf16.f32 v16  }
0x5ae: {  	[tilespmem:s22+$0x10] =	vst v10;
	v10 =	vld [tilespmem:s11+$0x0];
	v19 =	vunpack.i.l.bf16.f32 v16;
	v12 =	vmul.f32 v8, v4;
	v17 =	vmul.f32 v9, v5  }
0x5af: {  	s15 =	simm.s32 $0x4;
	v8 =	vld [tilespmem:s11+$0xFFFFFFE0];
	v21 =	vmul.f32 v20, v21;
	v22 =	vmul.f32 v22, v63;
	v15 =	vunpack.i.u.bf16.f32 v18  }
0x5b0: {  	s13 =	smov.u32 s22;
	s20 =	sadd.s32 $0x40, s28;
	s24 =	smov.u32 s22;
	[tilespmem:s22+$0xFFFFFFE0] =	vst v23;
	v9 =	vld [tilespmem:s11+$0xFFFFFFF0];
	v20 =	vunpack.i.l.bf16.f32 v18;
	v16 =	vunpack.i.u.bf16.f32 v62;
	v18 =	vunpack.i.l.bf16.f32 v62  }
.LBB2_44:
0x5b1: {  	v23 =	vld [tilespmem:s20+$0x10];
	v24 =	vunpack.i.u.bf16.f32 v11;
	v11 =	vunpack.i.l.bf16.f32 v11;
	v21 =	vadd.f32 v22, v21  }
0x5b2: {  	v19 =	vmul.f32 v19, v4;
	v25 =	vunpack.i.u.bf16.f32 v13;
	v13 =	vunpack.i.l.bf16.f32 v13;
	v22 =	vld [tilespmem:s20+$0xFFFFFFF0]  }
0x5b3: {  	s15 =	sadd.s32 $0x4, s15;
	v12 =	vadd.f32 v12, v17;
	v14 =	vmul.f32 v14, v5;
	v26 =	vld [tilespmem:s20+$0x0];
	v17 =	vmul.f32 $3.921568860e-03, v21  }
0x5b4: {  	v20 =	vmul.f32 v20, v4;
	v15 =	vmul.f32 v15, v5;
	s6 =	sadd.s32 $0x40, s6;
	s24 =	sadd.s32 $0x40, s24;
	p2 =	slt.u32 s15, $0x1C;
	v27 =	vsub.f32 $1.000000000e+00, v8;
	v21 =	vld [tilespmem:s20+$0xFFFFFFE0]  }
0x5b5: {  	v18 =	vmul.f32 v18, v4;
	v16 =	vmul.f32 v16, v5;
	v14 =	vadd.f32 v19, v14;
	v28 =	vld [tilespmem:s6+$0x10];
	[tilespmem:s24+$0x10] =	vst v17  }
0x5b6: {  	v11 =	vmul.f32 v11, v4;
	v15 =	vadd.f32 v20, v15;
	v17 =	vld [tilespmem:s6+$0xFFFFFFE0];
	v19 =	vmul.f32 $2.550000000e+02, v23  }
0x5b7: {  	v16 =	vadd.f32 v18, v16;
	v18 =	vmul.f32 v24, v5;
	v20 =	vmul.f32 $2.550000000e+02, v22;
	v22 =	vld [tilespmem:s6+$0xFFFFFFF0]  }
0x5b8: {  	v23 =	vmul.f32 $2.550000000e+02, v26;
	v24 =	vld [tilespmem:s6+$0x0];
	v19 =	vtrunc.f32 v19;
	v26 =	vsub.f32 $1.000000000e+00, v9  }
0x5b9: {  	v11 =	vadd.f32 v11, v18;
	v21 =	vmul.f32 $2.550000000e+02, v21;
	v19 =	vcvt.f32.s32 v19  }
0x5ba: {  	v18 =	vtrunc.f32 v20;
	v20 =	vtrunc.f32 v23;
	v23 =	vand.u32 $0xFFFF, v28  }
0x5bb: {  	v28 =	vshrl.u32 v28, $0x10;
	v21 =	vtrunc.f32 v21;
	v23 =	vadd.s32 v19, v23  }
0x5bc: {  	v18 =	vcvt.f32.s32 v18;
	v19 =	vadd.s32 v19, v28;
	v21 =	vcvt.f32.s32 v21  }
0x5bd: {  	v28 =	vand.u32 $0xFFFF, v17;
	v17 =	vshrl.u32 v17, $0x10;
	v20 =	vcvt.f32.s32 v20  }
0x5be: {  	v29 =	vand.u32 $0xFFFF, v22;
	v22 =	vshrl.u32 v22, $0x10;
	v30 =	vand.u32 $0xFFFF, v24  }
0x5bf: {  	v28 =	vadd.s32 v21, v28;
	v17 =	vadd.s32 v21, v17;
	v21 =	vshrl.u32 v24, $0x10  }
0x5c0: {  	v24 =	vadd.s32 v18, v29;
	v18 =	vadd.s32 v18, v22;
	v22 =	vadd.s32 v20, v30;
	v23 =	vld.idx.msk [tilespmem:v23+s25+$0x0], $0xffff  }
0x5c1: {  	v13 =	vmul.f32 v13, v4;
	v20 =	vadd.s32 v20, v21;
	v21 =	vmul.f32 v25, v5;
	v19 =	vld.idx.msk [tilespmem:v19+s25+$0x0], $0xffff  }
0x5c2: {  	v8 =	vmul.f32 v8, v12;
	v12 =	vmul.f32 v14, v27;
	v14 =	vsub.f32 $1.000000000e+00, v10  }
0x5c3: {  	v9 =	vmul.f32 v9, v15;
	v15 =	vmul.f32 v16, v26;
	v13 =	vadd.f32 v13, v21  }
0x5c4: {  	s11 =	sadd.s32 $0x40, s11;
	v8 =	vadd.f32 v12, v8;
	v10 =	vmul.f32 v10, v11;
	v11 =	vmul.f32 $3.921568860e-03, v6;
	v16 =	vld.idx.msk [tilespmem:v28+s25+$0x0], $0xffff  }
0x5c5: {  	v7 =	vmul.f32 $3.921568860e-03, v7;
	v6 =	vadd.f32 v15, v9;
	v9 =	vmul.f32 v13, v14;
	v21 =	vld [tilespmem:s11+$0x10]  }
0x5c6: {  	v8 =	vmul.f32 $3.921568860e-03, v8;
	v15 =	vld.idx.msk [tilespmem:v17+s25+$0x0], $0xffff;
	[tilespmem:s13+$0xFFFFFFF0] =	vst v11  }
0x5c7: {  	v12 =	vunpack.i.l.bf16.f32 v23;
	v11 =	vunpack.i.u.bf16.f32 v23;
	v13 =	vunpack.i.u.bf16.f32 v19;
	v24 =	vld.idx.msk [tilespmem:v24+s25+$0x0], $0xffff;
	[tilespmem:s13+$0x0] =	vst v7;
	s13 =	smov.u32 s24  }
0x5c8: {  	v14 =	vmul.f32 v12, v4;
	v7 =	vunpack.i.l.bf16.f32 v19;
	v17 =	vmul.f32 v11, v5;
	v18 =	vld.idx.msk [tilespmem:v18+s25+$0x0], $0xffff;
	[tilespmem:s24+$0xFFFFFFE0] =	vst v8  }
0x5c9: {  	v19 =	vmul.f32 v7, v4;
	v7 =	vadd.f32 v9, v10;
	v11 =	vld.idx.msk [tilespmem:v22+s25+$0x0], $0xffff;
	v22 =	vmul.f32 v13, v5  }
.Ltmp20:
0x5ca: {  	v9 =	vunpack.i.u.bf16.f32 v16;
	v10 =	vunpack.i.l.bf16.f32 v16;
	v13 =	vld.idx.msk [tilespmem:v20+s25+$0x0], $0xffff;
	v16 =	vsub.f32 $1.000000000e+00, v21;
	(pc) =	sbr.rel @p2 .LBB2_44-.Ltmp20, $4  }
0x5cb: {  	v12 =	vmul.f32 v10, v4;
	v20 =	vadd.f32 v14, v17;
	v8 =	vld [tilespmem:s11+$0xFFFFFFE0];
	v22 =	vadd.f32 v19, v22  }
0x5cc: {  	v17 =	vmul.f32 v9, v5;
	v14 =	vunpack.i.u.bf16.f32 v15;
	v19 =	vunpack.i.l.bf16.f32 v15;
	v9 =	vld [tilespmem:s11+$0xFFFFFFF0]  }
0x5cd: {  	v15 =	vunpack.i.u.bf16.f32 v24;
	v21 =	vmul.f32 v21, v20;
	v10 =	vld [tilespmem:s11+$0x0];
	v22 =	vmul.f32 v22, v16  }
0x5ce: {  	s20 =	sadd.s32 $0x40, s20;
	v20 =	vunpack.i.l.bf16.f32 v24;
	v16 =	vunpack.i.u.bf16.f32 v18;
	v18 =	vunpack.i.l.bf16.f32 v18  }
0x5cf: {  	v23 =	vunpack.i.u.bf16.f32 v11;
	v52 =	vunpack.i.l.bf16.f32 v11;
	v19 =	vmul.f32 v19, v4  }
0x5d0: {  	v53 =	vunpack.i.u.bf16.f32 v13;
	v14 =	vmul.f32 v14, v5;
	v55 =	vmul.f32 v20, v4  }
0x5d1: {  	v54 =	vunpack.i.l.bf16.f32 v13;
	v15 =	vmul.f32 v15, v5;
	v18 =	vmul.f32 v18, v4  }
0x5d2: {  	v12 =	vadd.f32 v12, v17;
	v16 =	vmul.f32 v16, v5;
	v6 =	vmul.f32 $3.921568860e-03, v6  }
0x5d3: {  	v7 =	vmul.f32 $3.921568860e-03, v7;
	v56 =	vsub.f32 $1.000000000e+00, v8;
	v11 =	vmul.f32 v52, v4  }
0x5d4: {  	v57 =	vmul.f32 v23, v5;
	v4 =	vmul.f32 v54, v4;
	v14 =	vadd.f32 v19, v14  }
0x5d5: {  	v5 =	vmul.f32 v53, v5;
	v15 =	vadd.f32 v55, v15;
	v16 =	vadd.f32 v18, v16  }
0x5d6: {  	v58 =	vsub.f32 $1.000000000e+00, v9;
	v59 =	vmul.f32 v8, v12;
	v11 =	vadd.f32 v11, v57  }
0x5d7: {  	v61 =	vsub.f32 $1.000000000e+00, v10;
	v4 =	vadd.f32 v4, v5;
	v60 =	vmul.f32 v14, v56  }
0x5d8: {  	v21 =	vadd.f32 v22, v21;
	v62 =	vmul.f32 v9, v15;
	v5 =	vmul.f32 v16, v58  }
0x5d9: {  	s12 =	sadd.s32 $0x1, s12;
	v63 =	vmul.f32 v10, v11;
	v4 =	vmul.f32 v4, v61;
	v8 =	vadd.f32 v60, v59  }
0x5da: {  	p2 =	sne.s32 s12, $0x20;
	v21 =	vmul.f32 $3.921568860e-03, v21;
	[tilespmem:s13+$0xFFFFFFF0] =	vst v6;
	v5 =	vadd.f32 v5, v62  }
.Ltmp21:
0x5db: {  	s1 =	sadd.s32 $0x40, s24;
	[tilespmem:s13+$0x0] =	vst v7;
	v4 =	vadd.f32 v4, v63;
	v8 =	vmul.f32 $3.921568860e-03, v8;
	(pc) =	sbr.rel @p2 .LBB2_43-.Ltmp21, $4  }
0x5dc: {  	[tilespmem:s1+$0x10] =	vst v21;
	v5 =	vmul.f32 $3.921568860e-03, v5  }
0x5dd: {  	v4 =	vmul.f32 $3.921568860e-03, v4;
	[tilespmem:s1+$0xFFFFFFE0] =	vst v8  }
0x5de: {  	[tilespmem:s1+$0xFFFFFFF0] =	vst v5  }
0x5df: {  	s22 =	sadd.s32 $0x200, s22;
	s5 =	sadd.s32 $0x200, s5;
	[tilespmem:s1+$0x0] =	vst v4  }
0x5e0: {  	s1 =	sadd.s32 s9, s31;
	s2 =	simm.s32 $0x8000;
	s22 =	sor.u32 $0x3000, s23  }
0x5e1: {  	[hbm4b:s1+s4] =	stream.linear.scatter [tilespmem:s2], [sflag:$0x4], $0x4000, $0x38;
	[tilespmem:$0x1A400] =	vst v63  }
0x5e2: {  	s31 =	sadd.s32 s16, s22  }
0x5e3: {  	[tilespmem:s4], [sflag:$0x1] =	stream.linear.gather [hbm4b:s31+s4], $0x4000, $0x38;
	[tilespmem:$0x1A400] =	vst v63  }
0x5e4: {  	v4 =	vld [tilespmem:s7+$0xFFFFF7D0]  }
0x5e5: {  	v5 =	vld [tilespmem:s7+$0xFFFFFFD0];
	_ =	sdelay $0x2  }
0x5e6: {  	v6 =	vld [tilespmem:s7+$0xFFFFFF90]  }
0x5e7: {  	v7 =	vld [tilespmem:s7+$0xFFFFF790]  }
0x5e8: {  	s1 =	simm.s32 $0x13840;
	v4 =	vpack.i.f32.bf16 v5, v4  }
0x5e9: {  	[tilespmem:s1+$0x0] =	vst v4  }
0x5ea: {  	v4 =	vld [tilespmem:s7+$0xFFFFF7E0]  }
0x5eb: {  	v5 =	vld [tilespmem:s7+$0xFFFFFFE0]  }
0x5ec: {  	v6 =	vpack.i.f32.bf16 v6, v7  }
0x5ed: {  	[tilespmem:s1+$0xFFFFFFC0] =	vst v6  }
0x5ee: {  	v6 =	vld [tilespmem:s7+$0xFFFFF7A0]  }
0x5ef: {  	s24 =	sadd.s32 $0x80, s7;
	v7 =	vld [tilespmem:s7+$0xFFFFFFA0]  }
0x5f0: {  	v4 =	vpack.i.f32.bf16 v5, v4;
	v5 =	vld [tilespmem:s24+$0xFFFFF7D0]  }
0x5f1: {  	[tilespmem:s1+$0x10] =	vst v4;
	v4 =	vld [tilespmem:s24+$0xFFFFFFD0]  }
0x5f2: {  	v8 =	vld [tilespmem:s7+$0xFFFFF7F0]  }
0x5f3: {  	v9 =	vld [tilespmem:s7+$0xFFFFFFF0]  }
0x5f4: {  	v6 =	vpack.i.f32.bf16 v7, v6;
	v7 =	vld [tilespmem:s24+$0xFFFFFF90]  }
0x5f5: {  	[tilespmem:s1+$0xFFFFFFD0] =	vst v6;
	v6 =	vld [tilespmem:s24+$0xFFFFF790]  }
0x5f6: {  	s2 =	simm.s32 $0x138C0;
	v10 =	vld [tilespmem:s7+$0xFFFFFFB0];
	v4 =	vpack.i.f32.bf16 v4, v5  }
0x5f7: {  	v5 =	vld [tilespmem:s7+$0xFFFFF7B0];
	[tilespmem:s2+$0x0] =	vst v4  }
0x5f8: {  	v4 =	vpack.i.f32.bf16 v9, v8;
	v11 =	vld [tilespmem:s24+$0xFFFFF7E0]  }
0x5f9: {  	v12 =	vld [tilespmem:s24+$0xFFFFFFE0];
	[tilespmem:s1+$0x20] =	vst v4  }
0x5fa: {  	v6 =	vpack.i.f32.bf16 v7, v6;
	v4 =	vld [tilespmem:s7+$0xFFFFF800]  }
0x5fb: {  	[tilespmem:s2+$0xFFFFFFC0] =	vst v6;
	v6 =	vld [tilespmem:s7+$0x0]  }
0x5fc: {  	v8 =	vld [tilespmem:s24+$0xFFFFF7A0];
	v5 =	vpack.i.f32.bf16 v10, v5  }
0x5fd: {  	v9 =	vld [tilespmem:s24+$0xFFFFFFA0];
	[tilespmem:s1+$0xFFFFFFE0] =	vst v5  }
0x5fe: {  	s12 =	sor.u32 $0x3, s14;
	v5 =	vld [tilespmem:s7+$0xFFFFF7C0]  }
0x5ff: {  	s6 =	simm.s32 $0x2;
	s11 =	sadd.s32 $0x80, s24;
	s5 =	smov.u32 s24;
	v10 =	vpack.i.f32.bf16 v12, v11;
	v7 =	vld [tilespmem:s7+$0xFFFFFFC0]  }
.LBB2_47:
0x600: {  	v11 =	vld [tilespmem:s11+$0xFFFFF7D0];
	[tilespmem:s2+$0x10] =	vst v10;
	v4 =	vpack.i.f32.bf16 v6, v4  }
0x601: {  	v6 =	vld [tilespmem:s11+$0xFFFFFFD0];
	[tilespmem:s1+$0x30] =	vst v4  }
0x602: {  	v4 =	vpack.i.f32.bf16 v9, v8;
	v8 =	vld [tilespmem:s5+$0xFFFFF7F0]  }
0x603: {  	[tilespmem:s2+$0xFFFFFFD0] =	vst v4;
	v4 =	vld [tilespmem:s5+$0xFFFFFFF0]  }
0x604: {  	v9 =	vld [tilespmem:s11+$0xFFFFFF90];
	v5 =	vpack.i.f32.bf16 v7, v5  }
0x605: {  	v7 =	vld [tilespmem:s11+$0xFFFFF790];
	[tilespmem:s1+$0xFFFFFFF0] =	vst v5;
	s1 =	smov.u32 s2  }
0x606: {  	s6 =	sadd.s32 $0x2, s6;
	s2 =	sadd.s32 $0x80, s2;
	v5 =	vpack.i.f32.bf16 v6, v11;
	v10 =	vld [tilespmem:s5+$0xFFFFF7B0]  }
0x607: {  	p2 =	slt.u32 s6, $0x1E;
	[tilespmem:s2+$0x0] =	vst v5;
	v5 =	vld [tilespmem:s5+$0xFFFFFFB0]  }
0x608: {  	v11 =	vld [tilespmem:s11+$0xFFFFF7E0];
	v4 =	vpack.i.f32.bf16 v4, v8  }
0x609: {  	v12 =	vld [tilespmem:s11+$0xFFFFFFE0];
	[tilespmem:s1+$0x20] =	vst v4  }
0x60a: {  	v6 =	vpack.i.f32.bf16 v9, v7;
	v4 =	vld [tilespmem:s5+$0xFFFFF800]  }
.Ltmp22:
0x60b: {  	[tilespmem:s2+$0xFFFFFFC0] =	vst v6;
	v6 =	vld [tilespmem:s5+$0x0];
	(pc) =	sbr.rel @p2 .LBB2_47-.Ltmp22, $4  }
0x60c: {  	v8 =	vld [tilespmem:s11+$0xFFFFF7A0];
	v5 =	vpack.i.f32.bf16 v5, v10  }
0x60d: {  	v9 =	vld [tilespmem:s11+$0xFFFFFFA0];
	[tilespmem:s1+$0xFFFFFFE0] =	vst v5  }
0x60e: {  	v5 =	vld [tilespmem:s5+$0xFFFFF7C0]  }
0x60f: {  	v10 =	vpack.i.f32.bf16 v12, v11;
	v7 =	vld [tilespmem:s5+$0xFFFFFFC0];
	s5 =	smov.u32 s11;
	s11 =	sadd.s32 $0x80, s11  }
0x610: {  	_ = 	snop  }
0x611: {  	[tilespmem:s2+$0x10] =	vst v10  }
0x612: {  	v58 =	vld [tilespmem:s5+$0xFFFFF7F0];
	v8 =	vpack.i.f32.bf16 v9, v8  }
0x613: {  	v59 =	vld [tilespmem:s5+$0xFFFFFFF0];
	[tilespmem:s2+$0xFFFFFFD0] =	vst v8  }
0x614: {  	v60 =	vld [tilespmem:s5+$0xFFFFF7B0]  }
0x615: {  	v11 =	vld [tilespmem:s5+$0xFFFFFFB0];
	_ =	sdelay $0x2  }
0x616: {  	v8 =	vpack.i.f32.bf16 v59, v58  }
0x617: {  	[tilespmem:s2+$0x20] =	vst v8  }
0x618: {  	v8 =	vld [tilespmem:s5+$0xFFFFF800];
	v61 =	vpack.i.f32.bf16 v11, v60  }
0x619: {  	v62 =	vld [tilespmem:s5+$0x0];
	[tilespmem:s2+$0xFFFFFFE0] =	vst v61  }
0x61a: {  	v9 =	vld [tilespmem:s5+$0xFFFFF7C0]  }
0x61b: {  	v63 =	vld [tilespmem:s5+$0xFFFFFFC0];
	_ =	sdelay $0x1  }
0x61c: {  	v4 =	vpack.i.f32.bf16 v6, v4  }
0x61d: {  	[tilespmem:s1+$0x30] =	vst v4;
	v4 =	vpack.i.f32.bf16 v7, v5  }
0x61e: {  	[tilespmem:s1+$0xFFFFFFF0] =	vst v4;
	v4 =	vpack.i.f32.bf16 v62, v8  }
0x61f: {  	[tilespmem:s2+$0x30] =	vst v4;
	v4 =	vpack.i.f32.bf16 v63, v9  }
0x620: {  	s31 =	simm.s32 $0x5;
	[tilespmem:s2+$0xFFFFFFF0] =	vst v4  }
0x621: {  	_ =	swait.ge [sflag:s31], $0x4000  }
0x622: {  	[sflag:s31] =	ssyncset.done $0x0  }
0x623: {  	[sflag:s31] =	ssyncadd.s32 $0xFFFFC000  }
0x624: {  	_ =	swait.ge [sflag:s18], $0x4000  }
0x625: {  	s6 =	simm.s32 $0x4020;
	[sflag:s18] =	ssyncset.done $0x0  }
0x626: {  	s5 =	simm.s32 $0xC020;
	s2 =	simm.s32 $0x0;
	[sflag:s18] =	ssyncadd.s32 $0xFFFFC000  }
.LBB2_49:
0x627: {  	v4 =	vld [tilespmem:s6+$0x10];
	_ =	sdelay $0x2  }
0x628: {  	s1 =	simm.s32 $0x14020;
	v5 =	vld [tilespmem:s6+$0xFFFFFFE0]  }
0x629: {  	v6 =	vld [tilespmem:s1+$0x10]  }
0x62a: {  	v4 =	vmul.f32 $2.550000000e+02, v4  }
0x62b: {  	v7 =	vld [tilespmem:s6+$0xFFFFFFF0]  }
0x62c: {  	v9 =	vld [tilespmem:s6+$0x0];
	v4 =	vtrunc.f32 v4  }
0x62d: {  	v8 =	vld [tilespmem:s1+$0xFFFFFFE0];
	v4 =	vcvt.f32.s32 v4  }
0x62e: {  	v5 =	vmul.f32 $2.550000000e+02, v5;
	v10 =	vand.u32 $0xFFFF, v6  }
0x62f: {  	v6 =	vshrl.u32 v6, $0x10;
	v10 =	vadd.s32 v4, v10  }
0x630: {  	v11 =	vld [tilespmem:s1+$0xFFFFFFF0];
	v5 =	vtrunc.f32 v5;
	v4 =	vadd.s32 v4, v6  }
0x631: {  	s11 =	scvt.s32.f32 s2;
	v12 =	vld [tilespmem:s1+$0x0];
	v5 =	vcvt.f32.s32 v5;
	v6 =	vmul.f32 $2.550000000e+02, v7  }
0x632: {  	v9 =	vmul.f32 $2.550000000e+02, v9;
	v7 =	vand.u32 $0xFFFF, v8  }
0x633: {  	s26 =	ssub.f32 $6.300000000e+01, s11;
	v7 =	vadd.s32 v5, v7;
	v6 =	vtrunc.f32 v6  }
0x634: {  	v9 =	vtrunc.f32 v9;
	v8 =	vshrl.u32 v8, $0x10;
	v6 =	vcvt.f32.s32 v6;
	v10 =	vld.idx.msk [tilespmem:v10+s25+$0x0], $0xffff  }
0x635: {  	s1 =	smul.f32 $1.587301680e-02, s26;
	v13 =	vand.u32 $0xFFFF, v11;
	v9 =	vcvt.f32.s32 v9;
	v8 =	vadd.s32 v5, v8;
	v14 =	vld.idx.msk [tilespmem:v4+s25+$0x0], $0xffff  }
0x636: {  	s13 =	simm.s32 $0x14220;
	v5 =	vand.u32 $0xFFFF, v12;
	v4 =	vshrl.u32 v11, $0x10;
	v11 =	vadd.s32 v6, v13  }
0x637: {  	v15 =	vld [tilespmem:s13+$0x10];
	s28 =	ssub.f32 $1.000000000e+00, s1;
	v12 =	vshrl.u32 v12, $0x10;
	v13 =	vadd.s32 v9, v5  }
0x638: {  	v9 =	vadd.s32 v9, v12;
	v7 =	vld.idx.msk [tilespmem:v7+s25+$0x0], $0xffff  }
0x639: {  	v5 =	vmov s28;
	v6 =	vadd.s32 v6, v4;
	v4 =	vmov s1  }
0x63a: {  	v8 =	vld.idx.msk [tilespmem:v8+s25+$0x0], $0xffff;
	v12 =	vunpack.i.u.bf16.f32 v10;
	v10 =	vunpack.i.l.bf16.f32 v10;
	v16 =	vunpack.i.u.bf16.f32 v14  }
0x63b: {  	v11 =	vld.idx.msk [tilespmem:v11+s25+$0x0], $0xffff;
	v14 =	vunpack.i.l.bf16.f32 v14;
	v10 =	vmul.f32 v10, v4;
	v12 =	vmul.f32 v12, v5  }
0x63c: {  	v13 =	vld.idx.msk [tilespmem:v13+s25+$0x0], $0xffff;
	v14 =	vmul.f32 v14, v4;
	v16 =	vmul.f32 v16, v5  }
0x63d: {  	v18 =	vsub.f32 $1.000000000e+00, v15;
	v9 =	vld.idx.msk [tilespmem:v9+s25+$0x0], $0xffff;
	v17 =	vunpack.i.u.bf16.f32 v7;
	v7 =	vunpack.i.l.bf16.f32 v7  }
0x63e: {  	v6 =	vld.idx.msk [tilespmem:v6+s25+$0x0], $0xffff;
	v7 =	vmul.f32 v7, v4;
	v10 =	vadd.f32 v10, v12;
	v12 =	vadd.f32 v14, v16  }
0x63f: {  	s31 =	sadd.s32 $0x40, s6;
	v14 =	vunpack.i.u.bf16.f32 v8;
	v16 =	vmul.f32 v17, v5;
	v8 =	vunpack.i.l.bf16.f32 v8  }
0x640: {  	v20 =	vld [tilespmem:s31+$0x10];
	v8 =	vmul.f32 v8, v4;
	v14 =	vmul.f32 v14, v5  }
0x641: {  	v10 =	vmul.f32 v15, v10;
	v12 =	vmul.f32 v12, v18;
	v18 =	vunpack.i.u.bf16.f32 v11  }
0x642: {  	v17 =	vld [tilespmem:s13+$0xFFFFFFE0];
	v11 =	vunpack.i.l.bf16.f32 v11;
	v21 =	vunpack.i.u.bf16.f32 v13;
	v22 =	vunpack.i.u.bf16.f32 v9  }
0x643: {  	v9 =	vunpack.i.l.bf16.f32 v9;
	v7 =	vadd.f32 v7, v16;
	v19 =	vunpack.i.u.bf16.f32 v6  }
0x644: {  	v61 =	vld [tilespmem:s13+$0x0];
	v6 =	vunpack.i.l.bf16.f32 v6;
	v11 =	vmul.f32 v11, v4;
	v18 =	vmul.f32 v18, v5  }
0x645: {  	v23 =	vld [tilespmem:s31+$0x0];
	s11 =	simm.s32 $0x14060;
	v8 =	vadd.f32 v8, v14;
	v14 =	vmul.f32 $2.550000000e+02, v20;
	v9 =	vmul.f32 v9, v4  }
0x646: {  	v25 =	vld [tilespmem:s11+$0x10];
	v22 =	vmul.f32 v22, v5;
	v10 =	vadd.f32 v12, v10;
	v12 =	vunpack.i.l.bf16.f32 v13  }
0x647: {  	v16 =	vld [tilespmem:s31+$0xFFFFFFE0];
	v6 =	vmul.f32 v6, v4;
	v19 =	vmul.f32 v19, v5;
	v24 =	vsub.f32 $1.000000000e+00, v17  }
0x648: {  	v15 =	vld [tilespmem:s13+$0xFFFFFFF0];
	v12 =	vmul.f32 v12, v4;
	v11 =	vadd.f32 v11, v18;
	v18 =	vmul.f32 v21, v5  }
0x649: {  	v14 =	vtrunc.f32 v14;
	v7 =	vmul.f32 v17, v7;
	v17 =	vsub.f32 $1.000000000e+00, v61  }
0x64a: {  	v13 =	vld [tilespmem:s31+$0xFFFFFFF0];
	v9 =	vadd.f32 v9, v22;
	v6 =	vadd.f32 v6, v19;
	v14 =	vcvt.f32.s32 v14  }
0x64b: {  	v20 =	vld [tilespmem:s11+$0xFFFFFFE0];
	v19 =	vmul.f32 $2.550000000e+02, v23;
	v12 =	vadd.f32 v12, v18;
	v18 =	vand.u32 $0xFFFF, v25  }
0x64c: {  	v16 =	vmul.f32 $2.550000000e+02, v16;
	v25 =	vshrl.u32 v25, $0x10;
	v18 =	vadd.s32 v14, v18  }
0x64d: {  	v8 =	vmul.f32 v8, v24;
	v11 =	vmul.f32 v15, v11;
	v14 =	vadd.s32 v14, v25  }
0x64e: {  	v21 =	vld [tilespmem:s11+$0xFFFFFFF0];
	v9 =	vmul.f32 v9, v17;
	v16 =	vtrunc.f32 v16  }
0x64f: {  	v26 =	vld [tilespmem:s11+$0x0];
	v23 =	vsub.f32 $1.000000000e+00, v15;
	v13 =	vmul.f32 $2.550000000e+02, v13;
	v16 =	vcvt.f32.s32 v16  }
0x650: {  	v19 =	vtrunc.f32 v19;
	v27 =	vand.u32 $0xFFFF, v20;
	v20 =	vshrl.u32 v20, $0x10  }
0x651: {  	v19 =	vcvt.f32.s32 v19;
	v13 =	vtrunc.f32 v13;
	v27 =	vadd.s32 v16, v27;
	v18 =	vld.idx.msk [tilespmem:v18+s25+$0x0], $0xffff  }
0x652: {  	v6 =	vmul.f32 v6, v23;
	v13 =	vcvt.f32.s32 v13;
	v16 =	vadd.s32 v16, v20;
	v14 =	vld.idx.msk [tilespmem:v14+s25+$0x0], $0xffff  }
0x653: {  	v7 =	vadd.f32 v8, v7;
	v12 =	vmul.f32 v61, v12;
	v28 =	vand.u32 $0xFFFF, v21  }
0x654: {  	s13 =	simm.s32 $0x14260;
	v21 =	vshrl.u32 v21, $0x10;
	v20 =	vand.u32 $0xFFFF, v26;
	v28 =	vadd.s32 v13, v28  }
0x655: {  	v26 =	vshrl.u32 v26, $0x10;
	v8 =	vadd.s32 v19, v20;
	v20 =	vld [tilespmem:s13+$0x10];
	v13 =	vadd.s32 v13, v21  }
0x656: {  	v6 =	vadd.f32 v6, v11;
	v23 =	vmul.f32 $3.921568860e-03, v7;
	v19 =	vadd.s32 v19, v26;
	v15 =	vld.idx.msk [tilespmem:v27+s25+$0x0], $0xffff  }
0x657: {  	v16 =	vld.idx.msk [tilespmem:v16+s25+$0x0], $0xffff;
	v7 =	vunpack.i.u.bf16.f32 v18;
	v11 =	vunpack.i.l.bf16.f32 v18;
	v17 =	vunpack.i.u.bf16.f32 v14  }
0x658: {  	v14 =	vunpack.i.l.bf16.f32 v14;
	v21 =	vmul.f32 v11, v4;
	v22 =	vmul.f32 v7, v5  }
0x659: {  	v18 =	vld.idx.msk [tilespmem:v28+s25+$0x0], $0xffff;
	v14 =	vmul.f32 v14, v4;
	v17 =	vmul.f32 v17, v5  }
0x65a: {  	v63 =	vsub.f32 $1.000000000e+00, v20;
	v62 =	vld.idx.msk [tilespmem:v13+s25+$0x0], $0xffff;
	v7 =	vadd.f32 v9, v12  }
0x65b: {  	v10 =	vmul.f32 $3.921568860e-03, v10;
	v11 =	vld.idx.msk [tilespmem:v8+s25+$0x0], $0xffff;
	v21 =	vadd.f32 v21, v22;
	v22 =	vadd.f32 v14, v17  }
0x65c: {  	v13 =	vld.idx.msk [tilespmem:v19+s25+$0x0], $0xffff;
	v9 =	vunpack.i.u.bf16.f32 v15;
	v8 =	vunpack.i.l.bf16.f32 v15;
	v14 =	vunpack.i.u.bf16.f32 v16  }
0x65d: {  	[tilespmem:s5+$0x10] =	vst v10;
	v10 =	vld [tilespmem:s13+$0x0];
	v19 =	vunpack.i.l.bf16.f32 v16;
	v12 =	vmul.f32 v8, v4;
	v17 =	vmul.f32 v9, v5  }
0x65e: {  	s15 =	simm.s32 $0x4;
	v8 =	vld [tilespmem:s13+$0xFFFFFFE0];
	v21 =	vmul.f32 v20, v21;
	v22 =	vmul.f32 v22, v63;
	v15 =	vunpack.i.u.bf16.f32 v18  }
0x65f: {  	s14 =	smov.u32 s5;
	s20 =	sadd.s32 $0x40, s31;
	s26 =	smov.u32 s5;
	[tilespmem:s5+$0xFFFFFFE0] =	vst v23;
	v9 =	vld [tilespmem:s13+$0xFFFFFFF0];
	v20 =	vunpack.i.l.bf16.f32 v18;
	v16 =	vunpack.i.u.bf16.f32 v62;
	v18 =	vunpack.i.l.bf16.f32 v62  }
.LBB2_50:
0x660: {  	v23 =	vld [tilespmem:s20+$0x10];
	v24 =	vunpack.i.u.bf16.f32 v11;
	v11 =	vunpack.i.l.bf16.f32 v11;
	v21 =	vadd.f32 v22, v21  }
0x661: {  	v19 =	vmul.f32 v19, v4;
	v25 =	vunpack.i.u.bf16.f32 v13;
	v13 =	vunpack.i.l.bf16.f32 v13;
	v22 =	vld [tilespmem:s20+$0xFFFFFFF0]  }
0x662: {  	s15 =	sadd.s32 $0x4, s15;
	v12 =	vadd.f32 v12, v17;
	v14 =	vmul.f32 v14, v5;
	v26 =	vld [tilespmem:s20+$0x0];
	v17 =	vmul.f32 $3.921568860e-03, v21  }
0x663: {  	v20 =	vmul.f32 v20, v4;
	v15 =	vmul.f32 v15, v5;
	s11 =	sadd.s32 $0x40, s11;
	s26 =	sadd.s32 $0x40, s26;
	p2 =	slt.u32 s15, $0x1C;
	v27 =	vsub.f32 $1.000000000e+00, v8;
	v21 =	vld [tilespmem:s20+$0xFFFFFFE0]  }
0x664: {  	v18 =	vmul.f32 v18, v4;
	v16 =	vmul.f32 v16, v5;
	v14 =	vadd.f32 v19, v14;
	v28 =	vld [tilespmem:s11+$0x10];
	[tilespmem:s26+$0x10] =	vst v17  }
0x665: {  	v11 =	vmul.f32 v11, v4;
	v15 =	vadd.f32 v20, v15;
	v17 =	vld [tilespmem:s11+$0xFFFFFFE0];
	v19 =	vmul.f32 $2.550000000e+02, v23  }
0x666: {  	v16 =	vadd.f32 v18, v16;
	v18 =	vmul.f32 v24, v5;
	v20 =	vmul.f32 $2.550000000e+02, v22;
	v22 =	vld [tilespmem:s11+$0xFFFFFFF0]  }
0x667: {  	v23 =	vmul.f32 $2.550000000e+02, v26;
	v24 =	vld [tilespmem:s11+$0x0];
	v19 =	vtrunc.f32 v19;
	v26 =	vsub.f32 $1.000000000e+00, v9  }
0x668: {  	v11 =	vadd.f32 v11, v18;
	v21 =	vmul.f32 $2.550000000e+02, v21;
	v19 =	vcvt.f32.s32 v19  }
0x669: {  	v18 =	vtrunc.f32 v20;
	v20 =	vtrunc.f32 v23;
	v23 =	vand.u32 $0xFFFF, v28  }
0x66a: {  	v28 =	vshrl.u32 v28, $0x10;
	v21 =	vtrunc.f32 v21;
	v23 =	vadd.s32 v19, v23  }
0x66b: {  	v18 =	vcvt.f32.s32 v18;
	v19 =	vadd.s32 v19, v28;
	v21 =	vcvt.f32.s32 v21  }
0x66c: {  	v28 =	vand.u32 $0xFFFF, v17;
	v17 =	vshrl.u32 v17, $0x10;
	v20 =	vcvt.f32.s32 v20  }
0x66d: {  	v29 =	vand.u32 $0xFFFF, v22;
	v22 =	vshrl.u32 v22, $0x10;
	v30 =	vand.u32 $0xFFFF, v24  }
0x66e: {  	v28 =	vadd.s32 v21, v28;
	v17 =	vadd.s32 v21, v17;
	v21 =	vshrl.u32 v24, $0x10  }
0x66f: {  	v24 =	vadd.s32 v18, v29;
	v18 =	vadd.s32 v18, v22;
	v22 =	vadd.s32 v20, v30;
	v23 =	vld.idx.msk [tilespmem:v23+s25+$0x0], $0xffff  }
0x670: {  	v13 =	vmul.f32 v13, v4;
	v20 =	vadd.s32 v20, v21;
	v21 =	vmul.f32 v25, v5;
	v19 =	vld.idx.msk [tilespmem:v19+s25+$0x0], $0xffff  }
0x671: {  	v8 =	vmul.f32 v8, v12;
	v12 =	vmul.f32 v14, v27;
	v14 =	vsub.f32 $1.000000000e+00, v10  }
0x672: {  	v9 =	vmul.f32 v9, v15;
	v15 =	vmul.f32 v16, v26;
	v13 =	vadd.f32 v13, v21  }
0x673: {  	s13 =	sadd.s32 $0x40, s13;
	v8 =	vadd.f32 v12, v8;
	v10 =	vmul.f32 v10, v11;
	v11 =	vmul.f32 $3.921568860e-03, v6;
	v16 =	vld.idx.msk [tilespmem:v28+s25+$0x0], $0xffff  }
0x674: {  	v7 =	vmul.f32 $3.921568860e-03, v7;
	v6 =	vadd.f32 v15, v9;
	v9 =	vmul.f32 v13, v14;
	v21 =	vld [tilespmem:s13+$0x10]  }
0x675: {  	v8 =	vmul.f32 $3.921568860e-03, v8;
	v15 =	vld.idx.msk [tilespmem:v17+s25+$0x0], $0xffff;
	[tilespmem:s14+$0xFFFFFFF0] =	vst v11  }
0x676: {  	v12 =	vunpack.i.l.bf16.f32 v23;
	v11 =	vunpack.i.u.bf16.f32 v23;
	v13 =	vunpack.i.u.bf16.f32 v19;
	v24 =	vld.idx.msk [tilespmem:v24+s25+$0x0], $0xffff;
	[tilespmem:s14+$0x0] =	vst v7;
	s14 =	smov.u32 s26  }
0x677: {  	v14 =	vmul.f32 v12, v4;
	v7 =	vunpack.i.l.bf16.f32 v19;
	v17 =	vmul.f32 v11, v5;
	v18 =	vld.idx.msk [tilespmem:v18+s25+$0x0], $0xffff;
	[tilespmem:s26+$0xFFFFFFE0] =	vst v8  }
0x678: {  	v19 =	vmul.f32 v7, v4;
	v7 =	vadd.f32 v9, v10;
	v11 =	vld.idx.msk [tilespmem:v22+s25+$0x0], $0xffff;
	v22 =	vmul.f32 v13, v5  }
.Ltmp23:
0x679: {  	v9 =	vunpack.i.u.bf16.f32 v16;
	v10 =	vunpack.i.l.bf16.f32 v16;
	v13 =	vld.idx.msk [tilespmem:v20+s25+$0x0], $0xffff;
	v16 =	vsub.f32 $1.000000000e+00, v21;
	(pc) =	sbr.rel @p2 .LBB2_50-.Ltmp23, $4  }
0x67a: {  	v12 =	vmul.f32 v10, v4;
	v20 =	vadd.f32 v14, v17;
	v8 =	vld [tilespmem:s13+$0xFFFFFFE0];
	v22 =	vadd.f32 v19, v22  }
0x67b: {  	v17 =	vmul.f32 v9, v5;
	v14 =	vunpack.i.u.bf16.f32 v15;
	v19 =	vunpack.i.l.bf16.f32 v15;
	v9 =	vld [tilespmem:s13+$0xFFFFFFF0]  }
0x67c: {  	v15 =	vunpack.i.u.bf16.f32 v24;
	v21 =	vmul.f32 v21, v20;
	v10 =	vld [tilespmem:s13+$0x0];
	v22 =	vmul.f32 v22, v16  }
0x67d: {  	s20 =	sadd.s32 $0x40, s20;
	v20 =	vunpack.i.l.bf16.f32 v24;
	v16 =	vunpack.i.u.bf16.f32 v18;
	v18 =	vunpack.i.l.bf16.f32 v18  }
0x67e: {  	v23 =	vunpack.i.u.bf16.f32 v11;
	v52 =	vunpack.i.l.bf16.f32 v11;
	v19 =	vmul.f32 v19, v4  }
0x67f: {  	v53 =	vunpack.i.u.bf16.f32 v13;
	v14 =	vmul.f32 v14, v5;
	v55 =	vmul.f32 v20, v4  }
0x680: {  	v54 =	vunpack.i.l.bf16.f32 v13;
	v15 =	vmul.f32 v15, v5;
	v18 =	vmul.f32 v18, v4  }
0x681: {  	v12 =	vadd.f32 v12, v17;
	v16 =	vmul.f32 v16, v5;
	v6 =	vmul.f32 $3.921568860e-03, v6  }
0x682: {  	v7 =	vmul.f32 $3.921568860e-03, v7;
	v56 =	vsub.f32 $1.000000000e+00, v8;
	v11 =	vmul.f32 v52, v4  }
0x683: {  	v57 =	vmul.f32 v23, v5;
	v4 =	vmul.f32 v54, v4;
	v14 =	vadd.f32 v19, v14  }
0x684: {  	v5 =	vmul.f32 v53, v5;
	v15 =	vadd.f32 v55, v15;
	v16 =	vadd.f32 v18, v16  }
0x685: {  	v58 =	vsub.f32 $1.000000000e+00, v9;
	v59 =	vmul.f32 v8, v12;
	v11 =	vadd.f32 v11, v57  }
0x686: {  	v61 =	vsub.f32 $1.000000000e+00, v10;
	v4 =	vadd.f32 v4, v5;
	v60 =	vmul.f32 v14, v56  }
0x687: {  	v21 =	vadd.f32 v22, v21;
	v62 =	vmul.f32 v9, v15;
	v5 =	vmul.f32 v16, v58  }
0x688: {  	s2 =	sadd.s32 $0x1, s2;
	v63 =	vmul.f32 v10, v11;
	v4 =	vmul.f32 v4, v61;
	v8 =	vadd.f32 v60, v59  }
0x689: {  	p2 =	sne.s32 s2, $0x20;
	v21 =	vmul.f32 $3.921568860e-03, v21;
	[tilespmem:s14+$0xFFFFFFF0] =	vst v6;
	v5 =	vadd.f32 v5, v62  }
.Ltmp24:
0x68a: {  	s1 =	sadd.s32 $0x40, s26;
	[tilespmem:s14+$0x0] =	vst v7;
	v4 =	vadd.f32 v4, v63;
	v8 =	vmul.f32 $3.921568860e-03, v8;
	(pc) =	sbr.rel @p2 .LBB2_49-.Ltmp24, $4  }
0x68b: {  	[tilespmem:s1+$0x10] =	vst v21;
	v5 =	vmul.f32 $3.921568860e-03, v5  }
0x68c: {  	v4 =	vmul.f32 $3.921568860e-03, v4;
	[tilespmem:s1+$0xFFFFFFE0] =	vst v8  }
0x68d: {  	[tilespmem:s1+$0xFFFFFFF0] =	vst v5  }
0x68e: {  	s5 =	sadd.s32 $0x200, s5;
	s6 =	sadd.s32 $0x200, s6;
	[tilespmem:s1+$0x0] =	vst v4  }
0x68f: {  	s1 =	sadd.s32 s9, s19;
	s2 =	simm.s32 $0xC000;
	s14 =	sor.u32 $0x3800, s23  }
0x690: {  	[hbm4b:s1+s4] =	stream.linear.scatter [tilespmem:s2], [sflag:$0x5], $0x4000, $0x38;
	[tilespmem:$0x1A400] =	vst v63  }
0x691: {  	s31 =	sadd.s32 s16, s14  }
0x692: {  	[tilespmem:s30], [sflag:$0x2] =	stream.linear.gather [hbm4b:s31+s4], $0x4000, $0x38;
	[tilespmem:$0x1A400] =	vst v63  }
0x693: {  	v4 =	vld [tilespmem:s7+$0xFFFFF7D0]  }
0x694: {  	v5 =	vld [tilespmem:s7+$0xFFFFFFD0];
	_ =	sdelay $0x2  }
0x695: {  	v6 =	vld [tilespmem:s7+$0xFFFFFF90]  }
0x696: {  	v7 =	vld [tilespmem:s7+$0xFFFFF790]  }
0x697: {  	s1 =	simm.s32 $0x13840;
	v4 =	vpack.i.f32.bf16 v5, v4  }
0x698: {  	[tilespmem:s1+$0x0] =	vst v4  }
0x699: {  	v4 =	vld [tilespmem:s7+$0xFFFFF7E0]  }
0x69a: {  	v5 =	vld [tilespmem:s7+$0xFFFFFFE0]  }
0x69b: {  	v6 =	vpack.i.f32.bf16 v6, v7  }
0x69c: {  	[tilespmem:s1+$0xFFFFFFC0] =	vst v6  }
0x69d: {  	v6 =	vld [tilespmem:s7+$0xFFFFF7A0]  }
0x69e: {  	v7 =	vld [tilespmem:s7+$0xFFFFFFA0]  }
0x69f: {  	v4 =	vpack.i.f32.bf16 v5, v4;
	v5 =	vld [tilespmem:s24+$0xFFFFF7D0]  }
0x6a0: {  	[tilespmem:s1+$0x10] =	vst v4;
	v4 =	vld [tilespmem:s24+$0xFFFFFFD0]  }
0x6a1: {  	v8 =	vld [tilespmem:s7+$0xFFFFF7F0]  }
0x6a2: {  	v9 =	vld [tilespmem:s7+$0xFFFFFFF0]  }
0x6a3: {  	v6 =	vpack.i.f32.bf16 v7, v6;
	v7 =	vld [tilespmem:s24+$0xFFFFFF90]  }
0x6a4: {  	[tilespmem:s1+$0xFFFFFFD0] =	vst v6;
	v6 =	vld [tilespmem:s24+$0xFFFFF790]  }
0x6a5: {  	s2 =	simm.s32 $0x138C0;
	v10 =	vld [tilespmem:s7+$0xFFFFFFB0];
	v4 =	vpack.i.f32.bf16 v4, v5  }
0x6a6: {  	v5 =	vld [tilespmem:s7+$0xFFFFF7B0];
	[tilespmem:s2+$0x0] =	vst v4  }
0x6a7: {  	v4 =	vpack.i.f32.bf16 v9, v8;
	v11 =	vld [tilespmem:s24+$0xFFFFF7E0]  }
0x6a8: {  	v12 =	vld [tilespmem:s24+$0xFFFFFFE0];
	[tilespmem:s1+$0x20] =	vst v4  }
0x6a9: {  	v6 =	vpack.i.f32.bf16 v7, v6;
	v4 =	vld [tilespmem:s7+$0xFFFFF800]  }
0x6aa: {  	[tilespmem:s2+$0xFFFFFFC0] =	vst v6;
	v6 =	vld [tilespmem:s7+$0x0]  }
0x6ab: {  	v8 =	vld [tilespmem:s24+$0xFFFFF7A0];
	v5 =	vpack.i.f32.bf16 v10, v5  }
0x6ac: {  	v9 =	vld [tilespmem:s24+$0xFFFFFFA0];
	[tilespmem:s1+$0xFFFFFFE0] =	vst v5  }
0x6ad: {  	v5 =	vld [tilespmem:s7+$0xFFFFF7C0]  }
0x6ae: {  	s5 =	simm.s32 $0x2;
	s6 =	sadd.s32 $0x80, s24;
	v10 =	vpack.i.f32.bf16 v12, v11;
	v7 =	vld [tilespmem:s7+$0xFFFFFFC0]  }
.LBB2_53:
0x6af: {  	v11 =	vld [tilespmem:s6+$0xFFFFF7D0];
	[tilespmem:s2+$0x10] =	vst v10;
	v4 =	vpack.i.f32.bf16 v6, v4  }
0x6b0: {  	v6 =	vld [tilespmem:s6+$0xFFFFFFD0];
	[tilespmem:s1+$0x30] =	vst v4  }
0x6b1: {  	v4 =	vpack.i.f32.bf16 v9, v8;
	v8 =	vld [tilespmem:s24+$0xFFFFF7F0]  }
0x6b2: {  	[tilespmem:s2+$0xFFFFFFD0] =	vst v4;
	v4 =	vld [tilespmem:s24+$0xFFFFFFF0]  }
0x6b3: {  	v9 =	vld [tilespmem:s6+$0xFFFFFF90];
	v5 =	vpack.i.f32.bf16 v7, v5  }
0x6b4: {  	v7 =	vld [tilespmem:s6+$0xFFFFF790];
	[tilespmem:s1+$0xFFFFFFF0] =	vst v5;
	s1 =	smov.u32 s2  }
0x6b5: {  	s5 =	sadd.s32 $0x2, s5;
	s2 =	sadd.s32 $0x80, s2;
	v5 =	vpack.i.f32.bf16 v6, v11;
	v10 =	vld [tilespmem:s24+$0xFFFFF7B0]  }
0x6b6: {  	p2 =	slt.u32 s5, $0x1E;
	[tilespmem:s2+$0x0] =	vst v5;
	v5 =	vld [tilespmem:s24+$0xFFFFFFB0]  }
0x6b7: {  	v11 =	vld [tilespmem:s6+$0xFFFFF7E0];
	v4 =	vpack.i.f32.bf16 v4, v8  }
0x6b8: {  	v12 =	vld [tilespmem:s6+$0xFFFFFFE0];
	[tilespmem:s1+$0x20] =	vst v4  }
0x6b9: {  	v6 =	vpack.i.f32.bf16 v9, v7;
	v4 =	vld [tilespmem:s24+$0xFFFFF800]  }
.Ltmp25:
0x6ba: {  	[tilespmem:s2+$0xFFFFFFC0] =	vst v6;
	v6 =	vld [tilespmem:s24+$0x0];
	(pc) =	sbr.rel @p2 .LBB2_53-.Ltmp25, $4  }
0x6bb: {  	v8 =	vld [tilespmem:s6+$0xFFFFF7A0];
	v5 =	vpack.i.f32.bf16 v5, v10  }
0x6bc: {  	v9 =	vld [tilespmem:s6+$0xFFFFFFA0];
	[tilespmem:s1+$0xFFFFFFE0] =	vst v5  }
0x6bd: {  	v5 =	vld [tilespmem:s24+$0xFFFFF7C0]  }
0x6be: {  	v10 =	vpack.i.f32.bf16 v12, v11;
	v7 =	vld [tilespmem:s24+$0xFFFFFFC0];
	s24 =	smov.u32 s6;
	s6 =	sadd.s32 $0x80, s6  }
0x6bf: {  	_ = 	snop  }
0x6c0: {  	[tilespmem:s2+$0x10] =	vst v10  }
0x6c1: {  	v58 =	vld [tilespmem:s24+$0xFFFFF7F0];
	v8 =	vpack.i.f32.bf16 v9, v8  }
0x6c2: {  	v59 =	vld [tilespmem:s24+$0xFFFFFFF0];
	[tilespmem:s2+$0xFFFFFFD0] =	vst v8  }
0x6c3: {  	v60 =	vld [tilespmem:s24+$0xFFFFF7B0]  }
0x6c4: {  	v11 =	vld [tilespmem:s24+$0xFFFFFFB0];
	_ =	sdelay $0x2  }
0x6c5: {  	v8 =	vpack.i.f32.bf16 v59, v58  }
0x6c6: {  	[tilespmem:s2+$0x20] =	vst v8  }
0x6c7: {  	v8 =	vld [tilespmem:s24+$0xFFFFF800];
	v61 =	vpack.i.f32.bf16 v11, v60  }
0x6c8: {  	v62 =	vld [tilespmem:s24+$0x0];
	[tilespmem:s2+$0xFFFFFFE0] =	vst v61  }
0x6c9: {  	v9 =	vld [tilespmem:s24+$0xFFFFF7C0]  }
0x6ca: {  	v63 =	vld [tilespmem:s24+$0xFFFFFFC0];
	_ =	sdelay $0x1  }
0x6cb: {  	v4 =	vpack.i.f32.bf16 v6, v4  }
0x6cc: {  	[tilespmem:s1+$0x30] =	vst v4;
	v4 =	vpack.i.f32.bf16 v7, v5  }
0x6cd: {  	[tilespmem:s1+$0xFFFFFFF0] =	vst v4;
	v4 =	vpack.i.f32.bf16 v62, v8  }
0x6ce: {  	[tilespmem:s2+$0x30] =	vst v4;
	v4 =	vpack.i.f32.bf16 v63, v9  }
0x6cf: {  	s28 =	simm.s32 $0x4;
	[tilespmem:s2+$0xFFFFFFF0] =	vst v4  }
0x6d0: {  	_ =	swait.ge [sflag:s28], $0x4000  }
0x6d1: {  	[sflag:s28] =	ssyncset.done $0x0  }
0x6d2: {  	s31 =	sshll.u32 s10, $0x6;
	s5 =	simm.s32 $0x1;
	[sflag:s28] =	ssyncadd.s32 $0xFFFFC000  }
0x6d3: {  	s10 =	simm.s32 $0x8020;
	s2 =	sor.u32 $0xC0, s8;
	_ =	swait.ge [sflag:s5], $0x4000  }
0x6d4: {  	s8 =	simm.s32 $0x0;
	s1 =	ssub.s32 s2, s31;
	[sflag:s5] =	ssyncset.done $0x0  }
0x6d5: {  	s7 =	sadd.s32 $0xFFFFFFE0, s1;
	[sflag:s5] =	ssyncadd.s32 $0xFFFFC000;
	s5 =	simm.s32 $0x20  }
.LBB2_55:
0x6d6: {  	v4 =	vld [tilespmem:s5+$0x10];
	_ =	sdelay $0x2  }
0x6d7: {  	s1 =	simm.s32 $0x14020;
	v5 =	vld [tilespmem:s5+$0xFFFFFFE0]  }
0x6d8: {  	v6 =	vld [tilespmem:s1+$0x10]  }
0x6d9: {  	v4 =	vmul.f32 $2.550000000e+02, v4  }
0x6da: {  	v7 =	vld [tilespmem:s5+$0xFFFFFFF0]  }
0x6db: {  	v9 =	vld [tilespmem:s5+$0x0];
	v4 =	vtrunc.f32 v4  }
0x6dc: {  	v8 =	vld [tilespmem:s1+$0xFFFFFFE0];
	v4 =	vcvt.f32.s32 v4  }
0x6dd: {  	v5 =	vmul.f32 $2.550000000e+02, v5;
	v10 =	vand.u32 $0xFFFF, v6  }
0x6de: {  	v6 =	vshrl.u32 v6, $0x10;
	v10 =	vadd.s32 v4, v10  }
0x6df: {  	s6 =	sadd.s32 s8, s7;
	v11 =	vld [tilespmem:s1+$0xFFFFFFF0];
	v5 =	vtrunc.f32 v5;
	v4 =	vadd.s32 v4, v6  }
0x6e0: {  	s6 =	scvt.s32.f32 s6;
	v12 =	vld [tilespmem:s1+$0x0];
	v5 =	vcvt.f32.s32 v5;
	v6 =	vmul.f32 $2.550000000e+02, v7  }
0x6e1: {  	v9 =	vmul.f32 $2.550000000e+02, v9;
	v7 =	vand.u32 $0xFFFF, v8  }
0x6e2: {  	s26 =	ssub.f32 $6.300000000e+01, s6;
	v7 =	vadd.s32 v5, v7;
	v6 =	vtrunc.f32 v6  }
0x6e3: {  	v9 =	vtrunc.f32 v9;
	v8 =	vshrl.u32 v8, $0x10;
	v6 =	vcvt.f32.s32 v6;
	v10 =	vld.idx.msk [tilespmem:v10+s25+$0x0], $0xffff  }
0x6e4: {  	s1 =	smul.f32 $1.587301680e-02, s26;
	v13 =	vand.u32 $0xFFFF, v11;
	v9 =	vcvt.f32.s32 v9;
	v8 =	vadd.s32 v5, v8;
	v14 =	vld.idx.msk [tilespmem:v4+s25+$0x0], $0xffff  }
0x6e5: {  	s11 =	simm.s32 $0x14220;
	v5 =	vand.u32 $0xFFFF, v12;
	v4 =	vshrl.u32 v11, $0x10;
	v11 =	vadd.s32 v6, v13  }
0x6e6: {  	v15 =	vld [tilespmem:s11+$0x10];
	s28 =	ssub.f32 $1.000000000e+00, s1;
	v12 =	vshrl.u32 v12, $0x10;
	v13 =	vadd.s32 v9, v5  }
0x6e7: {  	v9 =	vadd.s32 v9, v12;
	v7 =	vld.idx.msk [tilespmem:v7+s25+$0x0], $0xffff  }
0x6e8: {  	v5 =	vmov s28;
	v6 =	vadd.s32 v6, v4;
	v4 =	vmov s1  }
0x6e9: {  	v8 =	vld.idx.msk [tilespmem:v8+s25+$0x0], $0xffff;
	v12 =	vunpack.i.u.bf16.f32 v10;
	v10 =	vunpack.i.l.bf16.f32 v10;
	v16 =	vunpack.i.u.bf16.f32 v14  }
0x6ea: {  	v11 =	vld.idx.msk [tilespmem:v11+s25+$0x0], $0xffff;
	v14 =	vunpack.i.l.bf16.f32 v14;
	v10 =	vmul.f32 v10, v4;
	v12 =	vmul.f32 v12, v5  }
0x6eb: {  	v13 =	vld.idx.msk [tilespmem:v13+s25+$0x0], $0xffff;
	v14 =	vmul.f32 v14, v4;
	v16 =	vmul.f32 v16, v5  }
0x6ec: {  	v18 =	vsub.f32 $1.000000000e+00, v15;
	v9 =	vld.idx.msk [tilespmem:v9+s25+$0x0], $0xffff;
	v17 =	vunpack.i.u.bf16.f32 v7;
	v7 =	vunpack.i.l.bf16.f32 v7  }
0x6ed: {  	v6 =	vld.idx.msk [tilespmem:v6+s25+$0x0], $0xffff;
	v7 =	vmul.f32 v7, v4;
	v10 =	vadd.f32 v10, v12;
	v12 =	vadd.f32 v14, v16  }
0x6ee: {  	s31 =	sadd.s32 $0x40, s5;
	v14 =	vunpack.i.u.bf16.f32 v8;
	v16 =	vmul.f32 v17, v5;
	v8 =	vunpack.i.l.bf16.f32 v8  }
0x6ef: {  	v20 =	vld [tilespmem:s31+$0x10];
	v8 =	vmul.f32 v8, v4;
	v14 =	vmul.f32 v14, v5  }
0x6f0: {  	v10 =	vmul.f32 v15, v10;
	v12 =	vmul.f32 v12, v18;
	v18 =	vunpack.i.u.bf16.f32 v11  }
0x6f1: {  	v17 =	vld [tilespmem:s11+$0xFFFFFFE0];
	v11 =	vunpack.i.l.bf16.f32 v11;
	v21 =	vunpack.i.u.bf16.f32 v13;
	v22 =	vunpack.i.u.bf16.f32 v9  }
0x6f2: {  	v9 =	vunpack.i.l.bf16.f32 v9;
	v7 =	vadd.f32 v7, v16;
	v19 =	vunpack.i.u.bf16.f32 v6  }
0x6f3: {  	v61 =	vld [tilespmem:s11+$0x0];
	v6 =	vunpack.i.l.bf16.f32 v6;
	v11 =	vmul.f32 v11, v4;
	v18 =	vmul.f32 v18, v5  }
0x6f4: {  	v23 =	vld [tilespmem:s31+$0x0];
	s6 =	simm.s32 $0x14060;
	v8 =	vadd.f32 v8, v14;
	v14 =	vmul.f32 $2.550000000e+02, v20;
	v9 =	vmul.f32 v9, v4  }
0x6f5: {  	v25 =	vld [tilespmem:s6+$0x10];
	v22 =	vmul.f32 v22, v5;
	v10 =	vadd.f32 v12, v10;
	v12 =	vunpack.i.l.bf16.f32 v13  }
0x6f6: {  	v16 =	vld [tilespmem:s31+$0xFFFFFFE0];
	v6 =	vmul.f32 v6, v4;
	v19 =	vmul.f32 v19, v5;
	v24 =	vsub.f32 $1.000000000e+00, v17  }
0x6f7: {  	v15 =	vld [tilespmem:s11+$0xFFFFFFF0];
	v12 =	vmul.f32 v12, v4;
	v11 =	vadd.f32 v11, v18;
	v18 =	vmul.f32 v21, v5  }
0x6f8: {  	v14 =	vtrunc.f32 v14;
	v7 =	vmul.f32 v17, v7;
	v17 =	vsub.f32 $1.000000000e+00, v61  }
0x6f9: {  	v13 =	vld [tilespmem:s31+$0xFFFFFFF0];
	v9 =	vadd.f32 v9, v22;
	v6 =	vadd.f32 v6, v19;
	v14 =	vcvt.f32.s32 v14  }
0x6fa: {  	v20 =	vld [tilespmem:s6+$0xFFFFFFE0];
	v19 =	vmul.f32 $2.550000000e+02, v23;
	v12 =	vadd.f32 v12, v18;
	v18 =	vand.u32 $0xFFFF, v25  }
0x6fb: {  	v16 =	vmul.f32 $2.550000000e+02, v16;
	v25 =	vshrl.u32 v25, $0x10;
	v18 =	vadd.s32 v14, v18  }
0x6fc: {  	v8 =	vmul.f32 v8, v24;
	v11 =	vmul.f32 v15, v11;
	v14 =	vadd.s32 v14, v25  }
0x6fd: {  	v21 =	vld [tilespmem:s6+$0xFFFFFFF0];
	v9 =	vmul.f32 v9, v17;
	v16 =	vtrunc.f32 v16  }
0x6fe: {  	v26 =	vld [tilespmem:s6+$0x0];
	v23 =	vsub.f32 $1.000000000e+00, v15;
	v13 =	vmul.f32 $2.550000000e+02, v13;
	v16 =	vcvt.f32.s32 v16  }
0x6ff: {  	v19 =	vtrunc.f32 v19;
	v27 =	vand.u32 $0xFFFF, v20;
	v20 =	vshrl.u32 v20, $0x10  }
0x700: {  	v19 =	vcvt.f32.s32 v19;
	v13 =	vtrunc.f32 v13;
	v27 =	vadd.s32 v16, v27;
	v18 =	vld.idx.msk [tilespmem:v18+s25+$0x0], $0xffff  }
0x701: {  	v6 =	vmul.f32 v6, v23;
	v13 =	vcvt.f32.s32 v13;
	v16 =	vadd.s32 v16, v20;
	v14 =	vld.idx.msk [tilespmem:v14+s25+$0x0], $0xffff  }
0x702: {  	v7 =	vadd.f32 v8, v7;
	v12 =	vmul.f32 v61, v12;
	v28 =	vand.u32 $0xFFFF, v21  }
0x703: {  	s11 =	simm.s32 $0x14260;
	v21 =	vshrl.u32 v21, $0x10;
	v20 =	vand.u32 $0xFFFF, v26;
	v28 =	vadd.s32 v13, v28  }
0x704: {  	v26 =	vshrl.u32 v26, $0x10;
	v8 =	vadd.s32 v19, v20;
	v20 =	vld [tilespmem:s11+$0x10];
	v13 =	vadd.s32 v13, v21  }
0x705: {  	v6 =	vadd.f32 v6, v11;
	v23 =	vmul.f32 $3.921568860e-03, v7;
	v19 =	vadd.s32 v19, v26;
	v15 =	vld.idx.msk [tilespmem:v27+s25+$0x0], $0xffff  }
0x706: {  	v16 =	vld.idx.msk [tilespmem:v16+s25+$0x0], $0xffff;
	v7 =	vunpack.i.u.bf16.f32 v18;
	v11 =	vunpack.i.l.bf16.f32 v18;
	v17 =	vunpack.i.u.bf16.f32 v14  }
0x707: {  	v14 =	vunpack.i.l.bf16.f32 v14;
	v21 =	vmul.f32 v11, v4;
	v22 =	vmul.f32 v7, v5  }
0x708: {  	v18 =	vld.idx.msk [tilespmem:v28+s25+$0x0], $0xffff;
	v14 =	vmul.f32 v14, v4;
	v17 =	vmul.f32 v17, v5  }
0x709: {  	v63 =	vsub.f32 $1.000000000e+00, v20;
	v62 =	vld.idx.msk [tilespmem:v13+s25+$0x0], $0xffff;
	v7 =	vadd.f32 v9, v12  }
0x70a: {  	v10 =	vmul.f32 $3.921568860e-03, v10;
	v11 =	vld.idx.msk [tilespmem:v8+s25+$0x0], $0xffff;
	v21 =	vadd.f32 v21, v22;
	v22 =	vadd.f32 v14, v17  }
0x70b: {  	v13 =	vld.idx.msk [tilespmem:v19+s25+$0x0], $0xffff;
	v9 =	vunpack.i.u.bf16.f32 v15;
	v8 =	vunpack.i.l.bf16.f32 v15;
	v14 =	vunpack.i.u.bf16.f32 v16  }
0x70c: {  	[tilespmem:s10+$0x10] =	vst v10;
	v10 =	vld [tilespmem:s11+$0x0];
	v19 =	vunpack.i.l.bf16.f32 v16;
	v12 =	vmul.f32 v8, v4;
	v17 =	vmul.f32 v9, v5  }
0x70d: {  	s15 =	simm.s32 $0x4;
	v8 =	vld [tilespmem:s11+$0xFFFFFFE0];
	v21 =	vmul.f32 v20, v21;
	v22 =	vmul.f32 v22, v63;
	v15 =	vunpack.i.u.bf16.f32 v18  }
0x70e: {  	s19 =	smov.u32 s10;
	s13 =	smov.u32 s10;
	s20 =	sadd.s32 $0x40, s31;
	[tilespmem:s10+$0xFFFFFFE0] =	vst v23;
	v9 =	vld [tilespmem:s11+$0xFFFFFFF0];
	v20 =	vunpack.i.l.bf16.f32 v18;
	v16 =	vunpack.i.u.bf16.f32 v62;
	v18 =	vunpack.i.l.bf16.f32 v62  }
.LBB2_56:
0x70f: {  	v23 =	vld [tilespmem:s20+$0x10];
	v24 =	vunpack.i.u.bf16.f32 v11;
	v11 =	vunpack.i.l.bf16.f32 v11;
	v21 =	vadd.f32 v22, v21  }
0x710: {  	v19 =	vmul.f32 v19, v4;
	v25 =	vunpack.i.u.bf16.f32 v13;
	v13 =	vunpack.i.l.bf16.f32 v13;
	v22 =	vld [tilespmem:s20+$0xFFFFFFF0]  }
0x711: {  	s15 =	sadd.s32 $0x4, s15;
	v12 =	vadd.f32 v12, v17;
	v14 =	vmul.f32 v14, v5;
	v26 =	vld [tilespmem:s20+$0x0];
	v17 =	vmul.f32 $3.921568860e-03, v21  }
0x712: {  	v20 =	vmul.f32 v20, v4;
	v15 =	vmul.f32 v15, v5;
	s6 =	sadd.s32 $0x40, s6;
	s19 =	sadd.s32 $0x40, s19;
	p2 =	slt.u32 s15, $0x1C;
	v27 =	vsub.f32 $1.000000000e+00, v8;
	v21 =	vld [tilespmem:s20+$0xFFFFFFE0]  }
0x713: {  	v18 =	vmul.f32 v18, v4;
	v16 =	vmul.f32 v16, v5;
	v14 =	vadd.f32 v19, v14;
	v28 =	vld [tilespmem:s6+$0x10];
	[tilespmem:s19+$0x10] =	vst v17  }
0x714: {  	v11 =	vmul.f32 v11, v4;
	v15 =	vadd.f32 v20, v15;
	v17 =	vld [tilespmem:s6+$0xFFFFFFE0];
	v19 =	vmul.f32 $2.550000000e+02, v23  }
0x715: {  	v16 =	vadd.f32 v18, v16;
	v18 =	vmul.f32 v24, v5;
	v20 =	vmul.f32 $2.550000000e+02, v22;
	v22 =	vld [tilespmem:s6+$0xFFFFFFF0]  }
0x716: {  	v23 =	vmul.f32 $2.550000000e+02, v26;
	v24 =	vld [tilespmem:s6+$0x0];
	v19 =	vtrunc.f32 v19;
	v26 =	vsub.f32 $1.000000000e+00, v9  }
0x717: {  	v11 =	vadd.f32 v11, v18;
	v21 =	vmul.f32 $2.550000000e+02, v21;
	v19 =	vcvt.f32.s32 v19  }
0x718: {  	v18 =	vtrunc.f32 v20;
	v20 =	vtrunc.f32 v23;
	v23 =	vand.u32 $0xFFFF, v28  }
0x719: {  	v28 =	vshrl.u32 v28, $0x10;
	v21 =	vtrunc.f32 v21;
	v23 =	vadd.s32 v19, v23  }
0x71a: {  	v18 =	vcvt.f32.s32 v18;
	v19 =	vadd.s32 v19, v28;
	v21 =	vcvt.f32.s32 v21  }
0x71b: {  	v28 =	vand.u32 $0xFFFF, v17;
	v17 =	vshrl.u32 v17, $0x10;
	v20 =	vcvt.f32.s32 v20  }
0x71c: {  	v29 =	vand.u32 $0xFFFF, v22;
	v22 =	vshrl.u32 v22, $0x10;
	v30 =	vand.u32 $0xFFFF, v24  }
0x71d: {  	v28 =	vadd.s32 v21, v28;
	v17 =	vadd.s32 v21, v17;
	v21 =	vshrl.u32 v24, $0x10  }
0x71e: {  	v24 =	vadd.s32 v18, v29;
	v18 =	vadd.s32 v18, v22;
	v22 =	vadd.s32 v20, v30;
	v23 =	vld.idx.msk [tilespmem:v23+s25+$0x0], $0xffff  }
0x71f: {  	v13 =	vmul.f32 v13, v4;
	v20 =	vadd.s32 v20, v21;
	v21 =	vmul.f32 v25, v5;
	v19 =	vld.idx.msk [tilespmem:v19+s25+$0x0], $0xffff  }
0x720: {  	v8 =	vmul.f32 v8, v12;
	v12 =	vmul.f32 v14, v27;
	v14 =	vsub.f32 $1.000000000e+00, v10  }
0x721: {  	v9 =	vmul.f32 v9, v15;
	v15 =	vmul.f32 v16, v26;
	v13 =	vadd.f32 v13, v21  }
0x722: {  	s11 =	sadd.s32 $0x40, s11;
	v8 =	vadd.f32 v12, v8;
	v10 =	vmul.f32 v10, v11;
	v11 =	vmul.f32 $3.921568860e-03, v6;
	v16 =	vld.idx.msk [tilespmem:v28+s25+$0x0], $0xffff  }
0x723: {  	v7 =	vmul.f32 $3.921568860e-03, v7;
	v6 =	vadd.f32 v15, v9;
	v9 =	vmul.f32 v13, v14;
	v21 =	vld [tilespmem:s11+$0x10]  }
0x724: {  	v8 =	vmul.f32 $3.921568860e-03, v8;
	v15 =	vld.idx.msk [tilespmem:v17+s25+$0x0], $0xffff;
	[tilespmem:s13+$0xFFFFFFF0] =	vst v11  }
0x725: {  	v12 =	vunpack.i.l.bf16.f32 v23;
	v11 =	vunpack.i.u.bf16.f32 v23;
	v13 =	vunpack.i.u.bf16.f32 v19;
	v24 =	vld.idx.msk [tilespmem:v24+s25+$0x0], $0xffff;
	[tilespmem:s13+$0x0] =	vst v7;
	s13 =	smov.u32 s19  }
0x726: {  	v14 =	vmul.f32 v12, v4;
	v7 =	vunpack.i.l.bf16.f32 v19;
	v17 =	vmul.f32 v11, v5;
	v18 =	vld.idx.msk [tilespmem:v18+s25+$0x0], $0xffff;
	[tilespmem:s19+$0xFFFFFFE0] =	vst v8  }
0x727: {  	v19 =	vmul.f32 v7, v4;
	v7 =	vadd.f32 v9, v10;
	v11 =	vld.idx.msk [tilespmem:v22+s25+$0x0], $0xffff;
	v22 =	vmul.f32 v13, v5  }
.Ltmp26:
0x728: {  	v9 =	vunpack.i.u.bf16.f32 v16;
	v10 =	vunpack.i.l.bf16.f32 v16;
	v13 =	vld.idx.msk [tilespmem:v20+s25+$0x0], $0xffff;
	v16 =	vsub.f32 $1.000000000e+00, v21;
	(pc) =	sbr.rel @p2 .LBB2_56-.Ltmp26, $4  }
0x729: {  	v12 =	vmul.f32 v10, v4;
	v20 =	vadd.f32 v14, v17;
	v8 =	vld [tilespmem:s11+$0xFFFFFFE0];
	v22 =	vadd.f32 v19, v22  }
0x72a: {  	v17 =	vmul.f32 v9, v5;
	v14 =	vunpack.i.u.bf16.f32 v15;
	v19 =	vunpack.i.l.bf16.f32 v15;
	v9 =	vld [tilespmem:s11+$0xFFFFFFF0]  }
0x72b: {  	v15 =	vunpack.i.u.bf16.f32 v24;
	v21 =	vmul.f32 v21, v20;
	v10 =	vld [tilespmem:s11+$0x0];
	v22 =	vmul.f32 v22, v16  }
0x72c: {  	s20 =	sadd.s32 $0x40, s20;
	v20 =	vunpack.i.l.bf16.f32 v24;
	v16 =	vunpack.i.u.bf16.f32 v18;
	v18 =	vunpack.i.l.bf16.f32 v18  }
0x72d: {  	v23 =	vunpack.i.u.bf16.f32 v11;
	v52 =	vunpack.i.l.bf16.f32 v11;
	v19 =	vmul.f32 v19, v4  }
0x72e: {  	v53 =	vunpack.i.u.bf16.f32 v13;
	v14 =	vmul.f32 v14, v5;
	v55 =	vmul.f32 v20, v4  }
0x72f: {  	v54 =	vunpack.i.l.bf16.f32 v13;
	v15 =	vmul.f32 v15, v5;
	v18 =	vmul.f32 v18, v4  }
0x730: {  	v12 =	vadd.f32 v12, v17;
	v16 =	vmul.f32 v16, v5;
	v6 =	vmul.f32 $3.921568860e-03, v6  }
0x731: {  	v7 =	vmul.f32 $3.921568860e-03, v7;
	v56 =	vsub.f32 $1.000000000e+00, v8;
	v11 =	vmul.f32 v52, v4  }
0x732: {  	v57 =	vmul.f32 v23, v5;
	v4 =	vmul.f32 v54, v4;
	v14 =	vadd.f32 v19, v14  }
0x733: {  	v5 =	vmul.f32 v53, v5;
	v15 =	vadd.f32 v55, v15;
	v16 =	vadd.f32 v18, v16  }
0x734: {  	v58 =	vsub.f32 $1.000000000e+00, v9;
	v59 =	vmul.f32 v8, v12;
	v11 =	vadd.f32 v11, v57  }
0x735: {  	v61 =	vsub.f32 $1.000000000e+00, v10;
	v4 =	vadd.f32 v4, v5;
	v60 =	vmul.f32 v14, v56  }
0x736: {  	v21 =	vadd.f32 v22, v21;
	v62 =	vmul.f32 v9, v15;
	v5 =	vmul.f32 v16, v58  }
0x737: {  	s8 =	sadd.s32 $0x1, s8;
	v63 =	vmul.f32 v10, v11;
	v4 =	vmul.f32 v4, v61;
	v8 =	vadd.f32 v60, v59  }
0x738: {  	p2 =	sne.s32 s8, $0x20;
	v21 =	vmul.f32 $3.921568860e-03, v21;
	[tilespmem:s13+$0xFFFFFFF0] =	vst v6;
	v5 =	vadd.f32 v5, v62  }
.Ltmp27:
0x739: {  	s1 =	sadd.s32 $0x40, s19;
	[tilespmem:s13+$0x0] =	vst v7;
	v4 =	vadd.f32 v4, v63;
	v8 =	vmul.f32 $3.921568860e-03, v8;
	(pc) =	sbr.rel @p2 .LBB2_55-.Ltmp27, $4  }
0x73a: {  	[tilespmem:s1+$0x10] =	vst v21;
	v5 =	vmul.f32 $3.921568860e-03, v5  }
0x73b: {  	v4 =	vmul.f32 $3.921568860e-03, v4;
	[tilespmem:s1+$0xFFFFFFE0] =	vst v8  }
0x73c: {  	[tilespmem:s1+$0xFFFFFFF0] =	vst v5  }
0x73d: {  	s10 =	sadd.s32 $0x200, s10;
	s5 =	sadd.s32 $0x200, s5;
	[tilespmem:s1+$0x0] =	vst v4  }
0x73e: {  	s1 =	sadd.s32 s9, s22  }
0x73f: {  	s5 =	simm.s32 $0x8000;
	p2 =	seq.s32 s3, $0x0;
	s3 =	simm.s32 $0x8000  }
0x740: {  	[hbm4b:s1+s4] =	stream.linear.scatter [tilespmem:s5], [sflag:$0x4], $0x4000, $0x38;
	[tilespmem:$0x1A400] =	vst v63  }
0x741: {  	s1 =	simm.s32 $0x6000;
	s3 =	simm.s32 @!p2 $0xE000  }
0x742: {  	s1 =	simm.s32 @!p2 $0xE000;
	s3 =	ssub.s32 s3, s21  }
0x743: {  	s1 =	ssub.s32 s1, s21;
	s31 =	sshrl.u32 s3, $0x2  }
0x744: {  	s1 =	sshra.s32 s1, $0x2;
	s11 =	sadd.s32 $0x11040, s31  }
0x745: {  	s7 =	sadd.s32 $0x11040, s1;
	v5 =	vld [tilespmem:s11+$0x0]  }
0x746: {  	v4 =	vld [tilespmem:s7+$0x0];
	_ =	sdelay $0x2  }
0x747: {  	v6 =	vld [tilespmem:s11+$0xFFFFFFC0]  }
0x748: {  	v7 =	vld [tilespmem:s7+$0xFFFFFFC0]  }
0x749: {  	s1 =	simm.s32 $0x13840;
	v4 =	vpack.i.f32.bf16 v5, v4  }
0x74a: {  	[tilespmem:s1+$0x0] =	vst v4  }
0x74b: {  	v4 =	vld [tilespmem:s7+$0x10]  }
0x74c: {  	v5 =	vld [tilespmem:s11+$0x10]  }
0x74d: {  	v6 =	vpack.i.f32.bf16 v6, v7  }
0x74e: {  	[tilespmem:s1+$0xFFFFFFC0] =	vst v6  }
0x74f: {  	v6 =	vld [tilespmem:s7+$0xFFFFFFD0]  }
0x750: {  	s3 =	sadd.s32 $0x80, s7;
	v7 =	vld [tilespmem:s11+$0xFFFFFFD0]  }
0x751: {  	s6 =	sadd.s32 $0x80, s11;
	v4 =	vpack.i.f32.bf16 v5, v4;
	v5 =	vld [tilespmem:s3+$0x0]  }
0x752: {  	[tilespmem:s1+$0x10] =	vst v4;
	v4 =	vld [tilespmem:s6+$0x0]  }
0x753: {  	v8 =	vld [tilespmem:s7+$0x20]  }
0x754: {  	v9 =	vld [tilespmem:s11+$0x20]  }
0x755: {  	v6 =	vpack.i.f32.bf16 v7, v6;
	v7 =	vld [tilespmem:s6+$0xFFFFFFC0]  }
0x756: {  	[tilespmem:s1+$0xFFFFFFD0] =	vst v6;
	v6 =	vld [tilespmem:s3+$0xFFFFFFC0]  }
0x757: {  	s5 =	simm.s32 $0x138C0;
	v10 =	vld [tilespmem:s11+$0xFFFFFFE0];
	v4 =	vpack.i.f32.bf16 v4, v5  }
0x758: {  	v5 =	vld [tilespmem:s7+$0xFFFFFFE0];
	[tilespmem:s5+$0x0] =	vst v4  }
0x759: {  	v4 =	vpack.i.f32.bf16 v9, v8;
	v11 =	vld [tilespmem:s3+$0x10]  }
0x75a: {  	v12 =	vld [tilespmem:s6+$0x10];
	[tilespmem:s1+$0x20] =	vst v4  }
0x75b: {  	v6 =	vpack.i.f32.bf16 v7, v6;
	v4 =	vld [tilespmem:s7+$0x30]  }
0x75c: {  	[tilespmem:s5+$0xFFFFFFC0] =	vst v6;
	v6 =	vld [tilespmem:s11+$0x30]  }
0x75d: {  	v8 =	vld [tilespmem:s3+$0xFFFFFFD0];
	v5 =	vpack.i.f32.bf16 v10, v5  }
0x75e: {  	v9 =	vld [tilespmem:s6+$0xFFFFFFD0];
	[tilespmem:s1+$0xFFFFFFE0] =	vst v5  }
0x75f: {  	v5 =	vld [tilespmem:s7+$0xFFFFFFF0]  }
0x760: {  	s8 =	simm.s32 $0x2;
	s10 =	sadd.s32 $0x80, s3;
	v10 =	vpack.i.f32.bf16 v12, v11;
	v7 =	vld [tilespmem:s11+$0xFFFFFFF0];
	s7 =	smov.u32 s6  }
.LBB2_59:
0x761: {  	v11 =	vld [tilespmem:s10+$0x0];
	[tilespmem:s5+$0x10] =	vst v10;
	s6 =	sadd.s32 $0x80, s6;
	v4 =	vpack.i.f32.bf16 v6, v4  }
0x762: {  	v6 =	vld [tilespmem:s6+$0x0];
	[tilespmem:s1+$0x30] =	vst v4  }
0x763: {  	v4 =	vpack.i.f32.bf16 v9, v8;
	v8 =	vld [tilespmem:s3+$0x20]  }
0x764: {  	[tilespmem:s5+$0xFFFFFFD0] =	vst v4;
	v4 =	vld [tilespmem:s7+$0x20]  }
0x765: {  	v9 =	vld [tilespmem:s6+$0xFFFFFFC0];
	v5 =	vpack.i.f32.bf16 v7, v5  }
0x766: {  	v7 =	vld [tilespmem:s10+$0xFFFFFFC0];
	[tilespmem:s1+$0xFFFFFFF0] =	vst v5;
	s1 =	smov.u32 s5  }
0x767: {  	s8 =	sadd.s32 $0x2, s8;
	s5 =	sadd.s32 $0x80, s5;
	v5 =	vpack.i.f32.bf16 v6, v11;
	v10 =	vld [tilespmem:s3+$0xFFFFFFE0]  }
0x768: {  	p3 =	slt.u32 s8, $0x1E;
	[tilespmem:s5+$0x0] =	vst v5;
	v5 =	vld [tilespmem:s7+$0xFFFFFFE0]  }
0x769: {  	v11 =	vld [tilespmem:s10+$0x10];
	v4 =	vpack.i.f32.bf16 v4, v8  }
0x76a: {  	v12 =	vld [tilespmem:s6+$0x10];
	[tilespmem:s1+$0x20] =	vst v4  }
0x76b: {  	v6 =	vpack.i.f32.bf16 v9, v7;
	v4 =	vld [tilespmem:s3+$0x30]  }
.Ltmp28:
0x76c: {  	[tilespmem:s5+$0xFFFFFFC0] =	vst v6;
	v6 =	vld [tilespmem:s7+$0x30];
	(pc) =	sbr.rel @p3 .LBB2_59-.Ltmp28, $4  }
0x76d: {  	v8 =	vld [tilespmem:s10+$0xFFFFFFD0];
	v5 =	vpack.i.f32.bf16 v5, v10  }
0x76e: {  	v9 =	vld [tilespmem:s6+$0xFFFFFFD0];
	[tilespmem:s1+$0xFFFFFFE0] =	vst v5  }
0x76f: {  	v5 =	vld [tilespmem:s3+$0xFFFFFFF0];
	s3 =	smov.u32 s10  }
0x770: {  	v10 =	vpack.i.f32.bf16 v12, v11;
	s10 =	sadd.s32 $0x80, s10;
	v7 =	vld [tilespmem:s7+$0xFFFFFFF0];
	s7 =	smov.u32 s6  }
0x771: {  	_ = 	snop  }
0x772: {  	[tilespmem:s5+$0x10] =	vst v10  }
0x773: {  	v58 =	vld [tilespmem:s3+$0x20];
	v8 =	vpack.i.f32.bf16 v9, v8  }
0x774: {  	v59 =	vld [tilespmem:s7+$0x20];
	[tilespmem:s5+$0xFFFFFFD0] =	vst v8  }
0x775: {  	v60 =	vld [tilespmem:s3+$0xFFFFFFE0]  }
0x776: {  	v11 =	vld [tilespmem:s7+$0xFFFFFFE0];
	_ =	sdelay $0x2  }
0x777: {  	v8 =	vpack.i.f32.bf16 v59, v58  }
0x778: {  	[tilespmem:s5+$0x20] =	vst v8  }
0x779: {  	v8 =	vld [tilespmem:s3+$0x30];
	v61 =	vpack.i.f32.bf16 v11, v60  }
0x77a: {  	v62 =	vld [tilespmem:s7+$0x30];
	[tilespmem:s5+$0xFFFFFFE0] =	vst v61  }
0x77b: {  	v9 =	vld [tilespmem:s3+$0xFFFFFFF0]  }
0x77c: {  	v63 =	vld [tilespmem:s7+$0xFFFFFFF0];
	_ =	sdelay $0x1  }
0x77d: {  	v4 =	vpack.i.f32.bf16 v6, v4  }
0x77e: {  	[tilespmem:s1+$0x30] =	vst v4;
	v4 =	vpack.i.f32.bf16 v7, v5  }
0x77f: {  	[tilespmem:s1+$0xFFFFFFF0] =	vst v4;
	v4 =	vpack.i.f32.bf16 v62, v8  }
0x780: {  	[tilespmem:s5+$0x30] =	vst v4;
	v4 =	vpack.i.f32.bf16 v63, v9  }
0x781: {  	s28 =	simm.s32 $0x5;
	[tilespmem:s5+$0xFFFFFFF0] =	vst v4  }
0x782: {  	_ =	swait.ge [sflag:s28], $0x4000  }
0x783: {  	[sflag:s28] =	ssyncset.done $0x0  }
0x784: {  	s31 =	smin.u32 s12, $0x6;
	[sflag:s28] =	ssyncadd.s32 $0xFFFFC000  }
0x785: {  	s1 =	sshll.u32 s31, $0x6;
	_ =	swait.ge [sflag:s18], $0x4000  }
0x786: {  	s8 =	simm.s32 $0x4020;
	s2 =	ssub.s32 s2, s1;
	[sflag:s18] =	ssyncset.done $0x0  }
0x787: {  	s3 =	simm.s32 $0x0;
	s7 =	simm.s32 $0xC020;
	[sflag:s18] =	ssyncadd.s32 $0xFFFFC000  }
.LBB2_61:
0x788: {  	v4 =	vld [tilespmem:s8+$0x10];
	_ =	sdelay $0x2  }
0x789: {  	s1 =	simm.s32 $0x14020;
	v5 =	vld [tilespmem:s8+$0xFFFFFFE0]  }
0x78a: {  	v6 =	vld [tilespmem:s1+$0x10]  }
0x78b: {  	v4 =	vmul.f32 $2.550000000e+02, v4  }
0x78c: {  	v7 =	vld [tilespmem:s8+$0xFFFFFFF0]  }
0x78d: {  	v9 =	vld [tilespmem:s8+$0x0];
	v4 =	vtrunc.f32 v4  }
0x78e: {  	v8 =	vld [tilespmem:s1+$0xFFFFFFE0];
	v4 =	vcvt.f32.s32 v4  }
0x78f: {  	v5 =	vmul.f32 $2.550000000e+02, v5;
	v10 =	vand.u32 $0xFFFF, v6  }
0x790: {  	s5 =	sadd.s32 s3, s2;
	v6 =	vshrl.u32 v6, $0x10;
	v10 =	vadd.s32 v4, v10  }
0x791: {  	s5 =	scvt.s32.f32 s5;
	v11 =	vld [tilespmem:s1+$0xFFFFFFF0];
	v5 =	vtrunc.f32 v5;
	v4 =	vadd.s32 v4, v6  }
0x792: {  	v12 =	vld [tilespmem:s1+$0x0];
	v5 =	vcvt.f32.s32 v5;
	v6 =	vmul.f32 $2.550000000e+02, v7  }
0x793: {  	s5 =	ssub.f32 $6.300000000e+01, s5;
	v9 =	vmul.f32 $2.550000000e+02, v9;
	v7 =	vand.u32 $0xFFFF, v8  }
0x794: {  	v7 =	vadd.s32 v5, v7;
	v6 =	vtrunc.f32 v6  }
0x795: {  	s1 =	smul.f32 $1.587301680e-02, s5;
	v9 =	vtrunc.f32 v9;
	v8 =	vshrl.u32 v8, $0x10;
	v6 =	vcvt.f32.s32 v6;
	v10 =	vld.idx.msk [tilespmem:v10+s25+$0x0], $0xffff  }
0x796: {  	v13 =	vand.u32 $0xFFFF, v11;
	v9 =	vcvt.f32.s32 v9;
	v8 =	vadd.s32 v5, v8;
	v14 =	vld.idx.msk [tilespmem:v4+s25+$0x0], $0xffff  }
0x797: {  	s6 =	simm.s32 $0x14220;
	s1 =	simm.s32 @!p2 $0x3F800000;
	v5 =	vand.u32 $0xFFFF, v12;
	v4 =	vshrl.u32 v11, $0x10;
	v11 =	vadd.s32 v6, v13  }
0x798: {  	v15 =	vld [tilespmem:s6+$0x10];
	s28 =	ssub.f32 $1.000000000e+00, s1;
	v12 =	vshrl.u32 v12, $0x10;
	v13 =	vadd.s32 v9, v5  }
0x799: {  	v9 =	vadd.s32 v9, v12;
	v7 =	vld.idx.msk [tilespmem:v7+s25+$0x0], $0xffff  }
0x79a: {  	v5 =	vmov s28;
	v6 =	vadd.s32 v6, v4;
	v4 =	vmov s1  }
0x79b: {  	v8 =	vld.idx.msk [tilespmem:v8+s25+$0x0], $0xffff;
	v12 =	vunpack.i.u.bf16.f32 v10;
	v10 =	vunpack.i.l.bf16.f32 v10;
	v16 =	vunpack.i.u.bf16.f32 v14  }
0x79c: {  	v11 =	vld.idx.msk [tilespmem:v11+s25+$0x0], $0xffff;
	v14 =	vunpack.i.l.bf16.f32 v14;
	v10 =	vmul.f32 v10, v4;
	v12 =	vmul.f32 v12, v5  }
0x79d: {  	v13 =	vld.idx.msk [tilespmem:v13+s25+$0x0], $0xffff;
	v14 =	vmul.f32 v14, v4;
	v16 =	vmul.f32 v16, v5  }
0x79e: {  	v18 =	vsub.f32 $1.000000000e+00, v15;
	v9 =	vld.idx.msk [tilespmem:v9+s25+$0x0], $0xffff;
	v17 =	vunpack.i.u.bf16.f32 v7;
	v7 =	vunpack.i.l.bf16.f32 v7  }
0x79f: {  	v6 =	vld.idx.msk [tilespmem:v6+s25+$0x0], $0xffff;
	v7 =	vmul.f32 v7, v4;
	v10 =	vadd.f32 v10, v12;
	v12 =	vadd.f32 v14, v16  }
0x7a0: {  	s31 =	sadd.s32 $0x40, s8;
	v14 =	vunpack.i.u.bf16.f32 v8;
	v16 =	vmul.f32 v17, v5;
	v8 =	vunpack.i.l.bf16.f32 v8  }
0x7a1: {  	v20 =	vld [tilespmem:s31+$0x10];
	v8 =	vmul.f32 v8, v4;
	v14 =	vmul.f32 v14, v5  }
0x7a2: {  	v10 =	vmul.f32 v15, v10;
	v12 =	vmul.f32 v12, v18;
	v18 =	vunpack.i.u.bf16.f32 v11  }
0x7a3: {  	v17 =	vld [tilespmem:s6+$0xFFFFFFE0];
	v11 =	vunpack.i.l.bf16.f32 v11;
	v21 =	vunpack.i.u.bf16.f32 v13;
	v22 =	vunpack.i.u.bf16.f32 v9  }
0x7a4: {  	v9 =	vunpack.i.l.bf16.f32 v9;
	v7 =	vadd.f32 v7, v16;
	v19 =	vunpack.i.u.bf16.f32 v6  }
0x7a5: {  	v61 =	vld [tilespmem:s6+$0x0];
	v6 =	vunpack.i.l.bf16.f32 v6;
	v11 =	vmul.f32 v11, v4;
	v18 =	vmul.f32 v18, v5  }
0x7a6: {  	v23 =	vld [tilespmem:s31+$0x0];
	s5 =	simm.s32 $0x14060;
	v8 =	vadd.f32 v8, v14;
	v14 =	vmul.f32 $2.550000000e+02, v20;
	v9 =	vmul.f32 v9, v4  }
0x7a7: {  	v25 =	vld [tilespmem:s5+$0x10];
	v22 =	vmul.f32 v22, v5;
	v10 =	vadd.f32 v12, v10;
	v12 =	vunpack.i.l.bf16.f32 v13  }
0x7a8: {  	v16 =	vld [tilespmem:s31+$0xFFFFFFE0];
	v6 =	vmul.f32 v6, v4;
	v19 =	vmul.f32 v19, v5;
	v24 =	vsub.f32 $1.000000000e+00, v17  }
0x7a9: {  	v15 =	vld [tilespmem:s6+$0xFFFFFFF0];
	v12 =	vmul.f32 v12, v4;
	v11 =	vadd.f32 v11, v18;
	v18 =	vmul.f32 v21, v5  }
0x7aa: {  	v14 =	vtrunc.f32 v14;
	v7 =	vmul.f32 v17, v7;
	v17 =	vsub.f32 $1.000000000e+00, v61  }
0x7ab: {  	v13 =	vld [tilespmem:s31+$0xFFFFFFF0];
	v9 =	vadd.f32 v9, v22;
	v6 =	vadd.f32 v6, v19;
	v14 =	vcvt.f32.s32 v14  }
0x7ac: {  	v20 =	vld [tilespmem:s5+$0xFFFFFFE0];
	v19 =	vmul.f32 $2.550000000e+02, v23;
	v12 =	vadd.f32 v12, v18;
	v18 =	vand.u32 $0xFFFF, v25  }
0x7ad: {  	v16 =	vmul.f32 $2.550000000e+02, v16;
	v25 =	vshrl.u32 v25, $0x10;
	v18 =	vadd.s32 v14, v18  }
0x7ae: {  	v8 =	vmul.f32 v8, v24;
	v11 =	vmul.f32 v15, v11;
	v14 =	vadd.s32 v14, v25  }
0x7af: {  	v21 =	vld [tilespmem:s5+$0xFFFFFFF0];
	v9 =	vmul.f32 v9, v17;
	v16 =	vtrunc.f32 v16  }
0x7b0: {  	v26 =	vld [tilespmem:s5+$0x0];
	v23 =	vsub.f32 $1.000000000e+00, v15;
	v13 =	vmul.f32 $2.550000000e+02, v13;
	v16 =	vcvt.f32.s32 v16  }
0x7b1: {  	v19 =	vtrunc.f32 v19;
	v27 =	vand.u32 $0xFFFF, v20;
	v20 =	vshrl.u32 v20, $0x10  }
0x7b2: {  	v19 =	vcvt.f32.s32 v19;
	v13 =	vtrunc.f32 v13;
	v27 =	vadd.s32 v16, v27;
	v18 =	vld.idx.msk [tilespmem:v18+s25+$0x0], $0xffff  }
0x7b3: {  	v6 =	vmul.f32 v6, v23;
	v13 =	vcvt.f32.s32 v13;
	v16 =	vadd.s32 v16, v20;
	v14 =	vld.idx.msk [tilespmem:v14+s25+$0x0], $0xffff  }
0x7b4: {  	v7 =	vadd.f32 v8, v7;
	v12 =	vmul.f32 v61, v12;
	v28 =	vand.u32 $0xFFFF, v21  }
0x7b5: {  	s6 =	simm.s32 $0x14260;
	v21 =	vshrl.u32 v21, $0x10;
	v20 =	vand.u32 $0xFFFF, v26;
	v28 =	vadd.s32 v13, v28  }
0x7b6: {  	v26 =	vshrl.u32 v26, $0x10;
	v8 =	vadd.s32 v19, v20;
	v20 =	vld [tilespmem:s6+$0x10];
	v13 =	vadd.s32 v13, v21  }
0x7b7: {  	v6 =	vadd.f32 v6, v11;
	v23 =	vmul.f32 $3.921568860e-03, v7;
	v19 =	vadd.s32 v19, v26;
	v15 =	vld.idx.msk [tilespmem:v27+s25+$0x0], $0xffff  }
0x7b8: {  	v16 =	vld.idx.msk [tilespmem:v16+s25+$0x0], $0xffff;
	v7 =	vunpack.i.u.bf16.f32 v18;
	v11 =	vunpack.i.l.bf16.f32 v18;
	v17 =	vunpack.i.u.bf16.f32 v14  }
0x7b9: {  	v14 =	vunpack.i.l.bf16.f32 v14;
	v21 =	vmul.f32 v11, v4;
	v22 =	vmul.f32 v7, v5  }
0x7ba: {  	v18 =	vld.idx.msk [tilespmem:v28+s25+$0x0], $0xffff;
	v14 =	vmul.f32 v14, v4;
	v17 =	vmul.f32 v17, v5  }
0x7bb: {  	v63 =	vsub.f32 $1.000000000e+00, v20;
	v62 =	vld.idx.msk [tilespmem:v13+s25+$0x0], $0xffff;
	v7 =	vadd.f32 v9, v12  }
0x7bc: {  	v10 =	vmul.f32 $3.921568860e-03, v10;
	v11 =	vld.idx.msk [tilespmem:v8+s25+$0x0], $0xffff;
	v21 =	vadd.f32 v21, v22;
	v22 =	vadd.f32 v14, v17  }
0x7bd: {  	v13 =	vld.idx.msk [tilespmem:v19+s25+$0x0], $0xffff;
	v9 =	vunpack.i.u.bf16.f32 v15;
	v8 =	vunpack.i.l.bf16.f32 v15;
	v14 =	vunpack.i.u.bf16.f32 v16  }
0x7be: {  	[tilespmem:s7+$0x10] =	vst v10;
	v10 =	vld [tilespmem:s6+$0x0];
	v19 =	vunpack.i.l.bf16.f32 v16;
	v12 =	vmul.f32 v8, v4;
	v17 =	vmul.f32 v9, v5  }
0x7bf: {  	s12 =	simm.s32 $0x4;
	v8 =	vld [tilespmem:s6+$0xFFFFFFE0];
	v21 =	vmul.f32 v20, v21;
	v22 =	vmul.f32 v22, v63;
	v15 =	vunpack.i.u.bf16.f32 v18  }
0x7c0: {  	s11 =	smov.u32 s7;
	s10 =	smov.u32 s7;
	s13 =	sadd.s32 $0x40, s31;
	[tilespmem:s7+$0xFFFFFFE0] =	vst v23;
	v9 =	vld [tilespmem:s6+$0xFFFFFFF0];
	v20 =	vunpack.i.l.bf16.f32 v18;
	v16 =	vunpack.i.u.bf16.f32 v62;
	v18 =	vunpack.i.l.bf16.f32 v62  }
.LBB2_62:
0x7c1: {  	v23 =	vld [tilespmem:s13+$0x10];
	v24 =	vunpack.i.u.bf16.f32 v11;
	v11 =	vunpack.i.l.bf16.f32 v11;
	v21 =	vadd.f32 v22, v21  }
0x7c2: {  	v19 =	vmul.f32 v19, v4;
	v25 =	vunpack.i.u.bf16.f32 v13;
	v13 =	vunpack.i.l.bf16.f32 v13;
	v22 =	vld [tilespmem:s13+$0xFFFFFFF0]  }
0x7c3: {  	s12 =	sadd.s32 $0x4, s12;
	v12 =	vadd.f32 v12, v17;
	v14 =	vmul.f32 v14, v5;
	v26 =	vld [tilespmem:s13+$0x0];
	v17 =	vmul.f32 $3.921568860e-03, v21  }
0x7c4: {  	v20 =	vmul.f32 v20, v4;
	v15 =	vmul.f32 v15, v5;
	s5 =	sadd.s32 $0x40, s5;
	s11 =	sadd.s32 $0x40, s11;
	p3 =	slt.u32 s12, $0x1C;
	v27 =	vsub.f32 $1.000000000e+00, v8;
	v21 =	vld [tilespmem:s13+$0xFFFFFFE0]  }
0x7c5: {  	v18 =	vmul.f32 v18, v4;
	v16 =	vmul.f32 v16, v5;
	v14 =	vadd.f32 v19, v14;
	v28 =	vld [tilespmem:s5+$0x10];
	[tilespmem:s11+$0x10] =	vst v17  }
0x7c6: {  	v11 =	vmul.f32 v11, v4;
	v15 =	vadd.f32 v20, v15;
	v17 =	vld [tilespmem:s5+$0xFFFFFFE0];
	v19 =	vmul.f32 $2.550000000e+02, v23  }
0x7c7: {  	v16 =	vadd.f32 v18, v16;
	v18 =	vmul.f32 v24, v5;
	v20 =	vmul.f32 $2.550000000e+02, v22;
	v22 =	vld [tilespmem:s5+$0xFFFFFFF0]  }
0x7c8: {  	v23 =	vmul.f32 $2.550000000e+02, v26;
	v24 =	vld [tilespmem:s5+$0x0];
	v19 =	vtrunc.f32 v19;
	v26 =	vsub.f32 $1.000000000e+00, v9  }
0x7c9: {  	v11 =	vadd.f32 v11, v18;
	v21 =	vmul.f32 $2.550000000e+02, v21;
	v19 =	vcvt.f32.s32 v19  }
0x7ca: {  	v18 =	vtrunc.f32 v20;
	v20 =	vtrunc.f32 v23;
	v23 =	vand.u32 $0xFFFF, v28  }
0x7cb: {  	v28 =	vshrl.u32 v28, $0x10;
	v21 =	vtrunc.f32 v21;
	v23 =	vadd.s32 v19, v23  }
0x7cc: {  	v18 =	vcvt.f32.s32 v18;
	v19 =	vadd.s32 v19, v28;
	v21 =	vcvt.f32.s32 v21  }
0x7cd: {  	v28 =	vand.u32 $0xFFFF, v17;
	v17 =	vshrl.u32 v17, $0x10;
	v20 =	vcvt.f32.s32 v20  }
0x7ce: {  	v29 =	vand.u32 $0xFFFF, v22;
	v22 =	vshrl.u32 v22, $0x10;
	v30 =	vand.u32 $0xFFFF, v24  }
0x7cf: {  	v28 =	vadd.s32 v21, v28;
	v17 =	vadd.s32 v21, v17;
	v21 =	vshrl.u32 v24, $0x10  }
0x7d0: {  	v24 =	vadd.s32 v18, v29;
	v18 =	vadd.s32 v18, v22;
	v22 =	vadd.s32 v20, v30;
	v23 =	vld.idx.msk [tilespmem:v23+s25+$0x0], $0xffff  }
0x7d1: {  	v13 =	vmul.f32 v13, v4;
	v20 =	vadd.s32 v20, v21;
	v21 =	vmul.f32 v25, v5;
	v19 =	vld.idx.msk [tilespmem:v19+s25+$0x0], $0xffff  }
0x7d2: {  	v8 =	vmul.f32 v8, v12;
	v12 =	vmul.f32 v14, v27;
	v14 =	vsub.f32 $1.000000000e+00, v10  }
0x7d3: {  	v9 =	vmul.f32 v9, v15;
	v15 =	vmul.f32 v16, v26;
	v13 =	vadd.f32 v13, v21  }
0x7d4: {  	s6 =	sadd.s32 $0x40, s6;
	v8 =	vadd.f32 v12, v8;
	v10 =	vmul.f32 v10, v11;
	v11 =	vmul.f32 $3.921568860e-03, v6;
	v16 =	vld.idx.msk [tilespmem:v28+s25+$0x0], $0xffff  }
0x7d5: {  	v7 =	vmul.f32 $3.921568860e-03, v7;
	v6 =	vadd.f32 v15, v9;
	v9 =	vmul.f32 v13, v14;
	v21 =	vld [tilespmem:s6+$0x10]  }
0x7d6: {  	v8 =	vmul.f32 $3.921568860e-03, v8;
	v15 =	vld.idx.msk [tilespmem:v17+s25+$0x0], $0xffff;
	[tilespmem:s10+$0xFFFFFFF0] =	vst v11  }
0x7d7: {  	v12 =	vunpack.i.l.bf16.f32 v23;
	v11 =	vunpack.i.u.bf16.f32 v23;
	v13 =	vunpack.i.u.bf16.f32 v19;
	v24 =	vld.idx.msk [tilespmem:v24+s25+$0x0], $0xffff;
	[tilespmem:s10+$0x0] =	vst v7;
	s10 =	smov.u32 s11  }
0x7d8: {  	v14 =	vmul.f32 v12, v4;
	v7 =	vunpack.i.l.bf16.f32 v19;
	v17 =	vmul.f32 v11, v5;
	v18 =	vld.idx.msk [tilespmem:v18+s25+$0x0], $0xffff;
	[tilespmem:s11+$0xFFFFFFE0] =	vst v8  }
0x7d9: {  	v19 =	vmul.f32 v7, v4;
	v7 =	vadd.f32 v9, v10;
	v11 =	vld.idx.msk [tilespmem:v22+s25+$0x0], $0xffff;
	v22 =	vmul.f32 v13, v5  }
.Ltmp29:
0x7da: {  	v9 =	vunpack.i.u.bf16.f32 v16;
	v10 =	vunpack.i.l.bf16.f32 v16;
	v13 =	vld.idx.msk [tilespmem:v20+s25+$0x0], $0xffff;
	v16 =	vsub.f32 $1.000000000e+00, v21;
	(pc) =	sbr.rel @p3 .LBB2_62-.Ltmp29, $4  }
0x7db: {  	v12 =	vmul.f32 v10, v4;
	v20 =	vadd.f32 v14, v17;
	v8 =	vld [tilespmem:s6+$0xFFFFFFE0];
	v22 =	vadd.f32 v19, v22  }
0x7dc: {  	v17 =	vmul.f32 v9, v5;
	v14 =	vunpack.i.u.bf16.f32 v15;
	v19 =	vunpack.i.l.bf16.f32 v15;
	v9 =	vld [tilespmem:s6+$0xFFFFFFF0]  }
0x7dd: {  	v15 =	vunpack.i.u.bf16.f32 v24;
	v21 =	vmul.f32 v21, v20;
	v10 =	vld [tilespmem:s6+$0x0];
	v22 =	vmul.f32 v22, v16  }
0x7de: {  	s13 =	sadd.s32 $0x40, s13;
	v20 =	vunpack.i.l.bf16.f32 v24;
	v16 =	vunpack.i.u.bf16.f32 v18;
	v18 =	vunpack.i.l.bf16.f32 v18  }
0x7df: {  	v23 =	vunpack.i.u.bf16.f32 v11;
	v52 =	vunpack.i.l.bf16.f32 v11;
	v19 =	vmul.f32 v19, v4  }
0x7e0: {  	v53 =	vunpack.i.u.bf16.f32 v13;
	v14 =	vmul.f32 v14, v5;
	v55 =	vmul.f32 v20, v4  }
0x7e1: {  	v54 =	vunpack.i.l.bf16.f32 v13;
	v15 =	vmul.f32 v15, v5;
	v18 =	vmul.f32 v18, v4  }
0x7e2: {  	v12 =	vadd.f32 v12, v17;
	v16 =	vmul.f32 v16, v5;
	v6 =	vmul.f32 $3.921568860e-03, v6  }
0x7e3: {  	v7 =	vmul.f32 $3.921568860e-03, v7;
	v56 =	vsub.f32 $1.000000000e+00, v8;
	v11 =	vmul.f32 v52, v4  }
0x7e4: {  	v57 =	vmul.f32 v23, v5;
	v4 =	vmul.f32 v54, v4;
	v14 =	vadd.f32 v19, v14  }
0x7e5: {  	v5 =	vmul.f32 v53, v5;
	v15 =	vadd.f32 v55, v15;
	v16 =	vadd.f32 v18, v16  }
0x7e6: {  	v58 =	vsub.f32 $1.000000000e+00, v9;
	v59 =	vmul.f32 v8, v12;
	v11 =	vadd.f32 v11, v57  }
0x7e7: {  	v61 =	vsub.f32 $1.000000000e+00, v10;
	v4 =	vadd.f32 v4, v5;
	v60 =	vmul.f32 v14, v56  }
0x7e8: {  	v21 =	vadd.f32 v22, v21;
	v62 =	vmul.f32 v9, v15;
	v5 =	vmul.f32 v16, v58  }
0x7e9: {  	s3 =	sadd.s32 $0x1, s3;
	v63 =	vmul.f32 v10, v11;
	v4 =	vmul.f32 v4, v61;
	v8 =	vadd.f32 v60, v59  }
0x7ea: {  	p3 =	sne.s32 s3, $0x20;
	v21 =	vmul.f32 $3.921568860e-03, v21;
	[tilespmem:s10+$0xFFFFFFF0] =	vst v6;
	v5 =	vadd.f32 v5, v62  }
.Ltmp30:
0x7eb: {  	s1 =	sadd.s32 $0x40, s11;
	[tilespmem:s10+$0x0] =	vst v7;
	v4 =	vadd.f32 v4, v63;
	v8 =	vmul.f32 $3.921568860e-03, v8;
	(pc) =	sbr.rel @p3 .LBB2_61-.Ltmp30, $4  }
0x7ec: {  	[tilespmem:s1+$0x10] =	vst v21;
	v5 =	vmul.f32 $3.921568860e-03, v5  }
0x7ed: {  	v4 =	vmul.f32 $3.921568860e-03, v4;
	[tilespmem:s1+$0xFFFFFFE0] =	vst v8  }
0x7ee: {  	[tilespmem:s1+$0xFFFFFFF0] =	vst v5  }
0x7ef: {  	s7 =	sadd.s32 $0x200, s7;
	s8 =	sadd.s32 $0x200, s8;
	[tilespmem:s1+$0x0] =	vst v4  }
0x7f0: {  	s1 =	sadd.s32 s9, s14  }
0x7f1: {  	s2 =	simm.s32 $0xC000;
	s28 =	simm.s32 $0x4;
	s0 =	sadd.s32 $0x1, s0  }
0x7f2: {  	[hbm4b:s1+s4] =	stream.linear.scatter [tilespmem:s2], [sflag:$0x5], $0x4000, $0x38;
	[tilespmem:$0x1A400] =	vst v63  }
0x7f3: {  	p2 =	sne.s32 s0, $0x3;
	_ =	swait.ge [sflag:s28], $0x4000  }
.Ltmp31:
0x7f4: {  	[sflag:s28] =	ssyncset.done $0x0;
	(pc) =	sbr.rel @p2 .LBB2_16-.Ltmp31, $4  }
0x7f5: {  	s31 =	simm.s32 $0x5;
	[sflag:s28] =	ssyncadd.s32 $0xFFFFC000  }
0x7f6: {  	_ =	swait.ge [sflag:s31], $0x4000  }
0x7f7: {  	[sflag:s31] =	ssyncset.done $0x0  }
0x7f8: {  	p1 =	por !p1, !p1;
	[sflag:s31] =	ssyncadd.s32 $0xFFFFC000  }
0x7f9: {  	s1 =	rddreg [dreg:$0xd]  }
0x7fa: {  	s0 =	rddreg [dreg:$0xc];
	s1 =	sadd.s32 $0x1, s1  }
0x7fb: {  	p1 =	sne.s32 s1, s0  }
.Ltmp32:
0x7fc: {  	_ = 	snop;
	(pc) =	sbr.rel @p1 .LBB2_1-.Ltmp32, $1  }
0x7fd: {  	_ =	sdelay $0x3  }
0x7fe: {  	_ =	sfence.sel $0x180000  }
0x7ff: {  	[bflag:$0x0] =	sbarrier.arrive $0xFFFF  }
0x800: {  	_ =	strace $0x9000004A  }
0x801: {  	s0 =	stileid.u32;
	[bflag:$0x2] =	sbarrier.arrive $0xFFFF  }
0x802: {  	p0 =	sne.s32 s0, $0x0;
	s0 =	rddreg [dreg:$0x3]  }
0x803: {  	s0 =	sadd.s32 @!p0 $0x100000, s0  }
0x804: {  	[sflag:s0] =	ssyncadd.tile.s32 @!p0 $0x1;
	_ =	shalt  }
.Lfunc_end2:
_tile_overlayer_lowered:
.L_overlay_start_2:
0x805: {  	(tag) =	ssettag $0x2  }
0x806: {  	s0 =	rddreg [dreg:$0x0];
	s2 =	stileid.u32  }
0x807: {  	s1 =	rddreg [dreg:$0x1];
	p0 =	sne.s32 s2, $0x0  }
0x808: {  	s3 =	rddreg [dreg:$0x2];
	[bflag:$0x3] =	sbarrier.arrive $0xFFFF;
	s2 =	simm.s32 @!p0 $0x1C06  }
0x809: {  	[timem:s3], [sflag:s2] =	dma.local @!p0 [hbm:s0], s1  }
0x80a: {  	s0 =	simm.s32 @!p0 $0x6  }
0x80b: {  	_ =	swait.ge @!p0 [sflag:s0], s1  }
0x80c: {  	s1 =	ssub.s32 @!p0 $0x0, s1;
	[sflag:s0] =	ssyncset.done @!p0 $0x0  }
0x80d: {  	[sflag:s0] =	ssyncadd.s32 @!p0 s1  }
0x80e: {  	[bflag:$0x3] =	sbarrier.arrive $0xFFFF  }
0x80f: {  	_ =	shalt  }

// kernel: sparse-core-data-format-call.cloned.1.call-start
scs
called_computation_lowered:
.L_overlay_start_0:
0x0: {  	s2 =	sld [smem:$0x3FD9]  }
0x1: {  	s3 =	sld [smem:$0x3FFE];
	_ =	sdelay $0x1  }
0x2: {  	s1 =	srdreg.scid  }
0x3: {  	s0 =	sand.u32 $0x1, s1  }
0x4: {  	s19 =	sshll.u32 s0, $0xA;
	s2 =	sadd.s32 s3, s2  }
0x5: {  	s2 =	sadd.s32 s2, s19  }
0x6: {  	[smem:$0x3FC7] =	sst s2  }
0x7: {  	_ = 	snop  }
0x8: {  	s2 =	sld [smem:$0x3FC9]  }
0x9: {  	s20 =	sld [smem:$0x3FD0];
	(tm) =	ssettm $0x1  }
0xa: {  	s4 =	sld [smem:$0x3FFB];
	_ =	sdelay $0x3  }
0xb: {  	_ =	strace s4  }
0xc: {  	s4 =	sld [smem:$0x3FFC];
	_ =	sdelay $0x3  }
0xd: {  	_ =	strace s4  }
0xe: {  	s4 =	sld [smem:$0x3FFD];
	_ =	sdelay $0x3  }
0xf: {  	_ =	strace s4  }
0x10: {  	_ =	strace $0x8FFFFFFF  }
0x11: {  	s21 =	sld [smem:$0x3FDB];
	_ =	sdelay $0x1  }
0x12: {  	s5 =	simm.s32 $_scs_section_size  }
0x13: {  	s6 =	simm.s32 $_size__tile_overlayer_lowered;
	s7 =	simm.s32 $_tile_overlayer_lowered  }
0x14: {  	s24 =	simm.s32 $0x1BFF;
	s23 =	sshll.u32 s7, $0x1;
	s4 =	sadd.s32 s5, s21  }
0x15: {  	s8 =	simm.s32 $0x0;
	s22 =	sshll.u32 s6, $0x1;
	s6 =	sadd.s32 s23, s4  }
0x16: {  	[timem:s8], [sflag:s24] =	dma.local [hbm:s6], s22  }
0x17: {  	_ =	swait.ge [sflag:s24], s22  }
0x18: {  	s5 =	ssub.s32 $0x0, s22;
	[sflag:s24] =	ssyncset.done $0x0  }
0x19: {  	[sflag:s24] =	ssyncadd.s32 s5;
	_ =	sdelay $0x1  }
0x1a: {  	s25 =	simm.s32 $0x1B8B  }
0x1b: {  	_ =	swait.ge [sflag:s25], $0x1  }
0x1c: {  	[sflag:s25] =	ssyncset.done $0x0  }
0x1d: {  	s26 =	simm.s32 $0x1B8E;
	[sflag:s25] =	ssyncadd.s32 $0xFFFFFFFF  }
0x1e: {  	s27 =	simm.s32 $execute0_lowered;
	[smem:$0x3FD2] =	sst s26  }
0x1f: {  	s5 =	sshll.u32 s27, $0x1;
	_ =	strace $0x80000046;
	[dreg:$0x1] =	wrdreg $0xFFFFFFFF  }
0x20: {  	s28 =	simm.s32 $_size_execute0_lowered;
	s4 =	sadd.s32 s4, s5;
	[dreg:$0x0] =	wrdreg $0x0  }
0x21: {  	s5 =	sshll.u32 s28, $0x1;
	[dreg:$0x2] =	wrdreg s4  }
0x22: {  	[dreg:$0x3] =	wrdreg s5  }
0x23: {  	[dreg:$0x4] =	wrdreg $0xC0  }
0x24: {  	_ =	task [dreg:s8], $0x5FFFF  }
0x25: {  	[dreg:$0x1] =	wrdreg $0xFFFFFFFF  }
0x26: {  	[dreg:$0x0] =	wrdreg $0x60  }
0x27: {  	[dreg:$0x2] =	wrdreg s2  }
0x28: {  	[dreg:$0x3] =	wrdreg s20  }
0x29: {  	[dreg:$0x4] =	wrdreg $0x9  }
0x2a: {  	_ =	task.clear_ibuf [dreg:s8], $0x5FFFF;
	_ =	strace $0x90000046  }
0x2b: {  	s29 =	simm.s32 $0x9;
	_ =	strace $0x80000048  }
0x2c: {  	_ =	swait.ge [sflag:s29], $0x1  }
0x2d: {  	[sflag:s29] =	ssyncadd.s32 $0xFFFFFFFF  }
0x2e: {  	_ =	strace $0x90000048  }
0x2f: {  	_ =	sfence  }
0x30: {  	s30 =	sld [smem:$0x0];
	_ =	sdelay $0x2  }
0x31: {  	s31 =	sshll.u32 s1, $0xD;
	s1 =	sshrl.u32 s1, $0x2  }
0x32: {  	s3 =	sand.u32 $0x4000, s31;
	s1 =	sadd.s32 s1, s30  }
0x33: {  	s0 =	sor.u32 s3, s0;
	s1 =	sshll.u32 s1, $0x11  }
0x34: {  	s0 =	sor.u32 s1, s0  }
0x35: {  	s0 =	sadd.s32 $0x8F2B, s0  }
0x36: {  	[sflag:s0] =	ssyncadd.remote.s32 $0x1  }
0x37: {  	_ =	sfence.sel $0xFFFF  }
0x38: {  	[dreg:$0x0] =	wrdreg $0xFFFFFFFF;
	(pc) =	sbr.abs _section_cstart, $3  }
0x39: {  	[dreg:$0x1] =	wrdreg $0xFFFFFFFF  }
0x3a: {  	_ =	task.clear_ibuf [dreg:s8], $0x2FFFF;
	_ =	strace $0x9FFFFFFF  }
0x3b: {  	(tm) =	ssettm $0x7FFFFFFF  }
tec
execute0_lowered:
.L_overlay_start_1:
0x0: {  	(tag) =	ssettag $0x1  }
0x1: {  	s0 =	srdreg.scid  }
0x2: {  	s1 =	sshll.u32 s0, $0x4  }
0x3: {  	s2 =	rddreg [dreg:$0x0];
	s0 =	stileid.u32;
	s1 =	sand.u32 $0x10, s1  }
0x4: {  	s4 =	rddreg [dreg:$0x1];
	s1 =	sor.u32 s0, s1  }
0x5: {  	s7 =	simm.s32 $0x1;
	s8 =	simm.s32 $0x2;
	s3 =	sshll.u32 s1, $0x2  }
0x6: {  	s9 =	simm.s32 $0x0;
	s12 =	simm.s32 $0x0;
	s6 =	ssub.s32 $0xC00, s3  }
.Ltmp0:
0x7: {  	s11 =	simm.s32 $0x0;
	s5 =	sand.u32 $0x7C, s6;
	(pc) =	sbr.rel .LBB1_1-.Ltmp0, $4  }
0x8: {  	s1 =	rddreg [dreg:$0x2];
	_ =	strace $0x80000047;
	p0 =	sne.s32 s5, $0x0  }
0x9: {  	s6 =	sshrl.u32 s6, $0x7;
	s5 =	simm.s32 $0x1;
	s7 =	simm.s32 @!p0 $0x0  }
0xa: {  	s10 =	smov.u32 s3;
	[sflag:s5] =	ssyncpa.u1 $0x0;
	s6 =	sadd.s32 s7, s6  }
0xb: {  	[sflag:s8] =	ssyncpa.u1 $0x0;
	s8 =	simm.s32 $0x0;
	s7 =	sadd.s32 $0x1, s6  }
.LBB1_9:
0xc: {  	s14 =	sadd.s32 $0x80, s10  }
0xd: {  	p1 =	sgt.s32 s14, $0xBFF  }
0xe: {  	s14 =	smov.u32 @p1 s3;
	p1 =	sne.s32 s11, s7  }
.Ltmp1:
0xf: {  	p0 =	slt.u32 s11, $0x2;
	(pc) =	sbr.rel @!p1 .LBB1_10-.Ltmp1, $4  }
0x10: {  	s13 =	simm.s32 @!p0 $0x2  }
0x11: {  	s15 =	sadd.s32 $0x1, s11;
	_ =	swait.ge @!p0 [sflag:s13], $0x4000  }
0x12: {  	s12 =	smov.u32 s10;
	s9 =	sadd.s32 $0x4000, s9;
	[sflag:s13] =	ssyncset.done @!p0 $0x0  }
0x13: {  	s11 =	smov.u32 s15;
	s10 =	smov.u32 s14;
	[sflag:s13] =	ssyncadd.s32 @!p0 $0xFFFFC000  }
.LBB1_1:
0x14: {  	p0 =	sge.u32 s11, s6  }
0x15: {  	s13 =	sxor.u32 @!p0 $0xFFFFFFFF, s11  }
0x16: {  	s31 =	sadd.s32 $0xFFFFFFFF, s11;
	s14 =	sshll.u32 @!p0 s10, $0x9;
	s13 =	sshll.u32 @!p0 s13, $0xE  }
0x17: {  	s15 =	simm.s32 @!p0 $0x0;
	s14 =	sadd.s32 @!p0 s2, s14;
	s13 =	sand.u32 @!p0 $0x4000, s13  }
0x18: {  	[tilespmem:s13], [sflag:$0x1] =	stream.linear.gather @!p0 [hbm4b:s14+s15], $0x4000, $0x38;
	[tilespmem:$0x10000] =	vst v63  }
0x19: {  	p0 =	sge.u32 s31, s6  }
.Ltmp2:
0x1a: {  	_ = 	snop;
	(pc) =	sbr.rel @p0 .LBB1_9-.Ltmp2, $1  }
0x1b: {  	_ =	sdelay $0x3  }
0x1c: {  	s14 =	sand.u32 $0x4000, s9  }
0x1d: {  	_ =	swait.ge [sflag:s5], $0x4000;
	s15 =	sshll.u32 s11, $0xE;
	s16 =	simm.s32 $0x0  }
0x1e: {  	s13 =	sor.u32 $0x40, s14;
	[sflag:s5] =	ssyncset.done $0x0;
	s15 =	sand.u32 $0x4000, s15  }
0x1f: {  	s14 =	sor.u32 $0x8040, s14;
	[sflag:s5] =	ssyncadd.s32 $0xFFFFC000;
	s15 =	sor.u32 $0x8000, s15  }
.LBB1_3:
0x20: {  	s17 =	smov.u32 s14;
	s18 =	smov.u32 s13;
	s19 =	simm.s32 $0x0  }
.LBB1_4:
0x21: {  	v0 =	vmov s17;
	v2 =	vld [tilespmem:s18+$0x30]  }
0x22: {  	v4 =	vld [tilespmem:s18+$0xFFFFFFD0]  }
0x23: {  	v6 =	vld [tilespmem:s18+$0xFFFFFFE0]  }
0x24: {  	v7 =	vld [tilespmem:s18+$0xFFFFFFF0]  }
0x25: {  	s20 =	simm.s32 $0x0;
	v1 =	vld [tilespmem:s18+$0x0]  }
0x26: {  	v3 =	vld [tilespmem:s18+$0x10];
	[tilespmem:v0+s20+$0x30 ss:$0x1] =	vst.idx.msk $0xffff, v2  }
0x27: {  	v5 =	vld [tilespmem:s18+$0x20];
	[tilespmem:v0+s20+$0xFFFFFFD0 ss:$0x1] =	vst.idx.msk $0xffff, v4  }
0x28: {  	s21 =	sadd.s32 $0x80, s18;
	v2 =	vld [tilespmem:s18+$0xFFFFFFC0];
	[tilespmem:v0+s20+$0xFFFFFFE0 ss:$0x1] =	vst.idx.msk $0xffff, v6  }
0x29: {  	s22 =	simm.s32 $0x800;
	s23 =	simm.s32 $0x1000;
	v4 =	vld [tilespmem:s21+$0x30];
	[tilespmem:v0+s20+$0xFFFFFFF0 ss:$0x1] =	vst.idx.msk $0xffff, v7  }
.LBB1_5:
0x2a: {  	p0 =	sne.s32 s23, $0x3800;
	v6 =	vld [tilespmem:s21+$0xFFFFFFD0];
	[tilespmem:v0+s20+$0x0 ss:$0x1] =	vst.idx.msk $0xffff, v1  }
0x2b: {  	v7 =	vld [tilespmem:s21+$0xFFFFFFE0];
	[tilespmem:v0+s20+$0x10 ss:$0x1] =	vst.idx.msk $0xffff, v3  }
0x2c: {  	v8 =	vld [tilespmem:s21+$0xFFFFFFF0];
	[tilespmem:v0+s20+$0x20 ss:$0x1] =	vst.idx.msk $0xffff, v5  }
.Ltmp3:
0x2d: {  	v1 =	vld [tilespmem:s21+$0x0];
	[tilespmem:v0+s20+$0xFFFFFFC0 ss:$0x1] =	vst.idx.msk $0xffff, v2;
	s20 =	sshra.s32 s22, $0x2;
	s22 =	smov.u32 s23;
	(pc) =	sbr.rel @p0 .LBB1_5-.Ltmp3, $4  }
0x2e: {  	v3 =	vld [tilespmem:s21+$0x10];
	[tilespmem:v0+s20+$0x30 ss:$0x1] =	vst.idx.msk $0xffff, v4  }
0x2f: {  	[tilespmem:v0+s20+$0xFFFFFFD0 ss:$0x1] =	vst.idx.msk $0xffff, v6;
	v5 =	vld [tilespmem:s21+$0x20]  }
0x30: {  	v2 =	vld [tilespmem:s21+$0xFFFFFFC0];
	[tilespmem:v0+s20+$0xFFFFFFE0 ss:$0x1] =	vst.idx.msk $0xffff, v7;
	s21 =	sadd.s32 $0x80, s21  }
0x31: {  	s23 =	sadd.s32 $0x800, s23;
	v4 =	vld [tilespmem:s21+$0x30];
	[tilespmem:v0+s20+$0xFFFFFFF0 ss:$0x1] =	vst.idx.msk $0xffff, v8  }
0x32: {  	_ =	sdelay $0x3  }
0x33: {  	v6 =	vld [tilespmem:s21+$0xFFFFFFD0];
	[tilespmem:v0+s20+$0x0 ss:$0x1] =	vst.idx.msk $0xffff, v1  }
0x34: {  	v58 =	vld [tilespmem:s21+$0xFFFFFFE0];
	[tilespmem:v0+s20+$0x10 ss:$0x1] =	vst.idx.msk $0xffff, v3  }
0x35: {  	v59 =	vld [tilespmem:s21+$0xFFFFFFF0];
	[tilespmem:v0+s20+$0x20 ss:$0x1] =	vst.idx.msk $0xffff, v5  }
0x36: {  	s22 =	sshra.s32 s22, $0x2;
	v60 =	vld [tilespmem:s21+$0x0];
	[tilespmem:v0+s20+$0xFFFFFFC0 ss:$0x1] =	vst.idx.msk $0xffff, v2  }
0x37: {  	v61 =	vld [tilespmem:s21+$0x10];
	[tilespmem:v0+s22+$0x30 ss:$0x1] =	vst.idx.msk $0xffff, v4  }
0x38: {  	v62 =	vld [tilespmem:s21+$0x20];
	s19 =	sadd.s32 $0x1, s19;
	[tilespmem:v0+s22+$0xFFFFFFD0 ss:$0x1] =	vst.idx.msk $0xffff, v6  }
0x39: {  	v63 =	vld [tilespmem:s21+$0xFFFFFFC0];
	p0 =	sne.s32 s19, $0x4;
	[tilespmem:v0+s22+$0xFFFFFFE0 ss:$0x1] =	vst.idx.msk $0xffff, v58  }
.Ltmp4:
0x3a: {  	[tilespmem:v0+s22+$0xFFFFFFF0 ss:$0x1] =	vst.idx.msk $0xffff, v59;
	(pc) =	sbr.rel @p0 .LBB1_4-.Ltmp4, $4  }
0x3b: {  	[tilespmem:v0+s22+$0x0 ss:$0x1] =	vst.idx.msk $0xffff, v60  }
0x3c: {  	[tilespmem:v0+s22+$0x10 ss:$0x1] =	vst.idx.msk $0xffff, v61  }
0x3d: {  	[tilespmem:v0+s22+$0x20 ss:$0x1] =	vst.idx.msk $0xffff, v62  }
0x3e: {  	s18 =	sadd.s32 $0x400, s18;
	s17 =	sadd.s32 $0x80, s17;
	[tilespmem:v0+s22+$0xFFFFFFC0 ss:$0x1] =	vst.idx.msk $0xffff, v63  }
0x3f: {  	s16 =	sadd.s32 $0x1, s16  }
0x40: {  	p0 =	sne.s32 s16, $0x4  }
.Ltmp5:
0x41: {  	_ = 	snop;
	(pc) =	sbr.rel @p0 .LBB1_3-.Ltmp5, $2  }
0x42: {  	_ =	sdelay $0x2  }
0x43: {  	s13 =	sadd.s32 $0x1000, s13;
	s14 =	sadd.s32 $0x1000, s14  }
.Ltmp6:
0x44: {  	(pc) =	sbr.rel .LBB1_9-.Ltmp6, $4  }
0x45: {  	_ = 	snop  }
0x46: {  	s12 =	sshll.u32 s12, $0x9  }
0x47: {  	s12 =	sadd.s32 s4, s12  }
0x48: {  	[hbm4b:s12+s8] =	stream.linear.scatter [tilespmem:s15], [sflag:$0x2], $0x4000, $0x38;
	[tilespmem:$0x10000] =	vst v63  }
.LBB1_10:
0x49: {  	_ =	sfence.sel $0x180000  }
0x4a: {  	s2 =	simm.s32 $0x1;
	[bflag:$0x0] =	sbarrier.arrive $0xFFFF  }
0x4b: {  	s31 =	simm.s32 $0x2;
	[sflag:s2] =	ssyncpa.u1 $0x1  }
0x4c: {  	[sflag:s31] =	ssyncpa.u1 $0x1  }
0x4d: {  	p0 =	sne.s32 s0, $0x0;
	_ =	strace $0x90000047  }
0x4e: {  	s0 =	sadd.s32 @!p0 $0x100000, s1;
	[bflag:$0x2] =	sbarrier.arrive $0xFFFF  }
0x4f: {  	[sflag:s0] =	ssyncadd.tile.s32 @!p0 $0x1;
	_ =	shalt  }
.Lfunc_end1:
_tile_overlayer_lowered:
.L_overlay_start_2:
0x50: {  	(tag) =	ssettag $0x2  }
0x51: {  	s0 =	rddreg [dreg:$0x0];
	s2 =	stileid.u32  }
0x52: {  	s1 =	rddreg [dreg:$0x1];
	p0 =	sne.s32 s2, $0x0  }
0x53: {  	s3 =	rddreg [dreg:$0x2];
	[bflag:$0x3] =	sbarrier.arrive $0xFFFF;
	s2 =	simm.s32 @!p0 $0x1C01  }
0x54: {  	[timem:s3], [sflag:s2] =	dma.local @!p0 [hbm:s0], s1  }
0x55: {  	s0 =	simm.s32 @!p0 $0x1  }
0x56: {  	_ =	swait.ge @!p0 [sflag:s0], s1  }
0x57: {  	s1 =	ssub.s32 @!p0 $0x0, s1;
	[sflag:s0] =	ssyncset.done @!p0 $0x0  }
0x58: {  	[sflag:s0] =	ssyncadd.s32 @!p0 s1  }
0x59: {  	[bflag:$0x3] =	sbarrier.arrive $0xFFFF  }
0x5a: {  	_ =	shalt  }

</sc_bundles>
